<compile_context>
chip_gen: v7x
topology: tpu7x:2x2x1
jax: 0.10.2.dev20260603
libtpu: 0.0.44.dev20260713+nightly
codegen_flags: <defaults>
</compile_context>

<pallas_src>
import functools

import jax
import jax.numpy as jnp
from jax import lax
from jax.experimental import pallas as pl
from jax.experimental.pallas import tpu as pltpu
from jax.experimental.pallas import tpu_sc as plsc

N = 10000
E = 320000
F_IN = 128
DIM_H = 64
G = 64

NC = 2
NS = 16
NW = NC * NS
EPW = E // NW
WIN = 128
NWIN = EPW // WIN
TAIL = EPW - NWIN * WIN
DWIN = 128
DNWIN = EPW // DWIN
DTAIL = EPW - DNWIN * DWIN
RING = 8
MAIN = ((NWIN - 1) // RING) * RING
RPT = 624
NREM = N - NS * RPT
NZW = RPT // WIN
ZREM = RPT - NZW * WIN

FP = DIM_H

BLK = 1000
NBLK = N // BLK

_mesh = plsc.VectorSubcoreMesh(core_axis_name="c", subcore_axis_name="s")


@functools.partial(
    pl.kernel,
    out_type=[jax.ShapeDtypeStruct((N,), jnp.float32),
              jax.ShapeDtypeStruct((N,), jnp.float32)],
    mesh=_mesh,
    scratch_types=[
        pltpu.VMEM((DNWIN, DWIN), jnp.int32),
        pltpu.VMEM((1, DTAIL), jnp.int32),
        pltpu.VMEM((DWIN,), jnp.float32),
        pltpu.VMEM((RPT,), jnp.float32),
        pltpu.VMEM_SHARED((N,), jnp.float32),
    ],
)
def _deg(colm_hbm, colt_hbm, onesm_hbm, zeros1_hbm,
         out0, out1, colm, colt, onesm, stage, dacc):
    cid = lax.axis_index("c")
    sid = lax.axis_index("s")
    w = cid * NS + sid
    pltpu.sync_copy(colm_hbm.at[w], colm)
    pltpu.sync_copy(colt_hbm.at[w], colt)
    pltpu.sync_copy(onesm_hbm, onesm)
    pltpu.sync_copy(zeros1_hbm, stage)
    pltpu.sync_copy(stage, dacc.at[pl.ds(sid * RPT, RPT)])

    @pl.when(sid == NS - 1)
    def _():
        pltpu.sync_copy(stage.at[pl.ds(0, NREM)],
                        dacc.at[pl.ds(NS * RPT, NREM)])

    plsc.subcore_barrier()
    @pl.loop(0, DNWIN)
    def _(j):
        pltpu.sync_copy(onesm, dacc.at[colm.at[j]], add=True)

    pltpu.sync_copy(onesm.at[pl.ds(0, DTAIL)], dacc.at[colt.at[0]], add=True)
    plsc.subcore_barrier()

    pltpu.sync_copy(dacc.at[pl.ds(sid * RPT, RPT)], stage)

    @pl.when(cid == 0)
    def _():
        pltpu.sync_copy(stage, out0.at[pl.ds(sid * RPT, RPT)])

    @pl.when(cid == 1)
    def _():
        pltpu.sync_copy(stage, out1.at[pl.ds(sid * RPT, RPT)])

    @pl.when(sid == NS - 1)
    def _():
        pltpu.sync_copy(dacc.at[pl.ds(NS * RPT, NREM)],
                        stage.at[pl.ds(0, NREM)])

        @pl.when(cid == 0)
        def _():
            pltpu.sync_copy(stage.at[pl.ds(0, NREM)],
                            out0.at[pl.ds(NS * RPT, NREM)])

        @pl.when(cid == 1)
        def _():
            pltpu.sync_copy(stage.at[pl.ds(0, NREM)],
                            out1.at[pl.ds(NS * RPT, NREM)])


@functools.partial(
    pl.kernel,
    out_type=[jax.ShapeDtypeStruct((N, FP), jnp.float32),
              jax.ShapeDtypeStruct((N, FP), jnp.float32)],
    mesh=_mesh,
    scratch_types=[
        pltpu.VMEM((NWIN, WIN), jnp.int32),
        pltpu.VMEM((NWIN, WIN), jnp.int32),
        pltpu.VMEM((1, TAIL), jnp.int32),
        pltpu.VMEM((1, TAIL), jnp.int32),
    ] + [pltpu.VMEM((WIN, FP), jnp.float32)] * RING + [
        pltpu.VMEM((TAIL, FP), jnp.float32),
        pltpu.VMEM_SHARED((N, FP), jnp.float32),
    ] + [pltpu.SemaphoreType.DMA] * (2 * RING),
    compiler_params=pltpu.CompilerParams(use_tc_tiling_on_sc=False),
)
def _mp(xs_hbm, rowm_hbm, colm_hbm, rowt_hbm, colt_hbm, zeros_hbm,
        out0, out1, rowm, colm, rowt, colt, *rest):
    bufs = list(rest[:RING])
    buft = rest[RING]
    acc = rest[RING + 1]
    gs = list(rest[RING + 2:RING + 2 + RING])
    ss = list(rest[RING + 2 + RING:])
    cid = lax.axis_index("c")
    sid = lax.axis_index("s")
    w = cid * NS + sid
    pltpu.sync_copy(rowm_hbm.at[w], rowm)
    pltpu.sync_copy(colm_hbm.at[w], colm)
    pltpu.sync_copy(rowt_hbm.at[w], rowt)
    pltpu.sync_copy(colt_hbm.at[w], colt)

    base = sid * RPT
    pltpu.sync_copy(zeros_hbm, bufs[0])
    zcp = []
    for k in range(NZW):
        zcp.append(pltpu.async_copy(
            bufs[0], acc.at[pl.ds(base + k * WIN, WIN)], gs[k]))
    zr = pltpu.async_copy(bufs[0].at[pl.ds(0, ZREM)],
                          acc.at[pl.ds(base + NZW * WIN, ZREM)], gs[NZW])
    for c in zcp:
        c.wait()
    zr.wait()

    @pl.when(sid == NS - 1)
    def _():
        pltpu.sync_copy(bufs[0].at[pl.ds(0, NREM)],
                        acc.at[pl.ds(NS * RPT, NREM)])

    plsc.subcore_barrier()

    for b in range(RING):
        pltpu.async_copy(xs_hbm.at[rowm.at[b]], bufs[b], gs[b])

    @pl.loop(0, MAIN, step=RING)
    def _(j):
        for b in range(RING):
            pltpu.make_async_copy(xs_hbm.at[rowm.at[0]], bufs[b],
                                  gs[b]).wait()
            pltpu.async_copy(bufs[b], acc.at[colm.at[j + b]], ss[b],
                             add=True)
        for b in range(RING):
            pltpu.make_async_copy(bufs[b], acc.at[colm.at[0]],
                                  ss[b]).wait()
            w2 = j + RING + b

            @pl.when(w2 < NWIN)
            def _():
                pltpu.async_copy(xs_hbm.at[rowm.at[w2]], bufs[b], gs[b])

    ecp = []
    for b in range(NWIN - MAIN):
        pltpu.make_async_copy(xs_hbm.at[rowm.at[0]], bufs[b], gs[b]).wait()
        ecp.append(pltpu.async_copy(bufs[b], acc.at[colm.at[MAIN + b]],
                                    ss[b], add=True))
    pltpu.sync_copy(xs_hbm.at[rowt.at[0]], buft)
    pltpu.sync_copy(buft, acc.at[colt.at[0]], add=True)
    for c in ecp:
        c.wait()
    plsc.subcore_barrier()

    def _copy_out(out_ref):
        icp = []
        for k in range(NZW):
            icp.append(pltpu.async_copy(acc.at[pl.ds(base + k * WIN, WIN)],
                                        bufs[k], gs[k]))
        icp.append(pltpu.async_copy(
            acc.at[pl.ds(base + NZW * WIN, ZREM)],
            bufs[NZW].at[pl.ds(0, ZREM)], gs[NZW]))
        ocp = []
        for k in range(NZW):
            icp[k].wait()
            ocp.append(pltpu.async_copy(
                bufs[k], out_ref.at[pl.ds(base + k * WIN, WIN)], ss[k]))
        icp[NZW].wait()
        ocp.append(pltpu.async_copy(
            bufs[NZW].at[pl.ds(0, ZREM)],
            out_ref.at[pl.ds(base + NZW * WIN, ZREM)], ss[NZW]))

        @pl.when(sid == NS - 1)
        def _():
            pltpu.sync_copy(acc.at[pl.ds(NS * RPT, NREM)],
                            bufs[NZW + 1].at[pl.ds(0, NREM)])
            pltpu.sync_copy(bufs[NZW + 1].at[pl.ds(0, NREM)],
                            out_ref.at[pl.ds(NS * RPT, NREM)])

        for c in ocp:
            c.wait()

    @pl.when(cid == 0)
    def _():
        _copy_out(out0)

    @pl.when(cid == 1)
    def _():
        _copy_out(out1)


def _k1_body(x_ref, w0_ref, d0_ref, d1_ref, xs_ref):
    dinv = lax.rsqrt(d0_ref[...] + d1_ref[...] + 1.0)
    xw = jnp.dot(x_ref[...], w0_ref[...], preferred_element_type=jnp.float32)
    xs_ref[...] = dinv * xw


def _k1(x, W0, d0, d1):
    return pl.pallas_call(
        _k1_body,
        grid=(NBLK,),
        in_specs=[
            pl.BlockSpec((BLK, F_IN), lambda i: (i, 0)),
            pl.BlockSpec((F_IN, DIM_H), lambda i: (0, 0)),
            pl.BlockSpec((BLK, 1), lambda i: (i, 0)),
            pl.BlockSpec((BLK, 1), lambda i: (i, 0)),
        ],
        out_specs=pl.BlockSpec((BLK, FP), lambda i: (i, 0)),
        out_shape=jax.ShapeDtypeStruct((N, FP), jnp.float32),
    )(x, W0, d0, d1)


def _pool_accumulate(p_ref, h, bt_ref):
    bcol = bt_ref[0]
    g_lo = bt_ref[0, 0, 0]
    g_hi = bt_ref[0, BLK - 1, 0]

    def body(g, carry):
        mask = bcol == g
        hm = jnp.where(mask, h, 0.0)
        p_ref[0, pl.ds(g, 1), :] += jnp.sum(hm, axis=0, keepdims=True)
        p_ref[1, pl.ds(g, 1), :] = jnp.maximum(
            p_ref[1, pl.ds(g, 1), :], jnp.max(hm, axis=0, keepdims=True))
        p_ref[2, pl.ds(g, 1), :] += jnp.sum(mask.astype(jnp.float32))
        return carry

    lax.fori_loop(g_lo, g_hi + 1, body, 0)


def _k2_body(q0_ref, q1_ref, xs0_ref, d0_ref, d1_ref, b0_ref, w1_ref, bt_ref,
             xs1_ref, p1_ref):
    i = pl.program_id(0)
    dinv = lax.rsqrt(d0_ref[...] + d1_ref[...] + 1.0)
    h = jnp.maximum(
        dinv * (q0_ref[:, :DIM_H] + q1_ref[:, :DIM_H] + xs0_ref[:, :DIM_H])
        + b0_ref[...], 0.0)
    xs1_ref[...] = dinv * jnp.dot(h, w1_ref[...],
                                  preferred_element_type=jnp.float32)

    @pl.when(i == 0)
    def _():
        p1_ref[...] = jnp.zeros_like(p1_ref)

    _pool_accumulate(p1_ref, h, bt_ref)


def _k2(q0, q1, xs0, d0, d1, b0, W1, bt):
    return pl.pallas_call(
        _k2_body,
        grid=(NBLK,),
        in_specs=[
            pl.BlockSpec((BLK, FP), lambda i: (i, 0)),
            pl.BlockSpec((BLK, FP), lambda i: (i, 0)),
            pl.BlockSpec((BLK, FP), lambda i: (i, 0)),
            pl.BlockSpec((BLK, 1), lambda i: (i, 0)),
            pl.BlockSpec((BLK, 1), lambda i: (i, 0)),
            pl.BlockSpec((1, DIM_H), lambda i: (0, 0)),
            pl.BlockSpec((DIM_H, DIM_H), lambda i: (0, 0)),
            pl.BlockSpec((1, BLK, 1), lambda i: (i, 0, 0)),
        ],
        out_specs=[
            pl.BlockSpec((BLK, FP), lambda i: (i, 0)),
            pl.BlockSpec((3, G, DIM_H), lambda i: (0, 0, 0)),
        ],
        out_shape=[
            jax.ShapeDtypeStruct((N, FP), jnp.float32),
            jax.ShapeDtypeStruct((3, G, DIM_H), jnp.float32),
        ],
    )(q0, q1, xs0, d0, d1, b0, W1, bt)


def _k3_body(r0_ref, r1_ref, xs1_ref, d0_ref, d1_ref, b1_ref, bt_ref, p1_ref,
             l1w_ref, l1b_ref, l2w_ref, l2b_ref, sig_ref, z_ref, p2_ref):
    i = pl.program_id(0)
    dinv = lax.rsqrt(d0_ref[...] + d1_ref[...] + 1.0)
    h = jnp.maximum(
        dinv * (r0_ref[:, :DIM_H] + r1_ref[:, :DIM_H] + xs1_ref[:, :DIM_H])
        + b1_ref[...], 0.0)

    @pl.when(i == 0)
    def _():
        p2_ref[...] = jnp.zeros_like(p2_ref)

    _pool_accumulate(p2_ref, h, bt_ref)

    @pl.when(i == NBLK - 1)
    def _():
        s1, m1, c1 = p1_ref[0], p1_ref[1], p1_ref[2]
        s2, m2, c2 = p2_ref[0], p2_ref[1], p2_ref[2]
        mean1 = s1 / jnp.maximum(c1, 1.0)
        mean2 = s2 / jnp.maximum(c2, 1.0)
        hc = jnp.concatenate([s1, m1, mean1, s2, m2, mean2], axis=1)
        z1 = jnp.maximum(
            jnp.dot(hc, l1w_ref[...], preferred_element_type=jnp.float32)
            + l1b_ref[...], 0.0)
        z2 = jnp.dot(z1, l2w_ref[...],
                     preferred_element_type=jnp.float32) + l2b_ref[...]
        z_ref[...] = z2
        sig_ref[...] = 1.0 / (1.0 + jnp.exp(-z2))


def _k3(r0, r1, xs1, d0, d1, b1, bt, P1, l1w, l1b, l2w, l2b):
    RD = DIM_H * 2 * 3
    return pl.pallas_call(
        _k3_body,
        grid=(NBLK,),
        in_specs=[
            pl.BlockSpec((BLK, FP), lambda i: (i, 0)),
            pl.BlockSpec((BLK, FP), lambda i: (i, 0)),
            pl.BlockSpec((BLK, FP), lambda i: (i, 0)),
            pl.BlockSpec((BLK, 1), lambda i: (i, 0)),
            pl.BlockSpec((BLK, 1), lambda i: (i, 0)),
            pl.BlockSpec((1, DIM_H), lambda i: (0, 0)),
            pl.BlockSpec((1, BLK, 1), lambda i: (i, 0, 0)),
            pl.BlockSpec((3, G, DIM_H), lambda i: (0, 0, 0)),
            pl.BlockSpec((RD, RD), lambda i: (0, 0)),
            pl.BlockSpec((1, RD), lambda i: (0, 0)),
            pl.BlockSpec((RD, 1), lambda i: (0, 0)),
            pl.BlockSpec((1, 1), lambda i: (0, 0)),
        ],
        out_specs=[
            pl.BlockSpec((G, 1), lambda i: (0, 0)),
            pl.BlockSpec((G, 1), lambda i: (0, 0)),
        ],
        out_shape=[
            jax.ShapeDtypeStruct((G, 1), jnp.float32),
            jax.ShapeDtypeStruct((G, 1), jnp.float32),
        ],
        scratch_shapes=[pltpu.VMEM((3, G, DIM_H), jnp.float32)],
    )(r0, r1, xs1, d0, d1, b1, bt, P1, l1w, l1b, l2w, l2b)


def kernel(x, edge_index, batch, W0, b0, W1, b1, lin1_W, lin1_b, lin2_W,
           lin2_b):
    row = edge_index[0].reshape(NW, EPW)
    col = edge_index[1].reshape(NW, EPW)
    rowm = row[:, :NWIN * WIN].reshape(NW, NWIN, WIN)
    rowt = row[:, NWIN * WIN:].reshape(NW, 1, TAIL)
    colm = col[:, :NWIN * WIN].reshape(NW, NWIN, WIN)
    colt = col[:, NWIN * WIN:].reshape(NW, 1, TAIL)
    dcolm = col[:, :DNWIN * DWIN].reshape(NW, DNWIN, DWIN)
    dcolt = col[:, DNWIN * DWIN:].reshape(NW, 1, DTAIL)

    onesm = jnp.ones((DWIN,), jnp.float32)
    zeros1 = jnp.zeros((RPT,), jnp.float32)
    zeros64 = jnp.zeros((WIN, FP), jnp.float32)
    bt = batch.reshape(NBLK, BLK, 1)

    d0, d1 = _deg(dcolm, dcolt, onesm, zeros1)
    d0 = d0.reshape(N, 1)
    d1 = d1.reshape(N, 1)
    xs0 = _k1(x, W0, d0, d1)
    q0, q1 = _mp(xs0, rowm, colm, rowt, colt, zeros64)
    xs1, P1 = _k2(q0, q1, xs0, d0, d1, b0.reshape(1, DIM_H), W1, bt)
    r0, r1 = _mp(xs1, rowm, colm, rowt, colt, zeros64)
    sig, z = _k3(r0, r1, xs1, d0, d1, b1.reshape(1, DIM_H), bt, P1,
                 lin1_W, lin1_b.reshape(1, -1), lin2_W, lin2_b.reshape(1, 1))
    return (sig, z)

# --- scband reference (transcript-rebuilt; emitter-appended) ---
"""Pipeline reference for scband-gcn-17162689314900 (READ-ONLY COPY).

The authoritative reference and input builder live on the scoring server;
editing this copy changes nothing except your own understanding.
"""

import jax, jax.numpy as jnp
import numpy as np

N = 10000
E = 320000
F_IN = 128
DIM_H = 64
LAYERS = 2
G = 64
READOUT = DIM_H * LAYERS * 3


def setup_inputs(seed: int = 0) -> dict:
    key = jax.random.key(seed)
    ks = jax.random.split(key, 12)
    x = jax.random.normal(ks[0], (N, F_IN), dtype=jnp.float32)
    edge_index = jax.random.randint(ks[1], (2, E), 0, N, dtype=jnp.int32)
    batch = jnp.sort(jax.random.randint(ks[2], (N,), 0, G, dtype=jnp.int32))
    W0 = jax.random.normal(ks[3], (F_IN, DIM_H), dtype=jnp.float32) * 0.05
    b0 = jnp.zeros((DIM_H,), dtype=jnp.float32)
    W1 = jax.random.normal(ks[4], (DIM_H, DIM_H), dtype=jnp.float32) * 0.05
    b1 = jnp.zeros((DIM_H,), dtype=jnp.float32)
    lin1_W = jax.random.normal(ks[5], (READOUT, READOUT), dtype=jnp.float32) * 0.05
    lin1_b = jnp.zeros((READOUT,), dtype=jnp.float32)
    lin2_W = jax.random.normal(ks[6], (READOUT, 1), dtype=jnp.float32) * 0.05
    lin2_b = jnp.zeros((1,), dtype=jnp.float32)
    return {"x": x, "edge_index": edge_index, "batch": batch,
            "W0": W0, "b0": b0, "W1": W1, "b1": b1,
            "lin1_W": lin1_W, "lin1_b": lin1_b, "lin2_W": lin2_W, "lin2_b": lin2_b}


def gcn_conv(x, edge_index, W, b):
    # PyG GCNConv: add self-loops, symmetric normalization, linear transform, scatter-add
    n = x.shape[0]
    row = edge_index[0]
    col = edge_index[1]
    loop = jnp.arange(n, dtype=row.dtype)
    row = jnp.concatenate([row, loop])
    col = jnp.concatenate([col, loop])
    xw = x @ W
    deg = jax.ops.segment_sum(jnp.ones_like(col, dtype=x.dtype), col, num_segments=n)
    dinv = jnp.where(deg > 0, jax.lax.rsqrt(deg), 0.0)
    norm = dinv[row] * dinv[col]
    out = jax.ops.segment_sum(xw[row] * norm[:, None], col, num_segments=n)
    return out + b


def reference(x, edge_index, batch, W0, b0, W1, b1, lin1_W, lin1_b, lin2_W, lin2_b):
    h = x
    readouts = []
    for (W, b) in ((W0, b0), (W1, b1)):
        h = jax.nn.relu(gcn_conv(h, edge_index, W, b))
        s = jax.ops.segment_sum(h, batch, num_segments=G)
        m = jax.ops.segment_max(h, batch, num_segments=G)
        m = jnp.where(jnp.isfinite(m), m, 0.0)
        cnt = jax.ops.segment_sum(jnp.ones((h.shape[0], 1), dtype=h.dtype), batch, num_segments=G)
        mean = s / jnp.maximum(cnt, 1.0)
        readouts.extend([s, m, mean])
    hc = jnp.concatenate(readouts, axis=1)
    h1 = jax.nn.relu(hc @ lin1_W + lin1_b)
    h2 = h1 @ lin2_W + lin2_b
    return (jax.nn.sigmoid(h2), h2)

if __name__ == "__main__":
    import jax
    _d = setup_inputs()
    print(jax.jit(kernel)(*tuple(_d.values())))

</pallas_src>

<mosaic_0001>
#map = affine_map<(d0, d1) -> (0, 0, 0)>
#map1 = affine_map<(d0, d1) -> (0)>
module attributes {stable_mosaic.version = 14 : i64} {
  func.func @_deg(%arg0: i32, %arg1: i32, %arg2: memref<32x78x128xi32, #tpu.memory_space<hbm>>, %arg3: memref<32x1x16xi32, #tpu.memory_space<hbm>>, %arg4: memref<128xf32, #tpu.memory_space<hbm>>, %arg5: memref<624xf32, #tpu.memory_space<hbm>>, %arg6: memref<10000xf32, #tpu.memory_space<hbm>>, %arg7: memref<10000xf32, #tpu.memory_space<hbm>>, %arg8: memref<78x128xi32, #tpu.memory_space<vmem>>, %arg9: memref<1x16xi32, #tpu.memory_space<vmem>>, %arg10: memref<128xf32, #tpu.memory_space<vmem>>, %arg11: memref<624xf32, #tpu.memory_space<vmem>>, %arg12: memref<10000xf32, #tpu.memory_space<vmem_shared>>) attributes {dimension_semantics = [#tpu.dimension_semantics<core_parallel>, #tpu.dimension_semantics<subcore_parallel>], iteration_bounds = array<i64: 2, 16>, scalar_prefetch = 0 : i64, scratch_operands = 5 : i64, tpu.core_type = #tpu.core_type<sc_vector_subcore>, window_params = [{transform_indices = #map}, {transform_indices = #map}, {transform_indices = #map1}, {transform_indices = #map1}, {transform_indices = #map1}, {transform_indices = #map1}]} {
    %mul3A = arith.constant 16 : i32
    %mul3A_0 = arith.muli %arg0, %mul3A : i32
    %add3A = arith.addi %mul3A_0, %arg1 : i32
    "tpu.region"() ({
      %run_scoped3A_27 = tpu.sem_alloc : memref<!tpu.dma_semaphore, #tpu.memory_space<semaphore_mem>>
      %dma_start3A = arith.constant 0 : i32
      %dma_start3A_28 = arith.constant 0 : i32
      %dma_start3A_29 = tpu.memref_slice %arg2[%add3A, %dma_start3A, %dma_start3A_28] : memref<32x78x128xi32, #tpu.memory_space<hbm>> -> memref<1x78x128xi32, #tpu.memory_space<hbm>>
      %dma_start3A_30 = tpu.memref_squeeze %dma_start3A_29 : memref<1x78x128xi32, #tpu.memory_space<hbm>> -> memref<78x128xi32, #tpu.memory_space<hbm>>
      %dma_start3A_31 = arith.constant 0 : i32
      %dma_start3A_32 = arith.constant 0 : i32
      %dma_start3A_33 = tpu.memref_slice %arg2[%add3A, %dma_start3A_31, %dma_start3A_32] : memref<32x78x128xi32, #tpu.memory_space<hbm>> -> memref<1x78x128xi32, #tpu.memory_space<hbm>>
      %dma_start3A_34 = tpu.memref_squeeze %dma_start3A_33 : memref<1x78x128xi32, #tpu.memory_space<hbm>> -> memref<78x128xi32, #tpu.memory_space<hbm>>
      tpu.enqueue_dma source(%dma_start3A_34 : memref<78x128xi32, #tpu.memory_space<hbm>>) target(%arg8 : memref<78x128xi32, #tpu.memory_space<vmem>>) target_semaphore(%run_scoped3A_27 : memref<!tpu.dma_semaphore, #tpu.memory_space<semaphore_mem>>)
      %dma_wait3A = arith.constant 0 : i32
      %dma_wait3A_35 = arith.constant 0 : i32
      %dma_wait3A_36 = tpu.memref_slice %arg2[%add3A, %dma_wait3A, %dma_wait3A_35] : memref<32x78x128xi32, #tpu.memory_space<hbm>> -> memref<1x78x128xi32, #tpu.memory_space<hbm>>
      %dma_wait3A_37 = tpu.memref_squeeze %dma_wait3A_36 : memref<1x78x128xi32, #tpu.memory_space<hbm>> -> memref<78x128xi32, #tpu.memory_space<hbm>>
      %dma_wait3A_38 = arith.constant 0 : i32
      %dma_wait3A_39 = arith.constant 0 : i32
      %dma_wait3A_40 = tpu.memref_slice %arg2[%add3A, %dma_wait3A_38, %dma_wait3A_39] : memref<32x78x128xi32, #tpu.memory_space<hbm>> -> memref<1x78x128xi32, #tpu.memory_space<hbm>>
      %dma_wait3A_41 = tpu.memref_squeeze %dma_wait3A_40 : memref<1x78x128xi32, #tpu.memory_space<hbm>> -> memref<78x128xi32, #tpu.memory_space<hbm>>
      tpu.wait_dma2 semaphore(%run_scoped3A_27 : memref<!tpu.dma_semaphore, #tpu.memory_space<semaphore_mem>>) src(%dma_wait3A_41 : memref<78x128xi32, #tpu.memory_space<hbm>>) dst(%arg8 : memref<78x128xi32, #tpu.memory_space<vmem>>)
      tpu.yield
    }) : () -> ()
    "tpu.region"() ({
      %run_scoped3A_27 = tpu.sem_alloc : memref<!tpu.dma_semaphore, #tpu.memory_space<semaphore_mem>>
      %dma_start3A = arith.constant 0 : i32
      %dma_start3A_28 = arith.constant 0 : i32
      %dma_start3A_29 = tpu.memref_slice %arg3[%add3A, %dma_start3A, %dma_start3A_28] : memref<32x1x16xi32, #tpu.memory_space<hbm>> -> memref<1x1x16xi32, #tpu.memory_space<hbm>>
      %dma_start3A_30 = tpu.memref_squeeze %dma_start3A_29 : memref<1x1x16xi32, #tpu.memory_space<hbm>> -> memref<1x16xi32, #tpu.memory_space<hbm>>
      %dma_start3A_31 = arith.constant 0 : i32
      %dma_start3A_32 = arith.constant 0 : i32
      %dma_start3A_33 = tpu.memref_slice %arg3[%add3A, %dma_start3A_31, %dma_start3A_32] : memref<32x1x16xi32, #tpu.memory_space<hbm>> -> memref<1x1x16xi32, #tpu.memory_space<hbm>>
      %dma_start3A_34 = tpu.memref_squeeze %dma_start3A_33 : memref<1x1x16xi32, #tpu.memory_space<hbm>> -> memref<1x16xi32, #tpu.memory_space<hbm>>
      tpu.enqueue_dma source(%dma_start3A_34 : memref<1x16xi32, #tpu.memory_space<hbm>>) target(%arg9 : memref<1x16xi32, #tpu.memory_space<vmem>>) target_semaphore(%run_scoped3A_27 : memref<!tpu.dma_semaphore, #tpu.memory_space<semaphore_mem>>)
      %dma_wait3A = arith.constant 0 : i32
      %dma_wait3A_35 = arith.constant 0 : i32
      %dma_wait3A_36 = tpu.memref_slice %arg3[%add3A, %dma_wait3A, %dma_wait3A_35] : memref<32x1x16xi32, #tpu.memory_space<hbm>> -> memref<1x1x16xi32, #tpu.memory_space<hbm>>
      %dma_wait3A_37 = tpu.memref_squeeze %dma_wait3A_36 : memref<1x1x16xi32, #tpu.memory_space<hbm>> -> memref<1x16xi32, #tpu.memory_space<hbm>>
      %dma_wait3A_38 = arith.constant 0 : i32
      %dma_wait3A_39 = arith.constant 0 : i32
      %dma_wait3A_40 = tpu.memref_slice %arg3[%add3A, %dma_wait3A_38, %dma_wait3A_39] : memref<32x1x16xi32, #tpu.memory_space<hbm>> -> memref<1x1x16xi32, #tpu.memory_space<hbm>>
      %dma_wait3A_41 = tpu.memref_squeeze %dma_wait3A_40 : memref<1x1x16xi32, #tpu.memory_space<hbm>> -> memref<1x16xi32, #tpu.memory_space<hbm>>
      tpu.wait_dma2 semaphore(%run_scoped3A_27 : memref<!tpu.dma_semaphore, #tpu.memory_space<semaphore_mem>>) src(%dma_wait3A_41 : memref<1x16xi32, #tpu.memory_space<hbm>>) dst(%arg9 : memref<1x16xi32, #tpu.memory_space<vmem>>)
      tpu.yield
    }) : () -> ()
    "tpu.region"() ({
      %run_scoped3A_27 = tpu.sem_alloc : memref<!tpu.dma_semaphore, #tpu.memory_space<semaphore_mem>>
      tpu.enqueue_dma source(%arg4 : memref<128xf32, #tpu.memory_space<hbm>>) target(%arg10 : memref<128xf32, #tpu.memory_space<vmem>>) target_semaphore(%run_scoped3A_27 : memref<!tpu.dma_semaphore, #tpu.memory_space<semaphore_mem>>)
      tpu.wait_dma2 semaphore(%run_scoped3A_27 : memref<!tpu.dma_semaphore, #tpu.memory_space<semaphore_mem>>) src(%arg4 : memref<128xf32, #tpu.memory_space<hbm>>) dst(%arg10 : memref<128xf32, #tpu.memory_space<vmem>>)
      tpu.yield
    }) : () -> ()
    "tpu.region"() ({
      %run_scoped3A_27 = tpu.sem_alloc : memref<!tpu.dma_semaphore, #tpu.memory_space<semaphore_mem>>
      tpu.enqueue_dma source(%arg5 : memref<624xf32, #tpu.memory_space<hbm>>) target(%arg11 : memref<624xf32, #tpu.memory_space<vmem>>) target_semaphore(%run_scoped3A_27 : memref<!tpu.dma_semaphore, #tpu.memory_space<semaphore_mem>>)
      tpu.wait_dma2 semaphore(%run_scoped3A_27 : memref<!tpu.dma_semaphore, #tpu.memory_space<semaphore_mem>>) src(%arg5 : memref<624xf32, #tpu.memory_space<hbm>>) dst(%arg11 : memref<624xf32, #tpu.memory_space<vmem>>)
      tpu.yield
    }) : () -> ()
    %mul3A_1 = arith.constant 624 : i32
    %mul3A_2 = arith.muli %arg1, %mul3A_1 : i32
    "tpu.region"() ({
      %run_scoped3A_27 = tpu.sem_alloc : memref<!tpu.dma_semaphore, #tpu.memory_space<semaphore_mem>>
      %dma_start3A = tpu.memref_slice %arg12[%mul3A_2] : memref<10000xf32, #tpu.memory_space<vmem_shared>> -> memref<624xf32, #tpu.memory_space<vmem_shared>>
      %dma_start3A_28 = tpu.memref_slice %arg12[%mul3A_2] : memref<10000xf32, #tpu.memory_space<vmem_shared>> -> memref<624xf32, #tpu.memory_space<vmem_shared>>
      tpu.enqueue_dma source(%arg11 : memref<624xf32, #tpu.memory_space<vmem>>) target(%dma_start3A_28 : memref<624xf32, #tpu.memory_space<vmem_shared>>) target_semaphore(%run_scoped3A_27 : memref<!tpu.dma_semaphore, #tpu.memory_space<semaphore_mem>>)
      %dma_wait3A = tpu.memref_slice %arg12[%mul3A_2] : memref<10000xf32, #tpu.memory_space<vmem_shared>> -> memref<624xf32, #tpu.memory_space<vmem_shared>>
      %dma_wait3A_29 = tpu.memref_slice %arg12[%mul3A_2] : memref<10000xf32, #tpu.memory_space<vmem_shared>> -> memref<624xf32, #tpu.memory_space<vmem_shared>>
      tpu.wait_dma2 semaphore(%run_scoped3A_27 : memref<!tpu.dma_semaphore, #tpu.memory_space<semaphore_mem>>) src(%arg11 : memref<624xf32, #tpu.memory_space<vmem>>) dst(%dma_wait3A_29 : memref<624xf32, #tpu.memory_space<vmem_shared>>)
      tpu.yield
    }) : () -> ()
    %eq3A = arith.constant 15 : i32
    %eq3A_3 = arith.cmpi eq, %arg1, %eq3A : i32
    %convert_element_type3A = arith.extui %eq3A_3 : i1 to i32
    %cond3A = arith.constant 0 : i32
    %cond3A_4 = arith.cmpi ne, %convert_element_type3A, %cond3A : i32
    scf.if %cond3A_4 {
      "tpu.region"() ({
        %run_scoped3A_27 = tpu.sem_alloc : memref<!tpu.dma_semaphore, #tpu.memory_space<semaphore_mem>>
        %dma_start3A = arith.constant 0 : i32
        %dma_start3A_28 = tpu.memref_slice %arg11[%dma_start3A] : memref<624xf32, #tpu.memory_space<vmem>> -> memref<16xf32, #tpu.memory_space<vmem>>
        %dma_start3A_29 = arith.constant 9984 : i32
        %dma_start3A_30 = tpu.memref_slice %arg12[%dma_start3A_29] : memref<10000xf32, #tpu.memory_space<vmem_shared>> -> memref<16xf32, #tpu.memory_space<vmem_shared>>
        %dma_start3A_31 = arith.constant 9984 : i32
        %dma_start3A_32 = tpu.memref_slice %arg12[%dma_start3A_31] : memref<10000xf32, #tpu.memory_space<vmem_shared>> -> memref<16xf32, #tpu.memory_space<vmem_shared>>
        %dma_start3A_33 = arith.constant 0 : i32
        %dma_start3A_34 = tpu.memref_slice %arg11[%dma_start3A_33] : memref<624xf32, #tpu.memory_space<vmem>> -> memref<16xf32, #tpu.memory_space<vmem>>
        tpu.enqueue_dma source(%dma_start3A_34 : memref<16xf32, #tpu.memory_space<vmem>>) target(%dma_start3A_32 : memref<16xf32, #tpu.memory_space<vmem_shared>>) target_semaphore(%run_scoped3A_27 : memref<!tpu.dma_semaphore, #tpu.memory_space<semaphore_mem>>)
        %dma_wait3A = arith.constant 0 : i32
        %dma_wait3A_35 = tpu.memref_slice %arg11[%dma_wait3A] : memref<624xf32, #tpu.memory_space<vmem>> -> memref<16xf32, #tpu.memory_space<vmem>>
        %dma_wait3A_36 = arith.constant 9984 : i32
        %dma_wait3A_37 = tpu.memref_slice %arg12[%dma_wait3A_36] : memref<10000xf32, #tpu.memory_space<vmem_shared>> -> memref<16xf32, #tpu.memory_space<vmem_shared>>
        %dma_wait3A_38 = arith.constant 9984 : i32
        %dma_wait3A_39 = tpu.memref_slice %arg12[%dma_wait3A_38] : memref<10000xf32, #tpu.memory_space<vmem_shared>> -> memref<16xf32, #tpu.memory_space<vmem_shared>>
        %dma_wait3A_40 = arith.constant 0 : i32
        %dma_wait3A_41 = tpu.memref_slice %arg11[%dma_wait3A_40] : memref<624xf32, #tpu.memory_space<vmem>> -> memref<16xf32, #tpu.memory_space<vmem>>
        tpu.wait_dma2 semaphore(%run_scoped3A_27 : memref<!tpu.dma_semaphore, #tpu.memory_space<semaphore_mem>>) src(%dma_wait3A_41 : memref<16xf32, #tpu.memory_space<vmem>>) dst(%dma_wait3A_39 : memref<16xf32, #tpu.memory_space<vmem_shared>>)
        tpu.yield
      }) : () -> ()
    } else {
    }
    %barrier3A = arith.constant 0 : index
    tpu.barrier barrier_id(%barrier3A)
    %scan3A = arith.constant 0 : i32
    %scan3A_5 = arith.constant 78 : i32
    %scan3A_6 = arith.addi %scan3A, %scan3A_5 : i32
    %scan3A_7 = arith.constant 1 : i32
    scf.for %scan3A_27 = %scan3A to %scan3A_6 step %scan3A_7  : i32 {
      %mul3A_28 = arith.constant 1 : i32
      %mul3A_29 = arith.muli %scan3A_27, %mul3A_28 : i32
      %add3A_30 = arith.constant 0 : i32
      %add3A_31 = arith.addi %add3A_30, %mul3A_29 : i32
      "tpu.region"() ({
        %run_scoped3A_32 = tpu.sem_alloc : memref<!tpu.dma_semaphore, #tpu.memory_space<semaphore_mem>>
        %dma_start3A = arith.constant 0 : i32
        %dma_start3A_33 = tpu.memref_slice %arg8[%add3A_31, %dma_start3A] : memref<78x128xi32, #tpu.memory_space<vmem>> -> memref<1x128xi32, #tpu.memory_space<vmem>>
        %dma_start3A_34 = tpu.memref_squeeze %dma_start3A_33 : memref<1x128xi32, #tpu.memory_space<vmem>> -> memref<128xi32, #tpu.memory_space<vmem>>
        %dma_start3A_35 = arith.constant 0 : i32
        %dma_start3A_36 = tpu.memref_slice %arg12[%dma_start3A_35] : memref<10000xf32, #tpu.memory_space<vmem_shared>> -> memref<10000xf32, #tpu.memory_space<vmem_shared>>
        tpu.enqueue_indirect_dma source(%arg10 : memref<128xf32, #tpu.memory_space<vmem>>) target(%dma_start3A_36 : memref<10000xf32, #tpu.memory_space<vmem_shared>>) offsets(%dma_start3A_34 : memref<128xi32, #tpu.memory_space<vmem>>) semaphore(%run_scoped3A_32 : memref<!tpu.dma_semaphore, #tpu.memory_space<semaphore_mem>>) {add = true}
        %dma_wait3A = arith.constant 0 : i32
        %dma_wait3A_37 = tpu.memref_slice %arg8[%add3A_31, %dma_wait3A] : memref<78x128xi32, #tpu.memory_space<vmem>> -> memref<1x128xi32, #tpu.memory_space<vmem>>
        %dma_wait3A_38 = tpu.memref_squeeze %dma_wait3A_37 : memref<1x128xi32, #tpu.memory_space<vmem>> -> memref<128xi32, #tpu.memory_space<vmem>>
        %dma_wait3A_39 = arith.constant 0 : i32
        %dma_wait3A_40 = tpu.memref_slice %arg12[%dma_wait3A_39] : memref<10000xf32, #tpu.memory_space<vmem_shared>> -> memref<10000xf32, #tpu.memory_space<vmem_shared>>
        tpu.wait_indirect_dma semaphore(%run_scoped3A_32 : memref<!tpu.dma_semaphore, #tpu.memory_space<semaphore_mem>>) src(%arg10 : memref<128xf32, #tpu.memory_space<vmem>>) dst(%dma_wait3A_40 : memref<10000xf32, #tpu.memory_space<vmem_shared>>)
        tpu.yield
      }) : () -> ()
    }
    %scan3A_8 = arith.constant 78 : i32
    %run_scoped3A = arith.constant 0 : i32
    "tpu.region"() ({
      %run_scoped3A_27 = tpu.sem_alloc : memref<!tpu.dma_semaphore, #tpu.memory_space<semaphore_mem>>
      %dma_start3A = arith.constant 0 : i32
      %dma_start3A_28 = tpu.memref_slice %arg10[%dma_start3A] : memref<128xf32, #tpu.memory_space<vmem>> -> memref<16xf32, #tpu.memory_space<vmem>>
      %dma_start3A_29 = arith.constant 0 : i32
      %dma_start3A_30 = tpu.memref_slice %arg9[%run_scoped3A, %dma_start3A_29] : memref<1x16xi32, #tpu.memory_space<vmem>> -> memref<1x16xi32, #tpu.memory_space<vmem>>
      %dma_start3A_31 = tpu.memref_squeeze %dma_start3A_30 : memref<1x16xi32, #tpu.memory_space<vmem>> -> memref<16xi32, #tpu.memory_space<vmem>>
      %dma_start3A_32 = arith.constant 0 : i32
      %dma_start3A_33 = tpu.memref_slice %arg12[%dma_start3A_32] : memref<10000xf32, #tpu.memory_space<vmem_shared>> -> memref<10000xf32, #tpu.memory_space<vmem_shared>>
      tpu.enqueue_indirect_dma source(%dma_start3A_28 : memref<16xf32, #tpu.memory_space<vmem>>) target(%dma_start3A_33 : memref<10000xf32, #tpu.memory_space<vmem_shared>>) offsets(%dma_start3A_31 : memref<16xi32, #tpu.memory_space<vmem>>) semaphore(%run_scoped3A_27 : memref<!tpu.dma_semaphore, #tpu.memory_space<semaphore_mem>>) {add = true}
      %dma_wait3A = arith.constant 0 : i32
      %dma_wait3A_34 = tpu.memref_slice %arg10[%dma_wait3A] : memref<128xf32, #tpu.memory_space<vmem>> -> memref<16xf32, #tpu.memory_space<vmem>>
      %dma_wait3A_35 = arith.constant 0 : i32
      %dma_wait3A_36 = tpu.memref_slice %arg9[%run_scoped3A, %dma_wait3A_35] : memref<1x16xi32, #tpu.memory_space<vmem>> -> memref<1x16xi32, #tpu.memory_space<vmem>>
      %dma_wait3A_37 = tpu.memref_squeeze %dma_wait3A_36 : memref<1x16xi32, #tpu.memory_space<vmem>> -> memref<16xi32, #tpu.memory_space<vmem>>
      %dma_wait3A_38 = arith.constant 0 : i32
      %dma_wait3A_39 = tpu.memref_slice %arg12[%dma_wait3A_38] : memref<10000xf32, #tpu.memory_space<vmem_shared>> -> memref<10000xf32, #tpu.memory_space<vmem_shared>>
      tpu.wait_indirect_dma semaphore(%run_scoped3A_27 : memref<!tpu.dma_semaphore, #tpu.memory_space<semaphore_mem>>) src(%dma_wait3A_34 : memref<16xf32, #tpu.memory_space<vmem>>) dst(%dma_wait3A_39 : memref<10000xf32, #tpu.memory_space<vmem_shared>>)
      tpu.yield
    }) : () -> ()
    %barrier3A_9 = arith.constant 0 : index
    tpu.barrier barrier_id(%barrier3A_9)
    %mul3A_10 = arith.constant 624 : i32
    %mul3A_11 = arith.muli %arg1, %mul3A_10 : i32
    "tpu.region"() ({
      %run_scoped3A_27 = tpu.sem_alloc : memref<!tpu.dma_semaphore, #tpu.memory_space<semaphore_mem>>
      %dma_start3A = tpu.memref_slice %arg12[%mul3A_11] : memref<10000xf32, #tpu.memory_space<vmem_shared>> -> memref<624xf32, #tpu.memory_space<vmem_shared>>
      %dma_start3A_28 = tpu.memref_slice %arg12[%mul3A_11] : memref<10000xf32, #tpu.memory_space<vmem_shared>> -> memref<624xf32, #tpu.memory_space<vmem_shared>>
      tpu.enqueue_dma source(%dma_start3A_28 : memref<624xf32, #tpu.memory_space<vmem_shared>>) target(%arg11 : memref<624xf32, #tpu.memory_space<vmem>>) target_semaphore(%run_scoped3A_27 : memref<!tpu.dma_semaphore, #tpu.memory_space<semaphore_mem>>)
      %dma_wait3A = tpu.memref_slice %arg12[%mul3A_11] : memref<10000xf32, #tpu.memory_space<vmem_shared>> -> memref<624xf32, #tpu.memory_space<vmem_shared>>
      %dma_wait3A_29 = tpu.memref_slice %arg12[%mul3A_11] : memref<10000xf32, #tpu.memory_space<vmem_shared>> -> memref<624xf32, #tpu.memory_space<vmem_shared>>
      tpu.wait_dma2 semaphore(%run_scoped3A_27 : memref<!tpu.dma_semaphore, #tpu.memory_space<semaphore_mem>>) src(%dma_wait3A_29 : memref<624xf32, #tpu.memory_space<vmem_shared>>) dst(%arg11 : memref<624xf32, #tpu.memory_space<vmem>>)
      tpu.yield
    }) : () -> ()
    %eq3A_12 = arith.constant 0 : i32
    %eq3A_13 = arith.cmpi eq, %arg0, %eq3A_12 : i32
    %convert_element_type3A_14 = arith.extui %eq3A_13 : i1 to i32
    %cond3A_15 = arith.constant 0 : i32
    %cond3A_16 = arith.cmpi ne, %convert_element_type3A_14, %cond3A_15 : i32
    scf.if %cond3A_16 {
      %mul3A_27 = arith.constant 624 : i32
      %mul3A_28 = arith.muli %arg1, %mul3A_27 : i32
      "tpu.region"() ({
        %run_scoped3A_29 = tpu.sem_alloc : memref<!tpu.dma_semaphore, #tpu.memory_space<semaphore_mem>>
        %dma_start3A = tpu.memref_slice %arg6[%mul3A_28] : memref<10000xf32, #tpu.memory_space<hbm>> -> memref<624xf32, #tpu.memory_space<hbm>>
        %dma_start3A_30 = tpu.memref_slice %arg6[%mul3A_28] : memref<10000xf32, #tpu.memory_space<hbm>> -> memref<624xf32, #tpu.memory_space<hbm>>
        tpu.enqueue_dma source(%arg11 : memref<624xf32, #tpu.memory_space<vmem>>) target(%dma_start3A_30 : memref<624xf32, #tpu.memory_space<hbm>>) target_semaphore(%run_scoped3A_29 : memref<!tpu.dma_semaphore, #tpu.memory_space<semaphore_mem>>)
        %dma_wait3A = tpu.memref_slice %arg6[%mul3A_28] : memref<10000xf32, #tpu.memory_space<hbm>> -> memref<624xf32, #tpu.memory_space<hbm>>
        %dma_wait3A_31 = tpu.memref_slice %arg6[%mul3A_28] : memref<10000xf32, #tpu.memory_space<hbm>> -> memref<624xf32, #tpu.memory_space<hbm>>
        tpu.wait_dma2 semaphore(%run_scoped3A_29 : memref<!tpu.dma_semaphore, #tpu.memory_space<semaphore_mem>>) src(%arg11 : memref<624xf32, #tpu.memory_space<vmem>>) dst(%dma_wait3A_31 : memref<624xf32, #tpu.memory_space<hbm>>)
        tpu.yield
      }) : () -> ()
    } else {
    }
    %eq3A_17 = arith.constant 1 : i32
    %eq3A_18 = arith.cmpi eq, %arg0, %eq3A_17 : i32
    %convert_element_type3A_19 = arith.extui %eq3A_18 : i1 to i32
    %cond3A_20 = arith.constant 0 : i32
    %cond3A_21 = arith.cmpi ne, %convert_element_type3A_19, %cond3A_20 : i32
    scf.if %cond3A_21 {
      %mul3A_27 = arith.constant 624 : i32
      %mul3A_28 = arith.muli %arg1, %mul3A_27 : i32
      "tpu.region"() ({
        %run_scoped3A_29 = tpu.sem_alloc : memref<!tpu.dma_semaphore, #tpu.memory_space<semaphore_mem>>
        %dma_start3A = tpu.memref_slice %arg7[%mul3A_28] : memref<10000xf32, #tpu.memory_space<hbm>> -> memref<624xf32, #tpu.memory_space<hbm>>
        %dma_start3A_30 = tpu.memref_slice %arg7[%mul3A_28] : memref<10000xf32, #tpu.memory_space<hbm>> -> memref<624xf32, #tpu.memory_space<hbm>>
        tpu.enqueue_dma source(%arg11 : memref<624xf32, #tpu.memory_space<vmem>>) target(%dma_start3A_30 : memref<624xf32, #tpu.memory_space<hbm>>) target_semaphore(%run_scoped3A_29 : memref<!tpu.dma_semaphore, #tpu.memory_space<semaphore_mem>>)
        %dma_wait3A = tpu.memref_slice %arg7[%mul3A_28] : memref<10000xf32, #tpu.memory_space<hbm>> -> memref<624xf32, #tpu.memory_space<hbm>>
        %dma_wait3A_31 = tpu.memref_slice %arg7[%mul3A_28] : memref<10000xf32, #tpu.memory_space<hbm>> -> memref<624xf32, #tpu.memory_space<hbm>>
        tpu.wait_dma2 semaphore(%run_scoped3A_29 : memref<!tpu.dma_semaphore, #tpu.memory_space<semaphore_mem>>) src(%arg11 : memref<624xf32, #tpu.memory_space<vmem>>) dst(%dma_wait3A_31 : memref<624xf32, #tpu.memory_space<hbm>>)
        tpu.yield
      }) : () -> ()
    } else {
    }
    %eq3A_22 = arith.constant 15 : i32
    %eq3A_23 = arith.cmpi eq, %arg1, %eq3A_22 : i32
    %convert_element_type3A_24 = arith.extui %eq3A_23 : i1 to i32
    %cond3A_25 = arith.constant 0 : i32
    %cond3A_26 = arith.cmpi ne, %convert_element_type3A_24, %cond3A_25 : i32
    scf.if %cond3A_26 {
      "tpu.region"() ({
        %run_scoped3A_37 = tpu.sem_alloc : memref<!tpu.dma_semaphore, #tpu.memory_space<semaphore_mem>>
        %dma_start3A = arith.constant 0 : i32
        %dma_start3A_38 = tpu.memref_slice %arg11[%dma_start3A] : memref<624xf32, #tpu.memory_space<vmem>> -> memref<16xf32, #tpu.memory_space<vmem>>
        %dma_start3A_39 = arith.constant 9984 : i32
        %dma_start3A_40 = tpu.memref_slice %arg12[%dma_start3A_39] : memref<10000xf32, #tpu.memory_space<vmem_shared>> -> memref<16xf32, #tpu.memory_space<vmem_shared>>
        %dma_start3A_41 = arith.constant 0 : i32
        %dma_start3A_42 = tpu.memref_slice %arg11[%dma_start3A_41] : memref<624xf32, #tpu.memory_space<vmem>> -> memref<16xf32, #tpu.memory_space<vmem>>
        %dma_start3A_43 = arith.constant 9984 : i32
        %dma_start3A_44 = tpu.memref_slice %arg12[%dma_start3A_43] : memref<10000xf32, #tpu.memory_space<vmem_shared>> -> memref<16xf32, #tpu.memory_space<vmem_shared>>
        tpu.enqueue_dma source(%dma_start3A_44 : memref<16xf32, #tpu.memory_space<vmem_shared>>) target(%dma_start3A_42 : memref<16xf32, #tpu.memory_space<vmem>>) target_semaphore(%run_scoped3A_37 : memref<!tpu.dma_semaphore, #tpu.memory_space<semaphore_mem>>)
        %dma_wait3A = arith.constant 0 : i32
        %dma_wait3A_45 = tpu.memref_slice %arg11[%dma_wait3A] : memref<624xf32, #tpu.memory_space<vmem>> -> memref<16xf32, #tpu.memory_space<vmem>>
        %dma_wait3A_46 = arith.constant 9984 : i32
        %dma_wait3A_47 = tpu.memref_slice %arg12[%dma_wait3A_46] : memref<10000xf32, #tpu.memory_space<vmem_shared>> -> memref<16xf32, #tpu.memory_space<vmem_shared>>
        %dma_wait3A_48 = arith.constant 0 : i32
        %dma_wait3A_49 = tpu.memref_slice %arg11[%dma_wait3A_48] : memref<624xf32, #tpu.memory_space<vmem>> -> memref<16xf32, #tpu.memory_space<vmem>>
        %dma_wait3A_50 = arith.constant 9984 : i32
        %dma_wait3A_51 = tpu.memref_slice %arg12[%dma_wait3A_50] : memref<10000xf32, #tpu.memory_space<vmem_shared>> -> memref<16xf32, #tpu.memory_space<vmem_shared>>
        tpu.wait_dma2 semaphore(%run_scoped3A_37 : memref<!tpu.dma_semaphore, #tpu.memory_space<semaphore_mem>>) src(%dma_wait3A_51 : memref<16xf32, #tpu.memory_space<vmem_shared>>) dst(%dma_wait3A_49 : memref<16xf32, #tpu.memory_space<vmem>>)
        tpu.yield
      }) : () -> ()
      %eq3A_27 = arith.constant 0 : i32
      %eq3A_28 = arith.cmpi eq, %arg0, %eq3A_27 : i32
      %convert_element_type3A_29 = arith.extui %eq3A_28 : i1 to i32
      %cond3A_30 = arith.constant 0 : i32
      %cond3A_31 = arith.cmpi ne, %convert_element_type3A_29, %cond3A_30 : i32
      scf.if %cond3A_31 {
        "tpu.region"() ({
          %run_scoped3A_37 = tpu.sem_alloc : memref<!tpu.dma_semaphore, #tpu.memory_space<semaphore_mem>>
          %dma_start3A = arith.constant 0 : i32
          %dma_start3A_38 = tpu.memref_slice %arg11[%dma_start3A] : memref<624xf32, #tpu.memory_space<vmem>> -> memref<16xf32, #tpu.memory_space<vmem>>
          %dma_start3A_39 = arith.constant 9984 : i32
          %dma_start3A_40 = tpu.memref_slice %arg6[%dma_start3A_39] : memref<10000xf32, #tpu.memory_space<hbm>> -> memref<16xf32, #tpu.memory_space<hbm>>
          %dma_start3A_41 = arith.constant 9984 : i32
          %dma_start3A_42 = tpu.memref_slice %arg6[%dma_start3A_41] : memref<10000xf32, #tpu.memory_space<hbm>> -> memref<16xf32, #tpu.memory_space<hbm>>
          %dma_start3A_43 = arith.constant 0 : i32
          %dma_start3A_44 = tpu.memref_slice %arg11[%dma_start3A_43] : memref<624xf32, #tpu.memory_space<vmem>> -> memref<16xf32, #tpu.memory_space<vmem>>
          tpu.enqueue_dma source(%dma_start3A_44 : memref<16xf32, #tpu.memory_space<vmem>>) target(%dma_start3A_42 : memref<16xf32, #tpu.memory_space<hbm>>) target_semaphore(%run_scoped3A_37 : memref<!tpu.dma_semaphore, #tpu.memory_space<semaphore_mem>>)
          %dma_wait3A = arith.constant 0 : i32
          %dma_wait3A_45 = tpu.memref_slice %arg11[%dma_wait3A] : memref<624xf32, #tpu.memory_space<vmem>> -> memref<16xf32, #tpu.memory_space<vmem>>
          %dma_wait3A_46 = arith.constant 9984 : i32
          %dma_wait3A_47 = tpu.memref_slice %arg6[%dma_wait3A_46] : memref<10000xf32, #tpu.memory_space<hbm>> -> memref<16xf32, #tpu.memory_space<hbm>>
          %dma_wait3A_48 = arith.constant 9984 : i32
          %dma_wait3A_49 = tpu.memref_slice %arg6[%dma_wait3A_48] : memref<10000xf32, #tpu.memory_space<hbm>> -> memref<16xf32, #tpu.memory_space<hbm>>
          %dma_wait3A_50 = arith.constant 0 : i32
          %dma_wait3A_51 = tpu.memref_slice %arg11[%dma_wait3A_50] : memref<624xf32, #tpu.memory_space<vmem>> -> memref<16xf32, #tpu.memory_space<vmem>>
          tpu.wait_dma2 semaphore(%run_scoped3A_37 : memref<!tpu.dma_semaphore, #tpu.memory_space<semaphore_mem>>) src(%dma_wait3A_51 : memref<16xf32, #tpu.memory_space<vmem>>) dst(%dma_wait3A_49 : memref<16xf32, #tpu.memory_space<hbm>>)
          tpu.yield
        }) : () -> ()
      } else {
      }
      %eq3A_32 = arith.constant 1 : i32
      %eq3A_33 = arith.cmpi eq, %arg0, %eq3A_32 : i32
      %convert_element_type3A_34 = arith.extui %eq3A_33 : i1 to i32
      %cond3A_35 = arith.constant 0 : i32
      %cond3A_36 = arith.cmpi ne, %convert_element_type3A_34, %cond3A_35 : i32
      scf.if %cond3A_36 {
        "tpu.region"() ({
          %run_scoped3A_37 = tpu.sem_alloc : memref<!tpu.dma_semaphore, #tpu.memory_space<semaphore_mem>>
          %dma_start3A = arith.constant 0 : i32
          %dma_start3A_38 = tpu.memref_slice %arg11[%dma_start3A] : memref<624xf32, #tpu.memory_space<vmem>> -> memref<16xf32, #tpu.memory_space<vmem>>
          %dma_start3A_39 = arith.constant 9984 : i32
          %dma_start3A_40 = tpu.memref_slice %arg7[%dma_start3A_39] : memref<10000xf32, #tpu.memory_space<hbm>> -> memref<16xf32, #tpu.memory_space<hbm>>
          %dma_start3A_41 = arith.constant 9984 : i32
          %dma_start3A_42 = tpu.memref_slice %arg7[%dma_start3A_41] : memref<10000xf32, #tpu.memory_space<hbm>> -> memref<16xf32, #tpu.memory_space<hbm>>
          %dma_start3A_43 = arith.constant 0 : i32
          %dma_start3A_44 = tpu.memref_slice %arg11[%dma_start3A_43] : memref<624xf32, #tpu.memory_space<vmem>> -> memref<16xf32, #tpu.memory_space<vmem>>
          tpu.enqueue_dma source(%dma_start3A_44 : memref<16xf32, #tpu.memory_space<vmem>>) target(%dma_start3A_42 : memref<16xf32, #tpu.memory_space<hbm>>) target_semaphore(%run_scoped3A_37 : memref<!tpu.dma_semaphore, #tpu.memory_space<semaphore_mem>>)
          %dma_wait3A = arith.constant 0 : i32
          %dma_wait3A_45 = tpu.memref_slice %arg11[%dma_wait3A] : memref<624xf32, #tpu.memory_space<vmem>> -> memref<16xf32, #tpu.memory_space<vmem>>
          %dma_wait3A_46 = arith.constant 9984 : i32
          %dma_wait3A_47 = tpu.memref_slice %arg7[%dma_wait3A_46] : memref<10000xf32, #tpu.memory_space<hbm>> -> memref<16xf32, #tpu.memory_space<hbm>>
          %dma_wait3A_48 = arith.constant 9984 : i32
          %dma_wait3A_49 = tpu.memref_slice %arg7[%dma_wait3A_48] : memref<10000xf32, #tpu.memory_space<hbm>> -> memref<16xf32, #tpu.memory_space<hbm>>
          %dma_wait3A_50 = arith.constant 0 : i32
          %dma_wait3A_51 = tpu.memref_slice %arg11[%dma_wait3A_50] : memref<624xf32, #tpu.memory_space<vmem>> -> memref<16xf32, #tpu.memory_space<vmem>>
          tpu.wait_dma2 semaphore(%run_scoped3A_37 : memref<!tpu.dma_semaphore, #tpu.memory_space<semaphore_mem>>) src(%dma_wait3A_51 : memref<16xf32, #tpu.memory_space<vmem>>) dst(%dma_wait3A_49 : memref<16xf32, #tpu.memory_space<hbm>>)
          tpu.yield
        }) : () -> ()
      } else {
      }
    } else {
    }
    return
  }
}

#map = affine_map<(d0, d1) -> (0, 0)>
#map1 = affine_map<(d0, d1) -> (0, 0, 0)>
module attributes {stable_mosaic.version = 14 : i64} {
  func.func @_mp(%arg0: i32, %arg1: i32, %arg2: memref<10000x64xf32, #tpu.memory_space<hbm>>, %arg3: memref<32x78x128xi32, #tpu.memory_space<hbm>>, %arg4: memref<32x78x128xi32, #tpu.memory_space<hbm>>, %arg5: memref<32x1x16xi32, #tpu.memory_space<hbm>>, %arg6: memref<32x1x16xi32, #tpu.memory_space<hbm>>, %arg7: memref<128x64xf32, #tpu.memory_space<hbm>>, %arg8: memref<10000x64xf32, #tpu.memory_space<hbm>>, %arg9: memref<10000x64xf32, #tpu.memory_space<hbm>>, %arg10: memref<78x128xi32, #tpu.memory_space<vmem>>, %arg11: memref<78x128xi32, #tpu.memory_space<vmem>>, %arg12: memref<1x16xi32, #tpu.memory_space<vmem>>, %arg13: memref<1x16xi32, #tpu.memory_space<vmem>>, %arg14: memref<128x64xf32, #tpu.memory_space<vmem>>, %arg15: memref<128x64xf32, #tpu.memory_space<vmem>>, %arg16: memref<128x64xf32, #tpu.memory_space<vmem>>, %arg17: memref<128x64xf32, #tpu.memory_space<vmem>>, %arg18: memref<128x64xf32, #tpu.memory_space<vmem>>, %arg19: memref<128x64xf32, #tpu.memory_space<vmem>>, %arg20: memref<128x64xf32, #tpu.memory_space<vmem>>, %arg21: memref<128x64xf32, #tpu.memory_space<vmem>>, %arg22: memref<16x64xf32, #tpu.memory_space<vmem>>, %arg23: memref<10000x64xf32, #tpu.memory_space<vmem_shared>>, %arg24: memref<!tpu.dma_semaphore, #tpu.memory_space<semaphore_mem>>, %arg25: memref<!tpu.dma_semaphore, #tpu.memory_space<semaphore_mem>>, %arg26: memref<!tpu.dma_semaphore, #tpu.memory_space<semaphore_mem>>, %arg27: memref<!tpu.dma_semaphore, #tpu.memory_space<semaphore_mem>>, %arg28: memref<!tpu.dma_semaphore, #tpu.memory_space<semaphore_mem>>, %arg29: memref<!tpu.dma_semaphore, #tpu.memory_space<semaphore_mem>>, %arg30: memref<!tpu.dma_semaphore, #tpu.memory_space<semaphore_mem>>, %arg31: memref<!tpu.dma_semaphore, #tpu.memory_space<semaphore_mem>>, %arg32: memref<!tpu.dma_semaphore, #tpu.memory_space<semaphore_mem>>, %arg33: memref<!tpu.dma_semaphore, #tpu.memory_space<semaphore_mem>>, %arg34: memref<!tpu.dma_semaphore, #tpu.memory_space<semaphore_mem>>, %arg35: memref<!tpu.dma_semaphore, #tpu.memory_space<semaphore_mem>>, %arg36: memref<!tpu.dma_semaphore, #tpu.memory_space<semaphore_mem>>, %arg37: memref<!tpu.dma_semaphore, #tpu.memory_space<semaphore_mem>>, %arg38: memref<!tpu.dma_semaphore, #tpu.memory_space<semaphore_mem>>, %arg39: memref<!tpu.dma_semaphore, #tpu.memory_space<semaphore_mem>>) attributes {dimension_semantics = [#tpu.dimension_semantics<core_parallel>, #tpu.dimension_semantics<subcore_parallel>], iteration_bounds = array<i64: 2, 16>, scalar_prefetch = 0 : i64, scratch_operands = 30 : i64, tpu.core_type = #tpu.core_type<sc_vector_subcore>, window_params = [{transform_indices = #map}, {transform_indices = #map1}, {transform_indices = #map1}, {transform_indices = #map1}, {transform_indices = #map1}, {transform_indices = #map}, {transform_indices = #map}, {transform_indices = #map}]} {
    %mul3A = arith.constant 16 : i32
    %mul3A_0 = arith.muli %arg0, %mul3A : i32
    %add3A = arith.addi %mul3A_0, %arg1 : i32
    "tpu.region"() ({
      %run_scoped3A_263 = tpu.sem_alloc : memref<!tpu.dma_semaphore, #tpu.memory_space<semaphore_mem>>
      %dma_start3A_264 = arith.constant 0 : i32
      %dma_start3A_265 = arith.constant 0 : i32
      %dma_start3A_266 = tpu.memref_slice %arg3[%add3A, %dma_start3A_264, %dma_start3A_265] : memref<32x78x128xi32, #tpu.memory_space<hbm>> -> memref<1x78x128xi32, #tpu.memory_space<hbm>>
      %dma_start3A_267 = tpu.memref_squeeze %dma_start3A_266 : memref<1x78x128xi32, #tpu.memory_space<hbm>> -> memref<78x128xi32, #tpu.memory_space<hbm>>
      %dma_start3A_268 = arith.constant 0 : i32
      %dma_start3A_269 = arith.constant 0 : i32
      %dma_start3A_270 = tpu.memref_slice %arg3[%add3A, %dma_start3A_268, %dma_start3A_269] : memref<32x78x128xi32, #tpu.memory_space<hbm>> -> memref<1x78x128xi32, #tpu.memory_space<hbm>>
      %dma_start3A_271 = tpu.memref_squeeze %dma_start3A_270 : memref<1x78x128xi32, #tpu.memory_space<hbm>> -> memref<78x128xi32, #tpu.memory_space<hbm>>
      tpu.enqueue_dma source(%dma_start3A_271 : memref<78x128xi32, #tpu.memory_space<hbm>>) target(%arg10 : memref<78x128xi32, #tpu.memory_space<vmem>>) target_semaphore(%run_scoped3A_263 : memref<!tpu.dma_semaphore, #tpu.memory_space<semaphore_mem>>)
      %dma_wait3A_272 = arith.constant 0 : i32
      %dma_wait3A_273 = arith.constant 0 : i32
      %dma_wait3A_274 = tpu.memref_slice %arg3[%add3A, %dma_wait3A_272, %dma_wait3A_273] : memref<32x78x128xi32, #tpu.memory_space<hbm>> -> memref<1x78x128xi32, #tpu.memory_space<hbm>>
      %dma_wait3A_275 = tpu.memref_squeeze %dma_wait3A_274 : memref<1x78x128xi32, #tpu.memory_space<hbm>> -> memref<78x128xi32, #tpu.memory_space<hbm>>
      %dma_wait3A_276 = arith.constant 0 : i32
      %dma_wait3A_277 = arith.constant 0 : i32
      %dma_wait3A_278 = tpu.memref_slice %arg3[%add3A, %dma_wait3A_276, %dma_wait3A_277] : memref<32x78x128xi32, #tpu.memory_space<hbm>> -> memref<1x78x128xi32, #tpu.memory_space<hbm>>
      %dma_wait3A_279 = tpu.memref_squeeze %dma_wait3A_278 : memref<1x78x128xi32, #tpu.memory_space<hbm>> -> memref<78x128xi32, #tpu.memory_space<hbm>>
      tpu.wait_dma2 semaphore(%run_scoped3A_263 : memref<!tpu.dma_semaphore, #tpu.memory_space<semaphore_mem>>) src(%dma_wait3A_279 : memref<78x128xi32, #tpu.memory_space<hbm>>) dst(%arg10 : memref<78x128xi32, #tpu.memory_space<vmem>>)
      tpu.yield
    }) : () -> ()
    "tpu.region"() ({
      %run_scoped3A_263 = tpu.sem_alloc : memref<!tpu.dma_semaphore, #tpu.memory_space<semaphore_mem>>
      %dma_start3A_264 = arith.constant 0 : i32
      %dma_start3A_265 = arith.constant 0 : i32
      %dma_start3A_266 = tpu.memref_slice %arg4[%add3A, %dma_start3A_264, %dma_start3A_265] : memref<32x78x128xi32, #tpu.memory_space<hbm>> -> memref<1x78x128xi32, #tpu.memory_space<hbm>>
      %dma_start3A_267 = tpu.memref_squeeze %dma_start3A_266 : memref<1x78x128xi32, #tpu.memory_space<hbm>> -> memref<78x128xi32, #tpu.memory_space<hbm>>
      %dma_start3A_268 = arith.constant 0 : i32
      %dma_start3A_269 = arith.constant 0 : i32
      %dma_start3A_270 = tpu.memref_slice %arg4[%add3A, %dma_start3A_268, %dma_start3A_269] : memref<32x78x128xi32, #tpu.memory_space<hbm>> -> memref<1x78x128xi32, #tpu.memory_space<hbm>>
      %dma_start3A_271 = tpu.memref_squeeze %dma_start3A_270 : memref<1x78x128xi32, #tpu.memory_space<hbm>> -> memref<78x128xi32, #tpu.memory_space<hbm>>
      tpu.enqueue_dma source(%dma_start3A_271 : memref<78x128xi32, #tpu.memory_space<hbm>>) target(%arg11 : memref<78x128xi32, #tpu.memory_space<vmem>>) target_semaphore(%run_scoped3A_263 : memref<!tpu.dma_semaphore, #tpu.memory_space<semaphore_mem>>)
      %dma_wait3A_272 = arith.constant 0 : i32
      %dma_wait3A_273 = arith.constant 0 : i32
      %dma_wait3A_274 = tpu.memref_slice %arg4[%add3A, %dma_wait3A_272, %dma_wait3A_273] : memref<32x78x128xi32, #tpu.memory_space<hbm>> -> memref<1x78x128xi32, #tpu.memory_space<hbm>>
      %dma_wait3A_275 = tpu.memref_squeeze %dma_wait3A_274 : memref<1x78x128xi32, #tpu.memory_space<hbm>> -> memref<78x128xi32, #tpu.memory_space<hbm>>
      %dma_wait3A_276 = arith.constant 0 : i32
      %dma_wait3A_277 = arith.constant 0 : i32
      %dma_wait3A_278 = tpu.memref_slice %arg4[%add3A, %dma_wait3A_276, %dma_wait3A_277] : memref<32x78x128xi32, #tpu.memory_space<hbm>> -> memref<1x78x128xi32, #tpu.memory_space<hbm>>
      %dma_wait3A_279 = tpu.memref_squeeze %dma_wait3A_278 : memref<1x78x128xi32, #tpu.memory_space<hbm>> -> memref<78x128xi32, #tpu.memory_space<hbm>>
      tpu.wait_dma2 semaphore(%run_scoped3A_263 : memref<!tpu.dma_semaphore, #tpu.memory_space<semaphore_mem>>) src(%dma_wait3A_279 : memref<78x128xi32, #tpu.memory_space<hbm>>) dst(%arg11 : memref<78x128xi32, #tpu.memory_space<vmem>>)
      tpu.yield
    }) : () -> ()
    "tpu.region"() ({
      %run_scoped3A_263 = tpu.sem_alloc : memref<!tpu.dma_semaphore, #tpu.memory_space<semaphore_mem>>
      %dma_start3A_264 = arith.constant 0 : i32
      %dma_start3A_265 = arith.constant 0 : i32
      %dma_start3A_266 = tpu.memref_slice %arg5[%add3A, %dma_start3A_264, %dma_start3A_265] : memref<32x1x16xi32, #tpu.memory_space<hbm>> -> memref<1x1x16xi32, #tpu.memory_space<hbm>>
      %dma_start3A_267 = tpu.memref_squeeze %dma_start3A_266 : memref<1x1x16xi32, #tpu.memory_space<hbm>> -> memref<1x16xi32, #tpu.memory_space<hbm>>
      %dma_start3A_268 = arith.constant 0 : i32
      %dma_start3A_269 = arith.constant 0 : i32
      %dma_start3A_270 = tpu.memref_slice %arg5[%add3A, %dma_start3A_268, %dma_start3A_269] : memref<32x1x16xi32, #tpu.memory_space<hbm>> -> memref<1x1x16xi32, #tpu.memory_space<hbm>>
      %dma_start3A_271 = tpu.memref_squeeze %dma_start3A_270 : memref<1x1x16xi32, #tpu.memory_space<hbm>> -> memref<1x16xi32, #tpu.memory_space<hbm>>
      tpu.enqueue_dma source(%dma_start3A_271 : memref<1x16xi32, #tpu.memory_space<hbm>>) target(%arg12 : memref<1x16xi32, #tpu.memory_space<vmem>>) target_semaphore(%run_scoped3A_263 : memref<!tpu.dma_semaphore, #tpu.memory_space<semaphore_mem>>)
      %dma_wait3A_272 = arith.constant 0 : i32
      %dma_wait3A_273 = arith.constant 0 : i32
      %dma_wait3A_274 = tpu.memref_slice %arg5[%add3A, %dma_wait3A_272, %dma_wait3A_273] : memref<32x1x16xi32, #tpu.memory_space<hbm>> -> memref<1x1x16xi32, #tpu.memory_space<hbm>>
      %dma_wait3A_275 = tpu.memref_squeeze %dma_wait3A_274 : memref<1x1x16xi32, #tpu.memory_space<hbm>> -> memref<1x16xi32, #tpu.memory_space<hbm>>
      %dma_wait3A_276 = arith.constant 0 : i32
      %dma_wait3A_277 = arith.constant 0 : i32
      %dma_wait3A_278 = tpu.memref_slice %arg5[%add3A, %dma_wait3A_276, %dma_wait3A_277] : memref<32x1x16xi32, #tpu.memory_space<hbm>> -> memref<1x1x16xi32, #tpu.memory_space<hbm>>
      %dma_wait3A_279 = tpu.memref_squeeze %dma_wait3A_278 : memref<1x1x16xi32, #tpu.memory_space<hbm>> -> memref<1x16xi32, #tpu.memory_space<hbm>>
      tpu.wait_dma2 semaphore(%run_scoped3A_263 : memref<!tpu.dma_semaphore, #tpu.memory_space<semaphore_mem>>) src(%dma_wait3A_279 : memref<1x16xi32, #tpu.memory_space<hbm>>) dst(%arg12 : memref<1x16xi32, #tpu.memory_space<vmem>>)
      tpu.yield
    }) : () -> ()
    "tpu.region"() ({
      %run_scoped3A_263 = tpu.sem_alloc : memref<!tpu.dma_semaphore, #tpu.memory_space<semaphore_mem>>
      %dma_start3A_264 = arith.constant 0 : i32
      %dma_start3A_265 = arith.constant 0 : i32
      %dma_start3A_266 = tpu.memref_slice %arg6[%add3A, %dma_start3A_264, %dma_start3A_265] : memref<32x1x16xi32, #tpu.memory_space<hbm>> -> memref<1x1x16xi32, #tpu.memory_space<hbm>>
      %dma_start3A_267 = tpu.memref_squeeze %dma_start3A_266 : memref<1x1x16xi32, #tpu.memory_space<hbm>> -> memref<1x16xi32, #tpu.memory_space<hbm>>
      %dma_start3A_268 = arith.constant 0 : i32
      %dma_start3A_269 = arith.constant 0 : i32
      %dma_start3A_270 = tpu.memref_slice %arg6[%add3A, %dma_start3A_268, %dma_start3A_269] : memref<32x1x16xi32, #tpu.memory_space<hbm>> -> memref<1x1x16xi32, #tpu.memory_space<hbm>>
      %dma_start3A_271 = tpu.memref_squeeze %dma_start3A_270 : memref<1x1x16xi32, #tpu.memory_space<hbm>> -> memref<1x16xi32, #tpu.memory_space<hbm>>
      tpu.enqueue_dma source(%dma_start3A_271 : memref<1x16xi32, #tpu.memory_space<hbm>>) target(%arg13 : memref<1x16xi32, #tpu.memory_space<vmem>>) target_semaphore(%run_scoped3A_263 : memref<!tpu.dma_semaphore, #tpu.memory_space<semaphore_mem>>)
      %dma_wait3A_272 = arith.constant 0 : i32
      %dma_wait3A_273 = arith.constant 0 : i32
      %dma_wait3A_274 = tpu.memref_slice %arg6[%add3A, %dma_wait3A_272, %dma_wait3A_273] : memref<32x1x16xi32, #tpu.memory_space<hbm>> -> memref<1x1x16xi32, #tpu.memory_space<hbm>>
      %dma_wait3A_275 = tpu.memref_squeeze %dma_wait3A_274 : memref<1x1x16xi32, #tpu.memory_space<hbm>> -> memref<1x16xi32, #tpu.memory_space<hbm>>
      %dma_wait3A_276 = arith.constant 0 : i32
      %dma_wait3A_277 = arith.constant 0 : i32
      %dma_wait3A_278 = tpu.memref_slice %arg6[%add3A, %dma_wait3A_276, %dma_wait3A_277] : memref<32x1x16xi32, #tpu.memory_space<hbm>> -> memref<1x1x16xi32, #tpu.memory_space<hbm>>
      %dma_wait3A_279 = tpu.memref_squeeze %dma_wait3A_278 : memref<1x1x16xi32, #tpu.memory_space<hbm>> -> memref<1x16xi32, #tpu.memory_space<hbm>>
      tpu.wait_dma2 semaphore(%run_scoped3A_263 : memref<!tpu.dma_semaphore, #tpu.memory_space<semaphore_mem>>) src(%dma_wait3A_279 : memref<1x16xi32, #tpu.memory_space<hbm>>) dst(%arg13 : memref<1x16xi32, #tpu.memory_space<vmem>>)
      tpu.yield
    }) : () -> ()
    %mul3A_1 = arith.constant 624 : i32
    %mul3A_2 = arith.muli %arg1, %mul3A_1 : i32
    "tpu.region"() ({
      %run_scoped3A_263 = tpu.sem_alloc : memref<!tpu.dma_semaphore, #tpu.memory_space<semaphore_mem>>
      tpu.enqueue_dma source(%arg7 : memref<128x64xf32, #tpu.memory_space<hbm>>) target(%arg14 : memref<128x64xf32, #tpu.memory_space<vmem>>) target_semaphore(%run_scoped3A_263 : memref<!tpu.dma_semaphore, #tpu.memory_space<semaphore_mem>>)
      tpu.wait_dma2 semaphore(%run_scoped3A_263 : memref<!tpu.dma_semaphore, #tpu.memory_space<semaphore_mem>>) src(%arg7 : memref<128x64xf32, #tpu.memory_space<hbm>>) dst(%arg14 : memref<128x64xf32, #tpu.memory_space<vmem>>)
      tpu.yield
    }) : () -> ()
    %add3A_3 = arith.constant 0 : i32
    %add3A_4 = arith.addi %mul3A_2, %add3A_3 : i32
    %dma_start3A = arith.constant 0 : i32
    %dma_start3A_5 = tpu.memref_slice %arg23[%add3A_4, %dma_start3A] : memref<10000x64xf32, #tpu.memory_space<vmem_shared>> -> memref<128x64xf32, #tpu.memory_space<vmem_shared>>
    %dma_start3A_6 = arith.constant 0 : i32
    %dma_start3A_7 = tpu.memref_slice %arg23[%add3A_4, %dma_start3A_6] : memref<10000x64xf32, #tpu.memory_space<vmem_shared>> -> memref<128x64xf32, #tpu.memory_space<vmem_shared>>
    tpu.enqueue_dma source(%arg14 : memref<128x64xf32, #tpu.memory_space<vmem>>) target(%dma_start3A_7 : memref<128x64xf32, #tpu.memory_space<vmem_shared>>) target_semaphore(%arg24 : memref<!tpu.dma_semaphore, #tpu.memory_space<semaphore_mem>>)
    %add3A_8 = arith.constant 128 : i32
    %add3A_9 = arith.addi %mul3A_2, %add3A_8 : i32
    %dma_start3A_10 = arith.constant 0 : i32
    %dma_start3A_11 = tpu.memref_slice %arg23[%add3A_9, %dma_start3A_10] : memref<10000x64xf32, #tpu.memory_space<vmem_shared>> -> memref<128x64xf32, #tpu.memory_space<vmem_shared>>
    %dma_start3A_12 = arith.constant 0 : i32
    %dma_start3A_13 = tpu.memref_slice %arg23[%add3A_9, %dma_start3A_12] : memref<10000x64xf32, #tpu.memory_space<vmem_shared>> -> memref<128x64xf32, #tpu.memory_space<vmem_shared>>
    tpu.enqueue_dma source(%arg14 : memref<128x64xf32, #tpu.memory_space<vmem>>) target(%dma_start3A_13 : memref<128x64xf32, #tpu.memory_space<vmem_shared>>) target_semaphore(%arg25 : memref<!tpu.dma_semaphore, #tpu.memory_space<semaphore_mem>>)
    %add3A_14 = arith.constant 256 : i32
    %add3A_15 = arith.addi %mul3A_2, %add3A_14 : i32
    %dma_start3A_16 = arith.constant 0 : i32
    %dma_start3A_17 = tpu.memref_slice %arg23[%add3A_15, %dma_start3A_16] : memref<10000x64xf32, #tpu.memory_space<vmem_shared>> -> memref<128x64xf32, #tpu.memory_space<vmem_shared>>
    %dma_start3A_18 = arith.constant 0 : i32
    %dma_start3A_19 = tpu.memref_slice %arg23[%add3A_15, %dma_start3A_18] : memref<10000x64xf32, #tpu.memory_space<vmem_shared>> -> memref<128x64xf32, #tpu.memory_space<vmem_shared>>
    tpu.enqueue_dma source(%arg14 : memref<128x64xf32, #tpu.memory_space<vmem>>) target(%dma_start3A_19 : memref<128x64xf32, #tpu.memory_space<vmem_shared>>) target_semaphore(%arg26 : memref<!tpu.dma_semaphore, #tpu.memory_space<semaphore_mem>>)
    %add3A_20 = arith.constant 384 : i32
    %add3A_21 = arith.addi %mul3A_2, %add3A_20 : i32
    %dma_start3A_22 = arith.constant 0 : i32
    %dma_start3A_23 = tpu.memref_slice %arg23[%add3A_21, %dma_start3A_22] : memref<10000x64xf32, #tpu.memory_space<vmem_shared>> -> memref<128x64xf32, #tpu.memory_space<vmem_shared>>
    %dma_start3A_24 = arith.constant 0 : i32
    %dma_start3A_25 = tpu.memref_slice %arg23[%add3A_21, %dma_start3A_24] : memref<10000x64xf32, #tpu.memory_space<vmem_shared>> -> memref<128x64xf32, #tpu.memory_space<vmem_shared>>
    tpu.enqueue_dma source(%arg14 : memref<128x64xf32, #tpu.memory_space<vmem>>) target(%dma_start3A_25 : memref<128x64xf32, #tpu.memory_space<vmem_shared>>) target_semaphore(%arg27 : memref<!tpu.dma_semaphore, #tpu.memory_space<semaphore_mem>>)
    %add3A_26 = arith.constant 512 : i32
    %add3A_27 = arith.addi %mul3A_2, %add3A_26 : i32
    %dma_start3A_28 = arith.constant 0 : i32
    %dma_start3A_29 = arith.constant 0 : i32
    %dma_start3A_30 = tpu.memref_slice %arg14[%dma_start3A_28, %dma_start3A_29] : memref<128x64xf32, #tpu.memory_space<vmem>> -> memref<112x64xf32, #tpu.memory_space<vmem>>
    %dma_start3A_31 = arith.constant 0 : i32
    %dma_start3A_32 = tpu.memref_slice %arg23[%add3A_27, %dma_start3A_31] : memref<10000x64xf32, #tpu.memory_space<vmem_shared>> -> memref<112x64xf32, #tpu.memory_space<vmem_shared>>
    %dma_start3A_33 = arith.constant 0 : i32
    %dma_start3A_34 = tpu.memref_slice %arg23[%add3A_27, %dma_start3A_33] : memref<10000x64xf32, #tpu.memory_space<vmem_shared>> -> memref<112x64xf32, #tpu.memory_space<vmem_shared>>
    %dma_start3A_35 = arith.constant 0 : i32
    %dma_start3A_36 = arith.constant 0 : i32
    %dma_start3A_37 = tpu.memref_slice %arg14[%dma_start3A_35, %dma_start3A_36] : memref<128x64xf32, #tpu.memory_space<vmem>> -> memref<112x64xf32, #tpu.memory_space<vmem>>
    tpu.enqueue_dma source(%dma_start3A_37 : memref<112x64xf32, #tpu.memory_space<vmem>>) target(%dma_start3A_34 : memref<112x64xf32, #tpu.memory_space<vmem_shared>>) target_semaphore(%arg28 : memref<!tpu.dma_semaphore, #tpu.memory_space<semaphore_mem>>)
    %dma_wait3A = arith.constant 0 : i32
    %dma_wait3A_38 = tpu.memref_slice %arg23[%add3A_4, %dma_wait3A] : memref<10000x64xf32, #tpu.memory_space<vmem_shared>> -> memref<128x64xf32, #tpu.memory_space<vmem_shared>>
    %dma_wait3A_39 = arith.constant 0 : i32
    %dma_wait3A_40 = tpu.memref_slice %arg23[%add3A_4, %dma_wait3A_39] : memref<10000x64xf32, #tpu.memory_space<vmem_shared>> -> memref<128x64xf32, #tpu.memory_space<vmem_shared>>
    tpu.wait_dma2 semaphore(%arg24 : memref<!tpu.dma_semaphore, #tpu.memory_space<semaphore_mem>>) src(%arg14 : memref<128x64xf32, #tpu.memory_space<vmem>>) dst(%dma_wait3A_40 : memref<128x64xf32, #tpu.memory_space<vmem_shared>>)
    %dma_wait3A_41 = arith.constant 0 : i32
    %dma_wait3A_42 = tpu.memref_slice %arg23[%add3A_9, %dma_wait3A_41] : memref<10000x64xf32, #tpu.memory_space<vmem_shared>> -> memref<128x64xf32, #tpu.memory_space<vmem_shared>>
    %dma_wait3A_43 = arith.constant 0 : i32
    %dma_wait3A_44 = tpu.memref_slice %arg23[%add3A_9, %dma_wait3A_43] : memref<10000x64xf32, #tpu.memory_space<vmem_shared>> -> memref<128x64xf32, #tpu.memory_space<vmem_shared>>
    tpu.wait_dma2 semaphore(%arg25 : memref<!tpu.dma_semaphore, #tpu.memory_space<semaphore_mem>>) src(%arg14 : memref<128x64xf32, #tpu.memory_space<vmem>>) dst(%dma_wait3A_44 : memref<128x64xf32, #tpu.memory_space<vmem_shared>>)
    %dma_wait3A_45 = arith.constant 0 : i32
    %dma_wait3A_46 = tpu.memref_slice %arg23[%add3A_15, %dma_wait3A_45] : memref<10000x64xf32, #tpu.memory_space<vmem_shared>> -> memref<128x64xf32, #tpu.memory_space<vmem_shared>>
    %dma_wait3A_47 = arith.constant 0 : i32
    %dma_wait3A_48 = tpu.memref_slice %arg23[%add3A_15, %dma_wait3A_47] : memref<10000x64xf32, #tpu.memory_space<vmem_shared>> -> memref<128x64xf32, #tpu.memory_space<vmem_shared>>
    tpu.wait_dma2 semaphore(%arg26 : memref<!tpu.dma_semaphore, #tpu.memory_space<semaphore_mem>>) src(%arg14 : memref<128x64xf32, #tpu.memory_space<vmem>>) dst(%dma_wait3A_48 : memref<128x64xf32, #tpu.memory_space<vmem_shared>>)
    %dma_wait3A_49 = arith.constant 0 : i32
    %dma_wait3A_50 = tpu.memref_slice %arg23[%add3A_21, %dma_wait3A_49] : memref<10000x64xf32, #tpu.memory_space<vmem_shared>> -> memref<128x64xf32, #tpu.memory_space<vmem_shared>>
    %dma_wait3A_51 = arith.constant 0 : i32
    %dma_wait3A_52 = tpu.memref_slice %arg23[%add3A_21, %dma_wait3A_51] : memref<10000x64xf32, #tpu.memory_space<vmem_shared>> -> memref<128x64xf32, #tpu.memory_space<vmem_shared>>
    tpu.wait_dma2 semaphore(%arg27 : memref<!tpu.dma_semaphore, #tpu.memory_space<semaphore_mem>>) src(%arg14 : memref<128x64xf32, #tpu.memory_space<vmem>>) dst(%dma_wait3A_52 : memref<128x64xf32, #tpu.memory_space<vmem_shared>>)
    %dma_wait3A_53 = arith.constant 0 : i32
    %dma_wait3A_54 = arith.constant 0 : i32
    %dma_wait3A_55 = tpu.memref_slice %arg14[%dma_wait3A_53, %dma_wait3A_54] : memref<128x64xf32, #tpu.memory_space<vmem>> -> memref<112x64xf32, #tpu.memory_space<vmem>>
    %dma_wait3A_56 = arith.constant 0 : i32
    %dma_wait3A_57 = tpu.memref_slice %arg23[%add3A_27, %dma_wait3A_56] : memref<10000x64xf32, #tpu.memory_space<vmem_shared>> -> memref<112x64xf32, #tpu.memory_space<vmem_shared>>
    %dma_wait3A_58 = arith.constant 0 : i32
    %dma_wait3A_59 = tpu.memref_slice %arg23[%add3A_27, %dma_wait3A_58] : memref<10000x64xf32, #tpu.memory_space<vmem_shared>> -> memref<112x64xf32, #tpu.memory_space<vmem_shared>>
    %dma_wait3A_60 = arith.constant 0 : i32
    %dma_wait3A_61 = arith.constant 0 : i32
    %dma_wait3A_62 = tpu.memref_slice %arg14[%dma_wait3A_60, %dma_wait3A_61] : memref<128x64xf32, #tpu.memory_space<vmem>> -> memref<112x64xf32, #tpu.memory_space<vmem>>
    tpu.wait_dma2 semaphore(%arg28 : memref<!tpu.dma_semaphore, #tpu.memory_space<semaphore_mem>>) src(%dma_wait3A_62 : memref<112x64xf32, #tpu.memory_space<vmem>>) dst(%dma_wait3A_59 : memref<112x64xf32, #tpu.memory_space<vmem_shared>>)
    %eq3A = arith.constant 15 : i32
    %eq3A_63 = arith.cmpi eq, %arg1, %eq3A : i32
    %convert_element_type3A = arith.extui %eq3A_63 : i1 to i32
    %cond3A = arith.constant 0 : i32
    %cond3A_64 = arith.cmpi ne, %convert_element_type3A, %cond3A : i32
    scf.if %cond3A_64 {
      "tpu.region"() ({
        %run_scoped3A_263 = tpu.sem_alloc : memref<!tpu.dma_semaphore, #tpu.memory_space<semaphore_mem>>
        %dma_start3A_264 = arith.constant 0 : i32
        %dma_start3A_265 = arith.constant 0 : i32
        %dma_start3A_266 = tpu.memref_slice %arg14[%dma_start3A_264, %dma_start3A_265] : memref<128x64xf32, #tpu.memory_space<vmem>> -> memref<16x64xf32, #tpu.memory_space<vmem>>
        %dma_start3A_267 = arith.constant 9984 : i32
        %dma_start3A_268 = arith.constant 0 : i32
        %dma_start3A_269 = tpu.memref_slice %arg23[%dma_start3A_267, %dma_start3A_268] : memref<10000x64xf32, #tpu.memory_space<vmem_shared>> -> memref<16x64xf32, #tpu.memory_space<vmem_shared>>
        %dma_start3A_270 = arith.constant 9984 : i32
        %dma_start3A_271 = arith.constant 0 : i32
        %dma_start3A_272 = tpu.memref_slice %arg23[%dma_start3A_270, %dma_start3A_271] : memref<10000x64xf32, #tpu.memory_space<vmem_shared>> -> memref<16x64xf32, #tpu.memory_space<vmem_shared>>
        %dma_start3A_273 = arith.constant 0 : i32
        %dma_start3A_274 = arith.constant 0 : i32
        %dma_start3A_275 = tpu.memref_slice %arg14[%dma_start3A_273, %dma_start3A_274] : memref<128x64xf32, #tpu.memory_space<vmem>> -> memref<16x64xf32, #tpu.memory_space<vmem>>
        tpu.enqueue_dma source(%dma_start3A_275 : memref<16x64xf32, #tpu.memory_space<vmem>>) target(%dma_start3A_272 : memref<16x64xf32, #tpu.memory_space<vmem_shared>>) target_semaphore(%run_scoped3A_263 : memref<!tpu.dma_semaphore, #tpu.memory_space<semaphore_mem>>)
        %dma_wait3A_276 = arith.constant 0 : i32
        %dma_wait3A_277 = arith.constant 0 : i32
        %dma_wait3A_278 = tpu.memref_slice %arg14[%dma_wait3A_276, %dma_wait3A_277] : memref<128x64xf32, #tpu.memory_space<vmem>> -> memref<16x64xf32, #tpu.memory_space<vmem>>
        %dma_wait3A_279 = arith.constant 9984 : i32
        %dma_wait3A_280 = arith.constant 0 : i32
        %dma_wait3A_281 = tpu.memref_slice %arg23[%dma_wait3A_279, %dma_wait3A_280] : memref<10000x64xf32, #tpu.memory_space<vmem_shared>> -> memref<16x64xf32, #tpu.memory_space<vmem_shared>>
        %dma_wait3A_282 = arith.constant 9984 : i32
        %dma_wait3A_283 = arith.constant 0 : i32
        %dma_wait3A_284 = tpu.memref_slice %arg23[%dma_wait3A_282, %dma_wait3A_283] : memref<10000x64xf32, #tpu.memory_space<vmem_shared>> -> memref<16x64xf32, #tpu.memory_space<vmem_shared>>
        %dma_wait3A_285 = arith.constant 0 : i32
        %dma_wait3A_286 = arith.constant 0 : i32
        %dma_wait3A_287 = tpu.memref_slice %arg14[%dma_wait3A_285, %dma_wait3A_286] : memref<128x64xf32, #tpu.memory_space<vmem>> -> memref<16x64xf32, #tpu.memory_space<vmem>>
        tpu.wait_dma2 semaphore(%run_scoped3A_263 : memref<!tpu.dma_semaphore, #tpu.memory_space<semaphore_mem>>) src(%dma_wait3A_287 : memref<16x64xf32, #tpu.memory_space<vmem>>) dst(%dma_wait3A_284 : memref<16x64xf32, #tpu.memory_space<vmem_shared>>)
        tpu.yield
      }) : () -> ()
    } else {
    }
    %barrier3A = arith.constant 0 : index
    tpu.barrier barrier_id(%barrier3A)
    %dma_start3A_65 = arith.constant 0 : i32
    %dma_start3A_66 = arith.constant 0 : i32
    %dma_start3A_67 = tpu.memref_slice %arg10[%dma_start3A_65, %dma_start3A_66] : memref<78x128xi32, #tpu.memory_space<vmem>> -> memref<1x128xi32, #tpu.memory_space<vmem>>
    %dma_start3A_68 = tpu.memref_squeeze %dma_start3A_67 : memref<1x128xi32, #tpu.memory_space<vmem>> -> memref<128xi32, #tpu.memory_space<vmem>>
    %dma_start3A_69 = arith.constant 0 : i32
    %dma_start3A_70 = arith.constant 0 : i32
    %dma_start3A_71 = tpu.memref_slice %arg2[%dma_start3A_69, %dma_start3A_70] : memref<10000x64xf32, #tpu.memory_space<hbm>> -> memref<10000x64xf32, #tpu.memory_space<hbm>>
    tpu.enqueue_indirect_dma source(%dma_start3A_71 : memref<10000x64xf32, #tpu.memory_space<hbm>>) target(%arg14 : memref<128x64xf32, #tpu.memory_space<vmem>>) offsets(%dma_start3A_68 : memref<128xi32, #tpu.memory_space<vmem>>) semaphore(%arg24 : memref<!tpu.dma_semaphore, #tpu.memory_space<semaphore_mem>>)
    %dma_start3A_72 = arith.constant 1 : i32
    %dma_start3A_73 = arith.constant 0 : i32
    %dma_start3A_74 = tpu.memref_slice %arg10[%dma_start3A_72, %dma_start3A_73] : memref<78x128xi32, #tpu.memory_space<vmem>> -> memref<1x128xi32, #tpu.memory_space<vmem>>
    %dma_start3A_75 = tpu.memref_squeeze %dma_start3A_74 : memref<1x128xi32, #tpu.memory_space<vmem>> -> memref<128xi32, #tpu.memory_space<vmem>>
    %dma_start3A_76 = arith.constant 0 : i32
    %dma_start3A_77 = arith.constant 0 : i32
    %dma_start3A_78 = tpu.memref_slice %arg2[%dma_start3A_76, %dma_start3A_77] : memref<10000x64xf32, #tpu.memory_space<hbm>> -> memref<10000x64xf32, #tpu.memory_space<hbm>>
    tpu.enqueue_indirect_dma source(%dma_start3A_78 : memref<10000x64xf32, #tpu.memory_space<hbm>>) target(%arg15 : memref<128x64xf32, #tpu.memory_space<vmem>>) offsets(%dma_start3A_75 : memref<128xi32, #tpu.memory_space<vmem>>) semaphore(%arg25 : memref<!tpu.dma_semaphore, #tpu.memory_space<semaphore_mem>>)
    %dma_start3A_79 = arith.constant 2 : i32
    %dma_start3A_80 = arith.constant 0 : i32
    %dma_start3A_81 = tpu.memref_slice %arg10[%dma_start3A_79, %dma_start3A_80] : memref<78x128xi32, #tpu.memory_space<vmem>> -> memref<1x128xi32, #tpu.memory_space<vmem>>
    %dma_start3A_82 = tpu.memref_squeeze %dma_start3A_81 : memref<1x128xi32, #tpu.memory_space<vmem>> -> memref<128xi32, #tpu.memory_space<vmem>>
    %dma_start3A_83 = arith.constant 0 : i32
    %dma_start3A_84 = arith.constant 0 : i32
    %dma_start3A_85 = tpu.memref_slice %arg2[%dma_start3A_83, %dma_start3A_84] : memref<10000x64xf32, #tpu.memory_space<hbm>> -> memref<10000x64xf32, #tpu.memory_space<hbm>>
    tpu.enqueue_indirect_dma source(%dma_start3A_85 : memref<10000x64xf32, #tpu.memory_space<hbm>>) target(%arg16 : memref<128x64xf32, #tpu.memory_space<vmem>>) offsets(%dma_start3A_82 : memref<128xi32, #tpu.memory_space<vmem>>) semaphore(%arg26 : memref<!tpu.dma_semaphore, #tpu.memory_space<semaphore_mem>>)
    %dma_start3A_86 = arith.constant 3 : i32
    %dma_start3A_87 = arith.constant 0 : i32
    %dma_start3A_88 = tpu.memref_slice %arg10[%dma_start3A_86, %dma_start3A_87] : memref<78x128xi32, #tpu.memory_space<vmem>> -> memref<1x128xi32, #tpu.memory_space<vmem>>
    %dma_start3A_89 = tpu.memref_squeeze %dma_start3A_88 : memref<1x128xi32, #tpu.memory_space<vmem>> -> memref<128xi32, #tpu.memory_space<vmem>>
    %dma_start3A_90 = arith.constant 0 : i32
    %dma_start3A_91 = arith.constant 0 : i32
    %dma_start3A_92 = tpu.memref_slice %arg2[%dma_start3A_90, %dma_start3A_91] : memref<10000x64xf32, #tpu.memory_space<hbm>> -> memref<10000x64xf32, #tpu.memory_space<hbm>>
    tpu.enqueue_indirect_dma source(%dma_start3A_92 : memref<10000x64xf32, #tpu.memory_space<hbm>>) target(%arg17 : memref<128x64xf32, #tpu.memory_space<vmem>>) offsets(%dma_start3A_89 : memref<128xi32, #tpu.memory_space<vmem>>) semaphore(%arg27 : memref<!tpu.dma_semaphore, #tpu.memory_space<semaphore_mem>>)
    %dma_start3A_93 = arith.constant 4 : i32
    %dma_start3A_94 = arith.constant 0 : i32
    %dma_start3A_95 = tpu.memref_slice %arg10[%dma_start3A_93, %dma_start3A_94] : memref<78x128xi32, #tpu.memory_space<vmem>> -> memref<1x128xi32, #tpu.memory_space<vmem>>
    %dma_start3A_96 = tpu.memref_squeeze %dma_start3A_95 : memref<1x128xi32, #tpu.memory_space<vmem>> -> memref<128xi32, #tpu.memory_space<vmem>>
    %dma_start3A_97 = arith.constant 0 : i32
    %dma_start3A_98 = arith.constant 0 : i32
    %dma_start3A_99 = tpu.memref_slice %arg2[%dma_start3A_97, %dma_start3A_98] : memref<10000x64xf32, #tpu.memory_space<hbm>> -> memref<10000x64xf32, #tpu.memory_space<hbm>>
    tpu.enqueue_indirect_dma source(%dma_start3A_99 : memref<10000x64xf32, #tpu.memory_space<hbm>>) target(%arg18 : memref<128x64xf32, #tpu.memory_space<vmem>>) offsets(%dma_start3A_96 : memref<128xi32, #tpu.memory_space<vmem>>) semaphore(%arg28 : memref<!tpu.dma_semaphore, #tpu.memory_space<semaphore_mem>>)
    %dma_start3A_100 = arith.constant 5 : i32
    %dma_start3A_101 = arith.constant 0 : i32
    %dma_start3A_102 = tpu.memref_slice %arg10[%dma_start3A_100, %dma_start3A_101] : memref<78x128xi32, #tpu.memory_space<vmem>> -> memref<1x128xi32, #tpu.memory_space<vmem>>
    %dma_start3A_103 = tpu.memref_squeeze %dma_start3A_102 : memref<1x128xi32, #tpu.memory_space<vmem>> -> memref<128xi32, #tpu.memory_space<vmem>>
    %dma_start3A_104 = arith.constant 0 : i32
    %dma_start3A_105 = arith.constant 0 : i32
    %dma_start3A_106 = tpu.memref_slice %arg2[%dma_start3A_104, %dma_start3A_105] : memref<10000x64xf32, #tpu.memory_space<hbm>> -> memref<10000x64xf32, #tpu.memory_space<hbm>>
    tpu.enqueue_indirect_dma source(%dma_start3A_106 : memref<10000x64xf32, #tpu.memory_space<hbm>>) target(%arg19 : memref<128x64xf32, #tpu.memory_space<vmem>>) offsets(%dma_start3A_103 : memref<128xi32, #tpu.memory_space<vmem>>) semaphore(%arg29 : memref<!tpu.dma_semaphore, #tpu.memory_space<semaphore_mem>>)
    %dma_start3A_107 = arith.constant 6 : i32
    %dma_start3A_108 = arith.constant 0 : i32
    %dma_start3A_109 = tpu.memref_slice %arg10[%dma_start3A_107, %dma_start3A_108] : memref<78x128xi32, #tpu.memory_space<vmem>> -> memref<1x128xi32, #tpu.memory_space<vmem>>
    %dma_start3A_110 = tpu.memref_squeeze %dma_start3A_109 : memref<1x128xi32, #tpu.memory_space<vmem>> -> memref<128xi32, #tpu.memory_space<vmem>>
    %dma_start3A_111 = arith.constant 0 : i32
    %dma_start3A_112 = arith.constant 0 : i32
    %dma_start3A_113 = tpu.memref_slice %arg2[%dma_start3A_111, %dma_start3A_112] : memref<10000x64xf32, #tpu.memory_space<hbm>> -> memref<10000x64xf32, #tpu.memory_space<hbm>>
    tpu.enqueue_indirect_dma source(%dma_start3A_113 : memref<10000x64xf32, #tpu.memory_space<hbm>>) target(%arg20 : memref<128x64xf32, #tpu.memory_space<vmem>>) offsets(%dma_start3A_110 : memref<128xi32, #tpu.memory_space<vmem>>) semaphore(%arg30 : memref<!tpu.dma_semaphore, #tpu.memory_space<semaphore_mem>>)
    %dma_start3A_114 = arith.constant 7 : i32
    %dma_start3A_115 = arith.constant 0 : i32
    %dma_start3A_116 = tpu.memref_slice %arg10[%dma_start3A_114, %dma_start3A_115] : memref<78x128xi32, #tpu.memory_space<vmem>> -> memref<1x128xi32, #tpu.memory_space<vmem>>
    %dma_start3A_117 = tpu.memref_squeeze %dma_start3A_116 : memref<1x128xi32, #tpu.memory_space<vmem>> -> memref<128xi32, #tpu.memory_space<vmem>>
    %dma_start3A_118 = arith.constant 0 : i32
    %dma_start3A_119 = arith.constant 0 : i32
    %dma_start3A_120 = tpu.memref_slice %arg2[%dma_start3A_118, %dma_start3A_119] : memref<10000x64xf32, #tpu.memory_space<hbm>> -> memref<10000x64xf32, #tpu.memory_space<hbm>>
    tpu.enqueue_indirect_dma source(%dma_start3A_120 : memref<10000x64xf32, #tpu.memory_space<hbm>>) target(%arg21 : memref<128x64xf32, #tpu.memory_space<vmem>>) offsets(%dma_start3A_117 : memref<128xi32, #tpu.memory_space<vmem>>) semaphore(%arg31 : memref<!tpu.dma_semaphore, #tpu.memory_space<semaphore_mem>>)
    %scan3A = arith.constant 0 : i32
    %scan3A_121 = arith.constant 9 : i32
    %scan3A_122 = arith.addi %scan3A, %scan3A_121 : i32
    %scan3A_123 = arith.constant 1 : i32
    scf.for %scan3A_263 = %scan3A to %scan3A_122 step %scan3A_123  : i32 {
      %mul3A_264 = arith.constant 8 : i32
      %mul3A_265 = arith.muli %scan3A_263, %mul3A_264 : i32
      %add3A_266 = arith.constant 0 : i32
      %add3A_267 = arith.addi %add3A_266, %mul3A_265 : i32
      %dma_wait3A_268 = arith.constant 0 : i32
      %dma_wait3A_269 = arith.constant 0 : i32
      %dma_wait3A_270 = tpu.memref_slice %arg10[%dma_wait3A_268, %dma_wait3A_269] : memref<78x128xi32, #tpu.memory_space<vmem>> -> memref<1x128xi32, #tpu.memory_space<vmem>>
      %dma_wait3A_271 = tpu.memref_squeeze %dma_wait3A_270 : memref<1x128xi32, #tpu.memory_space<vmem>> -> memref<128xi32, #tpu.memory_space<vmem>>
      %dma_wait3A_272 = arith.constant 0 : i32
      %dma_wait3A_273 = arith.constant 0 : i32
      %dma_wait3A_274 = tpu.memref_slice %arg2[%dma_wait3A_272, %dma_wait3A_273] : memref<10000x64xf32, #tpu.memory_space<hbm>> -> memref<10000x64xf32, #tpu.memory_space<hbm>>
      tpu.wait_indirect_dma semaphore(%arg24 : memref<!tpu.dma_semaphore, #tpu.memory_space<semaphore_mem>>) src(%dma_wait3A_274 : memref<10000x64xf32, #tpu.memory_space<hbm>>) dst(%arg14 : memref<128x64xf32, #tpu.memory_space<vmem>>)
      %add3A_275 = arith.constant 0 : i32
      %add3A_276 = arith.addi %add3A_267, %add3A_275 : i32
      %dma_start3A_277 = arith.constant 0 : i32
      %dma_start3A_278 = tpu.memref_slice %arg11[%add3A_276, %dma_start3A_277] : memref<78x128xi32, #tpu.memory_space<vmem>> -> memref<1x128xi32, #tpu.memory_space<vmem>>
      %dma_start3A_279 = tpu.memref_squeeze %dma_start3A_278 : memref<1x128xi32, #tpu.memory_space<vmem>> -> memref<128xi32, #tpu.memory_space<vmem>>
      %dma_start3A_280 = arith.constant 0 : i32
      %dma_start3A_281 = arith.constant 0 : i32
      %dma_start3A_282 = tpu.memref_slice %arg23[%dma_start3A_280, %dma_start3A_281] : memref<10000x64xf32, #tpu.memory_space<vmem_shared>> -> memref<10000x64xf32, #tpu.memory_space<vmem_shared>>
      tpu.enqueue_indirect_dma source(%arg14 : memref<128x64xf32, #tpu.memory_space<vmem>>) target(%dma_start3A_282 : memref<10000x64xf32, #tpu.memory_space<vmem_shared>>) offsets(%dma_start3A_279 : memref<128xi32, #tpu.memory_space<vmem>>) semaphore(%arg32 : memref<!tpu.dma_semaphore, #tpu.memory_space<semaphore_mem>>) {add = true}
      %dma_wait3A_283 = arith.constant 0 : i32
      %dma_wait3A_284 = arith.constant 0 : i32
      %dma_wait3A_285 = tpu.memref_slice %arg10[%dma_wait3A_283, %dma_wait3A_284] : memref<78x128xi32, #tpu.memory_space<vmem>> -> memref<1x128xi32, #tpu.memory_space<vmem>>
      %dma_wait3A_286 = tpu.memref_squeeze %dma_wait3A_285 : memref<1x128xi32, #tpu.memory_space<vmem>> -> memref<128xi32, #tpu.memory_space<vmem>>
      %dma_wait3A_287 = arith.constant 0 : i32
      %dma_wait3A_288 = arith.constant 0 : i32
      %dma_wait3A_289 = tpu.memref_slice %arg2[%dma_wait3A_287, %dma_wait3A_288] : memref<10000x64xf32, #tpu.memory_space<hbm>> -> memref<10000x64xf32, #tpu.memory_space<hbm>>
      tpu.wait_indirect_dma semaphore(%arg25 : memref<!tpu.dma_semaphore, #tpu.memory_space<semaphore_mem>>) src(%dma_wait3A_289 : memref<10000x64xf32, #tpu.memory_space<hbm>>) dst(%arg15 : memref<128x64xf32, #tpu.memory_space<vmem>>)
      %add3A_290 = arith.constant 1 : i32
      %add3A_291 = arith.addi %add3A_267, %add3A_290 : i32
      %dma_start3A_292 = arith.constant 0 : i32
      %dma_start3A_293 = tpu.memref_slice %arg11[%add3A_291, %dma_start3A_292] : memref<78x128xi32, #tpu.memory_space<vmem>> -> memref<1x128xi32, #tpu.memory_space<vmem>>
      %dma_start3A_294 = tpu.memref_squeeze %dma_start3A_293 : memref<1x128xi32, #tpu.memory_space<vmem>> -> memref<128xi32, #tpu.memory_space<vmem>>
      %dma_start3A_295 = arith.constant 0 : i32
      %dma_start3A_296 = arith.constant 0 : i32
      %dma_start3A_297 = tpu.memref_slice %arg23[%dma_start3A_295, %dma_start3A_296] : memref<10000x64xf32, #tpu.memory_space<vmem_shared>> -> memref<10000x64xf32, #tpu.memory_space<vmem_shared>>
      tpu.enqueue_indirect_dma source(%arg15 : memref<128x64xf32, #tpu.memory_space<vmem>>) target(%dma_start3A_297 : memref<10000x64xf32, #tpu.memory_space<vmem_shared>>) offsets(%dma_start3A_294 : memref<128xi32, #tpu.memory_space<vmem>>) semaphore(%arg33 : memref<!tpu.dma_semaphore, #tpu.memory_space<semaphore_mem>>) {add = true}
      %dma_wait3A_298 = arith.constant 0 : i32
      %dma_wait3A_299 = arith.constant 0 : i32
      %dma_wait3A_300 = tpu.memref_slice %arg10[%dma_wait3A_298, %dma_wait3A_299] : memref<78x128xi32, #tpu.memory_space<vmem>> -> memref<1x128xi32, #tpu.memory_space<vmem>>
      %dma_wait3A_301 = tpu.memref_squeeze %dma_wait3A_300 : memref<1x128xi32, #tpu.memory_space<vmem>> -> memref<128xi32, #tpu.memory_space<vmem>>
      %dma_wait3A_302 = arith.constant 0 : i32
      %dma_wait3A_303 = arith.constant 0 : i32
      %dma_wait3A_304 = tpu.memref_slice %arg2[%dma_wait3A_302, %dma_wait3A_303] : memref<10000x64xf32, #tpu.memory_space<hbm>> -> memref<10000x64xf32, #tpu.memory_space<hbm>>
      tpu.wait_indirect_dma semaphore(%arg26 : memref<!tpu.dma_semaphore, #tpu.memory_space<semaphore_mem>>) src(%dma_wait3A_304 : memref<10000x64xf32, #tpu.memory_space<hbm>>) dst(%arg16 : memref<128x64xf32, #tpu.memory_space<vmem>>)
      %add3A_305 = arith.constant 2 : i32
      %add3A_306 = arith.addi %add3A_267, %add3A_305 : i32
      %dma_start3A_307 = arith.constant 0 : i32
      %dma_start3A_308 = tpu.memref_slice %arg11[%add3A_306, %dma_start3A_307] : memref<78x128xi32, #tpu.memory_space<vmem>> -> memref<1x128xi32, #tpu.memory_space<vmem>>
      %dma_start3A_309 = tpu.memref_squeeze %dma_start3A_308 : memref<1x128xi32, #tpu.memory_space<vmem>> -> memref<128xi32, #tpu.memory_space<vmem>>
      %dma_start3A_310 = arith.constant 0 : i32
      %dma_start3A_311 = arith.constant 0 : i32
      %dma_start3A_312 = tpu.memref_slice %arg23[%dma_start3A_310, %dma_start3A_311] : memref<10000x64xf32, #tpu.memory_space<vmem_shared>> -> memref<10000x64xf32, #tpu.memory_space<vmem_shared>>
      tpu.enqueue_indirect_dma source(%arg16 : memref<128x64xf32, #tpu.memory_space<vmem>>) target(%dma_start3A_312 : memref<10000x64xf32, #tpu.memory_space<vmem_shared>>) offsets(%dma_start3A_309 : memref<128xi32, #tpu.memory_space<vmem>>) semaphore(%arg34 : memref<!tpu.dma_semaphore, #tpu.memory_space<semaphore_mem>>) {add = true}
      %dma_wait3A_313 = arith.constant 0 : i32
      %dma_wait3A_314 = arith.constant 0 : i32
      %dma_wait3A_315 = tpu.memref_slice %arg10[%dma_wait3A_313, %dma_wait3A_314] : memref<78x128xi32, #tpu.memory_space<vmem>> -> memref<1x128xi32, #tpu.memory_space<vmem>>
      %dma_wait3A_316 = tpu.memref_squeeze %dma_wait3A_315 : memref<1x128xi32, #tpu.memory_space<vmem>> -> memref<128xi32, #tpu.memory_space<vmem>>
      %dma_wait3A_317 = arith.constant 0 : i32
      %dma_wait3A_318 = arith.constant 0 : i32
      %dma_wait3A_319 = tpu.memref_slice %arg2[%dma_wait3A_317, %dma_wait3A_318] : memref<10000x64xf32, #tpu.memory_space<hbm>> -> memref<10000x64xf32, #tpu.memory_space<hbm>>
      tpu.wait_indirect_dma semaphore(%arg27 : memref<!tpu.dma_semaphore, #tpu.memory_space<semaphore_mem>>) src(%dma_wait3A_319 : memref<10000x64xf32, #tpu.memory_space<hbm>>) dst(%arg17 : memref<128x64xf32, #tpu.memory_space<vmem>>)
      %add3A_320 = arith.constant 3 : i32
      %add3A_321 = arith.addi %add3A_267, %add3A_320 : i32
      %dma_start3A_322 = arith.constant 0 : i32
      %dma_start3A_323 = tpu.memref_slice %arg11[%add3A_321, %dma_start3A_322] : memref<78x128xi32, #tpu.memory_space<vmem>> -> memref<1x128xi32, #tpu.memory_space<vmem>>
      %dma_start3A_324 = tpu.memref_squeeze %dma_start3A_323 : memref<1x128xi32, #tpu.memory_space<vmem>> -> memref<128xi32, #tpu.memory_space<vmem>>
      %dma_start3A_325 = arith.constant 0 : i32
      %dma_start3A_326 = arith.constant 0 : i32
      %dma_start3A_327 = tpu.memref_slice %arg23[%dma_start3A_325, %dma_start3A_326] : memref<10000x64xf32, #tpu.memory_space<vmem_shared>> -> memref<10000x64xf32, #tpu.memory_space<vmem_shared>>
      tpu.enqueue_indirect_dma source(%arg17 : memref<128x64xf32, #tpu.memory_space<vmem>>) target(%dma_start3A_327 : memref<10000x64xf32, #tpu.memory_space<vmem_shared>>) offsets(%dma_start3A_324 : memref<128xi32, #tpu.memory_space<vmem>>) semaphore(%arg35 : memref<!tpu.dma_semaphore, #tpu.memory_space<semaphore_mem>>) {add = true}
      %dma_wait3A_328 = arith.constant 0 : i32
      %dma_wait3A_329 = arith.constant 0 : i32
      %dma_wait3A_330 = tpu.memref_slice %arg10[%dma_wait3A_328, %dma_wait3A_329] : memref<78x128xi32, #tpu.memory_space<vmem>> -> memref<1x128xi32, #tpu.memory_space<vmem>>
      %dma_wait3A_331 = tpu.memref_squeeze %dma_wait3A_330 : memref<1x128xi32, #tpu.memory_space<vmem>> -> memref<128xi32, #tpu.memory_space<vmem>>
      %dma_wait3A_332 = arith.constant 0 : i32
      %dma_wait3A_333 = arith.constant 0 : i32
      %dma_wait3A_334 = tpu.memref_slice %arg2[%dma_wait3A_332, %dma_wait3A_333] : memref<10000x64xf32, #tpu.memory_space<hbm>> -> memref<10000x64xf32, #tpu.memory_space<hbm>>
      tpu.wait_indirect_dma semaphore(%arg28 : memref<!tpu.dma_semaphore, #tpu.memory_space<semaphore_mem>>) src(%dma_wait3A_334 : memref<10000x64xf32, #tpu.memory_space<hbm>>) dst(%arg18 : memref<128x64xf32, #tpu.memory_space<vmem>>)
      %add3A_335 = arith.constant 4 : i32
      %add3A_336 = arith.addi %add3A_267, %add3A_335 : i32
      %dma_start3A_337 = arith.constant 0 : i32
      %dma_start3A_338 = tpu.memref_slice %arg11[%add3A_336, %dma_start3A_337] : memref<78x128xi32, #tpu.memory_space<vmem>> -> memref<1x128xi32, #tpu.memory_space<vmem>>
      %dma_start3A_339 = tpu.memref_squeeze %dma_start3A_338 : memref<1x128xi32, #tpu.memory_space<vmem>> -> memref<128xi32, #tpu.memory_space<vmem>>
      %dma_start3A_340 = arith.constant 0 : i32
      %dma_start3A_341 = arith.constant 0 : i32
      %dma_start3A_342 = tpu.memref_slice %arg23[%dma_start3A_340, %dma_start3A_341] : memref<10000x64xf32, #tpu.memory_space<vmem_shared>> -> memref<10000x64xf32, #tpu.memory_space<vmem_shared>>
      tpu.enqueue_indirect_dma source(%arg18 : memref<128x64xf32, #tpu.memory_space<vmem>>) target(%dma_start3A_342 : memref<10000x64xf32, #tpu.memory_space<vmem_shared>>) offsets(%dma_start3A_339 : memref<128xi32, #tpu.memory_space<vmem>>) semaphore(%arg36 : memref<!tpu.dma_semaphore, #tpu.memory_space<semaphore_mem>>) {add = true}
      %dma_wait3A_343 = arith.constant 0 : i32
      %dma_wait3A_344 = arith.constant 0 : i32
      %dma_wait3A_345 = tpu.memref_slice %arg10[%dma_wait3A_343, %dma_wait3A_344] : memref<78x128xi32, #tpu.memory_space<vmem>> -> memref<1x128xi32, #tpu.memory_space<vmem>>
      %dma_wait3A_346 = tpu.memref_squeeze %dma_wait3A_345 : memref<1x128xi32, #tpu.memory_space<vmem>> -> memref<128xi32, #tpu.memory_space<vmem>>
      %dma_wait3A_347 = arith.constant 0 : i32
      %dma_wait3A_348 = arith.constant 0 : i32
      %dma_wait3A_349 = tpu.memref_slice %arg2[%dma_wait3A_347, %dma_wait3A_348] : memref<10000x64xf32, #tpu.memory_space<hbm>> -> memref<10000x64xf32, #tpu.memory_space<hbm>>
      tpu.wait_indirect_dma semaphore(%arg29 : memref<!tpu.dma_semaphore, #tpu.memory_space<semaphore_mem>>) src(%dma_wait3A_349 : memref<10000x64xf32, #tpu.memory_space<hbm>>) dst(%arg19 : memref<128x64xf32, #tpu.memory_space<vmem>>)
      %add3A_350 = arith.constant 5 : i32
      %add3A_351 = arith.addi %add3A_267, %add3A_350 : i32
      %dma_start3A_352 = arith.constant 0 : i32
      %dma_start3A_353 = tpu.memref_slice %arg11[%add3A_351, %dma_start3A_352] : memref<78x128xi32, #tpu.memory_space<vmem>> -> memref<1x128xi32, #tpu.memory_space<vmem>>
      %dma_start3A_354 = tpu.memref_squeeze %dma_start3A_353 : memref<1x128xi32, #tpu.memory_space<vmem>> -> memref<128xi32, #tpu.memory_space<vmem>>
      %dma_start3A_355 = arith.constant 0 : i32
      %dma_start3A_356 = arith.constant 0 : i32
      %dma_start3A_357 = tpu.memref_slice %arg23[%dma_start3A_355, %dma_start3A_356] : memref<10000x64xf32, #tpu.memory_space<vmem_shared>> -> memref<10000x64xf32, #tpu.memory_space<vmem_shared>>
      tpu.enqueue_indirect_dma source(%arg19 : memref<128x64xf32, #tpu.memory_space<vmem>>) target(%dma_start3A_357 : memref<10000x64xf32, #tpu.memory_space<vmem_shared>>) offsets(%dma_start3A_354 : memref<128xi32, #tpu.memory_space<vmem>>) semaphore(%arg37 : memref<!tpu.dma_semaphore, #tpu.memory_space<semaphore_mem>>) {add = true}
      %dma_wait3A_358 = arith.constant 0 : i32
      %dma_wait3A_359 = arith.constant 0 : i32
      %dma_wait3A_360 = tpu.memref_slice %arg10[%dma_wait3A_358, %dma_wait3A_359] : memref<78x128xi32, #tpu.memory_space<vmem>> -> memref<1x128xi32, #tpu.memory_space<vmem>>
      %dma_wait3A_361 = tpu.memref_squeeze %dma_wait3A_360 : memref<1x128xi32, #tpu.memory_space<vmem>> -> memref<128xi32, #tpu.memory_space<vmem>>
      %dma_wait3A_362 = arith.constant 0 : i32
      %dma_wait3A_363 = arith.constant 0 : i32
      %dma_wait3A_364 = tpu.memref_slice %arg2[%dma_wait3A_362, %dma_wait3A_363] : memref<10000x64xf32, #tpu.memory_space<hbm>> -> memref<10000x64xf32, #tpu.memory_space<hbm>>
      tpu.wait_indirect_dma semaphore(%arg30 : memref<!tpu.dma_semaphore, #tpu.memory_space<semaphore_mem>>) src(%dma_wait3A_364 : memref<10000x64xf32, #tpu.memory_space<hbm>>) dst(%arg20 : memref<128x64xf32, #tpu.memory_space<vmem>>)
      %add3A_365 = arith.constant 6 : i32
      %add3A_366 = arith.addi %add3A_267, %add3A_365 : i32
      %dma_start3A_367 = arith.constant 0 : i32
      %dma_start3A_368 = tpu.memref_slice %arg11[%add3A_366, %dma_start3A_367] : memref<78x128xi32, #tpu.memory_space<vmem>> -> memref<1x128xi32, #tpu.memory_space<vmem>>
      %dma_start3A_369 = tpu.memref_squeeze %dma_start3A_368 : memref<1x128xi32, #tpu.memory_space<vmem>> -> memref<128xi32, #tpu.memory_space<vmem>>
      %dma_start3A_370 = arith.constant 0 : i32
      %dma_start3A_371 = arith.constant 0 : i32
      %dma_start3A_372 = tpu.memref_slice %arg23[%dma_start3A_370, %dma_start3A_371] : memref<10000x64xf32, #tpu.memory_space<vmem_shared>> -> memref<10000x64xf32, #tpu.memory_space<vmem_shared>>
      tpu.enqueue_indirect_dma source(%arg20 : memref<128x64xf32, #tpu.memory_space<vmem>>) target(%dma_start3A_372 : memref<10000x64xf32, #tpu.memory_space<vmem_shared>>) offsets(%dma_start3A_369 : memref<128xi32, #tpu.memory_space<vmem>>) semaphore(%arg38 : memref<!tpu.dma_semaphore, #tpu.memory_space<semaphore_mem>>) {add = true}
      %dma_wait3A_373 = arith.constant 0 : i32
      %dma_wait3A_374 = arith.constant 0 : i32
      %dma_wait3A_375 = tpu.memref_slice %arg10[%dma_wait3A_373, %dma_wait3A_374] : memref<78x128xi32, #tpu.memory_space<vmem>> -> memref<1x128xi32, #tpu.memory_space<vmem>>
      %dma_wait3A_376 = tpu.memref_squeeze %dma_wait3A_375 : memref<1x128xi32, #tpu.memory_space<vmem>> -> memref<128xi32, #tpu.memory_space<vmem>>
      %dma_wait3A_377 = arith.constant 0 : i32
      %dma_wait3A_378 = arith.constant 0 : i32
      %dma_wait3A_379 = tpu.memref_slice %arg2[%dma_wait3A_377, %dma_wait3A_378] : memref<10000x64xf32, #tpu.memory_space<hbm>> -> memref<10000x64xf32, #tpu.memory_space<hbm>>
      tpu.wait_indirect_dma semaphore(%arg31 : memref<!tpu.dma_semaphore, #tpu.memory_space<semaphore_mem>>) src(%dma_wait3A_379 : memref<10000x64xf32, #tpu.memory_space<hbm>>) dst(%arg21 : memref<128x64xf32, #tpu.memory_space<vmem>>)
      %add3A_380 = arith.constant 7 : i32
      %add3A_381 = arith.addi %add3A_267, %add3A_380 : i32
      %dma_start3A_382 = arith.constant 0 : i32
      %dma_start3A_383 = tpu.memref_slice %arg11[%add3A_381, %dma_start3A_382] : memref<78x128xi32, #tpu.memory_space<vmem>> -> memref<1x128xi32, #tpu.memory_space<vmem>>
      %dma_start3A_384 = tpu.memref_squeeze %dma_start3A_383 : memref<1x128xi32, #tpu.memory_space<vmem>> -> memref<128xi32, #tpu.memory_space<vmem>>
      %dma_start3A_385 = arith.constant 0 : i32
      %dma_start3A_386 = arith.constant 0 : i32
      %dma_start3A_387 = tpu.memref_slice %arg23[%dma_start3A_385, %dma_start3A_386] : memref<10000x64xf32, #tpu.memory_space<vmem_shared>> -> memref<10000x64xf32, #tpu.memory_space<vmem_shared>>
      tpu.enqueue_indirect_dma source(%arg21 : memref<128x64xf32, #tpu.memory_space<vmem>>) target(%dma_start3A_387 : memref<10000x64xf32, #tpu.memory_space<vmem_shared>>) offsets(%dma_start3A_384 : memref<128xi32, #tpu.memory_space<vmem>>) semaphore(%arg39 : memref<!tpu.dma_semaphore, #tpu.memory_space<semaphore_mem>>) {add = true}
      %dma_wait3A_388 = arith.constant 0 : i32
      %dma_wait3A_389 = arith.constant 0 : i32
      %dma_wait3A_390 = tpu.memref_slice %arg11[%dma_wait3A_388, %dma_wait3A_389] : memref<78x128xi32, #tpu.memory_space<vmem>> -> memref<1x128xi32, #tpu.memory_space<vmem>>
      %dma_wait3A_391 = tpu.memref_squeeze %dma_wait3A_390 : memref<1x128xi32, #tpu.memory_space<vmem>> -> memref<128xi32, #tpu.memory_space<vmem>>
      %dma_wait3A_392 = arith.constant 0 : i32
      %dma_wait3A_393 = arith.constant 0 : i32
      %dma_wait3A_394 = tpu.memref_slice %arg23[%dma_wait3A_392, %dma_wait3A_393] : memref<10000x64xf32, #tpu.memory_space<vmem_shared>> -> memref<10000x64xf32, #tpu.memory_space<vmem_shared>>
      tpu.wait_indirect_dma semaphore(%arg32 : memref<!tpu.dma_semaphore, #tpu.memory_space<semaphore_mem>>) src(%arg14 : memref<128x64xf32, #tpu.memory_space<vmem>>) dst(%dma_wait3A_394 : memref<10000x64xf32, #tpu.memory_space<vmem_shared>>)
      %add3A_395 = arith.constant 8 : i32
      %add3A_396 = arith.addi %add3A_267, %add3A_395 : i32
      %add3A_397 = arith.constant 0 : i32
      %add3A_398 = arith.addi %add3A_396, %add3A_397 : i32
      %lt3A = arith.constant 78 : i32
      %lt3A_399 = arith.cmpi slt, %add3A_398, %lt3A : i32
      %convert_element_type3A_400 = arith.extui %lt3A_399 : i1 to i32
      %cond3A_401 = arith.constant 0 : i32
      %cond3A_402 = arith.cmpi ne, %convert_element_type3A_400, %cond3A_401 : i32
      scf.if %cond3A_402 {
        %dma_start3A_515 = arith.constant 0 : i32
        %dma_start3A_516 = tpu.memref_slice %arg10[%add3A_398, %dma_start3A_515] : memref<78x128xi32, #tpu.memory_space<vmem>> -> memref<1x128xi32, #tpu.memory_space<vmem>>
        %dma_start3A_517 = tpu.memref_squeeze %dma_start3A_516 : memref<1x128xi32, #tpu.memory_space<vmem>> -> memref<128xi32, #tpu.memory_space<vmem>>
        %dma_start3A_518 = arith.constant 0 : i32
        %dma_start3A_519 = arith.constant 0 : i32
        %dma_start3A_520 = tpu.memref_slice %arg2[%dma_start3A_518, %dma_start3A_519] : memref<10000x64xf32, #tpu.memory_space<hbm>> -> memref<10000x64xf32, #tpu.memory_space<hbm>>
        tpu.enqueue_indirect_dma source(%dma_start3A_520 : memref<10000x64xf32, #tpu.memory_space<hbm>>) target(%arg14 : memref<128x64xf32, #tpu.memory_space<vmem>>) offsets(%dma_start3A_517 : memref<128xi32, #tpu.memory_space<vmem>>) semaphore(%arg24 : memref<!tpu.dma_semaphore, #tpu.memory_space<semaphore_mem>>)
      } else {
      }
      %dma_wait3A_403 = arith.constant 0 : i32
      %dma_wait3A_404 = arith.constant 0 : i32
      %dma_wait3A_405 = tpu.memref_slice %arg11[%dma_wait3A_403, %dma_wait3A_404] : memref<78x128xi32, #tpu.memory_space<vmem>> -> memref<1x128xi32, #tpu.memory_space<vmem>>
      %dma_wait3A_406 = tpu.memref_squeeze %dma_wait3A_405 : memref<1x128xi32, #tpu.memory_space<vmem>> -> memref<128xi32, #tpu.memory_space<vmem>>
      %dma_wait3A_407 = arith.constant 0 : i32
      %dma_wait3A_408 = arith.constant 0 : i32
      %dma_wait3A_409 = tpu.memref_slice %arg23[%dma_wait3A_407, %dma_wait3A_408] : memref<10000x64xf32, #tpu.memory_space<vmem_shared>> -> memref<10000x64xf32, #tpu.memory_space<vmem_shared>>
      tpu.wait_indirect_dma semaphore(%arg33 : memref<!tpu.dma_semaphore, #tpu.memory_space<semaphore_mem>>) src(%arg15 : memref<128x64xf32, #tpu.memory_space<vmem>>) dst(%dma_wait3A_409 : memref<10000x64xf32, #tpu.memory_space<vmem_shared>>)
      %add3A_410 = arith.constant 8 : i32
      %add3A_411 = arith.addi %add3A_267, %add3A_410 : i32
      %add3A_412 = arith.constant 1 : i32
      %add3A_413 = arith.addi %add3A_411, %add3A_412 : i32
      %lt3A_414 = arith.constant 78 : i32
      %lt3A_415 = arith.cmpi slt, %add3A_413, %lt3A_414 : i32
      %convert_element_type3A_416 = arith.extui %lt3A_415 : i1 to i32
      %cond3A_417 = arith.constant 0 : i32
      %cond3A_418 = arith.cmpi ne, %convert_element_type3A_416, %cond3A_417 : i32
      scf.if %cond3A_418 {
        %dma_start3A_515 = arith.constant 0 : i32
        %dma_start3A_516 = tpu.memref_slice %arg10[%add3A_413, %dma_start3A_515] : memref<78x128xi32, #tpu.memory_space<vmem>> -> memref<1x128xi32, #tpu.memory_space<vmem>>
        %dma_start3A_517 = tpu.memref_squeeze %dma_start3A_516 : memref<1x128xi32, #tpu.memory_space<vmem>> -> memref<128xi32, #tpu.memory_space<vmem>>
        %dma_start3A_518 = arith.constant 0 : i32
        %dma_start3A_519 = arith.constant 0 : i32
        %dma_start3A_520 = tpu.memref_slice %arg2[%dma_start3A_518, %dma_start3A_519] : memref<10000x64xf32, #tpu.memory_space<hbm>> -> memref<10000x64xf32, #tpu.memory_space<hbm>>
        tpu.enqueue_indirect_dma source(%dma_start3A_520 : memref<10000x64xf32, #tpu.memory_space<hbm>>) target(%arg15 : memref<128x64xf32, #tpu.memory_space<vmem>>) offsets(%dma_start3A_517 : memref<128xi32, #tpu.memory_space<vmem>>) semaphore(%arg25 : memref<!tpu.dma_semaphore, #tpu.memory_space<semaphore_mem>>)
      } else {
      }
      %dma_wait3A_419 = arith.constant 0 : i32
      %dma_wait3A_420 = arith.constant 0 : i32
      %dma_wait3A_421 = tpu.memref_slice %arg11[%dma_wait3A_419, %dma_wait3A_420] : memref<78x128xi32, #tpu.memory_space<vmem>> -> memref<1x128xi32, #tpu.memory_space<vmem>>
      %dma_wait3A_422 = tpu.memref_squeeze %dma_wait3A_421 : memref<1x128xi32, #tpu.memory_space<vmem>> -> memref<128xi32, #tpu.memory_space<vmem>>
      %dma_wait3A_423 = arith.constant 0 : i32
      %dma_wait3A_424 = arith.constant 0 : i32
      %dma_wait3A_425 = tpu.memref_slice %arg23[%dma_wait3A_423, %dma_wait3A_424] : memref<10000x64xf32, #tpu.memory_space<vmem_shared>> -> memref<10000x64xf32, #tpu.memory_space<vmem_shared>>
      tpu.wait_indirect_dma semaphore(%arg34 : memref<!tpu.dma_semaphore, #tpu.memory_space<semaphore_mem>>) src(%arg16 : memref<128x64xf32, #tpu.memory_space<vmem>>) dst(%dma_wait3A_425 : memref<10000x64xf32, #tpu.memory_space<vmem_shared>>)
      %add3A_426 = arith.constant 8 : i32
      %add3A_427 = arith.addi %add3A_267, %add3A_426 : i32
      %add3A_428 = arith.constant 2 : i32
      %add3A_429 = arith.addi %add3A_427, %add3A_428 : i32
      %lt3A_430 = arith.constant 78 : i32
      %lt3A_431 = arith.cmpi slt, %add3A_429, %lt3A_430 : i32
      %convert_element_type3A_432 = arith.extui %lt3A_431 : i1 to i32
      %cond3A_433 = arith.constant 0 : i32
      %cond3A_434 = arith.cmpi ne, %convert_element_type3A_432, %cond3A_433 : i32
      scf.if %cond3A_434 {
        %dma_start3A_515 = arith.constant 0 : i32
        %dma_start3A_516 = tpu.memref_slice %arg10[%add3A_429, %dma_start3A_515] : memref<78x128xi32, #tpu.memory_space<vmem>> -> memref<1x128xi32, #tpu.memory_space<vmem>>
        %dma_start3A_517 = tpu.memref_squeeze %dma_start3A_516 : memref<1x128xi32, #tpu.memory_space<vmem>> -> memref<128xi32, #tpu.memory_space<vmem>>
        %dma_start3A_518 = arith.constant 0 : i32
        %dma_start3A_519 = arith.constant 0 : i32
        %dma_start3A_520 = tpu.memref_slice %arg2[%dma_start3A_518, %dma_start3A_519] : memref<10000x64xf32, #tpu.memory_space<hbm>> -> memref<10000x64xf32, #tpu.memory_space<hbm>>
        tpu.enqueue_indirect_dma source(%dma_start3A_520 : memref<10000x64xf32, #tpu.memory_space<hbm>>) target(%arg16 : memref<128x64xf32, #tpu.memory_space<vmem>>) offsets(%dma_start3A_517 : memref<128xi32, #tpu.memory_space<vmem>>) semaphore(%arg26 : memref<!tpu.dma_semaphore, #tpu.memory_space<semaphore_mem>>)
      } else {
      }
      %dma_wait3A_435 = arith.constant 0 : i32
      %dma_wait3A_436 = arith.constant 0 : i32
      %dma_wait3A_437 = tpu.memref_slice %arg11[%dma_wait3A_435, %dma_wait3A_436] : memref<78x128xi32, #tpu.memory_space<vmem>> -> memref<1x128xi32, #tpu.memory_space<vmem>>
      %dma_wait3A_438 = tpu.memref_squeeze %dma_wait3A_437 : memref<1x128xi32, #tpu.memory_space<vmem>> -> memref<128xi32, #tpu.memory_space<vmem>>
      %dma_wait3A_439 = arith.constant 0 : i32
      %dma_wait3A_440 = arith.constant 0 : i32
      %dma_wait3A_441 = tpu.memref_slice %arg23[%dma_wait3A_439, %dma_wait3A_440] : memref<10000x64xf32, #tpu.memory_space<vmem_shared>> -> memref<10000x64xf32, #tpu.memory_space<vmem_shared>>
      tpu.wait_indirect_dma semaphore(%arg35 : memref<!tpu.dma_semaphore, #tpu.memory_space<semaphore_mem>>) src(%arg17 : memref<128x64xf32, #tpu.memory_space<vmem>>) dst(%dma_wait3A_441 : memref<10000x64xf32, #tpu.memory_space<vmem_shared>>)
      %add3A_442 = arith.constant 8 : i32
      %add3A_443 = arith.addi %add3A_267, %add3A_442 : i32
      %add3A_444 = arith.constant 3 : i32
      %add3A_445 = arith.addi %add3A_443, %add3A_444 : i32
      %lt3A_446 = arith.constant 78 : i32
      %lt3A_447 = arith.cmpi slt, %add3A_445, %lt3A_446 : i32
      %convert_element_type3A_448 = arith.extui %lt3A_447 : i1 to i32
      %cond3A_449 = arith.constant 0 : i32
      %cond3A_450 = arith.cmpi ne, %convert_element_type3A_448, %cond3A_449 : i32
      scf.if %cond3A_450 {
        %dma_start3A_515 = arith.constant 0 : i32
        %dma_start3A_516 = tpu.memref_slice %arg10[%add3A_445, %dma_start3A_515] : memref<78x128xi32, #tpu.memory_space<vmem>> -> memref<1x128xi32, #tpu.memory_space<vmem>>
        %dma_start3A_517 = tpu.memref_squeeze %dma_start3A_516 : memref<1x128xi32, #tpu.memory_space<vmem>> -> memref<128xi32, #tpu.memory_space<vmem>>
        %dma_start3A_518 = arith.constant 0 : i32
        %dma_start3A_519 = arith.constant 0 : i32
        %dma_start3A_520 = tpu.memref_slice %arg2[%dma_start3A_518, %dma_start3A_519] : memref<10000x64xf32, #tpu.memory_space<hbm>> -> memref<10000x64xf32, #tpu.memory_space<hbm>>
        tpu.enqueue_indirect_dma source(%dma_start3A_520 : memref<10000x64xf32, #tpu.memory_space<hbm>>) target(%arg17 : memref<128x64xf32, #tpu.memory_space<vmem>>) offsets(%dma_start3A_517 : memref<128xi32, #tpu.memory_space<vmem>>) semaphore(%arg27 : memref<!tpu.dma_semaphore, #tpu.memory_space<semaphore_mem>>)
      } else {
      }
      %dma_wait3A_451 = arith.constant 0 : i32
      %dma_wait3A_452 = arith.constant 0 : i32
      %dma_wait3A_453 = tpu.memref_slice %arg11[%dma_wait3A_451, %dma_wait3A_452] : memref<78x128xi32, #tpu.memory_space<vmem>> -> memref<1x128xi32, #tpu.memory_space<vmem>>
      %dma_wait3A_454 = tpu.memref_squeeze %dma_wait3A_453 : memref<1x128xi32, #tpu.memory_space<vmem>> -> memref<128xi32, #tpu.memory_space<vmem>>
      %dma_wait3A_455 = arith.constant 0 : i32
      %dma_wait3A_456 = arith.constant 0 : i32
      %dma_wait3A_457 = tpu.memref_slice %arg23[%dma_wait3A_455, %dma_wait3A_456] : memref<10000x64xf32, #tpu.memory_space<vmem_shared>> -> memref<10000x64xf32, #tpu.memory_space<vmem_shared>>
      tpu.wait_indirect_dma semaphore(%arg36 : memref<!tpu.dma_semaphore, #tpu.memory_space<semaphore_mem>>) src(%arg18 : memref<128x64xf32, #tpu.memory_space<vmem>>) dst(%dma_wait3A_457 : memref<10000x64xf32, #tpu.memory_space<vmem_shared>>)
      %add3A_458 = arith.constant 8 : i32
      %add3A_459 = arith.addi %add3A_267, %add3A_458 : i32
      %add3A_460 = arith.constant 4 : i32
      %add3A_461 = arith.addi %add3A_459, %add3A_460 : i32
      %lt3A_462 = arith.constant 78 : i32
      %lt3A_463 = arith.cmpi slt, %add3A_461, %lt3A_462 : i32
      %convert_element_type3A_464 = arith.extui %lt3A_463 : i1 to i32
      %cond3A_465 = arith.constant 0 : i32
      %cond3A_466 = arith.cmpi ne, %convert_element_type3A_464, %cond3A_465 : i32
      scf.if %cond3A_466 {
        %dma_start3A_515 = arith.constant 0 : i32
        %dma_start3A_516 = tpu.memref_slice %arg10[%add3A_461, %dma_start3A_515] : memref<78x128xi32, #tpu.memory_space<vmem>> -> memref<1x128xi32, #tpu.memory_space<vmem>>
        %dma_start3A_517 = tpu.memref_squeeze %dma_start3A_516 : memref<1x128xi32, #tpu.memory_space<vmem>> -> memref<128xi32, #tpu.memory_space<vmem>>
        %dma_start3A_518 = arith.constant 0 : i32
        %dma_start3A_519 = arith.constant 0 : i32
        %dma_start3A_520 = tpu.memref_slice %arg2[%dma_start3A_518, %dma_start3A_519] : memref<10000x64xf32, #tpu.memory_space<hbm>> -> memref<10000x64xf32, #tpu.memory_space<hbm>>
        tpu.enqueue_indirect_dma source(%dma_start3A_520 : memref<10000x64xf32, #tpu.memory_space<hbm>>) target(%arg18 : memref<128x64xf32, #tpu.memory_space<vmem>>) offsets(%dma_start3A_517 : memref<128xi32, #tpu.memory_space<vmem>>) semaphore(%arg28 : memref<!tpu.dma_semaphore, #tpu.memory_space<semaphore_mem>>)
      } else {
      }
      %dma_wait3A_467 = arith.constant 0 : i32
      %dma_wait3A_468 = arith.constant 0 : i32
      %dma_wait3A_469 = tpu.memref_slice %arg11[%dma_wait3A_467, %dma_wait3A_468] : memref<78x128xi32, #tpu.memory_space<vmem>> -> memref<1x128xi32, #tpu.memory_space<vmem>>
      %dma_wait3A_470 = tpu.memref_squeeze %dma_wait3A_469 : memref<1x128xi32, #tpu.memory_space<vmem>> -> memref<128xi32, #tpu.memory_space<vmem>>
      %dma_wait3A_471 = arith.constant 0 : i32
      %dma_wait3A_472 = arith.constant 0 : i32
      %dma_wait3A_473 = tpu.memref_slice %arg23[%dma_wait3A_471, %dma_wait3A_472] : memref<10000x64xf32, #tpu.memory_space<vmem_shared>> -> memref<10000x64xf32, #tpu.memory_space<vmem_shared>>
      tpu.wait_indirect_dma semaphore(%arg37 : memref<!tpu.dma_semaphore, #tpu.memory_space<semaphore_mem>>) src(%arg19 : memref<128x64xf32, #tpu.memory_space<vmem>>) dst(%dma_wait3A_473 : memref<10000x64xf32, #tpu.memory_space<vmem_shared>>)
      %add3A_474 = arith.constant 8 : i32
      %add3A_475 = arith.addi %add3A_267, %add3A_474 : i32
      %add3A_476 = arith.constant 5 : i32
      %add3A_477 = arith.addi %add3A_475, %add3A_476 : i32
      %lt3A_478 = arith.constant 78 : i32
      %lt3A_479 = arith.cmpi slt, %add3A_477, %lt3A_478 : i32
      %convert_element_type3A_480 = arith.extui %lt3A_479 : i1 to i32
      %cond3A_481 = arith.constant 0 : i32
      %cond3A_482 = arith.cmpi ne, %convert_element_type3A_480, %cond3A_481 : i32
      scf.if %cond3A_482 {
        %dma_start3A_515 = arith.constant 0 : i32
        %dma_start3A_516 = tpu.memref_slice %arg10[%add3A_477, %dma_start3A_515] : memref<78x128xi32, #tpu.memory_space<vmem>> -> memref<1x128xi32, #tpu.memory_space<vmem>>
        %dma_start3A_517 = tpu.memref_squeeze %dma_start3A_516 : memref<1x128xi32, #tpu.memory_space<vmem>> -> memref<128xi32, #tpu.memory_space<vmem>>
        %dma_start3A_518 = arith.constant 0 : i32
        %dma_start3A_519 = arith.constant 0 : i32
        %dma_start3A_520 = tpu.memref_slice %arg2[%dma_start3A_518, %dma_start3A_519] : memref<10000x64xf32, #tpu.memory_space<hbm>> -> memref<10000x64xf32, #tpu.memory_space<hbm>>
        tpu.enqueue_indirect_dma source(%dma_start3A_520 : memref<10000x64xf32, #tpu.memory_space<hbm>>) target(%arg19 : memref<128x64xf32, #tpu.memory_space<vmem>>) offsets(%dma_start3A_517 : memref<128xi32, #tpu.memory_space<vmem>>) semaphore(%arg29 : memref<!tpu.dma_semaphore, #tpu.memory_space<semaphore_mem>>)
      } else {
      }
      %dma_wait3A_483 = arith.constant 0 : i32
      %dma_wait3A_484 = arith.constant 0 : i32
      %dma_wait3A_485 = tpu.memref_slice %arg11[%dma_wait3A_483, %dma_wait3A_484] : memref<78x128xi32, #tpu.memory_space<vmem>> -> memref<1x128xi32, #tpu.memory_space<vmem>>
      %dma_wait3A_486 = tpu.memref_squeeze %dma_wait3A_485 : memref<1x128xi32, #tpu.memory_space<vmem>> -> memref<128xi32, #tpu.memory_space<vmem>>
      %dma_wait3A_487 = arith.constant 0 : i32
      %dma_wait3A_488 = arith.constant 0 : i32
      %dma_wait3A_489 = tpu.memref_slice %arg23[%dma_wait3A_487, %dma_wait3A_488] : memref<10000x64xf32, #tpu.memory_space<vmem_shared>> -> memref<10000x64xf32, #tpu.memory_space<vmem_shared>>
      tpu.wait_indirect_dma semaphore(%arg38 : memref<!tpu.dma_semaphore, #tpu.memory_space<semaphore_mem>>) src(%arg20 : memref<128x64xf32, #tpu.memory_space<vmem>>) dst(%dma_wait3A_489 : memref<10000x64xf32, #tpu.memory_space<vmem_shared>>)
      %add3A_490 = arith.constant 8 : i32
      %add3A_491 = arith.addi %add3A_267, %add3A_490 : i32
      %add3A_492 = arith.constant 6 : i32
      %add3A_493 = arith.addi %add3A_491, %add3A_492 : i32
      %lt3A_494 = arith.constant 78 : i32
      %lt3A_495 = arith.cmpi slt, %add3A_493, %lt3A_494 : i32
      %convert_element_type3A_496 = arith.extui %lt3A_495 : i1 to i32
      %cond3A_497 = arith.constant 0 : i32
      %cond3A_498 = arith.cmpi ne, %convert_element_type3A_496, %cond3A_497 : i32
      scf.if %cond3A_498 {
        %dma_start3A_515 = arith.constant 0 : i32
        %dma_start3A_516 = tpu.memref_slice %arg10[%add3A_493, %dma_start3A_515] : memref<78x128xi32, #tpu.memory_space<vmem>> -> memref<1x128xi32, #tpu.memory_space<vmem>>
        %dma_start3A_517 = tpu.memref_squeeze %dma_start3A_516 : memref<1x128xi32, #tpu.memory_space<vmem>> -> memref<128xi32, #tpu.memory_space<vmem>>
        %dma_start3A_518 = arith.constant 0 : i32
        %dma_start3A_519 = arith.constant 0 : i32
        %dma_start3A_520 = tpu.memref_slice %arg2[%dma_start3A_518, %dma_start3A_519] : memref<10000x64xf32, #tpu.memory_space<hbm>> -> memref<10000x64xf32, #tpu.memory_space<hbm>>
        tpu.enqueue_indirect_dma source(%dma_start3A_520 : memref<10000x64xf32, #tpu.memory_space<hbm>>) target(%arg20 : memref<128x64xf32, #tpu.memory_space<vmem>>) offsets(%dma_start3A_517 : memref<128xi32, #tpu.memory_space<vmem>>) semaphore(%arg30 : memref<!tpu.dma_semaphore, #tpu.memory_space<semaphore_mem>>)
      } else {
      }
      %dma_wait3A_499 = arith.constant 0 : i32
      %dma_wait3A_500 = arith.constant 0 : i32
      %dma_wait3A_501 = tpu.memref_slice %arg11[%dma_wait3A_499, %dma_wait3A_500] : memref<78x128xi32, #tpu.memory_space<vmem>> -> memref<1x128xi32, #tpu.memory_space<vmem>>
      %dma_wait3A_502 = tpu.memref_squeeze %dma_wait3A_501 : memref<1x128xi32, #tpu.memory_space<vmem>> -> memref<128xi32, #tpu.memory_space<vmem>>
      %dma_wait3A_503 = arith.constant 0 : i32
      %dma_wait3A_504 = arith.constant 0 : i32
      %dma_wait3A_505 = tpu.memref_slice %arg23[%dma_wait3A_503, %dma_wait3A_504] : memref<10000x64xf32, #tpu.memory_space<vmem_shared>> -> memref<10000x64xf32, #tpu.memory_space<vmem_shared>>
      tpu.wait_indirect_dma semaphore(%arg39 : memref<!tpu.dma_semaphore, #tpu.memory_space<semaphore_mem>>) src(%arg21 : memref<128x64xf32, #tpu.memory_space<vmem>>) dst(%dma_wait3A_505 : memref<10000x64xf32, #tpu.memory_space<vmem_shared>>)
      %add3A_506 = arith.constant 8 : i32
      %add3A_507 = arith.addi %add3A_267, %add3A_506 : i32
      %add3A_508 = arith.constant 7 : i32
      %add3A_509 = arith.addi %add3A_507, %add3A_508 : i32
      %lt3A_510 = arith.constant 78 : i32
      %lt3A_511 = arith.cmpi slt, %add3A_509, %lt3A_510 : i32
      %convert_element_type3A_512 = arith.extui %lt3A_511 : i1 to i32
      %cond3A_513 = arith.constant 0 : i32
      %cond3A_514 = arith.cmpi ne, %convert_element_type3A_512, %cond3A_513 : i32
      scf.if %cond3A_514 {
        %dma_start3A_515 = arith.constant 0 : i32
        %dma_start3A_516 = tpu.memref_slice %arg10[%add3A_509, %dma_start3A_515] : memref<78x128xi32, #tpu.memory_space<vmem>> -> memref<1x128xi32, #tpu.memory_space<vmem>>
        %dma_start3A_517 = tpu.memref_squeeze %dma_start3A_516 : memref<1x128xi32, #tpu.memory_space<vmem>> -> memref<128xi32, #tpu.memory_space<vmem>>
        %dma_start3A_518 = arith.constant 0 : i32
        %dma_start3A_519 = arith.constant 0 : i32
        %dma_start3A_520 = tpu.memref_slice %arg2[%dma_start3A_518, %dma_start3A_519] : memref<10000x64xf32, #tpu.memory_space<hbm>> -> memref<10000x64xf32, #tpu.memory_space<hbm>>
        tpu.enqueue_indirect_dma source(%dma_start3A_520 : memref<10000x64xf32, #tpu.memory_space<hbm>>) target(%arg21 : memref<128x64xf32, #tpu.memory_space<vmem>>) offsets(%dma_start3A_517 : memref<128xi32, #tpu.memory_space<vmem>>) semaphore(%arg31 : memref<!tpu.dma_semaphore, #tpu.memory_space<semaphore_mem>>)
      } else {
      }
    }
    %scan3A_124 = arith.constant 9 : i32
    %dma_wait3A_125 = arith.constant 0 : i32
    %dma_wait3A_126 = arith.constant 0 : i32
    %dma_wait3A_127 = tpu.memref_slice %arg10[%dma_wait3A_125, %dma_wait3A_126] : memref<78x128xi32, #tpu.memory_space<vmem>> -> memref<1x128xi32, #tpu.memory_space<vmem>>
    %dma_wait3A_128 = tpu.memref_squeeze %dma_wait3A_127 : memref<1x128xi32, #tpu.memory_space<vmem>> -> memref<128xi32, #tpu.memory_space<vmem>>
    %dma_wait3A_129 = arith.constant 0 : i32
    %dma_wait3A_130 = arith.constant 0 : i32
    %dma_wait3A_131 = tpu.memref_slice %arg2[%dma_wait3A_129, %dma_wait3A_130] : memref<10000x64xf32, #tpu.memory_space<hbm>> -> memref<10000x64xf32, #tpu.memory_space<hbm>>
    tpu.wait_indirect_dma semaphore(%arg24 : memref<!tpu.dma_semaphore, #tpu.memory_space<semaphore_mem>>) src(%dma_wait3A_131 : memref<10000x64xf32, #tpu.memory_space<hbm>>) dst(%arg14 : memref<128x64xf32, #tpu.memory_space<vmem>>)
    %dma_start3A_132 = arith.constant 72 : i32
    %dma_start3A_133 = arith.constant 0 : i32
    %dma_start3A_134 = tpu.memref_slice %arg11[%dma_start3A_132, %dma_start3A_133] : memref<78x128xi32, #tpu.memory_space<vmem>> -> memref<1x128xi32, #tpu.memory_space<vmem>>
    %dma_start3A_135 = tpu.memref_squeeze %dma_start3A_134 : memref<1x128xi32, #tpu.memory_space<vmem>> -> memref<128xi32, #tpu.memory_space<vmem>>
    %dma_start3A_136 = arith.constant 0 : i32
    %dma_start3A_137 = arith.constant 0 : i32
    %dma_start3A_138 = tpu.memref_slice %arg23[%dma_start3A_136, %dma_start3A_137] : memref<10000x64xf32, #tpu.memory_space<vmem_shared>> -> memref<10000x64xf32, #tpu.memory_space<vmem_shared>>
    tpu.enqueue_indirect_dma source(%arg14 : memref<128x64xf32, #tpu.memory_space<vmem>>) target(%dma_start3A_138 : memref<10000x64xf32, #tpu.memory_space<vmem_shared>>) offsets(%dma_start3A_135 : memref<128xi32, #tpu.memory_space<vmem>>) semaphore(%arg32 : memref<!tpu.dma_semaphore, #tpu.memory_space<semaphore_mem>>) {add = true}
    %dma_wait3A_139 = arith.constant 0 : i32
    %dma_wait3A_140 = arith.constant 0 : i32
    %dma_wait3A_141 = tpu.memref_slice %arg10[%dma_wait3A_139, %dma_wait3A_140] : memref<78x128xi32, #tpu.memory_space<vmem>> -> memref<1x128xi32, #tpu.memory_space<vmem>>
    %dma_wait3A_142 = tpu.memref_squeeze %dma_wait3A_141 : memref<1x128xi32, #tpu.memory_space<vmem>> -> memref<128xi32, #tpu.memory_space<vmem>>
    %dma_wait3A_143 = arith.constant 0 : i32
    %dma_wait3A_144 = arith.constant 0 : i32
    %dma_wait3A_145 = tpu.memref_slice %arg2[%dma_wait3A_143, %dma_wait3A_144] : memref<10000x64xf32, #tpu.memory_space<hbm>> -> memref<10000x64xf32, #tpu.memory_space<hbm>>
    tpu.wait_indirect_dma semaphore(%arg25 : memref<!tpu.dma_semaphore, #tpu.memory_space<semaphore_mem>>) src(%dma_wait3A_145 : memref<10000x64xf32, #tpu.memory_space<hbm>>) dst(%arg15 : memref<128x64xf32, #tpu.memory_space<vmem>>)
    %dma_start3A_146 = arith.constant 73 : i32
    %dma_start3A_147 = arith.constant 0 : i32
    %dma_start3A_148 = tpu.memref_slice %arg11[%dma_start3A_146, %dma_start3A_147] : memref<78x128xi32, #tpu.memory_space<vmem>> -> memref<1x128xi32, #tpu.memory_space<vmem>>
    %dma_start3A_149 = tpu.memref_squeeze %dma_start3A_148 : memref<1x128xi32, #tpu.memory_space<vmem>> -> memref<128xi32, #tpu.memory_space<vmem>>
    %dma_start3A_150 = arith.constant 0 : i32
    %dma_start3A_151 = arith.constant 0 : i32
    %dma_start3A_152 = tpu.memref_slice %arg23[%dma_start3A_150, %dma_start3A_151] : memref<10000x64xf32, #tpu.memory_space<vmem_shared>> -> memref<10000x64xf32, #tpu.memory_space<vmem_shared>>
    tpu.enqueue_indirect_dma source(%arg15 : memref<128x64xf32, #tpu.memory_space<vmem>>) target(%dma_start3A_152 : memref<10000x64xf32, #tpu.memory_space<vmem_shared>>) offsets(%dma_start3A_149 : memref<128xi32, #tpu.memory_space<vmem>>) semaphore(%arg33 : memref<!tpu.dma_semaphore, #tpu.memory_space<semaphore_mem>>) {add = true}
    %dma_wait3A_153 = arith.constant 0 : i32
    %dma_wait3A_154 = arith.constant 0 : i32
    %dma_wait3A_155 = tpu.memref_slice %arg10[%dma_wait3A_153, %dma_wait3A_154] : memref<78x128xi32, #tpu.memory_space<vmem>> -> memref<1x128xi32, #tpu.memory_space<vmem>>
    %dma_wait3A_156 = tpu.memref_squeeze %dma_wait3A_155 : memref<1x128xi32, #tpu.memory_space<vmem>> -> memref<128xi32, #tpu.memory_space<vmem>>
    %dma_wait3A_157 = arith.constant 0 : i32
    %dma_wait3A_158 = arith.constant 0 : i32
    %dma_wait3A_159 = tpu.memref_slice %arg2[%dma_wait3A_157, %dma_wait3A_158] : memref<10000x64xf32, #tpu.memory_space<hbm>> -> memref<10000x64xf32, #tpu.memory_space<hbm>>
    tpu.wait_indirect_dma semaphore(%arg26 : memref<!tpu.dma_semaphore, #tpu.memory_space<semaphore_mem>>) src(%dma_wait3A_159 : memref<10000x64xf32, #tpu.memory_space<hbm>>) dst(%arg16 : memref<128x64xf32, #tpu.memory_space<vmem>>)
    %dma_start3A_160 = arith.constant 74 : i32
    %dma_start3A_161 = arith.constant 0 : i32
    %dma_start3A_162 = tpu.memref_slice %arg11[%dma_start3A_160, %dma_start3A_161] : memref<78x128xi32, #tpu.memory_space<vmem>> -> memref<1x128xi32, #tpu.memory_space<vmem>>
    %dma_start3A_163 = tpu.memref_squeeze %dma_start3A_162 : memref<1x128xi32, #tpu.memory_space<vmem>> -> memref<128xi32, #tpu.memory_space<vmem>>
    %dma_start3A_164 = arith.constant 0 : i32
    %dma_start3A_165 = arith.constant 0 : i32
    %dma_start3A_166 = tpu.memref_slice %arg23[%dma_start3A_164, %dma_start3A_165] : memref<10000x64xf32, #tpu.memory_space<vmem_shared>> -> memref<10000x64xf32, #tpu.memory_space<vmem_shared>>
    tpu.enqueue_indirect_dma source(%arg16 : memref<128x64xf32, #tpu.memory_space<vmem>>) target(%dma_start3A_166 : memref<10000x64xf32, #tpu.memory_space<vmem_shared>>) offsets(%dma_start3A_163 : memref<128xi32, #tpu.memory_space<vmem>>) semaphore(%arg34 : memref<!tpu.dma_semaphore, #tpu.memory_space<semaphore_mem>>) {add = true}
    %dma_wait3A_167 = arith.constant 0 : i32
    %dma_wait3A_168 = arith.constant 0 : i32
    %dma_wait3A_169 = tpu.memref_slice %arg10[%dma_wait3A_167, %dma_wait3A_168] : memref<78x128xi32, #tpu.memory_space<vmem>> -> memref<1x128xi32, #tpu.memory_space<vmem>>
    %dma_wait3A_170 = tpu.memref_squeeze %dma_wait3A_169 : memref<1x128xi32, #tpu.memory_space<vmem>> -> memref<128xi32, #tpu.memory_space<vmem>>
    %dma_wait3A_171 = arith.constant 0 : i32
    %dma_wait3A_172 = arith.constant 0 : i32
    %dma_wait3A_173 = tpu.memref_slice %arg2[%dma_wait3A_171, %dma_wait3A_172] : memref<10000x64xf32, #tpu.memory_space<hbm>> -> memref<10000x64xf32, #tpu.memory_space<hbm>>
    tpu.wait_indirect_dma semaphore(%arg27 : memref<!tpu.dma_semaphore, #tpu.memory_space<semaphore_mem>>) src(%dma_wait3A_173 : memref<10000x64xf32, #tpu.memory_space<hbm>>) dst(%arg17 : memref<128x64xf32, #tpu.memory_space<vmem>>)
    %dma_start3A_174 = arith.constant 75 : i32
    %dma_start3A_175 = arith.constant 0 : i32
    %dma_start3A_176 = tpu.memref_slice %arg11[%dma_start3A_174, %dma_start3A_175] : memref<78x128xi32, #tpu.memory_space<vmem>> -> memref<1x128xi32, #tpu.memory_space<vmem>>
    %dma_start3A_177 = tpu.memref_squeeze %dma_start3A_176 : memref<1x128xi32, #tpu.memory_space<vmem>> -> memref<128xi32, #tpu.memory_space<vmem>>
    %dma_start3A_178 = arith.constant 0 : i32
    %dma_start3A_179 = arith.constant 0 : i32
    %dma_start3A_180 = tpu.memref_slice %arg23[%dma_start3A_178, %dma_start3A_179] : memref<10000x64xf32, #tpu.memory_space<vmem_shared>> -> memref<10000x64xf32, #tpu.memory_space<vmem_shared>>
    tpu.enqueue_indirect_dma source(%arg17 : memref<128x64xf32, #tpu.memory_space<vmem>>) target(%dma_start3A_180 : memref<10000x64xf32, #tpu.memory_space<vmem_shared>>) offsets(%dma_start3A_177 : memref<128xi32, #tpu.memory_space<vmem>>) semaphore(%arg35 : memref<!tpu.dma_semaphore, #tpu.memory_space<semaphore_mem>>) {add = true}
    %dma_wait3A_181 = arith.constant 0 : i32
    %dma_wait3A_182 = arith.constant 0 : i32
    %dma_wait3A_183 = tpu.memref_slice %arg10[%dma_wait3A_181, %dma_wait3A_182] : memref<78x128xi32, #tpu.memory_space<vmem>> -> memref<1x128xi32, #tpu.memory_space<vmem>>
    %dma_wait3A_184 = tpu.memref_squeeze %dma_wait3A_183 : memref<1x128xi32, #tpu.memory_space<vmem>> -> memref<128xi32, #tpu.memory_space<vmem>>
    %dma_wait3A_185 = arith.constant 0 : i32
    %dma_wait3A_186 = arith.constant 0 : i32
    %dma_wait3A_187 = tpu.memref_slice %arg2[%dma_wait3A_185, %dma_wait3A_186] : memref<10000x64xf32, #tpu.memory_space<hbm>> -> memref<10000x64xf32, #tpu.memory_space<hbm>>
    tpu.wait_indirect_dma semaphore(%arg28 : memref<!tpu.dma_semaphore, #tpu.memory_space<semaphore_mem>>) src(%dma_wait3A_187 : memref<10000x64xf32, #tpu.memory_space<hbm>>) dst(%arg18 : memref<128x64xf32, #tpu.memory_space<vmem>>)
    %dma_start3A_188 = arith.constant 76 : i32
    %dma_start3A_189 = arith.constant 0 : i32
    %dma_start3A_190 = tpu.memref_slice %arg11[%dma_start3A_188, %dma_start3A_189] : memref<78x128xi32, #tpu.memory_space<vmem>> -> memref<1x128xi32, #tpu.memory_space<vmem>>
    %dma_start3A_191 = tpu.memref_squeeze %dma_start3A_190 : memref<1x128xi32, #tpu.memory_space<vmem>> -> memref<128xi32, #tpu.memory_space<vmem>>
    %dma_start3A_192 = arith.constant 0 : i32
    %dma_start3A_193 = arith.constant 0 : i32
    %dma_start3A_194 = tpu.memref_slice %arg23[%dma_start3A_192, %dma_start3A_193] : memref<10000x64xf32, #tpu.memory_space<vmem_shared>> -> memref<10000x64xf32, #tpu.memory_space<vmem_shared>>
    tpu.enqueue_indirect_dma source(%arg18 : memref<128x64xf32, #tpu.memory_space<vmem>>) target(%dma_start3A_194 : memref<10000x64xf32, #tpu.memory_space<vmem_shared>>) offsets(%dma_start3A_191 : memref<128xi32, #tpu.memory_space<vmem>>) semaphore(%arg36 : memref<!tpu.dma_semaphore, #tpu.memory_space<semaphore_mem>>) {add = true}
    %dma_wait3A_195 = arith.constant 0 : i32
    %dma_wait3A_196 = arith.constant 0 : i32
    %dma_wait3A_197 = tpu.memref_slice %arg10[%dma_wait3A_195, %dma_wait3A_196] : memref<78x128xi32, #tpu.memory_space<vmem>> -> memref<1x128xi32, #tpu.memory_space<vmem>>
    %dma_wait3A_198 = tpu.memref_squeeze %dma_wait3A_197 : memref<1x128xi32, #tpu.memory_space<vmem>> -> memref<128xi32, #tpu.memory_space<vmem>>
    %dma_wait3A_199 = arith.constant 0 : i32
    %dma_wait3A_200 = arith.constant 0 : i32
    %dma_wait3A_201 = tpu.memref_slice %arg2[%dma_wait3A_199, %dma_wait3A_200] : memref<10000x64xf32, #tpu.memory_space<hbm>> -> memref<10000x64xf32, #tpu.memory_space<hbm>>
    tpu.wait_indirect_dma semaphore(%arg29 : memref<!tpu.dma_semaphore, #tpu.memory_space<semaphore_mem>>) src(%dma_wait3A_201 : memref<10000x64xf32, #tpu.memory_space<hbm>>) dst(%arg19 : memref<128x64xf32, #tpu.memory_space<vmem>>)
    %dma_start3A_202 = arith.constant 77 : i32
    %dma_start3A_203 = arith.constant 0 : i32
    %dma_start3A_204 = tpu.memref_slice %arg11[%dma_start3A_202, %dma_start3A_203] : memref<78x128xi32, #tpu.memory_space<vmem>> -> memref<1x128xi32, #tpu.memory_space<vmem>>
    %dma_start3A_205 = tpu.memref_squeeze %dma_start3A_204 : memref<1x128xi32, #tpu.memory_space<vmem>> -> memref<128xi32, #tpu.memory_space<vmem>>
    %dma_start3A_206 = arith.constant 0 : i32
    %dma_start3A_207 = arith.constant 0 : i32
    %dma_start3A_208 = tpu.memref_slice %arg23[%dma_start3A_206, %dma_start3A_207] : memref<10000x64xf32, #tpu.memory_space<vmem_shared>> -> memref<10000x64xf32, #tpu.memory_space<vmem_shared>>
    tpu.enqueue_indirect_dma source(%arg19 : memref<128x64xf32, #tpu.memory_space<vmem>>) target(%dma_start3A_208 : memref<10000x64xf32, #tpu.memory_space<vmem_shared>>) offsets(%dma_start3A_205 : memref<128xi32, #tpu.memory_space<vmem>>) semaphore(%arg37 : memref<!tpu.dma_semaphore, #tpu.memory_space<semaphore_mem>>) {add = true}
    %run_scoped3A = arith.constant 0 : i32
    "tpu.region"() ({
      %run_scoped3A_263 = tpu.sem_alloc : memref<!tpu.dma_semaphore, #tpu.memory_space<semaphore_mem>>
      %dma_start3A_264 = arith.constant 0 : i32
      %dma_start3A_265 = tpu.memref_slice %arg12[%run_scoped3A, %dma_start3A_264] : memref<1x16xi32, #tpu.memory_space<vmem>> -> memref<1x16xi32, #tpu.memory_space<vmem>>
      %dma_start3A_266 = tpu.memref_squeeze %dma_start3A_265 : memref<1x16xi32, #tpu.memory_space<vmem>> -> memref<16xi32, #tpu.memory_space<vmem>>
      %dma_start3A_267 = arith.constant 0 : i32
      %dma_start3A_268 = arith.constant 0 : i32
      %dma_start3A_269 = tpu.memref_slice %arg2[%dma_start3A_267, %dma_start3A_268] : memref<10000x64xf32, #tpu.memory_space<hbm>> -> memref<10000x64xf32, #tpu.memory_space<hbm>>
      tpu.enqueue_indirect_dma source(%dma_start3A_269 : memref<10000x64xf32, #tpu.memory_space<hbm>>) target(%arg22 : memref<16x64xf32, #tpu.memory_space<vmem>>) offsets(%dma_start3A_266 : memref<16xi32, #tpu.memory_space<vmem>>) semaphore(%run_scoped3A_263 : memref<!tpu.dma_semaphore, #tpu.memory_space<semaphore_mem>>)
      %dma_wait3A_270 = arith.constant 0 : i32
      %dma_wait3A_271 = tpu.memref_slice %arg12[%run_scoped3A, %dma_wait3A_270] : memref<1x16xi32, #tpu.memory_space<vmem>> -> memref<1x16xi32, #tpu.memory_space<vmem>>
      %dma_wait3A_272 = tpu.memref_squeeze %dma_wait3A_271 : memref<1x16xi32, #tpu.memory_space<vmem>> -> memref<16xi32, #tpu.memory_space<vmem>>
      %dma_wait3A_273 = arith.constant 0 : i32
      %dma_wait3A_274 = arith.constant 0 : i32
      %dma_wait3A_275 = tpu.memref_slice %arg2[%dma_wait3A_273, %dma_wait3A_274] : memref<10000x64xf32, #tpu.memory_space<hbm>> -> memref<10000x64xf32, #tpu.memory_space<hbm>>
      tpu.wait_indirect_dma semaphore(%run_scoped3A_263 : memref<!tpu.dma_semaphore, #tpu.memory_space<semaphore_mem>>) src(%dma_wait3A_275 : memref<10000x64xf32, #tpu.memory_space<hbm>>) dst(%arg22 : memref<16x64xf32, #tpu.memory_space<vmem>>)
      tpu.yield
    }) : () -> ()
    %run_scoped3A_209 = arith.constant 0 : i32
    "tpu.region"() ({
      %run_scoped3A_263 = tpu.sem_alloc : memref<!tpu.dma_semaphore, #tpu.memory_space<semaphore_mem>>
      %dma_start3A_264 = arith.constant 0 : i32
      %dma_start3A_265 = tpu.memref_slice %arg13[%run_scoped3A_209, %dma_start3A_264] : memref<1x16xi32, #tpu.memory_space<vmem>> -> memref<1x16xi32, #tpu.memory_space<vmem>>
      %dma_start3A_266 = tpu.memref_squeeze %dma_start3A_265 : memref<1x16xi32, #tpu.memory_space<vmem>> -> memref<16xi32, #tpu.memory_space<vmem>>
      %dma_start3A_267 = arith.constant 0 : i32
      %dma_start3A_268 = arith.constant 0 : i32
      %dma_start3A_269 = tpu.memref_slice %arg23[%dma_start3A_267, %dma_start3A_268] : memref<10000x64xf32, #tpu.memory_space<vmem_shared>> -> memref<10000x64xf32, #tpu.memory_space<vmem_shared>>
      tpu.enqueue_indirect_dma source(%arg22 : memref<16x64xf32, #tpu.memory_space<vmem>>) target(%dma_start3A_269 : memref<10000x64xf32, #tpu.memory_space<vmem_shared>>) offsets(%dma_start3A_266 : memref<16xi32, #tpu.memory_space<vmem>>) semaphore(%run_scoped3A_263 : memref<!tpu.dma_semaphore, #tpu.memory_space<semaphore_mem>>) {add = true}
      %dma_wait3A_270 = arith.constant 0 : i32
      %dma_wait3A_271 = tpu.memref_slice %arg13[%run_scoped3A_209, %dma_wait3A_270] : memref<1x16xi32, #tpu.memory_space<vmem>> -> memref<1x16xi32, #tpu.memory_space<vmem>>
      %dma_wait3A_272 = tpu.memref_squeeze %dma_wait3A_271 : memref<1x16xi32, #tpu.memory_space<vmem>> -> memref<16xi32, #tpu.memory_space<vmem>>
      %dma_wait3A_273 = arith.constant 0 : i32
      %dma_wait3A_274 = arith.constant 0 : i32
      %dma_wait3A_275 = tpu.memref_slice %arg23[%dma_wait3A_273, %dma_wait3A_274] : memref<10000x64xf32, #tpu.memory_space<vmem_shared>> -> memref<10000x64xf32, #tpu.memory_space<vmem_shared>>
      tpu.wait_indirect_dma semaphore(%run_scoped3A_263 : memref<!tpu.dma_semaphore, #tpu.memory_space<semaphore_mem>>) src(%arg22 : memref<16x64xf32, #tpu.memory_space<vmem>>) dst(%dma_wait3A_275 : memref<10000x64xf32, #tpu.memory_space<vmem_shared>>)
      tpu.yield
    }) : () -> ()
    %dma_wait3A_210 = arith.constant 72 : i32
    %dma_wait3A_211 = arith.constant 0 : i32
    %dma_wait3A_212 = tpu.memref_slice %arg11[%dma_wait3A_210, %dma_wait3A_211] : memref<78x128xi32, #tpu.memory_space<vmem>> -> memref<1x128xi32, #tpu.memory_space<vmem>>
    %dma_wait3A_213 = tpu.memref_squeeze %dma_wait3A_212 : memref<1x128xi32, #tpu.memory_space<vmem>> -> memref<128xi32, #tpu.memory_space<vmem>>
    %dma_wait3A_214 = arith.constant 0 : i32
    %dma_wait3A_215 = arith.constant 0 : i32
    %dma_wait3A_216 = tpu.memref_slice %arg23[%dma_wait3A_214, %dma_wait3A_215] : memref<10000x64xf32, #tpu.memory_space<vmem_shared>> -> memref<10000x64xf32, #tpu.memory_space<vmem_shared>>
    tpu.wait_indirect_dma semaphore(%arg32 : memref<!tpu.dma_semaphore, #tpu.memory_space<semaphore_mem>>) src(%arg14 : memref<128x64xf32, #tpu.memory_space<vmem>>) dst(%dma_wait3A_216 : memref<10000x64xf32, #tpu.memory_space<vmem_shared>>)
    %dma_wait3A_217 = arith.constant 73 : i32
    %dma_wait3A_218 = arith.constant 0 : i32
    %dma_wait3A_219 = tpu.memref_slice %arg11[%dma_wait3A_217, %dma_wait3A_218] : memref<78x128xi32, #tpu.memory_space<vmem>> -> memref<1x128xi32, #tpu.memory_space<vmem>>
    %dma_wait3A_220 = tpu.memref_squeeze %dma_wait3A_219 : memref<1x128xi32, #tpu.memory_space<vmem>> -> memref<128xi32, #tpu.memory_space<vmem>>
    %dma_wait3A_221 = arith.constant 0 : i32
    %dma_wait3A_222 = arith.constant 0 : i32
    %dma_wait3A_223 = tpu.memref_slice %arg23[%dma_wait3A_221, %dma_wait3A_222] : memref<10000x64xf32, #tpu.memory_space<vmem_shared>> -> memref<10000x64xf32, #tpu.memory_space<vmem_shared>>
    tpu.wait_indirect_dma semaphore(%arg33 : memref<!tpu.dma_semaphore, #tpu.memory_space<semaphore_mem>>) src(%arg15 : memref<128x64xf32, #tpu.memory_space<vmem>>) dst(%dma_wait3A_223 : memref<10000x64xf32, #tpu.memory_space<vmem_shared>>)
    %dma_wait3A_224 = arith.constant 74 : i32
    %dma_wait3A_225 = arith.constant 0 : i32
    %dma_wait3A_226 = tpu.memref_slice %arg11[%dma_wait3A_224, %dma_wait3A_225] : memref<78x128xi32, #tpu.memory_space<vmem>> -> memref<1x128xi32, #tpu.memory_space<vmem>>
    %dma_wait3A_227 = tpu.memref_squeeze %dma_wait3A_226 : memref<1x128xi32, #tpu.memory_space<vmem>> -> memref<128xi32, #tpu.memory_space<vmem>>
    %dma_wait3A_228 = arith.constant 0 : i32
    %dma_wait3A_229 = arith.constant 0 : i32
    %dma_wait3A_230 = tpu.memref_slice %arg23[%dma_wait3A_228, %dma_wait3A_229] : memref<10000x64xf32, #tpu.memory_space<vmem_shared>> -> memref<10000x64xf32, #tpu.memory_space<vmem_shared>>
    tpu.wait_indirect_dma semaphore(%arg34 : memref<!tpu.dma_semaphore, #tpu.memory_space<semaphore_mem>>) src(%arg16 : memref<128x64xf32, #tpu.memory_space<vmem>>) dst(%dma_wait3A_230 : memref<10000x64xf32, #tpu.memory_space<vmem_shared>>)
    %dma_wait3A_231 = arith.constant 75 : i32
    %dma_wait3A_232 = arith.constant 0 : i32
    %dma_wait3A_233 = tpu.memref_slice %arg11[%dma_wait3A_231, %dma_wait3A_232] : memref<78x128xi32, #tpu.memory_space<vmem>> -> memref<1x128xi32, #tpu.memory_space<vmem>>
    %dma_wait3A_234 = tpu.memref_squeeze %dma_wait3A_233 : memref<1x128xi32, #tpu.memory_space<vmem>> -> memref<128xi32, #tpu.memory_space<vmem>>
    %dma_wait3A_235 = arith.constant 0 : i32
    %dma_wait3A_236 = arith.constant 0 : i32
    %dma_wait3A_237 = tpu.memref_slice %arg23[%dma_wait3A_235, %dma_wait3A_236] : memref<10000x64xf32, #tpu.memory_space<vmem_shared>> -> memref<10000x64xf32, #tpu.memory_space<vmem_shared>>
    tpu.wait_indirect_dma semaphore(%arg35 : memref<!tpu.dma_semaphore, #tpu.memory_space<semaphore_mem>>) src(%arg17 : memref<128x64xf32, #tpu.memory_space<vmem>>) dst(%dma_wait3A_237 : memref<10000x64xf32, #tpu.memory_space<vmem_shared>>)
    %dma_wait3A_238 = arith.constant 76 : i32
    %dma_wait3A_239 = arith.constant 0 : i32
    %dma_wait3A_240 = tpu.memref_slice %arg11[%dma_wait3A_238, %dma_wait3A_239] : memref<78x128xi32, #tpu.memory_space<vmem>> -> memref<1x128xi32, #tpu.memory_space<vmem>>
    %dma_wait3A_241 = tpu.memref_squeeze %dma_wait3A_240 : memref<1x128xi32, #tpu.memory_space<vmem>> -> memref<128xi32, #tpu.memory_space<vmem>>
    %dma_wait3A_242 = arith.constant 0 : i32
    %dma_wait3A_243 = arith.constant 0 : i32
    %dma_wait3A_244 = tpu.memref_slice %arg23[%dma_wait3A_242, %dma_wait3A_243] : memref<10000x64xf32, #tpu.memory_space<vmem_shared>> -> memref<10000x64xf32, #tpu.memory_space<vmem_shared>>
    tpu.wait_indirect_dma semaphore(%arg36 : memref<!tpu.dma_semaphore, #tpu.memory_space<semaphore_mem>>) src(%arg18 : memref<128x64xf32, #tpu.memory_space<vmem>>) dst(%dma_wait3A_244 : memref<10000x64xf32, #tpu.memory_space<vmem_shared>>)
    %dma_wait3A_245 = arith.constant 77 : i32
    %dma_wait3A_246 = arith.constant 0 : i32
    %dma_wait3A_247 = tpu.memref_slice %arg11[%dma_wait3A_245, %dma_wait3A_246] : memref<78x128xi32, #tpu.memory_space<vmem>> -> memref<1x128xi32, #tpu.memory_space<vmem>>
    %dma_wait3A_248 = tpu.memref_squeeze %dma_wait3A_247 : memref<1x128xi32, #tpu.memory_space<vmem>> -> memref<128xi32, #tpu.memory_space<vmem>>
    %dma_wait3A_249 = arith.constant 0 : i32
    %dma_wait3A_250 = arith.constant 0 : i32
    %dma_wait3A_251 = tpu.memref_slice %arg23[%dma_wait3A_249, %dma_wait3A_250] : memref<10000x64xf32, #tpu.memory_space<vmem_shared>> -> memref<10000x64xf32, #tpu.memory_space<vmem_shared>>
    tpu.wait_indirect_dma semaphore(%arg37 : memref<!tpu.dma_semaphore, #tpu.memory_space<semaphore_mem>>) src(%arg19 : memref<128x64xf32, #tpu.memory_space<vmem>>) dst(%dma_wait3A_251 : memref<10000x64xf32, #tpu.memory_space<vmem_shared>>)
    %barrier3A_252 = arith.constant 0 : index
    tpu.barrier barrier_id(%barrier3A_252)
    %eq3A_253 = arith.constant 0 : i32
    %eq3A_254 = arith.cmpi eq, %arg0, %eq3A_253 : i32
    %convert_element_type3A_255 = arith.extui %eq3A_254 : i1 to i32
    %cond3A_256 = arith.constant 0 : i32
    %cond3A_257 = arith.cmpi ne, %convert_element_type3A_255, %cond3A_256 : i32
    scf.if %cond3A_257 {
      %add3A_263 = arith.constant 0 : i32
      %add3A_264 = arith.addi %mul3A_2, %add3A_263 : i32
      %dma_start3A_265 = arith.constant 0 : i32
      %dma_start3A_266 = tpu.memref_slice %arg23[%add3A_264, %dma_start3A_265] : memref<10000x64xf32, #tpu.memory_space<vmem_shared>> -> memref<128x64xf32, #tpu.memory_space<vmem_shared>>
      %dma_start3A_267 = arith.constant 0 : i32
      %dma_start3A_268 = tpu.memref_slice %arg23[%add3A_264, %dma_start3A_267] : memref<10000x64xf32, #tpu.memory_space<vmem_shared>> -> memref<128x64xf32, #tpu.memory_space<vmem_shared>>
      tpu.enqueue_dma source(%dma_start3A_268 : memref<128x64xf32, #tpu.memory_space<vmem_shared>>) target(%arg14 : memref<128x64xf32, #tpu.memory_space<vmem>>) target_semaphore(%arg24 : memref<!tpu.dma_semaphore, #tpu.memory_space<semaphore_mem>>)
      %add3A_269 = arith.constant 128 : i32
      %add3A_270 = arith.addi %mul3A_2, %add3A_269 : i32
      %dma_start3A_271 = arith.constant 0 : i32
      %dma_start3A_272 = tpu.memref_slice %arg23[%add3A_270, %dma_start3A_271] : memref<10000x64xf32, #tpu.memory_space<vmem_shared>> -> memref<128x64xf32, #tpu.memory_space<vmem_shared>>
      %dma_start3A_273 = arith.constant 0 : i32
      %dma_start3A_274 = tpu.memref_slice %arg23[%add3A_270, %dma_start3A_273] : memref<10000x64xf32, #tpu.memory_space<vmem_shared>> -> memref<128x64xf32, #tpu.memory_space<vmem_shared>>
      tpu.enqueue_dma source(%dma_start3A_274 : memref<128x64xf32, #tpu.memory_space<vmem_shared>>) target(%arg15 : memref<128x64xf32, #tpu.memory_space<vmem>>) target_semaphore(%arg25 : memref<!tpu.dma_semaphore, #tpu.memory_space<semaphore_mem>>)
      %add3A_275 = arith.constant 256 : i32
      %add3A_276 = arith.addi %mul3A_2, %add3A_275 : i32
      %dma_start3A_277 = arith.constant 0 : i32
      %dma_start3A_278 = tpu.memref_slice %arg23[%add3A_276, %dma_start3A_277] : memref<10000x64xf32, #tpu.memory_space<vmem_shared>> -> memref<128x64xf32, #tpu.memory_space<vmem_shared>>
      %dma_start3A_279 = arith.constant 0 : i32
      %dma_start3A_280 = tpu.memref_slice %arg23[%add3A_276, %dma_start3A_279] : memref<10000x64xf32, #tpu.memory_space<vmem_shared>> -> memref<128x64xf32, #tpu.memory_space<vmem_shared>>
      tpu.enqueue_dma source(%dma_start3A_280 : memref<128x64xf32, #tpu.memory_space<vmem_shared>>) target(%arg16 : memref<128x64xf32, #tpu.memory_space<vmem>>) target_semaphore(%arg26 : memref<!tpu.dma_semaphore, #tpu.memory_space<semaphore_mem>>)
      %add3A_281 = arith.constant 384 : i32
      %add3A_282 = arith.addi %mul3A_2, %add3A_281 : i32
      %dma_start3A_283 = arith.constant 0 : i32
      %dma_start3A_284 = tpu.memref_slice %arg23[%add3A_282, %dma_start3A_283] : memref<10000x64xf32, #tpu.memory_space<vmem_shared>> -> memref<128x64xf32, #tpu.memory_space<vmem_shared>>
      %dma_start3A_285 = arith.constant 0 : i32
      %dma_start3A_286 = tpu.memref_slice %arg23[%add3A_282, %dma_start3A_285] : memref<10000x64xf32, #tpu.memory_space<vmem_shared>> -> memref<128x64xf32, #tpu.memory_space<vmem_shared>>
      tpu.enqueue_dma source(%dma_start3A_286 : memref<128x64xf32, #tpu.memory_space<vmem_shared>>) target(%arg17 : memref<128x64xf32, #tpu.memory_space<vmem>>) target_semaphore(%arg27 : memref<!tpu.dma_semaphore, #tpu.memory_space<semaphore_mem>>)
      %add3A_287 = arith.constant 512 : i32
      %add3A_288 = arith.addi %mul3A_2, %add3A_287 : i32
      %dma_start3A_289 = arith.constant 0 : i32
      %dma_start3A_290 = arith.constant 0 : i32
      %dma_start3A_291 = tpu.memref_slice %arg18[%dma_start3A_289, %dma_start3A_290] : memref<128x64xf32, #tpu.memory_space<vmem>> -> memref<112x64xf32, #tpu.memory_space<vmem>>
      %dma_start3A_292 = arith.constant 0 : i32
      %dma_start3A_293 = tpu.memref_slice %arg23[%add3A_288, %dma_start3A_292] : memref<10000x64xf32, #tpu.memory_space<vmem_shared>> -> memref<112x64xf32, #tpu.memory_space<vmem_shared>>
      %dma_start3A_294 = arith.constant 0 : i32
      %dma_start3A_295 = arith.constant 0 : i32
      %dma_start3A_296 = tpu.memref_slice %arg18[%dma_start3A_294, %dma_start3A_295] : memref<128x64xf32, #tpu.memory_space<vmem>> -> memref<112x64xf32, #tpu.memory_space<vmem>>
      %dma_start3A_297 = arith.constant 0 : i32
      %dma_start3A_298 = tpu.memref_slice %arg23[%add3A_288, %dma_start3A_297] : memref<10000x64xf32, #tpu.memory_space<vmem_shared>> -> memref<112x64xf32, #tpu.memory_space<vmem_shared>>
      tpu.enqueue_dma source(%dma_start3A_298 : memref<112x64xf32, #tpu.memory_space<vmem_shared>>) target(%dma_start3A_296 : memref<112x64xf32, #tpu.memory_space<vmem>>) target_semaphore(%arg28 : memref<!tpu.dma_semaphore, #tpu.memory_space<semaphore_mem>>)
      %dma_wait3A_299 = arith.constant 0 : i32
      %dma_wait3A_300 = tpu.memref_slice %arg23[%add3A_264, %dma_wait3A_299] : memref<10000x64xf32, #tpu.memory_space<vmem_shared>> -> memref<128x64xf32, #tpu.memory_space<vmem_shared>>
      %dma_wait3A_301 = arith.constant 0 : i32
      %dma_wait3A_302 = tpu.memref_slice %arg23[%add3A_264, %dma_wait3A_301] : memref<10000x64xf32, #tpu.memory_space<vmem_shared>> -> memref<128x64xf32, #tpu.memory_space<vmem_shared>>
      tpu.wait_dma2 semaphore(%arg24 : memref<!tpu.dma_semaphore, #tpu.memory_space<semaphore_mem>>) src(%dma_wait3A_302 : memref<128x64xf32, #tpu.memory_space<vmem_shared>>) dst(%arg14 : memref<128x64xf32, #tpu.memory_space<vmem>>)
      %add3A_303 = arith.constant 0 : i32
      %add3A_304 = arith.addi %mul3A_2, %add3A_303 : i32
      %dma_start3A_305 = arith.constant 0 : i32
      %dma_start3A_306 = tpu.memref_slice %arg8[%add3A_304, %dma_start3A_305] : memref<10000x64xf32, #tpu.memory_space<hbm>> -> memref<128x64xf32, #tpu.memory_space<hbm>>
      %dma_start3A_307 = arith.constant 0 : i32
      %dma_start3A_308 = tpu.memref_slice %arg8[%add3A_304, %dma_start3A_307] : memref<10000x64xf32, #tpu.memory_space<hbm>> -> memref<128x64xf32, #tpu.memory_space<hbm>>
      tpu.enqueue_dma source(%arg14 : memref<128x64xf32, #tpu.memory_space<vmem>>) target(%dma_start3A_308 : memref<128x64xf32, #tpu.memory_space<hbm>>) target_semaphore(%arg32 : memref<!tpu.dma_semaphore, #tpu.memory_space<semaphore_mem>>)
      %dma_wait3A_309 = arith.constant 0 : i32
      %dma_wait3A_310 = tpu.memref_slice %arg23[%add3A_270, %dma_wait3A_309] : memref<10000x64xf32, #tpu.memory_space<vmem_shared>> -> memref<128x64xf32, #tpu.memory_space<vmem_shared>>
      %dma_wait3A_311 = arith.constant 0 : i32
      %dma_wait3A_312 = tpu.memref_slice %arg23[%add3A_270, %dma_wait3A_311] : memref<10000x64xf32, #tpu.memory_space<vmem_shared>> -> memref<128x64xf32, #tpu.memory_space<vmem_shared>>
      tpu.wait_dma2 semaphore(%arg25 : memref<!tpu.dma_semaphore, #tpu.memory_space<semaphore_mem>>) src(%dma_wait3A_312 : memref<128x64xf32, #tpu.memory_space<vmem_shared>>) dst(%arg15 : memref<128x64xf32, #tpu.memory_space<vmem>>)
      %add3A_313 = arith.constant 128 : i32
      %add3A_314 = arith.addi %mul3A_2, %add3A_313 : i32
      %dma_start3A_315 = arith.constant 0 : i32
      %dma_start3A_316 = tpu.memref_slice %arg8[%add3A_314, %dma_start3A_315] : memref<10000x64xf32, #tpu.memory_space<hbm>> -> memref<128x64xf32, #tpu.memory_space<hbm>>
      %dma_start3A_317 = arith.constant 0 : i32
      %dma_start3A_318 = tpu.memref_slice %arg8[%add3A_314, %dma_start3A_317] : memref<10000x64xf32, #tpu.memory_space<hbm>> -> memref<128x64xf32, #tpu.memory_space<hbm>>
      tpu.enqueue_dma source(%arg15 : memref<128x64xf32, #tpu.memory_space<vmem>>) target(%dma_start3A_318 : memref<128x64xf32, #tpu.memory_space<hbm>>) target_semaphore(%arg33 : memref<!tpu.dma_semaphore, #tpu.memory_space<semaphore_mem>>)
      %dma_wait3A_319 = arith.constant 0 : i32
      %dma_wait3A_320 = tpu.memref_slice %arg23[%add3A_276, %dma_wait3A_319] : memref<10000x64xf32, #tpu.memory_space<vmem_shared>> -> memref<128x64xf32, #tpu.memory_space<vmem_shared>>
      %dma_wait3A_321 = arith.constant 0 : i32
      %dma_wait3A_322 = tpu.memref_slice %arg23[%add3A_276, %dma_wait3A_321] : memref<10000x64xf32, #tpu.memory_space<vmem_shared>> -> memref<128x64xf32, #tpu.memory_space<vmem_shared>>
      tpu.wait_dma2 semaphore(%arg26 : memref<!tpu.dma_semaphore, #tpu.memory_space<semaphore_mem>>) src(%dma_wait3A_322 : memref<128x64xf32, #tpu.memory_space<vmem_shared>>) dst(%arg16 : memref<128x64xf32, #tpu.memory_space<vmem>>)
      %add3A_323 = arith.constant 256 : i32
      %add3A_324 = arith.addi %mul3A_2, %add3A_323 : i32
      %dma_start3A_325 = arith.constant 0 : i32
      %dma_start3A_326 = tpu.memref_slice %arg8[%add3A_324, %dma_start3A_325] : memref<10000x64xf32, #tpu.memory_space<hbm>> -> memref<128x64xf32, #tpu.memory_space<hbm>>
      %dma_start3A_327 = arith.constant 0 : i32
      %dma_start3A_328 = tpu.memref_slice %arg8[%add3A_324, %dma_start3A_327] : memref<10000x64xf32, #tpu.memory_space<hbm>> -> memref<128x64xf32, #tpu.memory_space<hbm>>
      tpu.enqueue_dma source(%arg16 : memref<128x64xf32, #tpu.memory_space<vmem>>) target(%dma_start3A_328 : memref<128x64xf32, #tpu.memory_space<hbm>>) target_semaphore(%arg34 : memref<!tpu.dma_semaphore, #tpu.memory_space<semaphore_mem>>)
      %dma_wait3A_329 = arith.constant 0 : i32
      %dma_wait3A_330 = tpu.memref_slice %arg23[%add3A_282, %dma_wait3A_329] : memref<10000x64xf32, #tpu.memory_space<vmem_shared>> -> memref<128x64xf32, #tpu.memory_space<vmem_shared>>
      %dma_wait3A_331 = arith.constant 0 : i32
      %dma_wait3A_332 = tpu.memref_slice %arg23[%add3A_282, %dma_wait3A_331] : memref<10000x64xf32, #tpu.memory_space<vmem_shared>> -> memref<128x64xf32, #tpu.memory_space<vmem_shared>>
      tpu.wait_dma2 semaphore(%arg27 : memref<!tpu.dma_semaphore, #tpu.memory_space<semaphore_mem>>) src(%dma_wait3A_332 : memref<128x64xf32, #tpu.memory_space<vmem_shared>>) dst(%arg17 : memref<128x64xf32, #tpu.memory_space<vmem>>)
      %add3A_333 = arith.constant 384 : i32
      %add3A_334 = arith.addi %mul3A_2, %add3A_333 : i32
      %dma_start3A_335 = arith.constant 0 : i32
      %dma_start3A_336 = tpu.memref_slice %arg8[%add3A_334, %dma_start3A_335] : memref<10000x64xf32, #tpu.memory_space<hbm>> -> memref<128x64xf32, #tpu.memory_space<hbm>>
      %dma_start3A_337 = arith.constant 0 : i32
      %dma_start3A_338 = tpu.memref_slice %arg8[%add3A_334, %dma_start3A_337] : memref<10000x64xf32, #tpu.memory_space<hbm>> -> memref<128x64xf32, #tpu.memory_space<hbm>>
      tpu.enqueue_dma source(%arg17 : memref<128x64xf32, #tpu.memory_space<vmem>>) target(%dma_start3A_338 : memref<128x64xf32, #tpu.memory_space<hbm>>) target_semaphore(%arg35 : memref<!tpu.dma_semaphore, #tpu.memory_space<semaphore_mem>>)
      %dma_wait3A_339 = arith.constant 0 : i32
      %dma_wait3A_340 = arith.constant 0 : i32
      %dma_wait3A_341 = tpu.memref_slice %arg18[%dma_wait3A_339, %dma_wait3A_340] : memref<128x64xf32, #tpu.memory_space<vmem>> -> memref<112x64xf32, #tpu.memory_space<vmem>>
      %dma_wait3A_342 = arith.constant 0 : i32
      %dma_wait3A_343 = tpu.memref_slice %arg23[%add3A_288, %dma_wait3A_342] : memref<10000x64xf32, #tpu.memory_space<vmem_shared>> -> memref<112x64xf32, #tpu.memory_space<vmem_shared>>
      %dma_wait3A_344 = arith.constant 0 : i32
      %dma_wait3A_345 = arith.constant 0 : i32
      %dma_wait3A_346 = tpu.memref_slice %arg18[%dma_wait3A_344, %dma_wait3A_345] : memref<128x64xf32, #tpu.memory_space<vmem>> -> memref<112x64xf32, #tpu.memory_space<vmem>>
      %dma_wait3A_347 = arith.constant 0 : i32
      %dma_wait3A_348 = tpu.memref_slice %arg23[%add3A_288, %dma_wait3A_347] : memref<10000x64xf32, #tpu.memory_space<vmem_shared>> -> memref<112x64xf32, #tpu.memory_space<vmem_shared>>
      tpu.wait_dma2 semaphore(%arg28 : memref<!tpu.dma_semaphore, #tpu.memory_space<semaphore_mem>>) src(%dma_wait3A_348 : memref<112x64xf32, #tpu.memory_space<vmem_shared>>) dst(%dma_wait3A_346 : memref<112x64xf32, #tpu.memory_space<vmem>>)
      %add3A_349 = arith.constant 512 : i32
      %add3A_350 = arith.addi %mul3A_2, %add3A_349 : i32
      %dma_start3A_351 = arith.constant 0 : i32
      %dma_start3A_352 = arith.constant 0 : i32
      %dma_start3A_353 = tpu.memref_slice %arg18[%dma_start3A_351, %dma_start3A_352] : memref<128x64xf32, #tpu.memory_space<vmem>> -> memref<112x64xf32, #tpu.memory_space<vmem>>
      %dma_start3A_354 = arith.constant 0 : i32
      %dma_start3A_355 = tpu.memref_slice %arg8[%add3A_350, %dma_start3A_354] : memref<10000x64xf32, #tpu.memory_space<hbm>> -> memref<112x64xf32, #tpu.memory_space<hbm>>
      %dma_start3A_356 = arith.constant 0 : i32
      %dma_start3A_357 = tpu.memref_slice %arg8[%add3A_350, %dma_start3A_356] : memref<10000x64xf32, #tpu.memory_space<hbm>> -> memref<112x64xf32, #tpu.memory_space<hbm>>
      %dma_start3A_358 = arith.constant 0 : i32
      %dma_start3A_359 = arith.constant 0 : i32
      %dma_start3A_360 = tpu.memref_slice %arg18[%dma_start3A_358, %dma_start3A_359] : memref<128x64xf32, #tpu.memory_space<vmem>> -> memref<112x64xf32, #tpu.memory_space<vmem>>
      tpu.enqueue_dma source(%dma_start3A_360 : memref<112x64xf32, #tpu.memory_space<vmem>>) target(%dma_start3A_357 : memref<112x64xf32, #tpu.memory_space<hbm>>) target_semaphore(%arg36 : memref<!tpu.dma_semaphore, #tpu.memory_space<semaphore_mem>>)
      %eq3A_361 = arith.constant 15 : i32
      %eq3A_362 = arith.cmpi eq, %arg1, %eq3A_361 : i32
      %convert_element_type3A_363 = arith.extui %eq3A_362 : i1 to i32
      %cond3A_364 = arith.constant 0 : i32
      %cond3A_365 = arith.cmpi ne, %convert_element_type3A_363, %cond3A_364 : i32
      scf.if %cond3A_365 {
        "tpu.region"() ({
          %run_scoped3A_392 = tpu.sem_alloc : memref<!tpu.dma_semaphore, #tpu.memory_space<semaphore_mem>>
          %dma_start3A_393 = arith.constant 0 : i32
          %dma_start3A_394 = arith.constant 0 : i32
          %dma_start3A_395 = tpu.memref_slice %arg19[%dma_start3A_393, %dma_start3A_394] : memref<128x64xf32, #tpu.memory_space<vmem>> -> memref<16x64xf32, #tpu.memory_space<vmem>>
          %dma_start3A_396 = arith.constant 9984 : i32
          %dma_start3A_397 = arith.constant 0 : i32
          %dma_start3A_398 = tpu.memref_slice %arg23[%dma_start3A_396, %dma_start3A_397] : memref<10000x64xf32, #tpu.memory_space<vmem_shared>> -> memref<16x64xf32, #tpu.memory_space<vmem_shared>>
          %dma_start3A_399 = arith.constant 0 : i32
          %dma_start3A_400 = arith.constant 0 : i32
          %dma_start3A_401 = tpu.memref_slice %arg19[%dma_start3A_399, %dma_start3A_400] : memref<128x64xf32, #tpu.memory_space<vmem>> -> memref<16x64xf32, #tpu.memory_space<vmem>>
          %dma_start3A_402 = arith.constant 9984 : i32
          %dma_start3A_403 = arith.constant 0 : i32
          %dma_start3A_404 = tpu.memref_slice %arg23[%dma_start3A_402, %dma_start3A_403] : memref<10000x64xf32, #tpu.memory_space<vmem_shared>> -> memref<16x64xf32, #tpu.memory_space<vmem_shared>>
          tpu.enqueue_dma source(%dma_start3A_404 : memref<16x64xf32, #tpu.memory_space<vmem_shared>>) target(%dma_start3A_401 : memref<16x64xf32, #tpu.memory_space<vmem>>) target_semaphore(%run_scoped3A_392 : memref<!tpu.dma_semaphore, #tpu.memory_space<semaphore_mem>>)
          %dma_wait3A_405 = arith.constant 0 : i32
          %dma_wait3A_406 = arith.constant 0 : i32
          %dma_wait3A_407 = tpu.memref_slice %arg19[%dma_wait3A_405, %dma_wait3A_406] : memref<128x64xf32, #tpu.memory_space<vmem>> -> memref<16x64xf32, #tpu.memory_space<vmem>>
          %dma_wait3A_408 = arith.constant 9984 : i32
          %dma_wait3A_409 = arith.constant 0 : i32
          %dma_wait3A_410 = tpu.memref_slice %arg23[%dma_wait3A_408, %dma_wait3A_409] : memref<10000x64xf32, #tpu.memory_space<vmem_shared>> -> memref<16x64xf32, #tpu.memory_space<vmem_shared>>
          %dma_wait3A_411 = arith.constant 0 : i32
          %dma_wait3A_412 = arith.constant 0 : i32
          %dma_wait3A_413 = tpu.memref_slice %arg19[%dma_wait3A_411, %dma_wait3A_412] : memref<128x64xf32, #tpu.memory_space<vmem>> -> memref<16x64xf32, #tpu.memory_space<vmem>>
          %dma_wait3A_414 = arith.constant 9984 : i32
          %dma_wait3A_415 = arith.constant 0 : i32
          %dma_wait3A_416 = tpu.memref_slice %arg23[%dma_wait3A_414, %dma_wait3A_415] : memref<10000x64xf32, #tpu.memory_space<vmem_shared>> -> memref<16x64xf32, #tpu.memory_space<vmem_shared>>
          tpu.wait_dma2 semaphore(%run_scoped3A_392 : memref<!tpu.dma_semaphore, #tpu.memory_space<semaphore_mem>>) src(%dma_wait3A_416 : memref<16x64xf32, #tpu.memory_space<vmem_shared>>) dst(%dma_wait3A_413 : memref<16x64xf32, #tpu.memory_space<vmem>>)
          tpu.yield
        }) : () -> ()
        "tpu.region"() ({
          %run_scoped3A_392 = tpu.sem_alloc : memref<!tpu.dma_semaphore, #tpu.memory_space<semaphore_mem>>
          %dma_start3A_393 = arith.constant 0 : i32
          %dma_start3A_394 = arith.constant 0 : i32
          %dma_start3A_395 = tpu.memref_slice %arg19[%dma_start3A_393, %dma_start3A_394] : memref<128x64xf32, #tpu.memory_space<vmem>> -> memref<16x64xf32, #tpu.memory_space<vmem>>
          %dma_start3A_396 = arith.constant 9984 : i32
          %dma_start3A_397 = arith.constant 0 : i32
          %dma_start3A_398 = tpu.memref_slice %arg8[%dma_start3A_396, %dma_start3A_397] : memref<10000x64xf32, #tpu.memory_space<hbm>> -> memref<16x64xf32, #tpu.memory_space<hbm>>
          %dma_start3A_399 = arith.constant 9984 : i32
          %dma_start3A_400 = arith.constant 0 : i32
          %dma_start3A_401 = tpu.memref_slice %arg8[%dma_start3A_399, %dma_start3A_400] : memref<10000x64xf32, #tpu.memory_space<hbm>> -> memref<16x64xf32, #tpu.memory_space<hbm>>
          %dma_start3A_402 = arith.constant 0 : i32
          %dma_start3A_403 = arith.constant 0 : i32
          %dma_start3A_404 = tpu.memref_slice %arg19[%dma_start3A_402, %dma_start3A_403] : memref<128x64xf32, #tpu.memory_space<vmem>> -> memref<16x64xf32, #tpu.memory_space<vmem>>
          tpu.enqueue_dma source(%dma_start3A_404 : memref<16x64xf32, #tpu.memory_space<vmem>>) target(%dma_start3A_401 : memref<16x64xf32, #tpu.memory_space<hbm>>) target_semaphore(%run_scoped3A_392 : memref<!tpu.dma_semaphore, #tpu.memory_space<semaphore_mem>>)
          %dma_wait3A_405 = arith.constant 0 : i32
          %dma_wait3A_406 = arith.constant 0 : i32
          %dma_wait3A_407 = tpu.memref_slice %arg19[%dma_wait3A_405, %dma_wait3A_406] : memref<128x64xf32, #tpu.memory_space<vmem>> -> memref<16x64xf32, #tpu.memory_space<vmem>>
          %dma_wait3A_408 = arith.constant 9984 : i32
          %dma_wait3A_409 = arith.constant 0 : i32
          %dma_wait3A_410 = tpu.memref_slice %arg8[%dma_wait3A_408, %dma_wait3A_409] : memref<10000x64xf32, #tpu.memory_space<hbm>> -> memref<16x64xf32, #tpu.memory_space<hbm>>
          %dma_wait3A_411 = arith.constant 9984 : i32
          %dma_wait3A_412 = arith.constant 0 : i32
          %dma_wait3A_413 = tpu.memref_slice %arg8[%dma_wait3A_411, %dma_wait3A_412] : memref<10000x64xf32, #tpu.memory_space<hbm>> -> memref<16x64xf32, #tpu.memory_space<hbm>>
          %dma_wait3A_414 = arith.constant 0 : i32
          %dma_wait3A_415 = arith.constant 0 : i32
          %dma_wait3A_416 = tpu.memref_slice %arg19[%dma_wait3A_414, %dma_wait3A_415] : memref<128x64xf32, #tpu.memory_space<vmem>> -> memref<16x64xf32, #tpu.memory_space<vmem>>
          tpu.wait_dma2 semaphore(%run_scoped3A_392 : memref<!tpu.dma_semaphore, #tpu.memory_space<semaphore_mem>>) src(%dma_wait3A_416 : memref<16x64xf32, #tpu.memory_space<vmem>>) dst(%dma_wait3A_413 : memref<16x64xf32, #tpu.memory_space<hbm>>)
          tpu.yield
        }) : () -> ()
      } else {
      }
      %dma_wait3A_366 = arith.constant 0 : i32
      %dma_wait3A_367 = tpu.memref_slice %arg8[%add3A_304, %dma_wait3A_366] : memref<10000x64xf32, #tpu.memory_space<hbm>> -> memref<128x64xf32, #tpu.memory_space<hbm>>
      %dma_wait3A_368 = arith.constant 0 : i32
      %dma_wait3A_369 = tpu.memref_slice %arg8[%add3A_304, %dma_wait3A_368] : memref<10000x64xf32, #tpu.memory_space<hbm>> -> memref<128x64xf32, #tpu.memory_space<hbm>>
      tpu.wait_dma2 semaphore(%arg32 : memref<!tpu.dma_semaphore, #tpu.memory_space<semaphore_mem>>) src(%arg14 : memref<128x64xf32, #tpu.memory_space<vmem>>) dst(%dma_wait3A_369 : memref<128x64xf32, #tpu.memory_space<hbm>>)
      %dma_wait3A_370 = arith.constant 0 : i32
      %dma_wait3A_371 = tpu.memref_slice %arg8[%add3A_314, %dma_wait3A_370] : memref<10000x64xf32, #tpu.memory_space<hbm>> -> memref<128x64xf32, #tpu.memory_space<hbm>>
      %dma_wait3A_372 = arith.constant 0 : i32
      %dma_wait3A_373 = tpu.memref_slice %arg8[%add3A_314, %dma_wait3A_372] : memref<10000x64xf32, #tpu.memory_space<hbm>> -> memref<128x64xf32, #tpu.memory_space<hbm>>
      tpu.wait_dma2 semaphore(%arg33 : memref<!tpu.dma_semaphore, #tpu.memory_space<semaphore_mem>>) src(%arg15 : memref<128x64xf32, #tpu.memory_space<vmem>>) dst(%dma_wait3A_373 : memref<128x64xf32, #tpu.memory_space<hbm>>)
      %dma_wait3A_374 = arith.constant 0 : i32
      %dma_wait3A_375 = tpu.memref_slice %arg8[%add3A_324, %dma_wait3A_374] : memref<10000x64xf32, #tpu.memory_space<hbm>> -> memref<128x64xf32, #tpu.memory_space<hbm>>
      %dma_wait3A_376 = arith.constant 0 : i32
      %dma_wait3A_377 = tpu.memref_slice %arg8[%add3A_324, %dma_wait3A_376] : memref<10000x64xf32, #tpu.memory_space<hbm>> -> memref<128x64xf32, #tpu.memory_space<hbm>>
      tpu.wait_dma2 semaphore(%arg34 : memref<!tpu.dma_semaphore, #tpu.memory_space<semaphore_mem>>) src(%arg16 : memref<128x64xf32, #tpu.memory_space<vmem>>) dst(%dma_wait3A_377 : memref<128x64xf32, #tpu.memory_space<hbm>>)
      %dma_wait3A_378 = arith.constant 0 : i32
      %dma_wait3A_379 = tpu.memref_slice %arg8[%add3A_334, %dma_wait3A_378] : memref<10000x64xf32, #tpu.memory_space<hbm>> -> memref<128x64xf32, #tpu.memory_space<hbm>>
      %dma_wait3A_380 = arith.constant 0 : i32
      %dma_wait3A_381 = tpu.memref_slice %arg8[%add3A_334, %dma_wait3A_380] : memref<10000x64xf32, #tpu.memory_space<hbm>> -> memref<128x64xf32, #tpu.memory_space<hbm>>
      tpu.wait_dma2 semaphore(%arg35 : memref<!tpu.dma_semaphore, #tpu.memory_space<semaphore_mem>>) src(%arg17 : memref<128x64xf32, #tpu.memory_space<vmem>>) dst(%dma_wait3A_381 : memref<128x64xf32, #tpu.memory_space<hbm>>)
      %dma_wait3A_382 = arith.constant 0 : i32
      %dma_wait3A_383 = arith.constant 0 : i32
      %dma_wait3A_384 = tpu.memref_slice %arg18[%dma_wait3A_382, %dma_wait3A_383] : memref<128x64xf32, #tpu.memory_space<vmem>> -> memref<112x64xf32, #tpu.memory_space<vmem>>
      %dma_wait3A_385 = arith.constant 0 : i32
      %dma_wait3A_386 = tpu.memref_slice %arg8[%add3A_350, %dma_wait3A_385] : memref<10000x64xf32, #tpu.memory_space<hbm>> -> memref<112x64xf32, #tpu.memory_space<hbm>>
      %dma_wait3A_387 = arith.constant 0 : i32
      %dma_wait3A_388 = tpu.memref_slice %arg8[%add3A_350, %dma_wait3A_387] : memref<10000x64xf32, #tpu.memory_space<hbm>> -> memref<112x64xf32, #tpu.memory_space<hbm>>
      %dma_wait3A_389 = arith.constant 0 : i32
      %dma_wait3A_390 = arith.constant 0 : i32
      %dma_wait3A_391 = tpu.memref_slice %arg18[%dma_wait3A_389, %dma_wait3A_390] : memref<128x64xf32, #tpu.memory_space<vmem>> -> memref<112x64xf32, #tpu.memory_space<vmem>>
      tpu.wait_dma2 semaphore(%arg36 : memref<!tpu.dma_semaphore, #tpu.memory_space<semaphore_mem>>) src(%dma_wait3A_391 : memref<112x64xf32, #tpu.memory_space<vmem>>) dst(%dma_wait3A_388 : memref<112x64xf32, #tpu.memory_space<hbm>>)
    } else {
    }
    %eq3A_258 = arith.constant 1 : i32
    %eq3A_259 = arith.cmpi eq, %arg0, %eq3A_258 : i32
    %convert_element_type3A_260 = arith.extui %eq3A_259 : i1 to i32
    %cond3A_261 = arith.constant 0 : i32
    %cond3A_262 = arith.cmpi ne, %convert_element_type3A_260, %cond3A_261 : i32
    scf.if %cond3A_262 {
      %add3A_263 = arith.constant 0 : i32
      %add3A_264 = arith.addi %mul3A_2, %add3A_263 : i32
      %dma_start3A_265 = arith.constant 0 : i32
      %dma_start3A_266 = tpu.memref_slice %arg23[%add3A_264, %dma_start3A_265] : memref<10000x64xf32, #tpu.memory_space<vmem_shared>> -> memref<128x64xf32, #tpu.memory_space<vmem_shared>>
      %dma_start3A_267 = arith.constant 0 : i32
      %dma_start3A_268 = tpu.memref_slice %arg23[%add3A_264, %dma_start3A_267] : memref<10000x64xf32, #tpu.memory_space<vmem_shared>> -> memref<128x64xf32, #tpu.memory_space<vmem_shared>>
      tpu.enqueue_dma source(%dma_start3A_268 : memref<128x64xf32, #tpu.memory_space<vmem_shared>>) target(%arg14 : memref<128x64xf32, #tpu.memory_space<vmem>>) target_semaphore(%arg24 : memref<!tpu.dma_semaphore, #tpu.memory_space<semaphore_mem>>)
      %add3A_269 = arith.constant 128 : i32
      %add3A_270 = arith.addi %mul3A_2, %add3A_269 : i32
      %dma_start3A_271 = arith.constant 0 : i32
      %dma_start3A_272 = tpu.memref_slice %arg23[%add3A_270, %dma_start3A_271] : memref<10000x64xf32, #tpu.memory_space<vmem_shared>> -> memref<128x64xf32, #tpu.memory_space<vmem_shared>>
      %dma_start3A_273 = arith.constant 0 : i32
      %dma_start3A_274 = tpu.memref_slice %arg23[%add3A_270, %dma_start3A_273] : memref<10000x64xf32, #tpu.memory_space<vmem_shared>> -> memref<128x64xf32, #tpu.memory_space<vmem_shared>>
      tpu.enqueue_dma source(%dma_start3A_274 : memref<128x64xf32, #tpu.memory_space<vmem_shared>>) target(%arg15 : memref<128x64xf32, #tpu.memory_space<vmem>>) target_semaphore(%arg25 : memref<!tpu.dma_semaphore, #tpu.memory_space<semaphore_mem>>)
      %add3A_275 = arith.constant 256 : i32
      %add3A_276 = arith.addi %mul3A_2, %add3A_275 : i32
      %dma_start3A_277 = arith.constant 0 : i32
      %dma_start3A_278 = tpu.memref_slice %arg23[%add3A_276, %dma_start3A_277] : memref<10000x64xf32, #tpu.memory_space<vmem_shared>> -> memref<128x64xf32, #tpu.memory_space<vmem_shared>>
      %dma_start3A_279 = arith.constant 0 : i32
      %dma_start3A_280 = tpu.memref_slice %arg23[%add3A_276, %dma_start3A_279] : memref<10000x64xf32, #tpu.memory_space<vmem_shared>> -> memref<128x64xf32, #tpu.memory_space<vmem_shared>>
      tpu.enqueue_dma source(%dma_start3A_280 : memref<128x64xf32, #tpu.memory_space<vmem_shared>>) target(%arg16 : memref<128x64xf32, #tpu.memory_space<vmem>>) target_semaphore(%arg26 : memref<!tpu.dma_semaphore, #tpu.memory_space<semaphore_mem>>)
      %add3A_281 = arith.constant 384 : i32
      %add3A_282 = arith.addi %mul3A_2, %add3A_281 : i32
      %dma_start3A_283 = arith.constant 0 : i32
      %dma_start3A_284 = tpu.memref_slice %arg23[%add3A_282, %dma_start3A_283] : memref<10000x64xf32, #tpu.memory_space<vmem_shared>> -> memref<128x64xf32, #tpu.memory_space<vmem_shared>>
      %dma_start3A_285 = arith.constant 0 : i32
      %dma_start3A_286 = tpu.memref_slice %arg23[%add3A_282, %dma_start3A_285] : memref<10000x64xf32, #tpu.memory_space<vmem_shared>> -> memref<128x64xf32, #tpu.memory_space<vmem_shared>>
      tpu.enqueue_dma source(%dma_start3A_286 : memref<128x64xf32, #tpu.memory_space<vmem_shared>>) target(%arg17 : memref<128x64xf32, #tpu.memory_space<vmem>>) target_semaphore(%arg27 : memref<!tpu.dma_semaphore, #tpu.memory_space<semaphore_mem>>)
      %add3A_287 = arith.constant 512 : i32
      %add3A_288 = arith.addi %mul3A_2, %add3A_287 : i32
      %dma_start3A_289 = arith.constant 0 : i32
      %dma_start3A_290 = arith.constant 0 : i32
      %dma_start3A_291 = tpu.memref_slice %arg18[%dma_start3A_289, %dma_start3A_290] : memref<128x64xf32, #tpu.memory_space<vmem>> -> memref<112x64xf32, #tpu.memory_space<vmem>>
      %dma_start3A_292 = arith.constant 0 : i32
      %dma_start3A_293 = tpu.memref_slice %arg23[%add3A_288, %dma_start3A_292] : memref<10000x64xf32, #tpu.memory_space<vmem_shared>> -> memref<112x64xf32, #tpu.memory_space<vmem_shared>>
      %dma_start3A_294 = arith.constant 0 : i32
      %dma_start3A_295 = arith.constant 0 : i32
      %dma_start3A_296 = tpu.memref_slice %arg18[%dma_start3A_294, %dma_start3A_295] : memref<128x64xf32, #tpu.memory_space<vmem>> -> memref<112x64xf32, #tpu.memory_space<vmem>>
      %dma_start3A_297 = arith.constant 0 : i32
      %dma_start3A_298 = tpu.memref_slice %arg23[%add3A_288, %dma_start3A_297] : memref<10000x64xf32, #tpu.memory_space<vmem_shared>> -> memref<112x64xf32, #tpu.memory_space<vmem_shared>>
      tpu.enqueue_dma source(%dma_start3A_298 : memref<112x64xf32, #tpu.memory_space<vmem_shared>>) target(%dma_start3A_296 : memref<112x64xf32, #tpu.memory_space<vmem>>) target_semaphore(%arg28 : memref<!tpu.dma_semaphore, #tpu.memory_space<semaphore_mem>>)
      %dma_wait3A_299 = arith.constant 0 : i32
      %dma_wait3A_300 = tpu.memref_slice %arg23[%add3A_264, %dma_wait3A_299] : memref<10000x64xf32, #tpu.memory_space<vmem_shared>> -> memref<128x64xf32, #tpu.memory_space<vmem_shared>>
      %dma_wait3A_301 = arith.constant 0 : i32
      %dma_wait3A_302 = tpu.memref_slice %arg23[%add3A_264, %dma_wait3A_301] : memref<10000x64xf32, #tpu.memory_space<vmem_shared>> -> memref<128x64xf32, #tpu.memory_space<vmem_shared>>
      tpu.wait_dma2 semaphore(%arg24 : memref<!tpu.dma_semaphore, #tpu.memory_space<semaphore_mem>>) src(%dma_wait3A_302 : memref<128x64xf32, #tpu.memory_space<vmem_shared>>) dst(%arg14 : memref<128x64xf32, #tpu.memory_space<vmem>>)
      %add3A_303 = arith.constant 0 : i32
      %add3A_304 = arith.addi %mul3A_2, %add3A_303 : i32
      %dma_start3A_305 = arith.constant 0 : i32
      %dma_start3A_306 = tpu.memref_slice %arg9[%add3A_304, %dma_start3A_305] : memref<10000x64xf32, #tpu.memory_space<hbm>> -> memref<128x64xf32, #tpu.memory_space<hbm>>
      %dma_start3A_307 = arith.constant 0 : i32
      %dma_start3A_308 = tpu.memref_slice %arg9[%add3A_304, %dma_start3A_307] : memref<10000x64xf32, #tpu.memory_space<hbm>> -> memref<128x64xf32, #tpu.memory_space<hbm>>
      tpu.enqueue_dma source(%arg14 : memref<128x64xf32, #tpu.memory_space<vmem>>) target(%dma_start3A_308 : memref<128x64xf32, #tpu.memory_space<hbm>>) target_semaphore(%arg32 : memref<!tpu.dma_semaphore, #tpu.memory_space<semaphore_mem>>)
      %dma_wait3A_309 = arith.constant 0 : i32
      %dma_wait3A_310 = tpu.memref_slice %arg23[%add3A_270, %dma_wait3A_309] : memref<10000x64xf32, #tpu.memory_space<vmem_shared>> -> memref<128x64xf32, #tpu.memory_space<vmem_shared>>
      %dma_wait3A_311 = arith.constant 0 : i32
      %dma_wait3A_312 = tpu.memref_slice %arg23[%add3A_270, %dma_wait3A_311] : memref<10000x64xf32, #tpu.memory_space<vmem_shared>> -> memref<128x64xf32, #tpu.memory_space<vmem_shared>>
      tpu.wait_dma2 semaphore(%arg25 : memref<!tpu.dma_semaphore, #tpu.memory_space<semaphore_mem>>) src(%dma_wait3A_312 : memref<128x64xf32, #tpu.memory_space<vmem_shared>>) dst(%arg15 : memref<128x64xf32, #tpu.memory_space<vmem>>)
      %add3A_313 = arith.constant 128 : i32
      %add3A_314 = arith.addi %mul3A_2, %add3A_313 : i32
      %dma_start3A_315 = arith.constant 0 : i32
      %dma_start3A_316 = tpu.memref_slice %arg9[%add3A_314, %dma_start3A_315] : memref<10000x64xf32, #tpu.memory_space<hbm>> -> memref<128x64xf32, #tpu.memory_space<hbm>>
      %dma_start3A_317 = arith.constant 0 : i32
      %dma_start3A_318 = tpu.memref_slice %arg9[%add3A_314, %dma_start3A_317] : memref<10000x64xf32, #tpu.memory_space<hbm>> -> memref<128x64xf32, #tpu.memory_space<hbm>>
      tpu.enqueue_dma source(%arg15 : memref<128x64xf32, #tpu.memory_space<vmem>>) target(%dma_start3A_318 : memref<128x64xf32, #tpu.memory_space<hbm>>) target_semaphore(%arg33 : memref<!tpu.dma_semaphore, #tpu.memory_space<semaphore_mem>>)
      %dma_wait3A_319 = arith.constant 0 : i32
      %dma_wait3A_320 = tpu.memref_slice %arg23[%add3A_276, %dma_wait3A_319] : memref<10000x64xf32, #tpu.memory_space<vmem_shared>> -> memref<128x64xf32, #tpu.memory_space<vmem_shared>>
      %dma_wait3A_321 = arith.constant 0 : i32
      %dma_wait3A_322 = tpu.memref_slice %arg23[%add3A_276, %dma_wait3A_321] : memref<10000x64xf32, #tpu.memory_space<vmem_shared>> -> memref<128x64xf32, #tpu.memory_space<vmem_shared>>
      tpu.wait_dma2 semaphore(%arg26 : memref<!tpu.dma_semaphore, #tpu.memory_space<semaphore_mem>>) src(%dma_wait3A_322 : memref<128x64xf32, #tpu.memory_space<vmem_shared>>) dst(%arg16 : memref<128x64xf32, #tpu.memory_space<vmem>>)
      %add3A_323 = arith.constant 256 : i32
      %add3A_324 = arith.addi %mul3A_2, %add3A_323 : i32
      %dma_start3A_325 = arith.constant 0 : i32
      %dma_start3A_326 = tpu.memref_slice %arg9[%add3A_324, %dma_start3A_325] : memref<10000x64xf32, #tpu.memory_space<hbm>> -> memref<128x64xf32, #tpu.memory_space<hbm>>
      %dma_start3A_327 = arith.constant 0 : i32
      %dma_start3A_328 = tpu.memref_slice %arg9[%add3A_324, %dma_start3A_327] : memref<10000x64xf32, #tpu.memory_space<hbm>> -> memref<128x64xf32, #tpu.memory_space<hbm>>
      tpu.enqueue_dma source(%arg16 : memref<128x64xf32, #tpu.memory_space<vmem>>) target(%dma_start3A_328 : memref<128x64xf32, #tpu.memory_space<hbm>>) target_semaphore(%arg34 : memref<!tpu.dma_semaphore, #tpu.memory_space<semaphore_mem>>)
      %dma_wait3A_329 = arith.constant 0 : i32
      %dma_wait3A_330 = tpu.memref_slice %arg23[%add3A_282, %dma_wait3A_329] : memref<10000x64xf32, #tpu.memory_space<vmem_shared>> -> memref<128x64xf32, #tpu.memory_space<vmem_shared>>
      %dma_wait3A_331 = arith.constant 0 : i32
      %dma_wait3A_332 = tpu.memref_slice %arg23[%add3A_282, %dma_wait3A_331] : memref<10000x64xf32, #tpu.memory_space<vmem_shared>> -> memref<128x64xf32, #tpu.memory_space<vmem_shared>>
      tpu.wait_dma2 semaphore(%arg27 : memref<!tpu.dma_semaphore, #tpu.memory_space<semaphore_mem>>) src(%dma_wait3A_332 : memref<128x64xf32, #tpu.memory_space<vmem_shared>>) dst(%arg17 : memref<128x64xf32, #tpu.memory_space<vmem>>)
      %add3A_333 = arith.constant 384 : i32
      %add3A_334 = arith.addi %mul3A_2, %add3A_333 : i32
      %dma_start3A_335 = arith.constant 0 : i32
      %dma_start3A_336 = tpu.memref_slice %arg9[%add3A_334, %dma_start3A_335] : memref<10000x64xf32, #tpu.memory_space<hbm>> -> memref<128x64xf32, #tpu.memory_space<hbm>>
      %dma_start3A_337 = arith.constant 0 : i32
      %dma_start3A_338 = tpu.memref_slice %arg9[%add3A_334, %dma_start3A_337] : memref<10000x64xf32, #tpu.memory_space<hbm>> -> memref<128x64xf32, #tpu.memory_space<hbm>>
      tpu.enqueue_dma source(%arg17 : memref<128x64xf32, #tpu.memory_space<vmem>>) target(%dma_start3A_338 : memref<128x64xf32, #tpu.memory_space<hbm>>) target_semaphore(%arg35 : memref<!tpu.dma_semaphore, #tpu.memory_space<semaphore_mem>>)
      %dma_wait3A_339 = arith.constant 0 : i32
      %dma_wait3A_340 = arith.constant 0 : i32
      %dma_wait3A_341 = tpu.memref_slice %arg18[%dma_wait3A_339, %dma_wait3A_340] : memref<128x64xf32, #tpu.memory_space<vmem>> -> memref<112x64xf32, #tpu.memory_space<vmem>>
      %dma_wait3A_342 = arith.constant 0 : i32
      %dma_wait3A_343 = tpu.memref_slice %arg23[%add3A_288, %dma_wait3A_342] : memref<10000x64xf32, #tpu.memory_space<vmem_shared>> -> memref<112x64xf32, #tpu.memory_space<vmem_shared>>
      %dma_wait3A_344 = arith.constant 0 : i32
      %dma_wait3A_345 = arith.constant 0 : i32
      %dma_wait3A_346 = tpu.memref_slice %arg18[%dma_wait3A_344, %dma_wait3A_345] : memref<128x64xf32, #tpu.memory_space<vmem>> -> memref<112x64xf32, #tpu.memory_space<vmem>>
      %dma_wait3A_347 = arith.constant 0 : i32
      %dma_wait3A_348 = tpu.memref_slice %arg23[%add3A_288, %dma_wait3A_347] : memref<10000x64xf32, #tpu.memory_space<vmem_shared>> -> memref<112x64xf32, #tpu.memory_space<vmem_shared>>
      tpu.wait_dma2 semaphore(%arg28 : memref<!tpu.dma_semaphore, #tpu.memory_space<semaphore_mem>>) src(%dma_wait3A_348 : memref<112x64xf32, #tpu.memory_space<vmem_shared>>) dst(%dma_wait3A_346 : memref<112x64xf32, #tpu.memory_space<vmem>>)
      %add3A_349 = arith.constant 512 : i32
      %add3A_350 = arith.addi %mul3A_2, %add3A_349 : i32
      %dma_start3A_351 = arith.constant 0 : i32
      %dma_start3A_352 = arith.constant 0 : i32
      %dma_start3A_353 = tpu.memref_slice %arg18[%dma_start3A_351, %dma_start3A_352] : memref<128x64xf32, #tpu.memory_space<vmem>> -> memref<112x64xf32, #tpu.memory_space<vmem>>
      %dma_start3A_354 = arith.constant 0 : i32
      %dma_start3A_355 = tpu.memref_slice %arg9[%add3A_350, %dma_start3A_354] : memref<10000x64xf32, #tpu.memory_space<hbm>> -> memref<112x64xf32, #tpu.memory_space<hbm>>
      %dma_start3A_356 = arith.constant 0 : i32
      %dma_start3A_357 = tpu.memref_slice %arg9[%add3A_350, %dma_start3A_356] : memref<10000x64xf32, #tpu.memory_space<hbm>> -> memref<112x64xf32, #tpu.memory_space<hbm>>
      %dma_start3A_358 = arith.constant 0 : i32
      %dma_start3A_359 = arith.constant 0 : i32
      %dma_start3A_360 = tpu.memref_slice %arg18[%dma_start3A_358, %dma_start3A_359] : memref<128x64xf32, #tpu.memory_space<vmem>> -> memref<112x64xf32, #tpu.memory_space<vmem>>
      tpu.enqueue_dma source(%dma_start3A_360 : memref<112x64xf32, #tpu.memory_space<vmem>>) target(%dma_start3A_357 : memref<112x64xf32, #tpu.memory_space<hbm>>) target_semaphore(%arg36 : memref<!tpu.dma_semaphore, #tpu.memory_space<semaphore_mem>>)
      %eq3A_361 = arith.constant 15 : i32
      %eq3A_362 = arith.cmpi eq, %arg1, %eq3A_361 : i32
      %convert_element_type3A_363 = arith.extui %eq3A_362 : i1 to i32
      %cond3A_364 = arith.constant 0 : i32
      %cond3A_365 = arith.cmpi ne, %convert_element_type3A_363, %cond3A_364 : i32
      scf.if %cond3A_365 {
        "tpu.region"() ({
          %run_scoped3A_392 = tpu.sem_alloc : memref<!tpu.dma_semaphore, #tpu.memory_space<semaphore_mem>>
          %dma_start3A_393 = arith.constant 0 : i32
          %dma_start3A_394 = arith.constant 0 : i32
          %dma_start3A_395 = tpu.memref_slice %arg19[%dma_start3A_393, %dma_start3A_394] : memref<128x64xf32, #tpu.memory_space<vmem>> -> memref<16x64xf32, #tpu.memory_space<vmem>>
          %dma_start3A_396 = arith.constant 9984 : i32
          %dma_start3A_397 = arith.constant 0 : i32
          %dma_start3A_398 = tpu.memref_slice %arg23[%dma_start3A_396, %dma_start3A_397] : memref<10000x64xf32, #tpu.memory_space<vmem_shared>> -> memref<16x64xf32, #tpu.memory_space<vmem_shared>>
          %dma_start3A_399 = arith.constant 0 : i32
          %dma_start3A_400 = arith.constant 0 : i32
          %dma_start3A_401 = tpu.memref_slice %arg19[%dma_start3A_399, %dma_start3A_400] : memref<128x64xf32, #tpu.memory_space<vmem>> -> memref<16x64xf32, #tpu.memory_space<vmem>>
          %dma_start3A_402 = arith.constant 9984 : i32
          %dma_start3A_403 = arith.constant 0 : i32
          %dma_start3A_404 = tpu.memref_slice %arg23[%dma_start3A_402, %dma_start3A_403] : memref<10000x64xf32, #tpu.memory_space<vmem_shared>> -> memref<16x64xf32, #tpu.memory_space<vmem_shared>>
          tpu.enqueue_dma source(%dma_start3A_404 : memref<16x64xf32, #tpu.memory_space<vmem_shared>>) target(%dma_start3A_401 : memref<16x64xf32, #tpu.memory_space<vmem>>) target_semaphore(%run_scoped3A_392 : memref<!tpu.dma_semaphore, #tpu.memory_space<semaphore_mem>>)
          %dma_wait3A_405 = arith.constant 0 : i32
          %dma_wait3A_406 = arith.constant 0 : i32
          %dma_wait3A_407 = tpu.memref_slice %arg19[%dma_wait3A_405, %dma_wait3A_406] : memref<128x64xf32, #tpu.memory_space<vmem>> -> memref<16x64xf32, #tpu.memory_space<vmem>>
          %dma_wait3A_408 = arith.constant 9984 : i32
          %dma_wait3A_409 = arith.constant 0 : i32
          %dma_wait3A_410 = tpu.memref_slice %arg23[%dma_wait3A_408, %dma_wait3A_409] : memref<10000x64xf32, #tpu.memory_space<vmem_shared>> -> memref<16x64xf32, #tpu.memory_space<vmem_shared>>
          %dma_wait3A_411 = arith.constant 0 : i32
          %dma_wait3A_412 = arith.constant 0 : i32
          %dma_wait3A_413 = tpu.memref_slice %arg19[%dma_wait3A_411, %dma_wait3A_412] : memref<128x64xf32, #tpu.memory_space<vmem>> -> memref<16x64xf32, #tpu.memory_space<vmem>>
          %dma_wait3A_414 = arith.constant 9984 : i32
          %dma_wait3A_415 = arith.constant 0 : i32
          %dma_wait3A_416 = tpu.memref_slice %arg23[%dma_wait3A_414, %dma_wait3A_415] : memref<10000x64xf32, #tpu.memory_space<vmem_shared>> -> memref<16x64xf32, #tpu.memory_space<vmem_shared>>
          tpu.wait_dma2 semaphore(%run_scoped3A_392 : memref<!tpu.dma_semaphore, #tpu.memory_space<semaphore_mem>>) src(%dma_wait3A_416 : memref<16x64xf32, #tpu.memory_space<vmem_shared>>) dst(%dma_wait3A_413 : memref<16x64xf32, #tpu.memory_space<vmem>>)
          tpu.yield
        }) : () -> ()
        "tpu.region"() ({
          %run_scoped3A_392 = tpu.sem_alloc : memref<!tpu.dma_semaphore, #tpu.memory_space<semaphore_mem>>
          %dma_start3A_393 = arith.constant 0 : i32
          %dma_start3A_394 = arith.constant 0 : i32
          %dma_start3A_395 = tpu.memref_slice %arg19[%dma_start3A_393, %dma_start3A_394] : memref<128x64xf32, #tpu.memory_space<vmem>> -> memref<16x64xf32, #tpu.memory_space<vmem>>
          %dma_start3A_396 = arith.constant 9984 : i32
          %dma_start3A_397 = arith.constant 0 : i32
          %dma_start3A_398 = tpu.memref_slice %arg9[%dma_start3A_396, %dma_start3A_397] : memref<10000x64xf32, #tpu.memory_space<hbm>> -> memref<16x64xf32, #tpu.memory_space<hbm>>
          %dma_start3A_399 = arith.constant 9984 : i32
          %dma_start3A_400 = arith.constant 0 : i32
          %dma_start3A_401 = tpu.memref_slice %arg9[%dma_start3A_399, %dma_start3A_400] : memref<10000x64xf32, #tpu.memory_space<hbm>> -> memref<16x64xf32, #tpu.memory_space<hbm>>
          %dma_start3A_402 = arith.constant 0 : i32
          %dma_start3A_403 = arith.constant 0 : i32
          %dma_start3A_404 = tpu.memref_slice %arg19[%dma_start3A_402, %dma_start3A_403] : memref<128x64xf32, #tpu.memory_space<vmem>> -> memref<16x64xf32, #tpu.memory_space<vmem>>
          tpu.enqueue_dma source(%dma_start3A_404 : memref<16x64xf32, #tpu.memory_space<vmem>>) target(%dma_start3A_401 : memref<16x64xf32, #tpu.memory_space<hbm>>) target_semaphore(%run_scoped3A_392 : memref<!tpu.dma_semaphore, #tpu.memory_space<semaphore_mem>>)
          %dma_wait3A_405 = arith.constant 0 : i32
          %dma_wait3A_406 = arith.constant 0 : i32
          %dma_wait3A_407 = tpu.memref_slice %arg19[%dma_wait3A_405, %dma_wait3A_406] : memref<128x64xf32, #tpu.memory_space<vmem>> -> memref<16x64xf32, #tpu.memory_space<vmem>>
          %dma_wait3A_408 = arith.constant 9984 : i32
          %dma_wait3A_409 = arith.constant 0 : i32
          %dma_wait3A_410 = tpu.memref_slice %arg9[%dma_wait3A_408, %dma_wait3A_409] : memref<10000x64xf32, #tpu.memory_space<hbm>> -> memref<16x64xf32, #tpu.memory_space<hbm>>
          %dma_wait3A_411 = arith.constant 9984 : i32
          %dma_wait3A_412 = arith.constant 0 : i32
          %dma_wait3A_413 = tpu.memref_slice %arg9[%dma_wait3A_411, %dma_wait3A_412] : memref<10000x64xf32, #tpu.memory_space<hbm>> -> memref<16x64xf32, #tpu.memory_space<hbm>>
          %dma_wait3A_414 = arith.constant 0 : i32
          %dma_wait3A_415 = arith.constant 0 : i32
          %dma_wait3A_416 = tpu.memref_slice %arg19[%dma_wait3A_414, %dma_wait3A_415] : memref<128x64xf32, #tpu.memory_space<vmem>> -> memref<16x64xf32, #tpu.memory_space<vmem>>
          tpu.wait_dma2 semaphore(%run_scoped3A_392 : memref<!tpu.dma_semaphore, #tpu.memory_space<semaphore_mem>>) src(%dma_wait3A_416 : memref<16x64xf32, #tpu.memory_space<vmem>>) dst(%dma_wait3A_413 : memref<16x64xf32, #tpu.memory_space<hbm>>)
          tpu.yield
        }) : () -> ()
      } else {
      }
      %dma_wait3A_366 = arith.constant 0 : i32
      %dma_wait3A_367 = tpu.memref_slice %arg9[%add3A_304, %dma_wait3A_366] : memref<10000x64xf32, #tpu.memory_space<hbm>> -> memref<128x64xf32, #tpu.memory_space<hbm>>
      %dma_wait3A_368 = arith.constant 0 : i32
      %dma_wait3A_369 = tpu.memref_slice %arg9[%add3A_304, %dma_wait3A_368] : memref<10000x64xf32, #tpu.memory_space<hbm>> -> memref<128x64xf32, #tpu.memory_space<hbm>>
      tpu.wait_dma2 semaphore(%arg32 : memref<!tpu.dma_semaphore, #tpu.memory_space<semaphore_mem>>) src(%arg14 : memref<128x64xf32, #tpu.memory_space<vmem>>) dst(%dma_wait3A_369 : memref<128x64xf32, #tpu.memory_space<hbm>>)
      %dma_wait3A_370 = arith.constant 0 : i32
      %dma_wait3A_371 = tpu.memref_slice %arg9[%add3A_314, %dma_wait3A_370] : memref<10000x64xf32, #tpu.memory_space<hbm>> -> memref<128x64xf32, #tpu.memory_space<hbm>>
      %dma_wait3A_372 = arith.constant 0 : i32
      %dma_wait3A_373 = tpu.memref_slice %arg9[%add3A_314, %dma_wait3A_372] : memref<10000x64xf32, #tpu.memory_space<hbm>> -> memref<128x64xf32, #tpu.memory_space<hbm>>
      tpu.wait_dma2 semaphore(%arg33 : memref<!tpu.dma_semaphore, #tpu.memory_space<semaphore_mem>>) src(%arg15 : memref<128x64xf32, #tpu.memory_space<vmem>>) dst(%dma_wait3A_373 : memref<128x64xf32, #tpu.memory_space<hbm>>)
      %dma_wait3A_374 = arith.constant 0 : i32
      %dma_wait3A_375 = tpu.memref_slice %arg9[%add3A_324, %dma_wait3A_374] : memref<10000x64xf32, #tpu.memory_space<hbm>> -> memref<128x64xf32, #tpu.memory_space<hbm>>
      %dma_wait3A_376 = arith.constant 0 : i32
      %dma_wait3A_377 = tpu.memref_slice %arg9[%add3A_324, %dma_wait3A_376] : memref<10000x64xf32, #tpu.memory_space<hbm>> -> memref<128x64xf32, #tpu.memory_space<hbm>>
      tpu.wait_dma2 semaphore(%arg34 : memref<!tpu.dma_semaphore, #tpu.memory_space<semaphore_mem>>) src(%arg16 : memref<128x64xf32, #tpu.memory_space<vmem>>) dst(%dma_wait3A_377 : memref<128x64xf32, #tpu.memory_space<hbm>>)
      %dma_wait3A_378 = arith.constant 0 : i32
      %dma_wait3A_379 = tpu.memref_slice %arg9[%add3A_334, %dma_wait3A_378] : memref<10000x64xf32, #tpu.memory_space<hbm>> -> memref<128x64xf32, #tpu.memory_space<hbm>>
      %dma_wait3A_380 = arith.constant 0 : i32
      %dma_wait3A_381 = tpu.memref_slice %arg9[%add3A_334, %dma_wait3A_380] : memref<10000x64xf32, #tpu.memory_space<hbm>> -> memref<128x64xf32, #tpu.memory_space<hbm>>
      tpu.wait_dma2 semaphore(%arg35 : memref<!tpu.dma_semaphore, #tpu.memory_space<semaphore_mem>>) src(%arg17 : memref<128x64xf32, #tpu.memory_space<vmem>>) dst(%dma_wait3A_381 : memref<128x64xf32, #tpu.memory_space<hbm>>)
      %dma_wait3A_382 = arith.constant 0 : i32
      %dma_wait3A_383 = arith.constant 0 : i32
      %dma_wait3A_384 = tpu.memref_slice %arg18[%dma_wait3A_382, %dma_wait3A_383] : memref<128x64xf32, #tpu.memory_space<vmem>> -> memref<112x64xf32, #tpu.memory_space<vmem>>
      %dma_wait3A_385 = arith.constant 0 : i32
      %dma_wait3A_386 = tpu.memref_slice %arg9[%add3A_350, %dma_wait3A_385] : memref<10000x64xf32, #tpu.memory_space<hbm>> -> memref<112x64xf32, #tpu.memory_space<hbm>>
      %dma_wait3A_387 = arith.constant 0 : i32
      %dma_wait3A_388 = tpu.memref_slice %arg9[%add3A_350, %dma_wait3A_387] : memref<10000x64xf32, #tpu.memory_space<hbm>> -> memref<112x64xf32, #tpu.memory_space<hbm>>
      %dma_wait3A_389 = arith.constant 0 : i32
      %dma_wait3A_390 = arith.constant 0 : i32
      %dma_wait3A_391 = tpu.memref_slice %arg18[%dma_wait3A_389, %dma_wait3A_390] : memref<128x64xf32, #tpu.memory_space<vmem>> -> memref<112x64xf32, #tpu.memory_space<vmem>>
      tpu.wait_dma2 semaphore(%arg36 : memref<!tpu.dma_semaphore, #tpu.memory_space<semaphore_mem>>) src(%dma_wait3A_391 : memref<112x64xf32, #tpu.memory_space<vmem>>) dst(%dma_wait3A_388 : memref<112x64xf32, #tpu.memory_space<hbm>>)
    } else {
    }
    return
  }
}

#map = affine_map<(d0, d1) -> (0, 0)>
#map1 = affine_map<(d0, d1) -> (0, 0, 0)>
module attributes {stable_mosaic.version = 14 : i64} {
  func.func @_mp(%arg0: i32, %arg1: i32, %arg2: memref<10000x64xf32, #tpu.memory_space<hbm>>, %arg3: memref<32x78x128xi32, #tpu.memory_space<hbm>>, %arg4: memref<32x78x128xi32, #tpu.memory_space<hbm>>, %arg5: memref<32x1x16xi32, #tpu.memory_space<hbm>>, %arg6: memref<32x1x16xi32, #tpu.memory_space<hbm>>, %arg7: memref<128x64xf32, #tpu.memory_space<hbm>>, %arg8: memref<10000x64xf32, #tpu.memory_space<hbm>>, %arg9: memref<10000x64xf32, #tpu.memory_space<hbm>>, %arg10: memref<78x128xi32, #tpu.memory_space<vmem>>, %arg11: memref<78x128xi32, #tpu.memory_space<vmem>>, %arg12: memref<1x16xi32, #tpu.memory_space<vmem>>, %arg13: memref<1x16xi32, #tpu.memory_space<vmem>>, %arg14: memref<128x64xf32, #tpu.memory_space<vmem>>, %arg15: memref<128x64xf32, #tpu.memory_space<vmem>>, %arg16: memref<128x64xf32, #tpu.memory_space<vmem>>, %arg17: memref<128x64xf32, #tpu.memory_space<vmem>>, %arg18: memref<128x64xf32, #tpu.memory_space<vmem>>, %arg19: memref<128x64xf32, #tpu.memory_space<vmem>>, %arg20: memref<128x64xf32, #tpu.memory_space<vmem>>, %arg21: memref<128x64xf32, #tpu.memory_space<vmem>>, %arg22: memref<16x64xf32, #tpu.memory_space<vmem>>, %arg23: memref<10000x64xf32, #tpu.memory_space<vmem_shared>>, %arg24: memref<!tpu.dma_semaphore, #tpu.memory_space<semaphore_mem>>, %arg25: memref<!tpu.dma_semaphore, #tpu.memory_space<semaphore_mem>>, %arg26: memref<!tpu.dma_semaphore, #tpu.memory_space<semaphore_mem>>, %arg27: memref<!tpu.dma_semaphore, #tpu.memory_space<semaphore_mem>>, %arg28: memref<!tpu.dma_semaphore, #tpu.memory_space<semaphore_mem>>, %arg29: memref<!tpu.dma_semaphore, #tpu.memory_space<semaphore_mem>>, %arg30: memref<!tpu.dma_semaphore, #tpu.memory_space<semaphore_mem>>, %arg31: memref<!tpu.dma_semaphore, #tpu.memory_space<semaphore_mem>>, %arg32: memref<!tpu.dma_semaphore, #tpu.memory_space<semaphore_mem>>, %arg33: memref<!tpu.dma_semaphore, #tpu.memory_space<semaphore_mem>>, %arg34: memref<!tpu.dma_semaphore, #tpu.memory_space<semaphore_mem>>, %arg35: memref<!tpu.dma_semaphore, #tpu.memory_space<semaphore_mem>>, %arg36: memref<!tpu.dma_semaphore, #tpu.memory_space<semaphore_mem>>, %arg37: memref<!tpu.dma_semaphore, #tpu.memory_space<semaphore_mem>>, %arg38: memref<!tpu.dma_semaphore, #tpu.memory_space<semaphore_mem>>, %arg39: memref<!tpu.dma_semaphore, #tpu.memory_space<semaphore_mem>>) attributes {dimension_semantics = [#tpu.dimension_semantics<core_parallel>, #tpu.dimension_semantics<subcore_parallel>], iteration_bounds = array<i64: 2, 16>, scalar_prefetch = 0 : i64, scratch_operands = 30 : i64, tpu.core_type = #tpu.core_type<sc_vector_subcore>, window_params = [{transform_indices = #map}, {transform_indices = #map1}, {transform_indices = #map1}, {transform_indices = #map1}, {transform_indices = #map1}, {transform_indices = #map}, {transform_indices = #map}, {transform_indices = #map}]} {
    %mul3A = arith.constant 16 : i32
    %mul3A_0 = arith.muli %arg0, %mul3A : i32
    %add3A = arith.addi %mul3A_0, %arg1 : i32
    "tpu.region"() ({
      %run_scoped3A_263 = tpu.sem_alloc : memref<!tpu.dma_semaphore, #tpu.memory_space<semaphore_mem>>
      %dma_start3A_264 = arith.constant 0 : i32
      %dma_start3A_265 = arith.constant 0 : i32
      %dma_start3A_266 = tpu.memref_slice %arg3[%add3A, %dma_start3A_264, %dma_start3A_265] : memref<32x78x128xi32, #tpu.memory_space<hbm>> -> memref<1x78x128xi32, #tpu.memory_space<hbm>>
      %dma_start3A_267 = tpu.memref_squeeze %dma_start3A_266 : memref<1x78x128xi32, #tpu.memory_space<hbm>> -> memref<78x128xi32, #tpu.memory_space<hbm>>
      %dma_start3A_268 = arith.constant 0 : i32
      %dma_start3A_269 = arith.constant 0 : i32
      %dma_start3A_270 = tpu.memref_slice %arg3[%add3A, %dma_start3A_268, %dma_start3A_269] : memref<32x78x128xi32, #tpu.memory_space<hbm>> -> memref<1x78x128xi32, #tpu.memory_space<hbm>>
      %dma_start3A_271 = tpu.memref_squeeze %dma_start3A_270 : memref<1x78x128xi32, #tpu.memory_space<hbm>> -> memref<78x128xi32, #tpu.memory_space<hbm>>
      tpu.enqueue_dma source(%dma_start3A_271 : memref<78x128xi32, #tpu.memory_space<hbm>>) target(%arg10 : memref<78x128xi32, #tpu.memory_space<vmem>>) target_semaphore(%run_scoped3A_263 : memref<!tpu.dma_semaphore, #tpu.memory_space<semaphore_mem>>)
      %dma_wait3A_272 = arith.constant 0 : i32
      %dma_wait3A_273 = arith.constant 0 : i32
      %dma_wait3A_274 = tpu.memref_slice %arg3[%add3A, %dma_wait3A_272, %dma_wait3A_273] : memref<32x78x128xi32, #tpu.memory_space<hbm>> -> memref<1x78x128xi32, #tpu.memory_space<hbm>>
      %dma_wait3A_275 = tpu.memref_squeeze %dma_wait3A_274 : memref<1x78x128xi32, #tpu.memory_space<hbm>> -> memref<78x128xi32, #tpu.memory_space<hbm>>
      %dma_wait3A_276 = arith.constant 0 : i32
      %dma_wait3A_277 = arith.constant 0 : i32
      %dma_wait3A_278 = tpu.memref_slice %arg3[%add3A, %dma_wait3A_276, %dma_wait3A_277] : memref<32x78x128xi32, #tpu.memory_space<hbm>> -> memref<1x78x128xi32, #tpu.memory_space<hbm>>
      %dma_wait3A_279 = tpu.memref_squeeze %dma_wait3A_278 : memref<1x78x128xi32, #tpu.memory_space<hbm>> -> memref<78x128xi32, #tpu.memory_space<hbm>>
      tpu.wait_dma2 semaphore(%run_scoped3A_263 : memref<!tpu.dma_semaphore, #tpu.memory_space<semaphore_mem>>) src(%dma_wait3A_279 : memref<78x128xi32, #tpu.memory_space<hbm>>) dst(%arg10 : memref<78x128xi32, #tpu.memory_space<vmem>>)
      tpu.yield
    }) : () -> ()
    "tpu.region"() ({
      %run_scoped3A_263 = tpu.sem_alloc : memref<!tpu.dma_semaphore, #tpu.memory_space<semaphore_mem>>
      %dma_start3A_264 = arith.constant 0 : i32
      %dma_start3A_265 = arith.constant 0 : i32
      %dma_start3A_266 = tpu.memref_slice %arg4[%add3A, %dma_start3A_264, %dma_start3A_265] : memref<32x78x128xi32, #tpu.memory_space<hbm>> -> memref<1x78x128xi32, #tpu.memory_space<hbm>>
      %dma_start3A_267 = tpu.memref_squeeze %dma_start3A_266 : memref<1x78x128xi32, #tpu.memory_space<hbm>> -> memref<78x128xi32, #tpu.memory_space<hbm>>
      %dma_start3A_268 = arith.constant 0 : i32
      %dma_start3A_269 = arith.constant 0 : i32
      %dma_start3A_270 = tpu.memref_slice %arg4[%add3A, %dma_start3A_268, %dma_start3A_269] : memref<32x78x128xi32, #tpu.memory_space<hbm>> -> memref<1x78x128xi32, #tpu.memory_space<hbm>>
      %dma_start3A_271 = tpu.memref_squeeze %dma_start3A_270 : memref<1x78x128xi32, #tpu.memory_space<hbm>> -> memref<78x128xi32, #tpu.memory_space<hbm>>
      tpu.enqueue_dma source(%dma_start3A_271 : memref<78x128xi32, #tpu.memory_space<hbm>>) target(%arg11 : memref<78x128xi32, #tpu.memory_space<vmem>>) target_semaphore(%run_scoped3A_263 : memref<!tpu.dma_semaphore, #tpu.memory_space<semaphore_mem>>)
      %dma_wait3A_272 = arith.constant 0 : i32
      %dma_wait3A_273 = arith.constant 0 : i32
      %dma_wait3A_274 = tpu.memref_slice %arg4[%add3A, %dma_wait3A_272, %dma_wait3A_273] : memref<32x78x128xi32, #tpu.memory_space<hbm>> -> memref<1x78x128xi32, #tpu.memory_space<hbm>>
      %dma_wait3A_275 = tpu.memref_squeeze %dma_wait3A_274 : memref<1x78x128xi32, #tpu.memory_space<hbm>> -> memref<78x128xi32, #tpu.memory_space<hbm>>
      %dma_wait3A_276 = arith.constant 0 : i32
      %dma_wait3A_277 = arith.constant 0 : i32
      %dma_wait3A_278 = tpu.memref_slice %arg4[%add3A, %dma_wait3A_276, %dma_wait3A_277] : memref<32x78x128xi32, #tpu.memory_space<hbm>> -> memref<1x78x128xi32, #tpu.memory_space<hbm>>
      %dma_wait3A_279 = tpu.memref_squeeze %dma_wait3A_278 : memref<1x78x128xi32, #tpu.memory_space<hbm>> -> memref<78x128xi32, #tpu.memory_space<hbm>>
      tpu.wait_dma2 semaphore(%run_scoped3A_263 : memref<!tpu.dma_semaphore, #tpu.memory_space<semaphore_mem>>) src(%dma_wait3A_279 : memref<78x128xi32, #tpu.memory_space<hbm>>) dst(%arg11 : memref<78x128xi32, #tpu.memory_space<vmem>>)
      tpu.yield
    }) : () -> ()
    "tpu.region"() ({
      %run_scoped3A_263 = tpu.sem_alloc : memref<!tpu.dma_semaphore, #tpu.memory_space<semaphore_mem>>
      %dma_start3A_264 = arith.constant 0 : i32
      %dma_start3A_265 = arith.constant 0 : i32
      %dma_start3A_266 = tpu.memref_slice %arg5[%add3A, %dma_start3A_264, %dma_start3A_265] : memref<32x1x16xi32, #tpu.memory_space<hbm>> -> memref<1x1x16xi32, #tpu.memory_space<hbm>>
      %dma_start3A_267 = tpu.memref_squeeze %dma_start3A_266 : memref<1x1x16xi32, #tpu.memory_space<hbm>> -> memref<1x16xi32, #tpu.memory_space<hbm>>
      %dma_start3A_268 = arith.constant 0 : i32
      %dma_start3A_269 = arith.constant 0 : i32
      %dma_start3A_270 = tpu.memref_slice %arg5[%add3A, %dma_start3A_268, %dma_start3A_269] : memref<32x1x16xi32, #tpu.memory_space<hbm>> -> memref<1x1x16xi32, #tpu.memory_space<hbm>>
      %dma_start3A_271 = tpu.memref_squeeze %dma_start3A_270 : memref<1x1x16xi32, #tpu.memory_space<hbm>> -> memref<1x16xi32, #tpu.memory_space<hbm>>
      tpu.enqueue_dma source(%dma_start3A_271 : memref<1x16xi32, #tpu.memory_space<hbm>>) target(%arg12 : memref<1x16xi32, #tpu.memory_space<vmem>>) target_semaphore(%run_scoped3A_263 : memref<!tpu.dma_semaphore, #tpu.memory_space<semaphore_mem>>)
      %dma_wait3A_272 = arith.constant 0 : i32
      %dma_wait3A_273 = arith.constant 0 : i32
      %dma_wait3A_274 = tpu.memref_slice %arg5[%add3A, %dma_wait3A_272, %dma_wait3A_273] : memref<32x1x16xi32, #tpu.memory_space<hbm>> -> memref<1x1x16xi32, #tpu.memory_space<hbm>>
      %dma_wait3A_275 = tpu.memref_squeeze %dma_wait3A_274 : memref<1x1x16xi32, #tpu.memory_space<hbm>> -> memref<1x16xi32, #tpu.memory_space<hbm>>
      %dma_wait3A_276 = arith.constant 0 : i32
      %dma_wait3A_277 = arith.constant 0 : i32
      %dma_wait3A_278 = tpu.memref_slice %arg5[%add3A, %dma_wait3A_276, %dma_wait3A_277] : memref<32x1x16xi32, #tpu.memory_space<hbm>> -> memref<1x1x16xi32, #tpu.memory_space<hbm>>
      %dma_wait3A_279 = tpu.memref_squeeze %dma_wait3A_278 : memref<1x1x16xi32, #tpu.memory_space<hbm>> -> memref<1x16xi32, #tpu.memory_space<hbm>>
      tpu.wait_dma2 semaphore(%run_scoped3A_263 : memref<!tpu.dma_semaphore, #tpu.memory_space<semaphore_mem>>) src(%dma_wait3A_279 : memref<1x16xi32, #tpu.memory_space<hbm>>) dst(%arg12 : memref<1x16xi32, #tpu.memory_space<vmem>>)
      tpu.yield
    }) : () -> ()
    "tpu.region"() ({
      %run_scoped3A_263 = tpu.sem_alloc : memref<!tpu.dma_semaphore, #tpu.memory_space<semaphore_mem>>
      %dma_start3A_264 = arith.constant 0 : i32
      %dma_start3A_265 = arith.constant 0 : i32
      %dma_start3A_266 = tpu.memref_slice %arg6[%add3A, %dma_start3A_264, %dma_start3A_265] : memref<32x1x16xi32, #tpu.memory_space<hbm>> -> memref<1x1x16xi32, #tpu.memory_space<hbm>>
      %dma_start3A_267 = tpu.memref_squeeze %dma_start3A_266 : memref<1x1x16xi32, #tpu.memory_space<hbm>> -> memref<1x16xi32, #tpu.memory_space<hbm>>
      %dma_start3A_268 = arith.constant 0 : i32
      %dma_start3A_269 = arith.constant 0 : i32
      %dma_start3A_270 = tpu.memref_slice %arg6[%add3A, %dma_start3A_268, %dma_start3A_269] : memref<32x1x16xi32, #tpu.memory_space<hbm>> -> memref<1x1x16xi32, #tpu.memory_space<hbm>>
      %dma_start3A_271 = tpu.memref_squeeze %dma_start3A_270 : memref<1x1x16xi32, #tpu.memory_space<hbm>> -> memref<1x16xi32, #tpu.memory_space<hbm>>
      tpu.enqueue_dma source(%dma_start3A_271 : memref<1x16xi32, #tpu.memory_space<hbm>>) target(%arg13 : memref<1x16xi32, #tpu.memory_space<vmem>>) target_semaphore(%run_scoped3A_263 : memref<!tpu.dma_semaphore, #tpu.memory_space<semaphore_mem>>)
      %dma_wait3A_272 = arith.constant 0 : i32
      %dma_wait3A_273 = arith.constant 0 : i32
      %dma_wait3A_274 = tpu.memref_slice %arg6[%add3A, %dma_wait3A_272, %dma_wait3A_273] : memref<32x1x16xi32, #tpu.memory_space<hbm>> -> memref<1x1x16xi32, #tpu.memory_space<hbm>>
      %dma_wait3A_275 = tpu.memref_squeeze %dma_wait3A_274 : memref<1x1x16xi32, #tpu.memory_space<hbm>> -> memref<1x16xi32, #tpu.memory_space<hbm>>
      %dma_wait3A_276 = arith.constant 0 : i32
      %dma_wait3A_277 = arith.constant 0 : i32
      %dma_wait3A_278 = tpu.memref_slice %arg6[%add3A, %dma_wait3A_276, %dma_wait3A_277] : memref<32x1x16xi32, #tpu.memory_space<hbm>> -> memref<1x1x16xi32, #tpu.memory_space<hbm>>
      %dma_wait3A_279 = tpu.memref_squeeze %dma_wait3A_278 : memref<1x1x16xi32, #tpu.memory_space<hbm>> -> memref<1x16xi32, #tpu.memory_space<hbm>>
      tpu.wait_dma2 semaphore(%run_scoped3A_263 : memref<!tpu.dma_semaphore, #tpu.memory_space<semaphore_mem>>) src(%dma_wait3A_279 : memref<1x16xi32, #tpu.memory_space<hbm>>) dst(%arg13 : memref<1x16xi32, #tpu.memory_space<vmem>>)
      tpu.yield
    }) : () -> ()
    %mul3A_1 = arith.constant 624 : i32
    %mul3A_2 = arith.muli %arg1, %mul3A_1 : i32
    "tpu.region"() ({
      %run_scoped3A_263 = tpu.sem_alloc : memref<!tpu.dma_semaphore, #tpu.memory_space<semaphore_mem>>
      tpu.enqueue_dma source(%arg7 : memref<128x64xf32, #tpu.memory_space<hbm>>) target(%arg14 : memref<128x64xf32, #tpu.memory_space<vmem>>) target_semaphore(%run_scoped3A_263 : memref<!tpu.dma_semaphore, #tpu.memory_space<semaphore_mem>>)
      tpu.wait_dma2 semaphore(%run_scoped3A_263 : memref<!tpu.dma_semaphore, #tpu.memory_space<semaphore_mem>>) src(%arg7 : memref<128x64xf32, #tpu.memory_space<hbm>>) dst(%arg14 : memref<128x64xf32, #tpu.memory_space<vmem>>)
      tpu.yield
    }) : () -> ()
    %add3A_3 = arith.constant 0 : i32
    %add3A_4 = arith.addi %mul3A_2, %add3A_3 : i32
    %dma_start3A = arith.constant 0 : i32
    %dma_start3A_5 = tpu.memref_slice %arg23[%add3A_4, %dma_start3A] : memref<10000x64xf32, #tpu.memory_space<vmem_shared>> -> memref<128x64xf32, #tpu.memory_space<vmem_shared>>
    %dma_start3A_6 = arith.constant 0 : i32
    %dma_start3A_7 = tpu.memref_slice %arg23[%add3A_4, %dma_start3A_6] : memref<10000x64xf32, #tpu.memory_space<vmem_shared>> -> memref<128x64xf32, #tpu.memory_space<vmem_shared>>
    tpu.enqueue_dma source(%arg14 : memref<128x64xf32, #tpu.memory_space<vmem>>) target(%dma_start3A_7 : memref<128x64xf32, #tpu.memory_space<vmem_shared>>) target_semaphore(%arg24 : memref<!tpu.dma_semaphore, #tpu.memory_space<semaphore_mem>>)
    %add3A_8 = arith.constant 128 : i32
    %add3A_9 = arith.addi %mul3A_2, %add3A_8 : i32
    %dma_start3A_10 = arith.constant 0 : i32
    %dma_start3A_11 = tpu.memref_slice %arg23[%add3A_9, %dma_start3A_10] : memref<10000x64xf32, #tpu.memory_space<vmem_shared>> -> memref<128x64xf32, #tpu.memory_space<vmem_shared>>
    %dma_start3A_12 = arith.constant 0 : i32
    %dma_start3A_13 = tpu.memref_slice %arg23[%add3A_9, %dma_start3A_12] : memref<10000x64xf32, #tpu.memory_space<vmem_shared>> -> memref<128x64xf32, #tpu.memory_space<vmem_shared>>
    tpu.enqueue_dma source(%arg14 : memref<128x64xf32, #tpu.memory_space<vmem>>) target(%dma_start3A_13 : memref<128x64xf32, #tpu.memory_space<vmem_shared>>) target_semaphore(%arg25 : memref<!tpu.dma_semaphore, #tpu.memory_space<semaphore_mem>>)
    %add3A_14 = arith.constant 256 : i32
    %add3A_15 = arith.addi %mul3A_2, %add3A_14 : i32
    %dma_start3A_16 = arith.constant 0 : i32
    %dma_start3A_17 = tpu.memref_slice %arg23[%add3A_15, %dma_start3A_16] : memref<10000x64xf32, #tpu.memory_space<vmem_shared>> -> memref<128x64xf32, #tpu.memory_space<vmem_shared>>
    %dma_start3A_18 = arith.constant 0 : i32
    %dma_start3A_19 = tpu.memref_slice %arg23[%add3A_15, %dma_start3A_18] : memref<10000x64xf32, #tpu.memory_space<vmem_shared>> -> memref<128x64xf32, #tpu.memory_space<vmem_shared>>
    tpu.enqueue_dma source(%arg14 : memref<128x64xf32, #tpu.memory_space<vmem>>) target(%dma_start3A_19 : memref<128x64xf32, #tpu.memory_space<vmem_shared>>) target_semaphore(%arg26 : memref<!tpu.dma_semaphore, #tpu.memory_space<semaphore_mem>>)
    %add3A_20 = arith.constant 384 : i32
    %add3A_21 = arith.addi %mul3A_2, %add3A_20 : i32
    %dma_start3A_22 = arith.constant 0 : i32
    %dma_start3A_23 = tpu.memref_slice %arg23[%add3A_21, %dma_start3A_22] : memref<10000x64xf32, #tpu.memory_space<vmem_shared>> -> memref<128x64xf32, #tpu.memory_space<vmem_shared>>
    %dma_start3A_24 = arith.constant 0 : i32
    %dma_start3A_25 = tpu.memref_slice %arg23[%add3A_21, %dma_start3A_24] : memref<10000x64xf32, #tpu.memory_space<vmem_shared>> -> memref<128x64xf32, #tpu.memory_space<vmem_shared>>
    tpu.enqueue_dma source(%arg14 : memref<128x64xf32, #tpu.memory_space<vmem>>) target(%dma_start3A_25 : memref<128x64xf32, #tpu.memory_space<vmem_shared>>) target_semaphore(%arg27 : memref<!tpu.dma_semaphore, #tpu.memory_space<semaphore_mem>>)
    %add3A_26 = arith.constant 512 : i32
    %add3A_27 = arith.addi %mul3A_2, %add3A_26 : i32
    %dma_start3A_28 = arith.constant 0 : i32
    %dma_start3A_29 = arith.constant 0 : i32
    %dma_start3A_30 = tpu.memref_slice %arg14[%dma_start3A_28, %dma_start3A_29] : memref<128x64xf32, #tpu.memory_space<vmem>> -> memref<112x64xf32, #tpu.memory_space<vmem>>
    %dma_start3A_31 = arith.constant 0 : i32
    %dma_start3A_32 = tpu.memref_slice %arg23[%add3A_27, %dma_start3A_31] : memref<10000x64xf32, #tpu.memory_space<vmem_shared>> -> memref<112x64xf32, #tpu.memory_space<vmem_shared>>
    %dma_start3A_33 = arith.constant 0 : i32
    %dma_start3A_34 = tpu.memref_slice %arg23[%add3A_27, %dma_start3A_33] : memref<10000x64xf32, #tpu.memory_space<vmem_shared>> -> memref<112x64xf32, #tpu.memory_space<vmem_shared>>
    %dma_start3A_35 = arith.constant 0 : i32
    %dma_start3A_36 = arith.constant 0 : i32
    %dma_start3A_37 = tpu.memref_slice %arg14[%dma_start3A_35, %dma_start3A_36] : memref<128x64xf32, #tpu.memory_space<vmem>> -> memref<112x64xf32, #tpu.memory_space<vmem>>
    tpu.enqueue_dma source(%dma_start3A_37 : memref<112x64xf32, #tpu.memory_space<vmem>>) target(%dma_start3A_34 : memref<112x64xf32, #tpu.memory_space<vmem_shared>>) target_semaphore(%arg28 : memref<!tpu.dma_semaphore, #tpu.memory_space<semaphore_mem>>)
    %dma_wait3A = arith.constant 0 : i32
    %dma_wait3A_38 = tpu.memref_slice %arg23[%add3A_4, %dma_wait3A] : memref<10000x64xf32, #tpu.memory_space<vmem_shared>> -> memref<128x64xf32, #tpu.memory_space<vmem_shared>>
    %dma_wait3A_39 = arith.constant 0 : i32
    %dma_wait3A_40 = tpu.memref_slice %arg23[%add3A_4, %dma_wait3A_39] : memref<10000x64xf32, #tpu.memory_space<vmem_shared>> -> memref<128x64xf32, #tpu.memory_space<vmem_shared>>
    tpu.wait_dma2 semaphore(%arg24 : memref<!tpu.dma_semaphore, #tpu.memory_space<semaphore_mem>>) src(%arg14 : memref<128x64xf32, #tpu.memory_space<vmem>>) dst(%dma_wait3A_40 : memref<128x64xf32, #tpu.memory_space<vmem_shared>>)
    %dma_wait3A_41 = arith.constant 0 : i32
    %dma_wait3A_42 = tpu.memref_slice %arg23[%add3A_9, %dma_wait3A_41] : memref<10000x64xf32, #tpu.memory_space<vmem_shared>> -> memref<128x64xf32, #tpu.memory_space<vmem_shared>>
    %dma_wait3A_43 = arith.constant 0 : i32
    %dma_wait3A_44 = tpu.memref_slice %arg23[%add3A_9, %dma_wait3A_43] : memref<10000x64xf32, #tpu.memory_space<vmem_shared>> -> memref<128x64xf32, #tpu.memory_space<vmem_shared>>
    tpu.wait_dma2 semaphore(%arg25 : memref<!tpu.dma_semaphore, #tpu.memory_space<semaphore_mem>>) src(%arg14 : memref<128x64xf32, #tpu.memory_space<vmem>>) dst(%dma_wait3A_44 : memref<128x64xf32, #tpu.memory_space<vmem_shared>>)
    %dma_wait3A_45 = arith.constant 0 : i32
    %dma_wait3A_46 = tpu.memref_slice %arg23[%add3A_15, %dma_wait3A_45] : memref<10000x64xf32, #tpu.memory_space<vmem_shared>> -> memref<128x64xf32, #tpu.memory_space<vmem_shared>>
    %dma_wait3A_47 = arith.constant 0 : i32
    %dma_wait3A_48 = tpu.memref_slice %arg23[%add3A_15, %dma_wait3A_47] : memref<10000x64xf32, #tpu.memory_space<vmem_shared>> -> memref<128x64xf32, #tpu.memory_space<vmem_shared>>
    tpu.wait_dma2 semaphore(%arg26 : memref<!tpu.dma_semaphore, #tpu.memory_space<semaphore_mem>>) src(%arg14 : memref<128x64xf32, #tpu.memory_space<vmem>>) dst(%dma_wait3A_48 : memref<128x64xf32, #tpu.memory_space<vmem_shared>>)
    %dma_wait3A_49 = arith.constant 0 : i32
    %dma_wait3A_50 = tpu.memref_slice %arg23[%add3A_21, %dma_wait3A_49] : memref<10000x64xf32, #tpu.memory_space<vmem_shared>> -> memref<128x64xf32, #tpu.memory_space<vmem_shared>>
    %dma_wait3A_51 = arith.constant 0 : i32
    %dma_wait3A_52 = tpu.memref_slice %arg23[%add3A_21, %dma_wait3A_51] : memref<10000x64xf32, #tpu.memory_space<vmem_shared>> -> memref<128x64xf32, #tpu.memory_space<vmem_shared>>
    tpu.wait_dma2 semaphore(%arg27 : memref<!tpu.dma_semaphore, #tpu.memory_space<semaphore_mem>>) src(%arg14 : memref<128x64xf32, #tpu.memory_space<vmem>>) dst(%dma_wait3A_52 : memref<128x64xf32, #tpu.memory_space<vmem_shared>>)
    %dma_wait3A_53 = arith.constant 0 : i32
    %dma_wait3A_54 = arith.constant 0 : i32
    %dma_wait3A_55 = tpu.memref_slice %arg14[%dma_wait3A_53, %dma_wait3A_54] : memref<128x64xf32, #tpu.memory_space<vmem>> -> memref<112x64xf32, #tpu.memory_space<vmem>>
    %dma_wait3A_56 = arith.constant 0 : i32
    %dma_wait3A_57 = tpu.memref_slice %arg23[%add3A_27, %dma_wait3A_56] : memref<10000x64xf32, #tpu.memory_space<vmem_shared>> -> memref<112x64xf32, #tpu.memory_space<vmem_shared>>
    %dma_wait3A_58 = arith.constant 0 : i32
    %dma_wait3A_59 = tpu.memref_slice %arg23[%add3A_27, %dma_wait3A_58] : memref<10000x64xf32, #tpu.memory_space<vmem_shared>> -> memref<112x64xf32, #tpu.memory_space<vmem_shared>>
    %dma_wait3A_60 = arith.constant 0 : i32
    %dma_wait3A_61 = arith.constant 0 : i32
    %dma_wait3A_62 = tpu.memref_slice %arg14[%dma_wait3A_60, %dma_wait3A_61] : memref<128x64xf32, #tpu.memory_space<vmem>> -> memref<112x64xf32, #tpu.memory_space<vmem>>
    tpu.wait_dma2 semaphore(%arg28 : memref<!tpu.dma_semaphore, #tpu.memory_space<semaphore_mem>>) src(%dma_wait3A_62 : memref<112x64xf32, #tpu.memory_space<vmem>>) dst(%dma_wait3A_59 : memref<112x64xf32, #tpu.memory_space<vmem_shared>>)
    %eq3A = arith.constant 15 : i32
    %eq3A_63 = arith.cmpi eq, %arg1, %eq3A : i32
    %convert_element_type3A = arith.extui %eq3A_63 : i1 to i32
    %cond3A = arith.constant 0 : i32
    %cond3A_64 = arith.cmpi ne, %convert_element_type3A, %cond3A : i32
    scf.if %cond3A_64 {
      "tpu.region"() ({
        %run_scoped3A_263 = tpu.sem_alloc : memref<!tpu.dma_semaphore, #tpu.memory_space<semaphore_mem>>
        %dma_start3A_264 = arith.constant 0 : i32
        %dma_start3A_265 = arith.constant 0 : i32
        %dma_start3A_266 = tpu.memref_slice %arg14[%dma_start3A_264, %dma_start3A_265] : memref<128x64xf32, #tpu.memory_space<vmem>> -> memref<16x64xf32, #tpu.memory_space<vmem>>
        %dma_start3A_267 = arith.constant 9984 : i32
        %dma_start3A_268 = arith.constant 0 : i32
        %dma_start3A_269 = tpu.memref_slice %arg23[%dma_start3A_267, %dma_start3A_268] : memref<10000x64xf32, #tpu.memory_space<vmem_shared>> -> memref<16x64xf32, #tpu.memory_space<vmem_shared>>
        %dma_start3A_270 = arith.constant 9984 : i32
        %dma_start3A_271 = arith.constant 0 : i32
        %dma_start3A_272 = tpu.memref_slice %arg23[%dma_start3A_270, %dma_start3A_271] : memref<10000x64xf32, #tpu.memory_space<vmem_shared>> -> memref<16x64xf32, #tpu.memory_space<vmem_shared>>
        %dma_start3A_273 = arith.constant 0 : i32
        %dma_start3A_274 = arith.constant 0 : i32
        %dma_start3A_275 = tpu.memref_slice %arg14[%dma_start3A_273, %dma_start3A_274] : memref<128x64xf32, #tpu.memory_space<vmem>> -> memref<16x64xf32, #tpu.memory_space<vmem>>
        tpu.enqueue_dma source(%dma_start3A_275 : memref<16x64xf32, #tpu.memory_space<vmem>>) target(%dma_start3A_272 : memref<16x64xf32, #tpu.memory_space<vmem_shared>>) target_semaphore(%run_scoped3A_263 : memref<!tpu.dma_semaphore, #tpu.memory_space<semaphore_mem>>)
        %dma_wait3A_276 = arith.constant 0 : i32
        %dma_wait3A_277 = arith.constant 0 : i32
        %dma_wait3A_278 = tpu.memref_slice %arg14[%dma_wait3A_276, %dma_wait3A_277] : memref<128x64xf32, #tpu.memory_space<vmem>> -> memref<16x64xf32, #tpu.memory_space<vmem>>
        %dma_wait3A_279 = arith.constant 9984 : i32
        %dma_wait3A_280 = arith.constant 0 : i32
        %dma_wait3A_281 = tpu.memref_slice %arg23[%dma_wait3A_279, %dma_wait3A_280] : memref<10000x64xf32, #tpu.memory_space<vmem_shared>> -> memref<16x64xf32, #tpu.memory_space<vmem_shared>>
        %dma_wait3A_282 = arith.constant 9984 : i32
        %dma_wait3A_283 = arith.constant 0 : i32
        %dma_wait3A_284 = tpu.memref_slice %arg23[%dma_wait3A_282, %dma_wait3A_283] : memref<10000x64xf32, #tpu.memory_space<vmem_shared>> -> memref<16x64xf32, #tpu.memory_space<vmem_shared>>
        %dma_wait3A_285 = arith.constant 0 : i32
        %dma_wait3A_286 = arith.constant 0 : i32
        %dma_wait3A_287 = tpu.memref_slice %arg14[%dma_wait3A_285, %dma_wait3A_286] : memref<128x64xf32, #tpu.memory_space<vmem>> -> memref<16x64xf32, #tpu.memory_space<vmem>>
        tpu.wait_dma2 semaphore(%run_scoped3A_263 : memref<!tpu.dma_semaphore, #tpu.memory_space<semaphore_mem>>) src(%dma_wait3A_287 : memref<16x64xf32, #tpu.memory_space<vmem>>) dst(%dma_wait3A_284 : memref<16x64xf32, #tpu.memory_space<vmem_shared>>)
        tpu.yield
      }) : () -> ()
    } else {
    }
    %barrier3A = arith.constant 0 : index
    tpu.barrier barrier_id(%barrier3A)
    %dma_start3A_65 = arith.constant 0 : i32
    %dma_start3A_66 = arith.constant 0 : i32
    %dma_start3A_67 = tpu.memref_slice %arg10[%dma_start3A_65, %dma_start3A_66] : memref<78x128xi32, #tpu.memory_space<vmem>> -> memref<1x128xi32, #tpu.memory_space<vmem>>
    %dma_start3A_68 = tpu.memref_squeeze %dma_start3A_67 : memref<1x128xi32, #tpu.memory_space<vmem>> -> memref<128xi32, #tpu.memory_space<vmem>>
    %dma_start3A_69 = arith.constant 0 : i32
    %dma_start3A_70 = arith.constant 0 : i32
    %dma_start3A_71 = tpu.memref_slice %arg2[%dma_start3A_69, %dma_start3A_70] : memref<10000x64xf32, #tpu.memory_space<hbm>> -> memref<10000x64xf32, #tpu.memory_space<hbm>>
    tpu.enqueue_indirect_dma source(%dma_start3A_71 : memref<10000x64xf32, #tpu.memory_space<hbm>>) target(%arg14 : memref<128x64xf32, #tpu.memory_space<vmem>>) offsets(%dma_start3A_68 : memref<128xi32, #tpu.memory_space<vmem>>) semaphore(%arg24 : memref<!tpu.dma_semaphore, #tpu.memory_space<semaphore_mem>>)
    %dma_start3A_72 = arith.constant 1 : i32
    %dma_start3A_73 = arith.constant 0 : i32
    %dma_start3A_74 = tpu.memref_slice %arg10[%dma_start3A_72, %dma_start3A_73] : memref<78x128xi32, #tpu.memory_space<vmem>> -> memref<1x128xi32, #tpu.memory_space<vmem>>
    %dma_start3A_75 = tpu.memref_squeeze %dma_start3A_74 : memref<1x128xi32, #tpu.memory_space<vmem>> -> memref<128xi32, #tpu.memory_space<vmem>>
    %dma_start3A_76 = arith.constant 0 : i32
    %dma_start3A_77 = arith.constant 0 : i32
    %dma_start3A_78 = tpu.memref_slice %arg2[%dma_start3A_76, %dma_start3A_77] : memref<10000x64xf32, #tpu.memory_space<hbm>> -> memref<10000x64xf32, #tpu.memory_space<hbm>>
    tpu.enqueue_indirect_dma source(%dma_start3A_78 : memref<10000x64xf32, #tpu.memory_space<hbm>>) target(%arg15 : memref<128x64xf32, #tpu.memory_space<vmem>>) offsets(%dma_start3A_75 : memref<128xi32, #tpu.memory_space<vmem>>) semaphore(%arg25 : memref<!tpu.dma_semaphore, #tpu.memory_space<semaphore_mem>>)
    %dma_start3A_79 = arith.constant 2 : i32
    %dma_start3A_80 = arith.constant 0 : i32
    %dma_start3A_81 = tpu.memref_slice %arg10[%dma_start3A_79, %dma_start3A_80] : memref<78x128xi32, #tpu.memory_space<vmem>> -> memref<1x128xi32, #tpu.memory_space<vmem>>
    %dma_start3A_82 = tpu.memref_squeeze %dma_start3A_81 : memref<1x128xi32, #tpu.memory_space<vmem>> -> memref<128xi32, #tpu.memory_space<vmem>>
    %dma_start3A_83 = arith.constant 0 : i32
    %dma_start3A_84 = arith.constant 0 : i32
    %dma_start3A_85 = tpu.memref_slice %arg2[%dma_start3A_83, %dma_start3A_84] : memref<10000x64xf32, #tpu.memory_space<hbm>> -> memref<10000x64xf32, #tpu.memory_space<hbm>>
    tpu.enqueue_indirect_dma source(%dma_start3A_85 : memref<10000x64xf32, #tpu.memory_space<hbm>>) target(%arg16 : memref<128x64xf32, #tpu.memory_space<vmem>>) offsets(%dma_start3A_82 : memref<128xi32, #tpu.memory_space<vmem>>) semaphore(%arg26 : memref<!tpu.dma_semaphore, #tpu.memory_space<semaphore_mem>>)
    %dma_start3A_86 = arith.constant 3 : i32
    %dma_start3A_87 = arith.constant 0 : i32
    %dma_start3A_88 = tpu.memref_slice %arg10[%dma_start3A_86, %dma_start3A_87] : memref<78x128xi32, #tpu.memory_space<vmem>> -> memref<1x128xi32, #tpu.memory_space<vmem>>
    %dma_start3A_89 = tpu.memref_squeeze %dma_start3A_88 : memref<1x128xi32, #tpu.memory_space<vmem>> -> memref<128xi32, #tpu.memory_space<vmem>>
    %dma_start3A_90 = arith.constant 0 : i32
    %dma_start3A_91 = arith.constant 0 : i32
    %dma_start3A_92 = tpu.memref_slice %arg2[%dma_start3A_90, %dma_start3A_91] : memref<10000x64xf32, #tpu.memory_space<hbm>> -> memref<10000x64xf32, #tpu.memory_space<hbm>>
    tpu.enqueue_indirect_dma source(%dma_start3A_92 : memref<10000x64xf32, #tpu.memory_space<hbm>>) target(%arg17 : memref<128x64xf32, #tpu.memory_space<vmem>>) offsets(%dma_start3A_89 : memref<128xi32, #tpu.memory_space<vmem>>) semaphore(%arg27 : memref<!tpu.dma_semaphore, #tpu.memory_space<semaphore_mem>>)
    %dma_start3A_93 = arith.constant 4 : i32
    %dma_start3A_94 = arith.constant 0 : i32
    %dma_start3A_95 = tpu.memref_slice %arg10[%dma_start3A_93, %dma_start3A_94] : memref<78x128xi32, #tpu.memory_space<vmem>> -> memref<1x128xi32, #tpu.memory_space<vmem>>
    %dma_start3A_96 = tpu.memref_squeeze %dma_start3A_95 : memref<1x128xi32, #tpu.memory_space<vmem>> -> memref<128xi32, #tpu.memory_space<vmem>>
    %dma_start3A_97 = arith.constant 0 : i32
    %dma_start3A_98 = arith.constant 0 : i32
    %dma_start3A_99 = tpu.memref_slice %arg2[%dma_start3A_97, %dma_start3A_98] : memref<10000x64xf32, #tpu.memory_space<hbm>> -> memref<10000x64xf32, #tpu.memory_space<hbm>>
    tpu.enqueue_indirect_dma source(%dma_start3A_99 : memref<10000x64xf32, #tpu.memory_space<hbm>>) target(%arg18 : memref<128x64xf32, #tpu.memory_space<vmem>>) offsets(%dma_start3A_96 : memref<128xi32, #tpu.memory_space<vmem>>) semaphore(%arg28 : memref<!tpu.dma_semaphore, #tpu.memory_space<semaphore_mem>>)
    %dma_start3A_100 = arith.constant 5 : i32
    %dma_start3A_101 = arith.constant 0 : i32
    %dma_start3A_102 = tpu.memref_slice %arg10[%dma_start3A_100, %dma_start3A_101] : memref<78x128xi32, #tpu.memory_space<vmem>> -> memref<1x128xi32, #tpu.memory_space<vmem>>
    %dma_start3A_103 = tpu.memref_squeeze %dma_start3A_102 : memref<1x128xi32, #tpu.memory_space<vmem>> -> memref<128xi32, #tpu.memory_space<vmem>>
    %dma_start3A_104 = arith.constant 0 : i32
    %dma_start3A_105 = arith.constant 0 : i32
    %dma_start3A_106 = tpu.memref_slice %arg2[%dma_start3A_104, %dma_start3A_105] : memref<10000x64xf32, #tpu.memory_space<hbm>> -> memref<10000x64xf32, #tpu.memory_space<hbm>>
    tpu.enqueue_indirect_dma source(%dma_start3A_106 : memref<10000x64xf32, #tpu.memory_space<hbm>>) target(%arg19 : memref<128x64xf32, #tpu.memory_space<vmem>>) offsets(%dma_start3A_103 : memref<128xi32, #tpu.memory_space<vmem>>) semaphore(%arg29 : memref<!tpu.dma_semaphore, #tpu.memory_space<semaphore_mem>>)
    %dma_start3A_107 = arith.constant 6 : i32
    %dma_start3A_108 = arith.constant 0 : i32
    %dma_start3A_109 = tpu.memref_slice %arg10[%dma_start3A_107, %dma_start3A_108] : memref<78x128xi32, #tpu.memory_space<vmem>> -> memref<1x128xi32, #tpu.memory_space<vmem>>
    %dma_start3A_110 = tpu.memref_squeeze %dma_start3A_109 : memref<1x128xi32, #tpu.memory_space<vmem>> -> memref<128xi32, #tpu.memory_space<vmem>>
    %dma_start3A_111 = arith.constant 0 : i32
    %dma_start3A_112 = arith.constant 0 : i32
    %dma_start3A_113 = tpu.memref_slice %arg2[%dma_start3A_111, %dma_start3A_112] : memref<10000x64xf32, #tpu.memory_space<hbm>> -> memref<10000x64xf32, #tpu.memory_space<hbm>>
    tpu.enqueue_indirect_dma source(%dma_start3A_113 : memref<10000x64xf32, #tpu.memory_space<hbm>>) target(%arg20 : memref<128x64xf32, #tpu.memory_space<vmem>>) offsets(%dma_start3A_110 : memref<128xi32, #tpu.memory_space<vmem>>) semaphore(%arg30 : memref<!tpu.dma_semaphore, #tpu.memory_space<semaphore_mem>>)
    %dma_start3A_114 = arith.constant 7 : i32
    %dma_start3A_115 = arith.constant 0 : i32
    %dma_start3A_116 = tpu.memref_slice %arg10[%dma_start3A_114, %dma_start3A_115] : memref<78x128xi32, #tpu.memory_space<vmem>> -> memref<1x128xi32, #tpu.memory_space<vmem>>
    %dma_start3A_117 = tpu.memref_squeeze %dma_start3A_116 : memref<1x128xi32, #tpu.memory_space<vmem>> -> memref<128xi32, #tpu.memory_space<vmem>>
    %dma_start3A_118 = arith.constant 0 : i32
    %dma_start3A_119 = arith.constant 0 : i32
    %dma_start3A_120 = tpu.memref_slice %arg2[%dma_start3A_118, %dma_start3A_119] : memref<10000x64xf32, #tpu.memory_space<hbm>> -> memref<10000x64xf32, #tpu.memory_space<hbm>>
    tpu.enqueue_indirect_dma source(%dma_start3A_120 : memref<10000x64xf32, #tpu.memory_space<hbm>>) target(%arg21 : memref<128x64xf32, #tpu.memory_space<vmem>>) offsets(%dma_start3A_117 : memref<128xi32, #tpu.memory_space<vmem>>) semaphore(%arg31 : memref<!tpu.dma_semaphore, #tpu.memory_space<semaphore_mem>>)
    %scan3A = arith.constant 0 : i32
    %scan3A_121 = arith.constant 9 : i32
    %scan3A_122 = arith.addi %scan3A, %scan3A_121 : i32
    %scan3A_123 = arith.constant 1 : i32
    scf.for %scan3A_263 = %scan3A to %scan3A_122 step %scan3A_123  : i32 {
      %mul3A_264 = arith.constant 8 : i32
      %mul3A_265 = arith.muli %scan3A_263, %mul3A_264 : i32
      %add3A_266 = arith.constant 0 : i32
      %add3A_267 = arith.addi %add3A_266, %mul3A_265 : i32
      %dma_wait3A_268 = arith.constant 0 : i32
      %dma_wait3A_269 = arith.constant 0 : i32
      %dma_wait3A_270 = tpu.memref_slice %arg10[%dma_wait3A_268, %dma_wait3A_269] : memref<78x128xi32, #tpu.memory_space<vmem>> -> memref<1x128xi32, #tpu.memory_space<vmem>>
      %dma_wait3A_271 = tpu.memref_squeeze %dma_wait3A_270 : memref<1x128xi32, #tpu.memory_space<vmem>> -> memref<128xi32, #tpu.memory_space<vmem>>
      %dma_wait3A_272 = arith.constant 0 : i32
      %dma_wait3A_273 = arith.constant 0 : i32
      %dma_wait3A_274 = tpu.memref_slice %arg2[%dma_wait3A_272, %dma_wait3A_273] : memref<10000x64xf32, #tpu.memory_space<hbm>> -> memref<10000x64xf32, #tpu.memory_space<hbm>>
      tpu.wait_indirect_dma semaphore(%arg24 : memref<!tpu.dma_semaphore, #tpu.memory_space<semaphore_mem>>) src(%dma_wait3A_274 : memref<10000x64xf32, #tpu.memory_space<hbm>>) dst(%arg14 : memref<128x64xf32, #tpu.memory_space<vmem>>)
      %add3A_275 = arith.constant 0 : i32
      %add3A_276 = arith.addi %add3A_267, %add3A_275 : i32
      %dma_start3A_277 = arith.constant 0 : i32
      %dma_start3A_278 = tpu.memref_slice %arg11[%add3A_276, %dma_start3A_277] : memref<78x128xi32, #tpu.memory_space<vmem>> -> memref<1x128xi32, #tpu.memory_space<vmem>>
      %dma_start3A_279 = tpu.memref_squeeze %dma_start3A_278 : memref<1x128xi32, #tpu.memory_space<vmem>> -> memref<128xi32, #tpu.memory_space<vmem>>
      %dma_start3A_280 = arith.constant 0 : i32
      %dma_start3A_281 = arith.constant 0 : i32
      %dma_start3A_282 = tpu.memref_slice %arg23[%dma_start3A_280, %dma_start3A_281] : memref<10000x64xf32, #tpu.memory_space<vmem_shared>> -> memref<10000x64xf32, #tpu.memory_space<vmem_shared>>
      tpu.enqueue_indirect_dma source(%arg14 : memref<128x64xf32, #tpu.memory_space<vmem>>) target(%dma_start3A_282 : memref<10000x64xf32, #tpu.memory_space<vmem_shared>>) offsets(%dma_start3A_279 : memref<128xi32, #tpu.memory_space<vmem>>) semaphore(%arg32 : memref<!tpu.dma_semaphore, #tpu.memory_space<semaphore_mem>>) {add = true}
      %dma_wait3A_283 = arith.constant 0 : i32
      %dma_wait3A_284 = arith.constant 0 : i32
      %dma_wait3A_285 = tpu.memref_slice %arg10[%dma_wait3A_283, %dma_wait3A_284] : memref<78x128xi32, #tpu.memory_space<vmem>> -> memref<1x128xi32, #tpu.memory_space<vmem>>
      %dma_wait3A_286 = tpu.memref_squeeze %dma_wait3A_285 : memref<1x128xi32, #tpu.memory_space<vmem>> -> memref<128xi32, #tpu.memory_space<vmem>>
      %dma_wait3A_287 = arith.constant 0 : i32
      %dma_wait3A_288 = arith.constant 0 : i32
      %dma_wait3A_289 = tpu.memref_slice %arg2[%dma_wait3A_287, %dma_wait3A_288] : memref<10000x64xf32, #tpu.memory_space<hbm>> -> memref<10000x64xf32, #tpu.memory_space<hbm>>
      tpu.wait_indirect_dma semaphore(%arg25 : memref<!tpu.dma_semaphore, #tpu.memory_space<semaphore_mem>>) src(%dma_wait3A_289 : memref<10000x64xf32, #tpu.memory_space<hbm>>) dst(%arg15 : memref<128x64xf32, #tpu.memory_space<vmem>>)
      %add3A_290 = arith.constant 1 : i32
      %add3A_291 = arith.addi %add3A_267, %add3A_290 : i32
      %dma_start3A_292 = arith.constant 0 : i32
      %dma_start3A_293 = tpu.memref_slice %arg11[%add3A_291, %dma_start3A_292] : memref<78x128xi32, #tpu.memory_space<vmem>> -> memref<1x128xi32, #tpu.memory_space<vmem>>
      %dma_start3A_294 = tpu.memref_squeeze %dma_start3A_293 : memref<1x128xi32, #tpu.memory_space<vmem>> -> memref<128xi32, #tpu.memory_space<vmem>>
      %dma_start3A_295 = arith.constant 0 : i32
      %dma_start3A_296 = arith.constant 0 : i32
      %dma_start3A_297 = tpu.memref_slice %arg23[%dma_start3A_295, %dma_start3A_296] : memref<10000x64xf32, #tpu.memory_space<vmem_shared>> -> memref<10000x64xf32, #tpu.memory_space<vmem_shared>>
      tpu.enqueue_indirect_dma source(%arg15 : memref<128x64xf32, #tpu.memory_space<vmem>>) target(%dma_start3A_297 : memref<10000x64xf32, #tpu.memory_space<vmem_shared>>) offsets(%dma_start3A_294 : memref<128xi32, #tpu.memory_space<vmem>>) semaphore(%arg33 : memref<!tpu.dma_semaphore, #tpu.memory_space<semaphore_mem>>) {add = true}
      %dma_wait3A_298 = arith.constant 0 : i32
      %dma_wait3A_299 = arith.constant 0 : i32
      %dma_wait3A_300 = tpu.memref_slice %arg10[%dma_wait3A_298, %dma_wait3A_299] : memref<78x128xi32, #tpu.memory_space<vmem>> -> memref<1x128xi32, #tpu.memory_space<vmem>>
      %dma_wait3A_301 = tpu.memref_squeeze %dma_wait3A_300 : memref<1x128xi32, #tpu.memory_space<vmem>> -> memref<128xi32, #tpu.memory_space<vmem>>
      %dma_wait3A_302 = arith.constant 0 : i32
      %dma_wait3A_303 = arith.constant 0 : i32
      %dma_wait3A_304 = tpu.memref_slice %arg2[%dma_wait3A_302, %dma_wait3A_303] : memref<10000x64xf32, #tpu.memory_space<hbm>> -> memref<10000x64xf32, #tpu.memory_space<hbm>>
      tpu.wait_indirect_dma semaphore(%arg26 : memref<!tpu.dma_semaphore, #tpu.memory_space<semaphore_mem>>) src(%dma_wait3A_304 : memref<10000x64xf32, #tpu.memory_space<hbm>>) dst(%arg16 : memref<128x64xf32, #tpu.memory_space<vmem>>)
      %add3A_305 = arith.constant 2 : i32
      %add3A_306 = arith.addi %add3A_267, %add3A_305 : i32
      %dma_start3A_307 = arith.constant 0 : i32
      %dma_start3A_308 = tpu.memref_slice %arg11[%add3A_306, %dma_start3A_307] : memref<78x128xi32, #tpu.memory_space<vmem>> -> memref<1x128xi32, #tpu.memory_space<vmem>>
      %dma_start3A_309 = tpu.memref_squeeze %dma_start3A_308 : memref<1x128xi32, #tpu.memory_space<vmem>> -> memref<128xi32, #tpu.memory_space<vmem>>
      %dma_start3A_310 = arith.constant 0 : i32
      %dma_start3A_311 = arith.constant 0 : i32
      %dma_start3A_312 = tpu.memref_slice %arg23[%dma_start3A_310, %dma_start3A_311] : memref<10000x64xf32, #tpu.memory_space<vmem_shared>> -> memref<10000x64xf32, #tpu.memory_space<vmem_shared>>
      tpu.enqueue_indirect_dma source(%arg16 : memref<128x64xf32, #tpu.memory_space<vmem>>) target(%dma_start3A_312 : memref<10000x64xf32, #tpu.memory_space<vmem_shared>>) offsets(%dma_start3A_309 : memref<128xi32, #tpu.memory_space<vmem>>) semaphore(%arg34 : memref<!tpu.dma_semaphore, #tpu.memory_space<semaphore_mem>>) {add = true}
      %dma_wait3A_313 = arith.constant 0 : i32
      %dma_wait3A_314 = arith.constant 0 : i32
      %dma_wait3A_315 = tpu.memref_slice %arg10[%dma_wait3A_313, %dma_wait3A_314] : memref<78x128xi32, #tpu.memory_space<vmem>> -> memref<1x128xi32, #tpu.memory_space<vmem>>
      %dma_wait3A_316 = tpu.memref_squeeze %dma_wait3A_315 : memref<1x128xi32, #tpu.memory_space<vmem>> -> memref<128xi32, #tpu.memory_space<vmem>>
      %dma_wait3A_317 = arith.constant 0 : i32
      %dma_wait3A_318 = arith.constant 0 : i32
      %dma_wait3A_319 = tpu.memref_slice %arg2[%dma_wait3A_317, %dma_wait3A_318] : memref<10000x64xf32, #tpu.memory_space<hbm>> -> memref<10000x64xf32, #tpu.memory_space<hbm>>
      tpu.wait_indirect_dma semaphore(%arg27 : memref<!tpu.dma_semaphore, #tpu.memory_space<semaphore_mem>>) src(%dma_wait3A_319 : memref<10000x64xf32, #tpu.memory_space<hbm>>) dst(%arg17 : memref<128x64xf32, #tpu.memory_space<vmem>>)
      %add3A_320 = arith.constant 3 : i32
      %add3A_321 = arith.addi %add3A_267, %add3A_320 : i32
      %dma_start3A_322 = arith.constant 0 : i32
      %dma_start3A_323 = tpu.memref_slice %arg11[%add3A_321, %dma_start3A_322] : memref<78x128xi32, #tpu.memory_space<vmem>> -> memref<1x128xi32, #tpu.memory_space<vmem>>
      %dma_start3A_324 = tpu.memref_squeeze %dma_start3A_323 : memref<1x128xi32, #tpu.memory_space<vmem>> -> memref<128xi32, #tpu.memory_space<vmem>>
      %dma_start3A_325 = arith.constant 0 : i32
      %dma_start3A_326 = arith.constant 0 : i32
      %dma_start3A_327 = tpu.memref_slice %arg23[%dma_start3A_325, %dma_start3A_326] : memref<10000x64xf32, #tpu.memory_space<vmem_shared>> -> memref<10000x64xf32, #tpu.memory_space<vmem_shared>>
      tpu.enqueue_indirect_dma source(%arg17 : memref<128x64xf32, #tpu.memory_space<vmem>>) target(%dma_start3A_327 : memref<10000x64xf32, #tpu.memory_space<vmem_shared>>) offsets(%dma_start3A_324 : memref<128xi32, #tpu.memory_space<vmem>>) semaphore(%arg35 : memref<!tpu.dma_semaphore, #tpu.memory_space<semaphore_mem>>) {add = true}
      %dma_wait3A_328 = arith.constant 0 : i32
      %dma_wait3A_329 = arith.constant 0 : i32
      %dma_wait3A_330 = tpu.memref_slice %arg10[%dma_wait3A_328, %dma_wait3A_329] : memref<78x128xi32, #tpu.memory_space<vmem>> -> memref<1x128xi32, #tpu.memory_space<vmem>>
      %dma_wait3A_331 = tpu.memref_squeeze %dma_wait3A_330 : memref<1x128xi32, #tpu.memory_space<vmem>> -> memref<128xi32, #tpu.memory_space<vmem>>
      %dma_wait3A_332 = arith.constant 0 : i32
      %dma_wait3A_333 = arith.constant 0 : i32
      %dma_wait3A_334 = tpu.memref_slice %arg2[%dma_wait3A_332, %dma_wait3A_333] : memref<10000x64xf32, #tpu.memory_space<hbm>> -> memref<10000x64xf32, #tpu.memory_space<hbm>>
      tpu.wait_indirect_dma semaphore(%arg28 : memref<!tpu.dma_semaphore, #tpu.memory_space<semaphore_mem>>) src(%dma_wait3A_334 : memref<10000x64xf32, #tpu.memory_space<hbm>>) dst(%arg18 : memref<128x64xf32, #tpu.memory_space<vmem>>)
      %add3A_335 = arith.constant 4 : i32
      %add3A_336 = arith.addi %add3A_267, %add3A_335 : i32
      %dma_start3A_337 = arith.constant 0 : i32
      %dma_start3A_338 = tpu.memref_slice %arg11[%add3A_336, %dma_start3A_337] : memref<78x128xi32, #tpu.memory_space<vmem>> -> memref<1x128xi32, #tpu.memory_space<vmem>>
      %dma_start3A_339 = tpu.memref_squeeze %dma_start3A_338 : memref<1x128xi32, #tpu.memory_space<vmem>> -> memref<128xi32, #tpu.memory_space<vmem>>
      %dma_start3A_340 = arith.constant 0 : i32
      %dma_start3A_341 = arith.constant 0 : i32
      %dma_start3A_342 = tpu.memref_slice %arg23[%dma_start3A_340, %dma_start3A_341] : memref<10000x64xf32, #tpu.memory_space<vmem_shared>> -> memref<10000x64xf32, #tpu.memory_space<vmem_shared>>
      tpu.enqueue_indirect_dma source(%arg18 : memref<128x64xf32, #tpu.memory_space<vmem>>) target(%dma_start3A_342 : memref<10000x64xf32, #tpu.memory_space<vmem_shared>>) offsets(%dma_start3A_339 : memref<128xi32, #tpu.memory_space<vmem>>) semaphore(%arg36 : memref<!tpu.dma_semaphore, #tpu.memory_space<semaphore_mem>>) {add = true}
      %dma_wait3A_343 = arith.constant 0 : i32
      %dma_wait3A_344 = arith.constant 0 : i32
      %dma_wait3A_345 = tpu.memref_slice %arg10[%dma_wait3A_343, %dma_wait3A_344] : memref<78x128xi32, #tpu.memory_space<vmem>> -> memref<1x128xi32, #tpu.memory_space<vmem>>
      %dma_wait3A_346 = tpu.memref_squeeze %dma_wait3A_345 : memref<1x128xi32, #tpu.memory_space<vmem>> -> memref<128xi32, #tpu.memory_space<vmem>>
      %dma_wait3A_347 = arith.constant 0 : i32
      %dma_wait3A_348 = arith.constant 0 : i32
      %dma_wait3A_349 = tpu.memref_slice %arg2[%dma_wait3A_347, %dma_wait3A_348] : memref<10000x64xf32, #tpu.memory_space<hbm>> -> memref<10000x64xf32, #tpu.memory_space<hbm>>
      tpu.wait_indirect_dma semaphore(%arg29 : memref<!tpu.dma_semaphore, #tpu.memory_space<semaphore_mem>>) src(%dma_wait3A_349 : memref<10000x64xf32, #tpu.memory_space<hbm>>) dst(%arg19 : memref<128x64xf32, #tpu.memory_space<vmem>>)
      %add3A_350 = arith.constant 5 : i32
      %add3A_351 = arith.addi %add3A_267, %add3A_350 : i32
      %dma_start3A_352 = arith.constant 0 : i32
      %dma_start3A_353 = tpu.memref_slice %arg11[%add3A_351, %dma_start3A_352] : memref<78x128xi32, #tpu.memory_space<vmem>> -> memref<1x128xi32, #tpu.memory_space<vmem>>
      %dma_start3A_354 = tpu.memref_squeeze %dma_start3A_353 : memref<1x128xi32, #tpu.memory_space<vmem>> -> memref<128xi32, #tpu.memory_space<vmem>>
      %dma_start3A_355 = arith.constant 0 : i32
      %dma_start3A_356 = arith.constant 0 : i32
      %dma_start3A_357 = tpu.memref_slice %arg23[%dma_start3A_355, %dma_start3A_356] : memref<10000x64xf32, #tpu.memory_space<vmem_shared>> -> memref<10000x64xf32, #tpu.memory_space<vmem_shared>>
      tpu.enqueue_indirect_dma source(%arg19 : memref<128x64xf32, #tpu.memory_space<vmem>>) target(%dma_start3A_357 : memref<10000x64xf32, #tpu.memory_space<vmem_shared>>) offsets(%dma_start3A_354 : memref<128xi32, #tpu.memory_space<vmem>>) semaphore(%arg37 : memref<!tpu.dma_semaphore, #tpu.memory_space<semaphore_mem>>) {add = true}
      %dma_wait3A_358 = arith.constant 0 : i32
      %dma_wait3A_359 = arith.constant 0 : i32
      %dma_wait3A_360 = tpu.memref_slice %arg10[%dma_wait3A_358, %dma_wait3A_359] : memref<78x128xi32, #tpu.memory_space<vmem>> -> memref<1x128xi32, #tpu.memory_space<vmem>>
      %dma_wait3A_361 = tpu.memref_squeeze %dma_wait3A_360 : memref<1x128xi32, #tpu.memory_space<vmem>> -> memref<128xi32, #tpu.memory_space<vmem>>
      %dma_wait3A_362 = arith.constant 0 : i32
      %dma_wait3A_363 = arith.constant 0 : i32
      %dma_wait3A_364 = tpu.memref_slice %arg2[%dma_wait3A_362, %dma_wait3A_363] : memref<10000x64xf32, #tpu.memory_space<hbm>> -> memref<10000x64xf32, #tpu.memory_space<hbm>>
      tpu.wait_indirect_dma semaphore(%arg30 : memref<!tpu.dma_semaphore, #tpu.memory_space<semaphore_mem>>) src(%dma_wait3A_364 : memref<10000x64xf32, #tpu.memory_space<hbm>>) dst(%arg20 : memref<128x64xf32, #tpu.memory_space<vmem>>)
      %add3A_365 = arith.constant 6 : i32
      %add3A_366 = arith.addi %add3A_267, %add3A_365 : i32
      %dma_start3A_367 = arith.constant 0 : i32
      %dma_start3A_368 = tpu.memref_slice %arg11[%add3A_366, %dma_start3A_367] : memref<78x128xi32, #tpu.memory_space<vmem>> -> memref<1x128xi32, #tpu.memory_space<vmem>>
      %dma_start3A_369 = tpu.memref_squeeze %dma_start3A_368 : memref<1x128xi32, #tpu.memory_space<vmem>> -> memref<128xi32, #tpu.memory_space<vmem>>
      %dma_start3A_370 = arith.constant 0 : i32
      %dma_start3A_371 = arith.constant 0 : i32
      %dma_start3A_372 = tpu.memref_slice %arg23[%dma_start3A_370, %dma_start3A_371] : memref<10000x64xf32, #tpu.memory_space<vmem_shared>> -> memref<10000x64xf32, #tpu.memory_space<vmem_shared>>
      tpu.enqueue_indirect_dma source(%arg20 : memref<128x64xf32, #tpu.memory_space<vmem>>) target(%dma_start3A_372 : memref<10000x64xf32, #tpu.memory_space<vmem_shared>>) offsets(%dma_start3A_369 : memref<128xi32, #tpu.memory_space<vmem>>) semaphore(%arg38 : memref<!tpu.dma_semaphore, #tpu.memory_space<semaphore_mem>>) {add = true}
      %dma_wait3A_373 = arith.constant 0 : i32
      %dma_wait3A_374 = arith.constant 0 : i32
      %dma_wait3A_375 = tpu.memref_slice %arg10[%dma_wait3A_373, %dma_wait3A_374] : memref<78x128xi32, #tpu.memory_space<vmem>> -> memref<1x128xi32, #tpu.memory_space<vmem>>
      %dma_wait3A_376 = tpu.memref_squeeze %dma_wait3A_375 : memref<1x128xi32, #tpu.memory_space<vmem>> -> memref<128xi32, #tpu.memory_space<vmem>>
      %dma_wait3A_377 = arith.constant 0 : i32
      %dma_wait3A_378 = arith.constant 0 : i32
      %dma_wait3A_379 = tpu.memref_slice %arg2[%dma_wait3A_377, %dma_wait3A_378] : memref<10000x64xf32, #tpu.memory_space<hbm>> -> memref<10000x64xf32, #tpu.memory_space<hbm>>
      tpu.wait_indirect_dma semaphore(%arg31 : memref<!tpu.dma_semaphore, #tpu.memory_space<semaphore_mem>>) src(%dma_wait3A_379 : memref<10000x64xf32, #tpu.memory_space<hbm>>) dst(%arg21 : memref<128x64xf32, #tpu.memory_space<vmem>>)
      %add3A_380 = arith.constant 7 : i32
      %add3A_381 = arith.addi %add3A_267, %add3A_380 : i32
      %dma_start3A_382 = arith.constant 0 : i32
      %dma_start3A_383 = tpu.memref_slice %arg11[%add3A_381, %dma_start3A_382] : memref<78x128xi32, #tpu.memory_space<vmem>> -> memref<1x128xi32, #tpu.memory_space<vmem>>
      %dma_start3A_384 = tpu.memref_squeeze %dma_start3A_383 : memref<1x128xi32, #tpu.memory_space<vmem>> -> memref<128xi32, #tpu.memory_space<vmem>>
      %dma_start3A_385 = arith.constant 0 : i32
      %dma_start3A_386 = arith.constant 0 : i32
      %dma_start3A_387 = tpu.memref_slice %arg23[%dma_start3A_385, %dma_start3A_386] : memref<10000x64xf32, #tpu.memory_space<vmem_shared>> -> memref<10000x64xf32, #tpu.memory_space<vmem_shared>>
      tpu.enqueue_indirect_dma source(%arg21 : memref<128x64xf32, #tpu.memory_space<vmem>>) target(%dma_start3A_387 : memref<10000x64xf32, #tpu.memory_space<vmem_shared>>) offsets(%dma_start3A_384 : memref<128xi32, #tpu.memory_space<vmem>>) semaphore(%arg39 : memref<!tpu.dma_semaphore, #tpu.memory_space<semaphore_mem>>) {add = true}
      %dma_wait3A_388 = arith.constant 0 : i32
      %dma_wait3A_389 = arith.constant 0 : i32
      %dma_wait3A_390 = tpu.memref_slice %arg11[%dma_wait3A_388, %dma_wait3A_389] : memref<78x128xi32, #tpu.memory_space<vmem>> -> memref<1x128xi32, #tpu.memory_space<vmem>>
      %dma_wait3A_391 = tpu.memref_squeeze %dma_wait3A_390 : memref<1x128xi32, #tpu.memory_space<vmem>> -> memref<128xi32, #tpu.memory_space<vmem>>
      %dma_wait3A_392 = arith.constant 0 : i32
      %dma_wait3A_393 = arith.constant 0 : i32
      %dma_wait3A_394 = tpu.memref_slice %arg23[%dma_wait3A_392, %dma_wait3A_393] : memref<10000x64xf32, #tpu.memory_space<vmem_shared>> -> memref<10000x64xf32, #tpu.memory_space<vmem_shared>>
      tpu.wait_indirect_dma semaphore(%arg32 : memref<!tpu.dma_semaphore, #tpu.memory_space<semaphore_mem>>) src(%arg14 : memref<128x64xf32, #tpu.memory_space<vmem>>) dst(%dma_wait3A_394 : memref<10000x64xf32, #tpu.memory_space<vmem_shared>>)
      %add3A_395 = arith.constant 8 : i32
      %add3A_396 = arith.addi %add3A_267, %add3A_395 : i32
      %add3A_397 = arith.constant 0 : i32
      %add3A_398 = arith.addi %add3A_396, %add3A_397 : i32
      %lt3A = arith.constant 78 : i32
      %lt3A_399 = arith.cmpi slt, %add3A_398, %lt3A : i32
      %convert_element_type3A_400 = arith.extui %lt3A_399 : i1 to i32
      %cond3A_401 = arith.constant 0 : i32
      %cond3A_402 = arith.cmpi ne, %convert_element_type3A_400, %cond3A_401 : i32
      scf.if %cond3A_402 {
        %dma_start3A_515 = arith.constant 0 : i32
        %dma_start3A_516 = tpu.memref_slice %arg10[%add3A_398, %dma_start3A_515] : memref<78x128xi32, #tpu.memory_space<vmem>> -> memref<1x128xi32, #tpu.memory_space<vmem>>
        %dma_start3A_517 = tpu.memref_squeeze %dma_start3A_516 : memref<1x128xi32, #tpu.memory_space<vmem>> -> memref<128xi32, #tpu.memory_space<vmem>>
        %dma_start3A_518 = arith.constant 0 : i32
        %dma_start3A_519 = arith.constant 0 : i32
        %dma_start3A_520 = tpu.memref_slice %arg2[%dma_start3A_518, %dma_start3A_519] : memref<10000x64xf32, #tpu.memory_space<hbm>> -> memref<10000x64xf32, #tpu.memory_space<hbm>>
        tpu.enqueue_indirect_dma source(%dma_start3A_520 : memref<10000x64xf32, #tpu.memory_space<hbm>>) target(%arg14 : memref<128x64xf32, #tpu.memory_space<vmem>>) offsets(%dma_start3A_517 : memref<128xi32, #tpu.memory_space<vmem>>) semaphore(%arg24 : memref<!tpu.dma_semaphore, #tpu.memory_space<semaphore_mem>>)
      } else {
      }
      %dma_wait3A_403 = arith.constant 0 : i32
      %dma_wait3A_404 = arith.constant 0 : i32
      %dma_wait3A_405 = tpu.memref_slice %arg11[%dma_wait3A_403, %dma_wait3A_404] : memref<78x128xi32, #tpu.memory_space<vmem>> -> memref<1x128xi32, #tpu.memory_space<vmem>>
      %dma_wait3A_406 = tpu.memref_squeeze %dma_wait3A_405 : memref<1x128xi32, #tpu.memory_space<vmem>> -> memref<128xi32, #tpu.memory_space<vmem>>
      %dma_wait3A_407 = arith.constant 0 : i32
      %dma_wait3A_408 = arith.constant 0 : i32
      %dma_wait3A_409 = tpu.memref_slice %arg23[%dma_wait3A_407, %dma_wait3A_408] : memref<10000x64xf32, #tpu.memory_space<vmem_shared>> -> memref<10000x64xf32, #tpu.memory_space<vmem_shared>>
      tpu.wait_indirect_dma semaphore(%arg33 : memref<!tpu.dma_semaphore, #tpu.memory_space<semaphore_mem>>) src(%arg15 : memref<128x64xf32, #tpu.memory_space<vmem>>) dst(%dma_wait3A_409 : memref<10000x64xf32, #tpu.memory_space<vmem_shared>>)
      %add3A_410 = arith.constant 8 : i32
      %add3A_411 = arith.addi %add3A_267, %add3A_410 : i32
      %add3A_412 = arith.constant 1 : i32
      %add3A_413 = arith.addi %add3A_411, %add3A_412 : i32
      %lt3A_414 = arith.constant 78 : i32
      %lt3A_415 = arith.cmpi slt, %add3A_413, %lt3A_414 : i32
      %convert_element_type3A_416 = arith.extui %lt3A_415 : i1 to i32
      %cond3A_417 = arith.constant 0 : i32
      %cond3A_418 = arith.cmpi ne, %convert_element_type3A_416, %cond3A_417 : i32
      scf.if %cond3A_418 {
        %dma_start3A_515 = arith.constant 0 : i32
        %dma_start3A_516 = tpu.memref_slice %arg10[%add3A_413, %dma_start3A_515] : memref<78x128xi32, #tpu.memory_space<vmem>> -> memref<1x128xi32, #tpu.memory_space<vmem>>
        %dma_start3A_517 = tpu.memref_squeeze %dma_start3A_516 : memref<1x128xi32, #tpu.memory_space<vmem>> -> memref<128xi32, #tpu.memory_space<vmem>>
        %dma_start3A_518 = arith.constant 0 : i32
        %dma_start3A_519 = arith.constant 0 : i32
        %dma_start3A_520 = tpu.memref_slice %arg2[%dma_start3A_518, %dma_start3A_519] : memref<10000x64xf32, #tpu.memory_space<hbm>> -> memref<10000x64xf32, #tpu.memory_space<hbm>>
        tpu.enqueue_indirect_dma source(%dma_start3A_520 : memref<10000x64xf32, #tpu.memory_space<hbm>>) target(%arg15 : memref<128x64xf32, #tpu.memory_space<vmem>>) offsets(%dma_start3A_517 : memref<128xi32, #tpu.memory_space<vmem>>) semaphore(%arg25 : memref<!tpu.dma_semaphore, #tpu.memory_space<semaphore_mem>>)
      } else {
      }
      %dma_wait3A_419 = arith.constant 0 : i32
      %dma_wait3A_420 = arith.constant 0 : i32
      %dma_wait3A_421 = tpu.memref_slice %arg11[%dma_wait3A_419, %dma_wait3A_420] : memref<78x128xi32, #tpu.memory_space<vmem>> -> memref<1x128xi32, #tpu.memory_space<vmem>>
      %dma_wait3A_422 = tpu.memref_squeeze %dma_wait3A_421 : memref<1x128xi32, #tpu.memory_space<vmem>> -> memref<128xi32, #tpu.memory_space<vmem>>
      %dma_wait3A_423 = arith.constant 0 : i32
      %dma_wait3A_424 = arith.constant 0 : i32
      %dma_wait3A_425 = tpu.memref_slice %arg23[%dma_wait3A_423, %dma_wait3A_424] : memref<10000x64xf32, #tpu.memory_space<vmem_shared>> -> memref<10000x64xf32, #tpu.memory_space<vmem_shared>>
      tpu.wait_indirect_dma semaphore(%arg34 : memref<!tpu.dma_semaphore, #tpu.memory_space<semaphore_mem>>) src(%arg16 : memref<128x64xf32, #tpu.memory_space<vmem>>) dst(%dma_wait3A_425 : memref<10000x64xf32, #tpu.memory_space<vmem_shared>>)
      %add3A_426 = arith.constant 8 : i32
      %add3A_427 = arith.addi %add3A_267, %add3A_426 : i32
      %add3A_428 = arith.constant 2 : i32
      %add3A_429 = arith.addi %add3A_427, %add3A_428 : i32
      %lt3A_430 = arith.constant 78 : i32
      %lt3A_431 = arith.cmpi slt, %add3A_429, %lt3A_430 : i32
      %convert_element_type3A_432 = arith.extui %lt3A_431 : i1 to i32
      %cond3A_433 = arith.constant 0 : i32
      %cond3A_434 = arith.cmpi ne, %convert_element_type3A_432, %cond3A_433 : i32
      scf.if %cond3A_434 {
        %dma_start3A_515 = arith.constant 0 : i32
        %dma_start3A_516 = tpu.memref_slice %arg10[%add3A_429, %dma_start3A_515] : memref<78x128xi32, #tpu.memory_space<vmem>> -> memref<1x128xi32, #tpu.memory_space<vmem>>
        %dma_start3A_517 = tpu.memref_squeeze %dma_start3A_516 : memref<1x128xi32, #tpu.memory_space<vmem>> -> memref<128xi32, #tpu.memory_space<vmem>>
        %dma_start3A_518 = arith.constant 0 : i32
        %dma_start3A_519 = arith.constant 0 : i32
        %dma_start3A_520 = tpu.memref_slice %arg2[%dma_start3A_518, %dma_start3A_519] : memref<10000x64xf32, #tpu.memory_space<hbm>> -> memref<10000x64xf32, #tpu.memory_space<hbm>>
        tpu.enqueue_indirect_dma source(%dma_start3A_520 : memref<10000x64xf32, #tpu.memory_space<hbm>>) target(%arg16 : memref<128x64xf32, #tpu.memory_space<vmem>>) offsets(%dma_start3A_517 : memref<128xi32, #tpu.memory_space<vmem>>) semaphore(%arg26 : memref<!tpu.dma_semaphore, #tpu.memory_space<semaphore_mem>>)
      } else {
      }
      %dma_wait3A_435 = arith.constant 0 : i32
      %dma_wait3A_436 = arith.constant 0 : i32
      %dma_wait3A_437 = tpu.memref_slice %arg11[%dma_wait3A_435, %dma_wait3A_436] : memref<78x128xi32, #tpu.memory_space<vmem>> -> memref<1x128xi32, #tpu.memory_space<vmem>>
      %dma_wait3A_438 = tpu.memref_squeeze %dma_wait3A_437 : memref<1x128xi32, #tpu.memory_space<vmem>> -> memref<128xi32, #tpu.memory_space<vmem>>
      %dma_wait3A_439 = arith.constant 0 : i32
      %dma_wait3A_440 = arith.constant 0 : i32
      %dma_wait3A_441 = tpu.memref_slice %arg23[%dma_wait3A_439, %dma_wait3A_440] : memref<10000x64xf32, #tpu.memory_space<vmem_shared>> -> memref<10000x64xf32, #tpu.memory_space<vmem_shared>>
      tpu.wait_indirect_dma semaphore(%arg35 : memref<!tpu.dma_semaphore, #tpu.memory_space<semaphore_mem>>) src(%arg17 : memref<128x64xf32, #tpu.memory_space<vmem>>) dst(%dma_wait3A_441 : memref<10000x64xf32, #tpu.memory_space<vmem_shared>>)
      %add3A_442 = arith.constant 8 : i32
      %add3A_443 = arith.addi %add3A_267, %add3A_442 : i32
      %add3A_444 = arith.constant 3 : i32
      %add3A_445 = arith.addi %add3A_443, %add3A_444 : i32
      %lt3A_446 = arith.constant 78 : i32
      %lt3A_447 = arith.cmpi slt, %add3A_445, %lt3A_446 : i32
      %convert_element_type3A_448 = arith.extui %lt3A_447 : i1 to i32
      %cond3A_449 = arith.constant 0 : i32
      %cond3A_450 = arith.cmpi ne, %convert_element_type3A_448, %cond3A_449 : i32
      scf.if %cond3A_450 {
        %dma_start3A_515 = arith.constant 0 : i32
        %dma_start3A_516 = tpu.memref_slice %arg10[%add3A_445, %dma_start3A_515] : memref<78x128xi32, #tpu.memory_space<vmem>> -> memref<1x128xi32, #tpu.memory_space<vmem>>
        %dma_start3A_517 = tpu.memref_squeeze %dma_start3A_516 : memref<1x128xi32, #tpu.memory_space<vmem>> -> memref<128xi32, #tpu.memory_space<vmem>>
        %dma_start3A_518 = arith.constant 0 : i32
        %dma_start3A_519 = arith.constant 0 : i32
        %dma_start3A_520 = tpu.memref_slice %arg2[%dma_start3A_518, %dma_start3A_519] : memref<10000x64xf32, #tpu.memory_space<hbm>> -> memref<10000x64xf32, #tpu.memory_space<hbm>>
        tpu.enqueue_indirect_dma source(%dma_start3A_520 : memref<10000x64xf32, #tpu.memory_space<hbm>>) target(%arg17 : memref<128x64xf32, #tpu.memory_space<vmem>>) offsets(%dma_start3A_517 : memref<128xi32, #tpu.memory_space<vmem>>) semaphore(%arg27 : memref<!tpu.dma_semaphore, #tpu.memory_space<semaphore_mem>>)
      } else {
      }
      %dma_wait3A_451 = arith.constant 0 : i32
      %dma_wait3A_452 = arith.constant 0 : i32
      %dma_wait3A_453 = tpu.memref_slice %arg11[%dma_wait3A_451, %dma_wait3A_452] : memref<78x128xi32, #tpu.memory_space<vmem>> -> memref<1x128xi32, #tpu.memory_space<vmem>>
      %dma_wait3A_454 = tpu.memref_squeeze %dma_wait3A_453 : memref<1x128xi32, #tpu.memory_space<vmem>> -> memref<128xi32, #tpu.memory_space<vmem>>
      %dma_wait3A_455 = arith.constant 0 : i32
      %dma_wait3A_456 = arith.constant 0 : i32
      %dma_wait3A_457 = tpu.memref_slice %arg23[%dma_wait3A_455, %dma_wait3A_456] : memref<10000x64xf32, #tpu.memory_space<vmem_shared>> -> memref<10000x64xf32, #tpu.memory_space<vmem_shared>>
      tpu.wait_indirect_dma semaphore(%arg36 : memref<!tpu.dma_semaphore, #tpu.memory_space<semaphore_mem>>) src(%arg18 : memref<128x64xf32, #tpu.memory_space<vmem>>) dst(%dma_wait3A_457 : memref<10000x64xf32, #tpu.memory_space<vmem_shared>>)
      %add3A_458 = arith.constant 8 : i32
      %add3A_459 = arith.addi %add3A_267, %add3A_458 : i32
      %add3A_460 = arith.constant 4 : i32
      %add3A_461 = arith.addi %add3A_459, %add3A_460 : i32
      %lt3A_462 = arith.constant 78 : i32
      %lt3A_463 = arith.cmpi slt, %add3A_461, %lt3A_462 : i32
      %convert_element_type3A_464 = arith.extui %lt3A_463 : i1 to i32
      %cond3A_465 = arith.constant 0 : i32
      %cond3A_466 = arith.cmpi ne, %convert_element_type3A_464, %cond3A_465 : i32
      scf.if %cond3A_466 {
        %dma_start3A_515 = arith.constant 0 : i32
        %dma_start3A_516 = tpu.memref_slice %arg10[%add3A_461, %dma_start3A_515] : memref<78x128xi32, #tpu.memory_space<vmem>> -> memref<1x128xi32, #tpu.memory_space<vmem>>
        %dma_start3A_517 = tpu.memref_squeeze %dma_start3A_516 : memref<1x128xi32, #tpu.memory_space<vmem>> -> memref<128xi32, #tpu.memory_space<vmem>>
        %dma_start3A_518 = arith.constant 0 : i32
        %dma_start3A_519 = arith.constant 0 : i32
        %dma_start3A_520 = tpu.memref_slice %arg2[%dma_start3A_518, %dma_start3A_519] : memref<10000x64xf32, #tpu.memory_space<hbm>> -> memref<10000x64xf32, #tpu.memory_space<hbm>>
        tpu.enqueue_indirect_dma source(%dma_start3A_520 : memref<10000x64xf32, #tpu.memory_space<hbm>>) target(%arg18 : memref<128x64xf32, #tpu.memory_space<vmem>>) offsets(%dma_start3A_517 : memref<128xi32, #tpu.memory_space<vmem>>) semaphore(%arg28 : memref<!tpu.dma_semaphore, #tpu.memory_space<semaphore_mem>>)
      } else {
      }
      %dma_wait3A_467 = arith.constant 0 : i32
      %dma_wait3A_468 = arith.constant 0 : i32
      %dma_wait3A_469 = tpu.memref_slice %arg11[%dma_wait3A_467, %dma_wait3A_468] : memref<78x128xi32, #tpu.memory_space<vmem>> -> memref<1x128xi32, #tpu.memory_space<vmem>>
      %dma_wait3A_470 = tpu.memref_squeeze %dma_wait3A_469 : memref<1x128xi32, #tpu.memory_space<vmem>> -> memref<128xi32, #tpu.memory_space<vmem>>
      %dma_wait3A_471 = arith.constant 0 : i32
      %dma_wait3A_472 = arith.constant 0 : i32
      %dma_wait3A_473 = tpu.memref_slice %arg23[%dma_wait3A_471, %dma_wait3A_472] : memref<10000x64xf32, #tpu.memory_space<vmem_shared>> -> memref<10000x64xf32, #tpu.memory_space<vmem_shared>>
      tpu.wait_indirect_dma semaphore(%arg37 : memref<!tpu.dma_semaphore, #tpu.memory_space<semaphore_mem>>) src(%arg19 : memref<128x64xf32, #tpu.memory_space<vmem>>) dst(%dma_wait3A_473 : memref<10000x64xf32, #tpu.memory_space<vmem_shared>>)
      %add3A_474 = arith.constant 8 : i32
      %add3A_475 = arith.addi %add3A_267, %add3A_474 : i32
      %add3A_476 = arith.constant 5 : i32
      %add3A_477 = arith.addi %add3A_475, %add3A_476 : i32
      %lt3A_478 = arith.constant 78 : i32
      %lt3A_479 = arith.cmpi slt, %add3A_477, %lt3A_478 : i32
      %convert_element_type3A_480 = arith.extui %lt3A_479 : i1 to i32
      %cond3A_481 = arith.constant 0 : i32
      %cond3A_482 = arith.cmpi ne, %convert_element_type3A_480, %cond3A_481 : i32
      scf.if %cond3A_482 {
        %dma_start3A_515 = arith.constant 0 : i32
        %dma_start3A_516 = tpu.memref_slice %arg10[%add3A_477, %dma_start3A_515] : memref<78x128xi32, #tpu.memory_space<vmem>> -> memref<1x128xi32, #tpu.memory_space<vmem>>
        %dma_start3A_517 = tpu.memref_squeeze %dma_start3A_516 : memref<1x128xi32, #tpu.memory_space<vmem>> -> memref<128xi32, #tpu.memory_space<vmem>>
        %dma_start3A_518 = arith.constant 0 : i32
        %dma_start3A_519 = arith.constant 0 : i32
        %dma_start3A_520 = tpu.memref_slice %arg2[%dma_start3A_518, %dma_start3A_519] : memref<10000x64xf32, #tpu.memory_space<hbm>> -> memref<10000x64xf32, #tpu.memory_space<hbm>>
        tpu.enqueue_indirect_dma source(%dma_start3A_520 : memref<10000x64xf32, #tpu.memory_space<hbm>>) target(%arg19 : memref<128x64xf32, #tpu.memory_space<vmem>>) offsets(%dma_start3A_517 : memref<128xi32, #tpu.memory_space<vmem>>) semaphore(%arg29 : memref<!tpu.dma_semaphore, #tpu.memory_space<semaphore_mem>>)
      } else {
      }
      %dma_wait3A_483 = arith.constant 0 : i32
      %dma_wait3A_484 = arith.constant 0 : i32
      %dma_wait3A_485 = tpu.memref_slice %arg11[%dma_wait3A_483, %dma_wait3A_484] : memref<78x128xi32, #tpu.memory_space<vmem>> -> memref<1x128xi32, #tpu.memory_space<vmem>>
      %dma_wait3A_486 = tpu.memref_squeeze %dma_wait3A_485 : memref<1x128xi32, #tpu.memory_space<vmem>> -> memref<128xi32, #tpu.memory_space<vmem>>
      %dma_wait3A_487 = arith.constant 0 : i32
      %dma_wait3A_488 = arith.constant 0 : i32
      %dma_wait3A_489 = tpu.memref_slice %arg23[%dma_wait3A_487, %dma_wait3A_488] : memref<10000x64xf32, #tpu.memory_space<vmem_shared>> -> memref<10000x64xf32, #tpu.memory_space<vmem_shared>>
      tpu.wait_indirect_dma semaphore(%arg38 : memref<!tpu.dma_semaphore, #tpu.memory_space<semaphore_mem>>) src(%arg20 : memref<128x64xf32, #tpu.memory_space<vmem>>) dst(%dma_wait3A_489 : memref<10000x64xf32, #tpu.memory_space<vmem_shared>>)
      %add3A_490 = arith.constant 8 : i32
      %add3A_491 = arith.addi %add3A_267, %add3A_490 : i32
      %add3A_492 = arith.constant 6 : i32
      %add3A_493 = arith.addi %add3A_491, %add3A_492 : i32
      %lt3A_494 = arith.constant 78 : i32
      %lt3A_495 = arith.cmpi slt, %add3A_493, %lt3A_494 : i32
      %convert_element_type3A_496 = arith.extui %lt3A_495 : i1 to i32
      %cond3A_497 = arith.constant 0 : i32
      %cond3A_498 = arith.cmpi ne, %convert_element_type3A_496, %cond3A_497 : i32
      scf.if %cond3A_498 {
        %dma_start3A_515 = arith.constant 0 : i32
        %dma_start3A_516 = tpu.memref_slice %arg10[%add3A_493, %dma_start3A_515] : memref<78x128xi32, #tpu.memory_space<vmem>> -> memref<1x128xi32, #tpu.memory_space<vmem>>
        %dma_start3A_517 = tpu.memref_squeeze %dma_start3A_516 : memref<1x128xi32, #tpu.memory_space<vmem>> -> memref<128xi32, #tpu.memory_space<vmem>>
        %dma_start3A_518 = arith.constant 0 : i32
        %dma_start3A_519 = arith.constant 0 : i32
        %dma_start3A_520 = tpu.memref_slice %arg2[%dma_start3A_518, %dma_start3A_519] : memref<10000x64xf32, #tpu.memory_space<hbm>> -> memref<10000x64xf32, #tpu.memory_space<hbm>>
        tpu.enqueue_indirect_dma source(%dma_start3A_520 : memref<10000x64xf32, #tpu.memory_space<hbm>>) target(%arg20 : memref<128x64xf32, #tpu.memory_space<vmem>>) offsets(%dma_start3A_517 : memref<128xi32, #tpu.memory_space<vmem>>) semaphore(%arg30 : memref<!tpu.dma_semaphore, #tpu.memory_space<semaphore_mem>>)
      } else {
      }
      %dma_wait3A_499 = arith.constant 0 : i32
      %dma_wait3A_500 = arith.constant 0 : i32
      %dma_wait3A_501 = tpu.memref_slice %arg11[%dma_wait3A_499, %dma_wait3A_500] : memref<78x128xi32, #tpu.memory_space<vmem>> -> memref<1x128xi32, #tpu.memory_space<vmem>>
      %dma_wait3A_502 = tpu.memref_squeeze %dma_wait3A_501 : memref<1x128xi32, #tpu.memory_space<vmem>> -> memref<128xi32, #tpu.memory_space<vmem>>
      %dma_wait3A_503 = arith.constant 0 : i32
      %dma_wait3A_504 = arith.constant 0 : i32
      %dma_wait3A_505 = tpu.memref_slice %arg23[%dma_wait3A_503, %dma_wait3A_504] : memref<10000x64xf32, #tpu.memory_space<vmem_shared>> -> memref<10000x64xf32, #tpu.memory_space<vmem_shared>>
      tpu.wait_indirect_dma semaphore(%arg39 : memref<!tpu.dma_semaphore, #tpu.memory_space<semaphore_mem>>) src(%arg21 : memref<128x64xf32, #tpu.memory_space<vmem>>) dst(%dma_wait3A_505 : memref<10000x64xf32, #tpu.memory_space<vmem_shared>>)
      %add3A_506 = arith.constant 8 : i32
      %add3A_507 = arith.addi %add3A_267, %add3A_506 : i32
      %add3A_508 = arith.constant 7 : i32
      %add3A_509 = arith.addi %add3A_507, %add3A_508 : i32
      %lt3A_510 = arith.constant 78 : i32
      %lt3A_511 = arith.cmpi slt, %add3A_509, %lt3A_510 : i32
      %convert_element_type3A_512 = arith.extui %lt3A_511 : i1 to i32
      %cond3A_513 = arith.constant 0 : i32
      %cond3A_514 = arith.cmpi ne, %convert_element_type3A_512, %cond3A_513 : i32
      scf.if %cond3A_514 {
        %dma_start3A_515 = arith.constant 0 : i32
        %dma_start3A_516 = tpu.memref_slice %arg10[%add3A_509, %dma_start3A_515] : memref<78x128xi32, #tpu.memory_space<vmem>> -> memref<1x128xi32, #tpu.memory_space<vmem>>
        %dma_start3A_517 = tpu.memref_squeeze %dma_start3A_516 : memref<1x128xi32, #tpu.memory_space<vmem>> -> memref<128xi32, #tpu.memory_space<vmem>>
        %dma_start3A_518 = arith.constant 0 : i32
        %dma_start3A_519 = arith.constant 0 : i32
        %dma_start3A_520 = tpu.memref_slice %arg2[%dma_start3A_518, %dma_start3A_519] : memref<10000x64xf32, #tpu.memory_space<hbm>> -> memref<10000x64xf32, #tpu.memory_space<hbm>>
        tpu.enqueue_indirect_dma source(%dma_start3A_520 : memref<10000x64xf32, #tpu.memory_space<hbm>>) target(%arg21 : memref<128x64xf32, #tpu.memory_space<vmem>>) offsets(%dma_start3A_517 : memref<128xi32, #tpu.memory_space<vmem>>) semaphore(%arg31 : memref<!tpu.dma_semaphore, #tpu.memory_space<semaphore_mem>>)
      } else {
      }
    }
    %scan3A_124 = arith.constant 9 : i32
    %dma_wait3A_125 = arith.constant 0 : i32
    %dma_wait3A_126 = arith.constant 0 : i32
    %dma_wait3A_127 = tpu.memref_slice %arg10[%dma_wait3A_125, %dma_wait3A_126] : memref<78x128xi32, #tpu.memory_space<vmem>> -> memref<1x128xi32, #tpu.memory_space<vmem>>
    %dma_wait3A_128 = tpu.memref_squeeze %dma_wait3A_127 : memref<1x128xi32, #tpu.memory_space<vmem>> -> memref<128xi32, #tpu.memory_space<vmem>>
    %dma_wait3A_129 = arith.constant 0 : i32
    %dma_wait3A_130 = arith.constant 0 : i32
    %dma_wait3A_131 = tpu.memref_slice %arg2[%dma_wait3A_129, %dma_wait3A_130] : memref<10000x64xf32, #tpu.memory_space<hbm>> -> memref<10000x64xf32, #tpu.memory_space<hbm>>
    tpu.wait_indirect_dma semaphore(%arg24 : memref<!tpu.dma_semaphore, #tpu.memory_space<semaphore_mem>>) src(%dma_wait3A_131 : memref<10000x64xf32, #tpu.memory_space<hbm>>) dst(%arg14 : memref<128x64xf32, #tpu.memory_space<vmem>>)
    %dma_start3A_132 = arith.constant 72 : i32
    %dma_start3A_133 = arith.constant 0 : i32
    %dma_start3A_134 = tpu.memref_slice %arg11[%dma_start3A_132, %dma_start3A_133] : memref<78x128xi32, #tpu.memory_space<vmem>> -> memref<1x128xi32, #tpu.memory_space<vmem>>
    %dma_start3A_135 = tpu.memref_squeeze %dma_start3A_134 : memref<1x128xi32, #tpu.memory_space<vmem>> -> memref<128xi32, #tpu.memory_space<vmem>>
    %dma_start3A_136 = arith.constant 0 : i32
    %dma_start3A_137 = arith.constant 0 : i32
    %dma_start3A_138 = tpu.memref_slice %arg23[%dma_start3A_136, %dma_start3A_137] : memref<10000x64xf32, #tpu.memory_space<vmem_shared>> -> memref<10000x64xf32, #tpu.memory_space<vmem_shared>>
    tpu.enqueue_indirect_dma source(%arg14 : memref<128x64xf32, #tpu.memory_space<vmem>>) target(%dma_start3A_138 : memref<10000x64xf32, #tpu.memory_space<vmem_shared>>) offsets(%dma_start3A_135 : memref<128xi32, #tpu.memory_space<vmem>>) semaphore(%arg32 : memref<!tpu.dma_semaphore, #tpu.memory_space<semaphore_mem>>) {add = true}
    %dma_wait3A_139 = arith.constant 0 : i32
    %dma_wait3A_140 = arith.constant 0 : i32
    %dma_wait3A_141 = tpu.memref_slice %arg10[%dma_wait3A_139, %dma_wait3A_140] : memref<78x128xi32, #tpu.memory_space<vmem>> -> memref<1x128xi32, #tpu.memory_space<vmem>>
    %dma_wait3A_142 = tpu.memref_squeeze %dma_wait3A_141 : memref<1x128xi32, #tpu.memory_space<vmem>> -> memref<128xi32, #tpu.memory_space<vmem>>
    %dma_wait3A_143 = arith.constant 0 : i32
    %dma_wait3A_144 = arith.constant 0 : i32
    %dma_wait3A_145 = tpu.memref_slice %arg2[%dma_wait3A_143, %dma_wait3A_144] : memref<10000x64xf32, #tpu.memory_space<hbm>> -> memref<10000x64xf32, #tpu.memory_space<hbm>>
    tpu.wait_indirect_dma semaphore(%arg25 : memref<!tpu.dma_semaphore, #tpu.memory_space<semaphore_mem>>) src(%dma_wait3A_145 : memref<10000x64xf32, #tpu.memory_space<hbm>>) dst(%arg15 : memref<128x64xf32, #tpu.memory_space<vmem>>)
    %dma_start3A_146 = arith.constant 73 : i32
    %dma_start3A_147 = arith.constant 0 : i32
    %dma_start3A_148 = tpu.memref_slice %arg11[%dma_start3A_146, %dma_start3A_147] : memref<78x128xi32, #tpu.memory_space<vmem>> -> memref<1x128xi32, #tpu.memory_space<vmem>>
    %dma_start3A_149 = tpu.memref_squeeze %dma_start3A_148 : memref<1x128xi32, #tpu.memory_space<vmem>> -> memref<128xi32, #tpu.memory_space<vmem>>
    %dma_start3A_150 = arith.constant 0 : i32
    %dma_start3A_151 = arith.constant 0 : i32
    %dma_start3A_152 = tpu.memref_slice %arg23[%dma_start3A_150, %dma_start3A_151] : memref<10000x64xf32, #tpu.memory_space<vmem_shared>> -> memref<10000x64xf32, #tpu.memory_space<vmem_shared>>
    tpu.enqueue_indirect_dma source(%arg15 : memref<128x64xf32, #tpu.memory_space<vmem>>) target(%dma_start3A_152 : memref<10000x64xf32, #tpu.memory_space<vmem_shared>>) offsets(%dma_start3A_149 : memref<128xi32, #tpu.memory_space<vmem>>) semaphore(%arg33 : memref<!tpu.dma_semaphore, #tpu.memory_space<semaphore_mem>>) {add = true}
    %dma_wait3A_153 = arith.constant 0 : i32
    %dma_wait3A_154 = arith.constant 0 : i32
    %dma_wait3A_155 = tpu.memref_slice %arg10[%dma_wait3A_153, %dma_wait3A_154] : memref<78x128xi32, #tpu.memory_space<vmem>> -> memref<1x128xi32, #tpu.memory_space<vmem>>
    %dma_wait3A_156 = tpu.memref_squeeze %dma_wait3A_155 : memref<1x128xi32, #tpu.memory_space<vmem>> -> memref<128xi32, #tpu.memory_space<vmem>>
    %dma_wait3A_157 = arith.constant 0 : i32
    %dma_wait3A_158 = arith.constant 0 : i32
    %dma_wait3A_159 = tpu.memref_slice %arg2[%dma_wait3A_157, %dma_wait3A_158] : memref<10000x64xf32, #tpu.memory_space<hbm>> -> memref<10000x64xf32, #tpu.memory_space<hbm>>
    tpu.wait_indirect_dma semaphore(%arg26 : memref<!tpu.dma_semaphore, #tpu.memory_space<semaphore_mem>>) src(%dma_wait3A_159 : memref<10000x64xf32, #tpu.memory_space<hbm>>) dst(%arg16 : memref<128x64xf32, #tpu.memory_space<vmem>>)
    %dma_start3A_160 = arith.constant 74 : i32
    %dma_start3A_161 = arith.constant 0 : i32
    %dma_start3A_162 = tpu.memref_slice %arg11[%dma_start3A_160, %dma_start3A_161] : memref<78x128xi32, #tpu.memory_space<vmem>> -> memref<1x128xi32, #tpu.memory_space<vmem>>
    %dma_start3A_163 = tpu.memref_squeeze %dma_start3A_162 : memref<1x128xi32, #tpu.memory_space<vmem>> -> memref<128xi32, #tpu.memory_space<vmem>>
    %dma_start3A_164 = arith.constant 0 : i32
    %dma_start3A_165 = arith.constant 0 : i32
    %dma_start3A_166 = tpu.memref_slice %arg23[%dma_start3A_164, %dma_start3A_165] : memref<10000x64xf32, #tpu.memory_space<vmem_shared>> -> memref<10000x64xf32, #tpu.memory_space<vmem_shared>>
    tpu.enqueue_indirect_dma source(%arg16 : memref<128x64xf32, #tpu.memory_space<vmem>>) target(%dma_start3A_166 : memref<10000x64xf32, #tpu.memory_space<vmem_shared>>) offsets(%dma_start3A_163 : memref<128xi32, #tpu.memory_space<vmem>>) semaphore(%arg34 : memref<!tpu.dma_semaphore, #tpu.memory_space<semaphore_mem>>) {add = true}
    %dma_wait3A_167 = arith.constant 0 : i32
    %dma_wait3A_168 = arith.constant 0 : i32
    %dma_wait3A_169 = tpu.memref_slice %arg10[%dma_wait3A_167, %dma_wait3A_168] : memref<78x128xi32, #tpu.memory_space<vmem>> -> memref<1x128xi32, #tpu.memory_space<vmem>>
    %dma_wait3A_170 = tpu.memref_squeeze %dma_wait3A_169 : memref<1x128xi32, #tpu.memory_space<vmem>> -> memref<128xi32, #tpu.memory_space<vmem>>
    %dma_wait3A_171 = arith.constant 0 : i32
    %dma_wait3A_172 = arith.constant 0 : i32
    %dma_wait3A_173 = tpu.memref_slice %arg2[%dma_wait3A_171, %dma_wait3A_172] : memref<10000x64xf32, #tpu.memory_space<hbm>> -> memref<10000x64xf32, #tpu.memory_space<hbm>>
    tpu.wait_indirect_dma semaphore(%arg27 : memref<!tpu.dma_semaphore, #tpu.memory_space<semaphore_mem>>) src(%dma_wait3A_173 : memref<10000x64xf32, #tpu.memory_space<hbm>>) dst(%arg17 : memref<128x64xf32, #tpu.memory_space<vmem>>)
    %dma_start3A_174 = arith.constant 75 : i32
    %dma_start3A_175 = arith.constant 0 : i32
    %dma_start3A_176 = tpu.memref_slice %arg11[%dma_start3A_174, %dma_start3A_175] : memref<78x128xi32, #tpu.memory_space<vmem>> -> memref<1x128xi32, #tpu.memory_space<vmem>>
    %dma_start3A_177 = tpu.memref_squeeze %dma_start3A_176 : memref<1x128xi32, #tpu.memory_space<vmem>> -> memref<128xi32, #tpu.memory_space<vmem>>
    %dma_start3A_178 = arith.constant 0 : i32
    %dma_start3A_179 = arith.constant 0 : i32
    %dma_start3A_180 = tpu.memref_slice %arg23[%dma_start3A_178, %dma_start3A_179] : memref<10000x64xf32, #tpu.memory_space<vmem_shared>> -> memref<10000x64xf32, #tpu.memory_space<vmem_shared>>
    tpu.enqueue_indirect_dma source(%arg17 : memref<128x64xf32, #tpu.memory_space<vmem>>) target(%dma_start3A_180 : memref<10000x64xf32, #tpu.memory_space<vmem_shared>>) offsets(%dma_start3A_177 : memref<128xi32, #tpu.memory_space<vmem>>) semaphore(%arg35 : memref<!tpu.dma_semaphore, #tpu.memory_space<semaphore_mem>>) {add = true}
    %dma_wait3A_181 = arith.constant 0 : i32
    %dma_wait3A_182 = arith.constant 0 : i32
    %dma_wait3A_183 = tpu.memref_slice %arg10[%dma_wait3A_181, %dma_wait3A_182] : memref<78x128xi32, #tpu.memory_space<vmem>> -> memref<1x128xi32, #tpu.memory_space<vmem>>
    %dma_wait3A_184 = tpu.memref_squeeze %dma_wait3A_183 : memref<1x128xi32, #tpu.memory_space<vmem>> -> memref<128xi32, #tpu.memory_space<vmem>>
    %dma_wait3A_185 = arith.constant 0 : i32
    %dma_wait3A_186 = arith.constant 0 : i32
    %dma_wait3A_187 = tpu.memref_slice %arg2[%dma_wait3A_185, %dma_wait3A_186] : memref<10000x64xf32, #tpu.memory_space<hbm>> -> memref<10000x64xf32, #tpu.memory_space<hbm>>
    tpu.wait_indirect_dma semaphore(%arg28 : memref<!tpu.dma_semaphore, #tpu.memory_space<semaphore_mem>>) src(%dma_wait3A_187 : memref<10000x64xf32, #tpu.memory_space<hbm>>) dst(%arg18 : memref<128x64xf32, #tpu.memory_space<vmem>>)
    %dma_start3A_188 = arith.constant 76 : i32
    %dma_start3A_189 = arith.constant 0 : i32
    %dma_start3A_190 = tpu.memref_slice %arg11[%dma_start3A_188, %dma_start3A_189] : memref<78x128xi32, #tpu.memory_space<vmem>> -> memref<1x128xi32, #tpu.memory_space<vmem>>
    %dma_start3A_191 = tpu.memref_squeeze %dma_start3A_190 : memref<1x128xi32, #tpu.memory_space<vmem>> -> memref<128xi32, #tpu.memory_space<vmem>>
    %dma_start3A_192 = arith.constant 0 : i32
    %dma_start3A_193 = arith.constant 0 : i32
    %dma_start3A_194 = tpu.memref_slice %arg23[%dma_start3A_192, %dma_start3A_193] : memref<10000x64xf32, #tpu.memory_space<vmem_shared>> -> memref<10000x64xf32, #tpu.memory_space<vmem_shared>>
    tpu.enqueue_indirect_dma source(%arg18 : memref<128x64xf32, #tpu.memory_space<vmem>>) target(%dma_start3A_194 : memref<10000x64xf32, #tpu.memory_space<vmem_shared>>) offsets(%dma_start3A_191 : memref<128xi32, #tpu.memory_space<vmem>>) semaphore(%arg36 : memref<!tpu.dma_semaphore, #tpu.memory_space<semaphore_mem>>) {add = true}
    %dma_wait3A_195 = arith.constant 0 : i32
    %dma_wait3A_196 = arith.constant 0 : i32
    %dma_wait3A_197 = tpu.memref_slice %arg10[%dma_wait3A_195, %dma_wait3A_196] : memref<78x128xi32, #tpu.memory_space<vmem>> -> memref<1x128xi32, #tpu.memory_space<vmem>>
    %dma_wait3A_198 = tpu.memref_squeeze %dma_wait3A_197 : memref<1x128xi32, #tpu.memory_space<vmem>> -> memref<128xi32, #tpu.memory_space<vmem>>
    %dma_wait3A_199 = arith.constant 0 : i32
    %dma_wait3A_200 = arith.constant 0 : i32
    %dma_wait3A_201 = tpu.memref_slice %arg2[%dma_wait3A_199, %dma_wait3A_200] : memref<10000x64xf32, #tpu.memory_space<hbm>> -> memref<10000x64xf32, #tpu.memory_space<hbm>>
    tpu.wait_indirect_dma semaphore(%arg29 : memref<!tpu.dma_semaphore, #tpu.memory_space<semaphore_mem>>) src(%dma_wait3A_201 : memref<10000x64xf32, #tpu.memory_space<hbm>>) dst(%arg19 : memref<128x64xf32, #tpu.memory_space<vmem>>)
    %dma_start3A_202 = arith.constant 77 : i32
    %dma_start3A_203 = arith.constant 0 : i32
    %dma_start3A_204 = tpu.memref_slice %arg11[%dma_start3A_202, %dma_start3A_203] : memref<78x128xi32, #tpu.memory_space<vmem>> -> memref<1x128xi32, #tpu.memory_space<vmem>>
    %dma_start3A_205 = tpu.memref_squeeze %dma_start3A_204 : memref<1x128xi32, #tpu.memory_space<vmem>> -> memref<128xi32, #tpu.memory_space<vmem>>
    %dma_start3A_206 = arith.constant 0 : i32
    %dma_start3A_207 = arith.constant 0 : i32
    %dma_start3A_208 = tpu.memref_slice %arg23[%dma_start3A_206, %dma_start3A_207] : memref<10000x64xf32, #tpu.memory_space<vmem_shared>> -> memref<10000x64xf32, #tpu.memory_space<vmem_shared>>
    tpu.enqueue_indirect_dma source(%arg19 : memref<128x64xf32, #tpu.memory_space<vmem>>) target(%dma_start3A_208 : memref<10000x64xf32, #tpu.memory_space<vmem_shared>>) offsets(%dma_start3A_205 : memref<128xi32, #tpu.memory_space<vmem>>) semaphore(%arg37 : memref<!tpu.dma_semaphore, #tpu.memory_space<semaphore_mem>>) {add = true}
    %run_scoped3A = arith.constant 0 : i32
    "tpu.region"() ({
      %run_scoped3A_263 = tpu.sem_alloc : memref<!tpu.dma_semaphore, #tpu.memory_space<semaphore_mem>>
      %dma_start3A_264 = arith.constant 0 : i32
      %dma_start3A_265 = tpu.memref_slice %arg12[%run_scoped3A, %dma_start3A_264] : memref<1x16xi32, #tpu.memory_space<vmem>> -> memref<1x16xi32, #tpu.memory_space<vmem>>
      %dma_start3A_266 = tpu.memref_squeeze %dma_start3A_265 : memref<1x16xi32, #tpu.memory_space<vmem>> -> memref<16xi32, #tpu.memory_space<vmem>>
      %dma_start3A_267 = arith.constant 0 : i32
      %dma_start3A_268 = arith.constant 0 : i32
      %dma_start3A_269 = tpu.memref_slice %arg2[%dma_start3A_267, %dma_start3A_268] : memref<10000x64xf32, #tpu.memory_space<hbm>> -> memref<10000x64xf32, #tpu.memory_space<hbm>>
      tpu.enqueue_indirect_dma source(%dma_start3A_269 : memref<10000x64xf32, #tpu.memory_space<hbm>>) target(%arg22 : memref<16x64xf32, #tpu.memory_space<vmem>>) offsets(%dma_start3A_266 : memref<16xi32, #tpu.memory_space<vmem>>) semaphore(%run_scoped3A_263 : memref<!tpu.dma_semaphore, #tpu.memory_space<semaphore_mem>>)
      %dma_wait3A_270 = arith.constant 0 : i32
      %dma_wait3A_271 = tpu.memref_slice %arg12[%run_scoped3A, %dma_wait3A_270] : memref<1x16xi32, #tpu.memory_space<vmem>> -> memref<1x16xi32, #tpu.memory_space<vmem>>
      %dma_wait3A_272 = tpu.memref_squeeze %dma_wait3A_271 : memref<1x16xi32, #tpu.memory_space<vmem>> -> memref<16xi32, #tpu.memory_space<vmem>>
      %dma_wait3A_273 = arith.constant 0 : i32
      %dma_wait3A_274 = arith.constant 0 : i32
      %dma_wait3A_275 = tpu.memref_slice %arg2[%dma_wait3A_273, %dma_wait3A_274] : memref<10000x64xf32, #tpu.memory_space<hbm>> -> memref<10000x64xf32, #tpu.memory_space<hbm>>
      tpu.wait_indirect_dma semaphore(%run_scoped3A_263 : memref<!tpu.dma_semaphore, #tpu.memory_space<semaphore_mem>>) src(%dma_wait3A_275 : memref<10000x64xf32, #tpu.memory_space<hbm>>) dst(%arg22 : memref<16x64xf32, #tpu.memory_space<vmem>>)
      tpu.yield
    }) : () -> ()
    %run_scoped3A_209 = arith.constant 0 : i32
    "tpu.region"() ({
      %run_scoped3A_263 = tpu.sem_alloc : memref<!tpu.dma_semaphore, #tpu.memory_space<semaphore_mem>>
      %dma_start3A_264 = arith.constant 0 : i32
      %dma_start3A_265 = tpu.memref_slice %arg13[%run_scoped3A_209, %dma_start3A_264] : memref<1x16xi32, #tpu.memory_space<vmem>> -> memref<1x16xi32, #tpu.memory_space<vmem>>
      %dma_start3A_266 = tpu.memref_squeeze %dma_start3A_265 : memref<1x16xi32, #tpu.memory_space<vmem>> -> memref<16xi32, #tpu.memory_space<vmem>>
      %dma_start3A_267 = arith.constant 0 : i32
      %dma_start3A_268 = arith.constant 0 : i32
      %dma_start3A_269 = tpu.memref_slice %arg23[%dma_start3A_267, %dma_start3A_268] : memref<10000x64xf32, #tpu.memory_space<vmem_shared>> -> memref<10000x64xf32, #tpu.memory_space<vmem_shared>>
      tpu.enqueue_indirect_dma source(%arg22 : memref<16x64xf32, #tpu.memory_space<vmem>>) target(%dma_start3A_269 : memref<10000x64xf32, #tpu.memory_space<vmem_shared>>) offsets(%dma_start3A_266 : memref<16xi32, #tpu.memory_space<vmem>>) semaphore(%run_scoped3A_263 : memref<!tpu.dma_semaphore, #tpu.memory_space<semaphore_mem>>) {add = true}
      %dma_wait3A_270 = arith.constant 0 : i32
      %dma_wait3A_271 = tpu.memref_slice %arg13[%run_scoped3A_209, %dma_wait3A_270] : memref<1x16xi32, #tpu.memory_space<vmem>> -> memref<1x16xi32, #tpu.memory_space<vmem>>
      %dma_wait3A_272 = tpu.memref_squeeze %dma_wait3A_271 : memref<1x16xi32, #tpu.memory_space<vmem>> -> memref<16xi32, #tpu.memory_space<vmem>>
      %dma_wait3A_273 = arith.constant 0 : i32
      %dma_wait3A_274 = arith.constant 0 : i32
      %dma_wait3A_275 = tpu.memref_slice %arg23[%dma_wait3A_273, %dma_wait3A_274] : memref<10000x64xf32, #tpu.memory_space<vmem_shared>> -> memref<10000x64xf32, #tpu.memory_space<vmem_shared>>
      tpu.wait_indirect_dma semaphore(%run_scoped3A_263 : memref<!tpu.dma_semaphore, #tpu.memory_space<semaphore_mem>>) src(%arg22 : memref<16x64xf32, #tpu.memory_space<vmem>>) dst(%dma_wait3A_275 : memref<10000x64xf32, #tpu.memory_space<vmem_shared>>)
      tpu.yield
    }) : () -> ()
    %dma_wait3A_210 = arith.constant 72 : i32
    %dma_wait3A_211 = arith.constant 0 : i32
    %dma_wait3A_212 = tpu.memref_slice %arg11[%dma_wait3A_210, %dma_wait3A_211] : memref<78x128xi32, #tpu.memory_space<vmem>> -> memref<1x128xi32, #tpu.memory_space<vmem>>
    %dma_wait3A_213 = tpu.memref_squeeze %dma_wait3A_212 : memref<1x128xi32, #tpu.memory_space<vmem>> -> memref<128xi32, #tpu.memory_space<vmem>>
    %dma_wait3A_214 = arith.constant 0 : i32
    %dma_wait3A_215 = arith.constant 0 : i32
    %dma_wait3A_216 = tpu.memref_slice %arg23[%dma_wait3A_214, %dma_wait3A_215] : memref<10000x64xf32, #tpu.memory_space<vmem_shared>> -> memref<10000x64xf32, #tpu.memory_space<vmem_shared>>
    tpu.wait_indirect_dma semaphore(%arg32 : memref<!tpu.dma_semaphore, #tpu.memory_space<semaphore_mem>>) src(%arg14 : memref<128x64xf32, #tpu.memory_space<vmem>>) dst(%dma_wait3A_216 : memref<10000x64xf32, #tpu.memory_space<vmem_shared>>)
    %dma_wait3A_217 = arith.constant 73 : i32
    %dma_wait3A_218 = arith.constant 0 : i32
    %dma_wait3A_219 = tpu.memref_slice %arg11[%dma_wait3A_217, %dma_wait3A_218] : memref<78x128xi32, #tpu.memory_space<vmem>> -> memref<1x128xi32, #tpu.memory_space<vmem>>
    %dma_wait3A_220 = tpu.memref_squeeze %dma_wait3A_219 : memref<1x128xi32, #tpu.memory_space<vmem>> -> memref<128xi32, #tpu.memory_space<vmem>>
    %dma_wait3A_221 = arith.constant 0 : i32
    %dma_wait3A_222 = arith.constant 0 : i32
    %dma_wait3A_223 = tpu.memref_slice %arg23[%dma_wait3A_221, %dma_wait3A_222] : memref<10000x64xf32, #tpu.memory_space<vmem_shared>> -> memref<10000x64xf32, #tpu.memory_space<vmem_shared>>
    tpu.wait_indirect_dma semaphore(%arg33 : memref<!tpu.dma_semaphore, #tpu.memory_space<semaphore_mem>>) src(%arg15 : memref<128x64xf32, #tpu.memory_space<vmem>>) dst(%dma_wait3A_223 : memref<10000x64xf32, #tpu.memory_space<vmem_shared>>)
    %dma_wait3A_224 = arith.constant 74 : i32
    %dma_wait3A_225 = arith.constant 0 : i32
    %dma_wait3A_226 = tpu.memref_slice %arg11[%dma_wait3A_224, %dma_wait3A_225] : memref<78x128xi32, #tpu.memory_space<vmem>> -> memref<1x128xi32, #tpu.memory_space<vmem>>
    %dma_wait3A_227 = tpu.memref_squeeze %dma_wait3A_226 : memref<1x128xi32, #tpu.memory_space<vmem>> -> memref<128xi32, #tpu.memory_space<vmem>>
    %dma_wait3A_228 = arith.constant 0 : i32
    %dma_wait3A_229 = arith.constant 0 : i32
    %dma_wait3A_230 = tpu.memref_slice %arg23[%dma_wait3A_228, %dma_wait3A_229] : memref<10000x64xf32, #tpu.memory_space<vmem_shared>> -> memref<10000x64xf32, #tpu.memory_space<vmem_shared>>
    tpu.wait_indirect_dma semaphore(%arg34 : memref<!tpu.dma_semaphore, #tpu.memory_space<semaphore_mem>>) src(%arg16 : memref<128x64xf32, #tpu.memory_space<vmem>>) dst(%dma_wait3A_230 : memref<10000x64xf32, #tpu.memory_space<vmem_shared>>)
    %dma_wait3A_231 = arith.constant 75 : i32
    %dma_wait3A_232 = arith.constant 0 : i32
    %dma_wait3A_233 = tpu.memref_slice %arg11[%dma_wait3A_231, %dma_wait3A_232] : memref<78x128xi32, #tpu.memory_space<vmem>> -> memref<1x128xi32, #tpu.memory_space<vmem>>
    %dma_wait3A_234 = tpu.memref_squeeze %dma_wait3A_233 : memref<1x128xi32, #tpu.memory_space<vmem>> -> memref<128xi32, #tpu.memory_space<vmem>>
    %dma_wait3A_235 = arith.constant 0 : i32
    %dma_wait3A_236 = arith.constant 0 : i32
    %dma_wait3A_237 = tpu.memref_slice %arg23[%dma_wait3A_235, %dma_wait3A_236] : memref<10000x64xf32, #tpu.memory_space<vmem_shared>> -> memref<10000x64xf32, #tpu.memory_space<vmem_shared>>
    tpu.wait_indirect_dma semaphore(%arg35 : memref<!tpu.dma_semaphore, #tpu.memory_space<semaphore_mem>>) src(%arg17 : memref<128x64xf32, #tpu.memory_space<vmem>>) dst(%dma_wait3A_237 : memref<10000x64xf32, #tpu.memory_space<vmem_shared>>)
    %dma_wait3A_238 = arith.constant 76 : i32
    %dma_wait3A_239 = arith.constant 0 : i32
    %dma_wait3A_240 = tpu.memref_slice %arg11[%dma_wait3A_238, %dma_wait3A_239] : memref<78x128xi32, #tpu.memory_space<vmem>> -> memref<1x128xi32, #tpu.memory_space<vmem>>
    %dma_wait3A_241 = tpu.memref_squeeze %dma_wait3A_240 : memref<1x128xi32, #tpu.memory_space<vmem>> -> memref<128xi32, #tpu.memory_space<vmem>>
    %dma_wait3A_242 = arith.constant 0 : i32
    %dma_wait3A_243 = arith.constant 0 : i32
    %dma_wait3A_244 = tpu.memref_slice %arg23[%dma_wait3A_242, %dma_wait3A_243] : memref<10000x64xf32, #tpu.memory_space<vmem_shared>> -> memref<10000x64xf32, #tpu.memory_space<vmem_shared>>
    tpu.wait_indirect_dma semaphore(%arg36 : memref<!tpu.dma_semaphore, #tpu.memory_space<semaphore_mem>>) src(%arg18 : memref<128x64xf32, #tpu.memory_space<vmem>>) dst(%dma_wait3A_244 : memref<10000x64xf32, #tpu.memory_space<vmem_shared>>)
    %dma_wait3A_245 = arith.constant 77 : i32
    %dma_wait3A_246 = arith.constant 0 : i32
    %dma_wait3A_247 = tpu.memref_slice %arg11[%dma_wait3A_245, %dma_wait3A_246] : memref<78x128xi32, #tpu.memory_space<vmem>> -> memref<1x128xi32, #tpu.memory_space<vmem>>
    %dma_wait3A_248 = tpu.memref_squeeze %dma_wait3A_247 : memref<1x128xi32, #tpu.memory_space<vmem>> -> memref<128xi32, #tpu.memory_space<vmem>>
    %dma_wait3A_249 = arith.constant 0 : i32
    %dma_wait3A_250 = arith.constant 0 : i32
    %dma_wait3A_251 = tpu.memref_slice %arg23[%dma_wait3A_249, %dma_wait3A_250] : memref<10000x64xf32, #tpu.memory_space<vmem_shared>> -> memref<10000x64xf32, #tpu.memory_space<vmem_shared>>
    tpu.wait_indirect_dma semaphore(%arg37 : memref<!tpu.dma_semaphore, #tpu.memory_space<semaphore_mem>>) src(%arg19 : memref<128x64xf32, #tpu.memory_space<vmem>>) dst(%dma_wait3A_251 : memref<10000x64xf32, #tpu.memory_space<vmem_shared>>)
    %barrier3A_252 = arith.constant 0 : index
    tpu.barrier barrier_id(%barrier3A_252)
    %eq3A_253 = arith.constant 0 : i32
    %eq3A_254 = arith.cmpi eq, %arg0, %eq3A_253 : i32
    %convert_element_type3A_255 = arith.extui %eq3A_254 : i1 to i32
    %cond3A_256 = arith.constant 0 : i32
    %cond3A_257 = arith.cmpi ne, %convert_element_type3A_255, %cond3A_256 : i32
    scf.if %cond3A_257 {
      %add3A_263 = arith.constant 0 : i32
      %add3A_264 = arith.addi %mul3A_2, %add3A_263 : i32
      %dma_start3A_265 = arith.constant 0 : i32
      %dma_start3A_266 = tpu.memref_slice %arg23[%add3A_264, %dma_start3A_265] : memref<10000x64xf32, #tpu.memory_space<vmem_shared>> -> memref<128x64xf32, #tpu.memory_space<vmem_shared>>
      %dma_start3A_267 = arith.constant 0 : i32
      %dma_start3A_268 = tpu.memref_slice %arg23[%add3A_264, %dma_start3A_267] : memref<10000x64xf32, #tpu.memory_space<vmem_shared>> -> memref<128x64xf32, #tpu.memory_space<vmem_shared>>
      tpu.enqueue_dma source(%dma_start3A_268 : memref<128x64xf32, #tpu.memory_space<vmem_shared>>) target(%arg14 : memref<128x64xf32, #tpu.memory_space<vmem>>) target_semaphore(%arg24 : memref<!tpu.dma_semaphore, #tpu.memory_space<semaphore_mem>>)
      %add3A_269 = arith.constant 128 : i32
      %add3A_270 = arith.addi %mul3A_2, %add3A_269 : i32
      %dma_start3A_271 = arith.constant 0 : i32
      %dma_start3A_272 = tpu.memref_slice %arg23[%add3A_270, %dma_start3A_271] : memref<10000x64xf32, #tpu.memory_space<vmem_shared>> -> memref<128x64xf32, #tpu.memory_space<vmem_shared>>
      %dma_start3A_273 = arith.constant 0 : i32
      %dma_start3A_274 = tpu.memref_slice %arg23[%add3A_270, %dma_start3A_273] : memref<10000x64xf32, #tpu.memory_space<vmem_shared>> -> memref<128x64xf32, #tpu.memory_space<vmem_shared>>
      tpu.enqueue_dma source(%dma_start3A_274 : memref<128x64xf32, #tpu.memory_space<vmem_shared>>) target(%arg15 : memref<128x64xf32, #tpu.memory_space<vmem>>) target_semaphore(%arg25 : memref<!tpu.dma_semaphore, #tpu.memory_space<semaphore_mem>>)
      %add3A_275 = arith.constant 256 : i32
      %add3A_276 = arith.addi %mul3A_2, %add3A_275 : i32
      %dma_start3A_277 = arith.constant 0 : i32
      %dma_start3A_278 = tpu.memref_slice %arg23[%add3A_276, %dma_start3A_277] : memref<10000x64xf32, #tpu.memory_space<vmem_shared>> -> memref<128x64xf32, #tpu.memory_space<vmem_shared>>
      %dma_start3A_279 = arith.constant 0 : i32
      %dma_start3A_280 = tpu.memref_slice %arg23[%add3A_276, %dma_start3A_279] : memref<10000x64xf32, #tpu.memory_space<vmem_shared>> -> memref<128x64xf32, #tpu.memory_space<vmem_shared>>
      tpu.enqueue_dma source(%dma_start3A_280 : memref<128x64xf32, #tpu.memory_space<vmem_shared>>) target(%arg16 : memref<128x64xf32, #tpu.memory_space<vmem>>) target_semaphore(%arg26 : memref<!tpu.dma_semaphore, #tpu.memory_space<semaphore_mem>>)
      %add3A_281 = arith.constant 384 : i32
      %add3A_282 = arith.addi %mul3A_2, %add3A_281 : i32
      %dma_start3A_283 = arith.constant 0 : i32
      %dma_start3A_284 = tpu.memref_slice %arg23[%add3A_282, %dma_start3A_283] : memref<10000x64xf32, #tpu.memory_space<vmem_shared>> -> memref<128x64xf32, #tpu.memory_space<vmem_shared>>
      %dma_start3A_285 = arith.constant 0 : i32
      %dma_start3A_286 = tpu.memref_slice %arg23[%add3A_282, %dma_start3A_285] : memref<10000x64xf32, #tpu.memory_space<vmem_shared>> -> memref<128x64xf32, #tpu.memory_space<vmem_shared>>
      tpu.enqueue_dma source(%dma_start3A_286 : memref<128x64xf32, #tpu.memory_space<vmem_shared>>) target(%arg17 : memref<128x64xf32, #tpu.memory_space<vmem>>) target_semaphore(%arg27 : memref<!tpu.dma_semaphore, #tpu.memory_space<semaphore_mem>>)
      %add3A_287 = arith.constant 512 : i32
      %add3A_288 = arith.addi %mul3A_2, %add3A_287 : i32
      %dma_start3A_289 = arith.constant 0 : i32
      %dma_start3A_290 = arith.constant 0 : i32
      %dma_start3A_291 = tpu.memref_slice %arg18[%dma_start3A_289, %dma_start3A_290] : memref<128x64xf32, #tpu.memory_space<vmem>> -> memref<112x64xf32, #tpu.memory_space<vmem>>
      %dma_start3A_292 = arith.constant 0 : i32
      %dma_start3A_293 = tpu.memref_slice %arg23[%add3A_288, %dma_start3A_292] : memref<10000x64xf32, #tpu.memory_space<vmem_shared>> -> memref<112x64xf32, #tpu.memory_space<vmem_shared>>
      %dma_start3A_294 = arith.constant 0 : i32
      %dma_start3A_295 = arith.constant 0 : i32
      %dma_start3A_296 = tpu.memref_slice %arg18[%dma_start3A_294, %dma_start3A_295] : memref<128x64xf32, #tpu.memory_space<vmem>> -> memref<112x64xf32, #tpu.memory_space<vmem>>
      %dma_start3A_297 = arith.constant 0 : i32
      %dma_start3A_298 = tpu.memref_slice %arg23[%add3A_288, %dma_start3A_297] : memref<10000x64xf32, #tpu.memory_space<vmem_shared>> -> memref<112x64xf32, #tpu.memory_space<vmem_shared>>
      tpu.enqueue_dma source(%dma_start3A_298 : memref<112x64xf32, #tpu.memory_space<vmem_shared>>) target(%dma_start3A_296 : memref<112x64xf32, #tpu.memory_space<vmem>>) target_semaphore(%arg28 : memref<!tpu.dma_semaphore, #tpu.memory_space<semaphore_mem>>)
      %dma_wait3A_299 = arith.constant 0 : i32
      %dma_wait3A_300 = tpu.memref_slice %arg23[%add3A_264, %dma_wait3A_299] : memref<10000x64xf32, #tpu.memory_space<vmem_shared>> -> memref<128x64xf32, #tpu.memory_space<vmem_shared>>
      %dma_wait3A_301 = arith.constant 0 : i32
      %dma_wait3A_302 = tpu.memref_slice %arg23[%add3A_264, %dma_wait3A_301] : memref<10000x64xf32, #tpu.memory_space<vmem_shared>> -> memref<128x64xf32, #tpu.memory_space<vmem_shared>>
      tpu.wait_dma2 semaphore(%arg24 : memref<!tpu.dma_semaphore, #tpu.memory_space<semaphore_mem>>) src(%dma_wait3A_302 : memref<128x64xf32, #tpu.memory_space<vmem_shared>>) dst(%arg14 : memref<128x64xf32, #tpu.memory_space<vmem>>)
      %add3A_303 = arith.constant 0 : i32
      %add3A_304 = arith.addi %mul3A_2, %add3A_303 : i32
      %dma_start3A_305 = arith.constant 0 : i32
      %dma_start3A_306 = tpu.memref_slice %arg8[%add3A_304, %dma_start3A_305] : memref<10000x64xf32, #tpu.memory_space<hbm>> -> memref<128x64xf32, #tpu.memory_space<hbm>>
      %dma_start3A_307 = arith.constant 0 : i32
      %dma_start3A_308 = tpu.memref_slice %arg8[%add3A_304, %dma_start3A_307] : memref<10000x64xf32, #tpu.memory_space<hbm>> -> memref<128x64xf32, #tpu.memory_space<hbm>>
      tpu.enqueue_dma source(%arg14 : memref<128x64xf32, #tpu.memory_space<vmem>>) target(%dma_start3A_308 : memref<128x64xf32, #tpu.memory_space<hbm>>) target_semaphore(%arg32 : memref<!tpu.dma_semaphore, #tpu.memory_space<semaphore_mem>>)
      %dma_wait3A_309 = arith.constant 0 : i32
      %dma_wait3A_310 = tpu.memref_slice %arg23[%add3A_270, %dma_wait3A_309] : memref<10000x64xf32, #tpu.memory_space<vmem_shared>> -> memref<128x64xf32, #tpu.memory_space<vmem_shared>>
      %dma_wait3A_311 = arith.constant 0 : i32
      %dma_wait3A_312 = tpu.memref_slice %arg23[%add3A_270, %dma_wait3A_311] : memref<10000x64xf32, #tpu.memory_space<vmem_shared>> -> memref<128x64xf32, #tpu.memory_space<vmem_shared>>
      tpu.wait_dma2 semaphore(%arg25 : memref<!tpu.dma_semaphore, #tpu.memory_space<semaphore_mem>>) src(%dma_wait3A_312 : memref<128x64xf32, #tpu.memory_space<vmem_shared>>) dst(%arg15 : memref<128x64xf32, #tpu.memory_space<vmem>>)
      %add3A_313 = arith.constant 128 : i32
      %add3A_314 = arith.addi %mul3A_2, %add3A_313 : i32
      %dma_start3A_315 = arith.constant 0 : i32
      %dma_start3A_316 = tpu.memref_slice %arg8[%add3A_314, %dma_start3A_315] : memref<10000x64xf32, #tpu.memory_space<hbm>> -> memref<128x64xf32, #tpu.memory_space<hbm>>
      %dma_start3A_317 = arith.constant 0 : i32
      %dma_start3A_318 = tpu.memref_slice %arg8[%add3A_314, %dma_start3A_317] : memref<10000x64xf32, #tpu.memory_space<hbm>> -> memref<128x64xf32, #tpu.memory_space<hbm>>
      tpu.enqueue_dma source(%arg15 : memref<128x64xf32, #tpu.memory_space<vmem>>) target(%dma_start3A_318 : memref<128x64xf32, #tpu.memory_space<hbm>>) target_semaphore(%arg33 : memref<!tpu.dma_semaphore, #tpu.memory_space<semaphore_mem>>)
      %dma_wait3A_319 = arith.constant 0 : i32
      %dma_wait3A_320 = tpu.memref_slice %arg23[%add3A_276, %dma_wait3A_319] : memref<10000x64xf32, #tpu.memory_space<vmem_shared>> -> memref<128x64xf32, #tpu.memory_space<vmem_shared>>
      %dma_wait3A_321 = arith.constant 0 : i32
      %dma_wait3A_322 = tpu.memref_slice %arg23[%add3A_276, %dma_wait3A_321] : memref<10000x64xf32, #tpu.memory_space<vmem_shared>> -> memref<128x64xf32, #tpu.memory_space<vmem_shared>>
      tpu.wait_dma2 semaphore(%arg26 : memref<!tpu.dma_semaphore, #tpu.memory_space<semaphore_mem>>) src(%dma_wait3A_322 : memref<128x64xf32, #tpu.memory_space<vmem_shared>>) dst(%arg16 : memref<128x64xf32, #tpu.memory_space<vmem>>)
      %add3A_323 = arith.constant 256 : i32
      %add3A_324 = arith.addi %mul3A_2, %add3A_323 : i32
      %dma_start3A_325 = arith.constant 0 : i32
      %dma_start3A_326 = tpu.memref_slice %arg8[%add3A_324, %dma_start3A_325] : memref<10000x64xf32, #tpu.memory_space<hbm>> -> memref<128x64xf32, #tpu.memory_space<hbm>>
      %dma_start3A_327 = arith.constant 0 : i32
      %dma_start3A_328 = tpu.memref_slice %arg8[%add3A_324, %dma_start3A_327] : memref<10000x64xf32, #tpu.memory_space<hbm>> -> memref<128x64xf32, #tpu.memory_space<hbm>>
      tpu.enqueue_dma source(%arg16 : memref<128x64xf32, #tpu.memory_space<vmem>>) target(%dma_start3A_328 : memref<128x64xf32, #tpu.memory_space<hbm>>) target_semaphore(%arg34 : memref<!tpu.dma_semaphore, #tpu.memory_space<semaphore_mem>>)
      %dma_wait3A_329 = arith.constant 0 : i32
      %dma_wait3A_330 = tpu.memref_slice %arg23[%add3A_282, %dma_wait3A_329] : memref<10000x64xf32, #tpu.memory_space<vmem_shared>> -> memref<128x64xf32, #tpu.memory_space<vmem_shared>>
      %dma_wait3A_331 = arith.constant 0 : i32
      %dma_wait3A_332 = tpu.memref_slice %arg23[%add3A_282, %dma_wait3A_331] : memref<10000x64xf32, #tpu.memory_space<vmem_shared>> -> memref<128x64xf32, #tpu.memory_space<vmem_shared>>
      tpu.wait_dma2 semaphore(%arg27 : memref<!tpu.dma_semaphore, #tpu.memory_space<semaphore_mem>>) src(%dma_wait3A_332 : memref<128x64xf32, #tpu.memory_space<vmem_shared>>) dst(%arg17 : memref<128x64xf32, #tpu.memory_space<vmem>>)
      %add3A_333 = arith.constant 384 : i32
      %add3A_334 = arith.addi %mul3A_2, %add3A_333 : i32
      %dma_start3A_335 = arith.constant 0 : i32
      %dma_start3A_336 = tpu.memref_slice %arg8[%add3A_334, %dma_start3A_335] : memref<10000x64xf32, #tpu.memory_space<hbm>> -> memref<128x64xf32, #tpu.memory_space<hbm>>
      %dma_start3A_337 = arith.constant 0 : i32
      %dma_start3A_338 = tpu.memref_slice %arg8[%add3A_334, %dma_start3A_337] : memref<10000x64xf32, #tpu.memory_space<hbm>> -> memref<128x64xf32, #tpu.memory_space<hbm>>
      tpu.enqueue_dma source(%arg17 : memref<128x64xf32, #tpu.memory_space<vmem>>) target(%dma_start3A_338 : memref<128x64xf32, #tpu.memory_space<hbm>>) target_semaphore(%arg35 : memref<!tpu.dma_semaphore, #tpu.memory_space<semaphore_mem>>)
      %dma_wait3A_339 = arith.constant 0 : i32
      %dma_wait3A_340 = arith.constant 0 : i32
      %dma_wait3A_341 = tpu.memref_slice %arg18[%dma_wait3A_339, %dma_wait3A_340] : memref<128x64xf32, #tpu.memory_space<vmem>> -> memref<112x64xf32, #tpu.memory_space<vmem>>
      %dma_wait3A_342 = arith.constant 0 : i32
      %dma_wait3A_343 = tpu.memref_slice %arg23[%add3A_288, %dma_wait3A_342] : memref<10000x64xf32, #tpu.memory_space<vmem_shared>> -> memref<112x64xf32, #tpu.memory_space<vmem_shared>>
      %dma_wait3A_344 = arith.constant 0 : i32
      %dma_wait3A_345 = arith.constant 0 : i32
      %dma_wait3A_346 = tpu.memref_slice %arg18[%dma_wait3A_344, %dma_wait3A_345] : memref<128x64xf32, #tpu.memory_space<vmem>> -> memref<112x64xf32, #tpu.memory_space<vmem>>
      %dma_wait3A_347 = arith.constant 0 : i32
      %dma_wait3A_348 = tpu.memref_slice %arg23[%add3A_288, %dma_wait3A_347] : memref<10000x64xf32, #tpu.memory_space<vmem_shared>> -> memref<112x64xf32, #tpu.memory_space<vmem_shared>>
      tpu.wait_dma2 semaphore(%arg28 : memref<!tpu.dma_semaphore, #tpu.memory_space<semaphore_mem>>) src(%dma_wait3A_348 : memref<112x64xf32, #tpu.memory_space<vmem_shared>>) dst(%dma_wait3A_346 : memref<112x64xf32, #tpu.memory_space<vmem>>)
      %add3A_349 = arith.constant 512 : i32
      %add3A_350 = arith.addi %mul3A_2, %add3A_349 : i32
      %dma_start3A_351 = arith.constant 0 : i32
      %dma_start3A_352 = arith.constant 0 : i32
      %dma_start3A_353 = tpu.memref_slice %arg18[%dma_start3A_351, %dma_start3A_352] : memref<128x64xf32, #tpu.memory_space<vmem>> -> memref<112x64xf32, #tpu.memory_space<vmem>>
      %dma_start3A_354 = arith.constant 0 : i32
      %dma_start3A_355 = tpu.memref_slice %arg8[%add3A_350, %dma_start3A_354] : memref<10000x64xf32, #tpu.memory_space<hbm>> -> memref<112x64xf32, #tpu.memory_space<hbm>>
      %dma_start3A_356 = arith.constant 0 : i32
      %dma_start3A_357 = tpu.memref_slice %arg8[%add3A_350, %dma_start3A_356] : memref<10000x64xf32, #tpu.memory_space<hbm>> -> memref<112x64xf32, #tpu.memory_space<hbm>>
      %dma_start3A_358 = arith.constant 0 : i32
      %dma_start3A_359 = arith.constant 0 : i32
      %dma_start3A_360 = tpu.memref_slice %arg18[%dma_start3A_358, %dma_start3A_359] : memref<128x64xf32, #tpu.memory_space<vmem>> -> memref<112x64xf32, #tpu.memory_space<vmem>>
      tpu.enqueue_dma source(%dma_start3A_360 : memref<112x64xf32, #tpu.memory_space<vmem>>) target(%dma_start3A_357 : memref<112x64xf32, #tpu.memory_space<hbm>>) target_semaphore(%arg36 : memref<!tpu.dma_semaphore, #tpu.memory_space<semaphore_mem>>)
      %eq3A_361 = arith.constant 15 : i32
      %eq3A_362 = arith.cmpi eq, %arg1, %eq3A_361 : i32
      %convert_element_type3A_363 = arith.extui %eq3A_362 : i1 to i32
      %cond3A_364 = arith.constant 0 : i32
      %cond3A_365 = arith.cmpi ne, %convert_element_type3A_363, %cond3A_364 : i32
      scf.if %cond3A_365 {
        "tpu.region"() ({
          %run_scoped3A_392 = tpu.sem_alloc : memref<!tpu.dma_semaphore, #tpu.memory_space<semaphore_mem>>
          %dma_start3A_393 = arith.constant 0 : i32
          %dma_start3A_394 = arith.constant 0 : i32
          %dma_start3A_395 = tpu.memref_slice %arg19[%dma_start3A_393, %dma_start3A_394] : memref<128x64xf32, #tpu.memory_space<vmem>> -> memref<16x64xf32, #tpu.memory_space<vmem>>
          %dma_start3A_396 = arith.constant 9984 : i32
          %dma_start3A_397 = arith.constant 0 : i32
          %dma_start3A_398 = tpu.memref_slice %arg23[%dma_start3A_396, %dma_start3A_397] : memref<10000x64xf32, #tpu.memory_space<vmem_shared>> -> memref<16x64xf32, #tpu.memory_space<vmem_shared>>
          %dma_start3A_399 = arith.constant 0 : i32
          %dma_start3A_400 = arith.constant 0 : i32
          %dma_start3A_401 = tpu.memref_slice %arg19[%dma_start3A_399, %dma_start3A_400] : memref<128x64xf32, #tpu.memory_space<vmem>> -> memref<16x64xf32, #tpu.memory_space<vmem>>
          %dma_start3A_402 = arith.constant 9984 : i32
          %dma_start3A_403 = arith.constant 0 : i32
          %dma_start3A_404 = tpu.memref_slice %arg23[%dma_start3A_402, %dma_start3A_403] : memref<10000x64xf32, #tpu.memory_space<vmem_shared>> -> memref<16x64xf32, #tpu.memory_space<vmem_shared>>
          tpu.enqueue_dma source(%dma_start3A_404 : memref<16x64xf32, #tpu.memory_space<vmem_shared>>) target(%dma_start3A_401 : memref<16x64xf32, #tpu.memory_space<vmem>>) target_semaphore(%run_scoped3A_392 : memref<!tpu.dma_semaphore, #tpu.memory_space<semaphore_mem>>)
          %dma_wait3A_405 = arith.constant 0 : i32
          %dma_wait3A_406 = arith.constant 0 : i32
          %dma_wait3A_407 = tpu.memref_slice %arg19[%dma_wait3A_405, %dma_wait3A_406] : memref<128x64xf32, #tpu.memory_space<vmem>> -> memref<16x64xf32, #tpu.memory_space<vmem>>
          %dma_wait3A_408 = arith.constant 9984 : i32
          %dma_wait3A_409 = arith.constant 0 : i32
          %dma_wait3A_410 = tpu.memref_slice %arg23[%dma_wait3A_408, %dma_wait3A_409] : memref<10000x64xf32, #tpu.memory_space<vmem_shared>> -> memref<16x64xf32, #tpu.memory_space<vmem_shared>>
          %dma_wait3A_411 = arith.constant 0 : i32
          %dma_wait3A_412 = arith.constant 0 : i32
          %dma_wait3A_413 = tpu.memref_slice %arg19[%dma_wait3A_411, %dma_wait3A_412] : memref<128x64xf32, #tpu.memory_space<vmem>> -> memref<16x64xf32, #tpu.memory_space<vmem>>
          %dma_wait3A_414 = arith.constant 9984 : i32
          %dma_wait3A_415 = arith.constant 0 : i32
          %dma_wait3A_416 = tpu.memref_slice %arg23[%dma_wait3A_414, %dma_wait3A_415] : memref<10000x64xf32, #tpu.memory_space<vmem_shared>> -> memref<16x64xf32, #tpu.memory_space<vmem_shared>>
          tpu.wait_dma2 semaphore(%run_scoped3A_392 : memref<!tpu.dma_semaphore, #tpu.memory_space<semaphore_mem>>) src(%dma_wait3A_416 : memref<16x64xf32, #tpu.memory_space<vmem_shared>>) dst(%dma_wait3A_413 : memref<16x64xf32, #tpu.memory_space<vmem>>)
          tpu.yield
        }) : () -> ()
        "tpu.region"() ({
          %run_scoped3A_392 = tpu.sem_alloc : memref<!tpu.dma_semaphore, #tpu.memory_space<semaphore_mem>>
          %dma_start3A_393 = arith.constant 0 : i32
          %dma_start3A_394 = arith.constant 0 : i32
          %dma_start3A_395 = tpu.memref_slice %arg19[%dma_start3A_393, %dma_start3A_394] : memref<128x64xf32, #tpu.memory_space<vmem>> -> memref<16x64xf32, #tpu.memory_space<vmem>>
          %dma_start3A_396 = arith.constant 9984 : i32
          %dma_start3A_397 = arith.constant 0 : i32
          %dma_start3A_398 = tpu.memref_slice %arg8[%dma_start3A_396, %dma_start3A_397] : memref<10000x64xf32, #tpu.memory_space<hbm>> -> memref<16x64xf32, #tpu.memory_space<hbm>>
          %dma_start3A_399 = arith.constant 9984 : i32
          %dma_start3A_400 = arith.constant 0 : i32
          %dma_start3A_401 = tpu.memref_slice %arg8[%dma_start3A_399, %dma_start3A_400] : memref<10000x64xf32, #tpu.memory_space<hbm>> -> memref<16x64xf32, #tpu.memory_space<hbm>>
          %dma_start3A_402 = arith.constant 0 : i32
          %dma_start3A_403 = arith.constant 0 : i32
          %dma_start3A_404 = tpu.memref_slice %arg19[%dma_start3A_402, %dma_start3A_403] : memref<128x64xf32, #tpu.memory_space<vmem>> -> memref<16x64xf32, #tpu.memory_space<vmem>>
          tpu.enqueue_dma source(%dma_start3A_404 : memref<16x64xf32, #tpu.memory_space<vmem>>) target(%dma_start3A_401 : memref<16x64xf32, #tpu.memory_space<hbm>>) target_semaphore(%run_scoped3A_392 : memref<!tpu.dma_semaphore, #tpu.memory_space<semaphore_mem>>)
          %dma_wait3A_405 = arith.constant 0 : i32
          %dma_wait3A_406 = arith.constant 0 : i32
          %dma_wait3A_407 = tpu.memref_slice %arg19[%dma_wait3A_405, %dma_wait3A_406] : memref<128x64xf32, #tpu.memory_space<vmem>> -> memref<16x64xf32, #tpu.memory_space<vmem>>
          %dma_wait3A_408 = arith.constant 9984 : i32
          %dma_wait3A_409 = arith.constant 0 : i32
          %dma_wait3A_410 = tpu.memref_slice %arg8[%dma_wait3A_408, %dma_wait3A_409] : memref<10000x64xf32, #tpu.memory_space<hbm>> -> memref<16x64xf32, #tpu.memory_space<hbm>>
          %dma_wait3A_411 = arith.constant 9984 : i32
          %dma_wait3A_412 = arith.constant 0 : i32
          %dma_wait3A_413 = tpu.memref_slice %arg8[%dma_wait3A_411, %dma_wait3A_412] : memref<10000x64xf32, #tpu.memory_space<hbm>> -> memref<16x64xf32, #tpu.memory_space<hbm>>
          %dma_wait3A_414 = arith.constant 0 : i32
          %dma_wait3A_415 = arith.constant 0 : i32
          %dma_wait3A_416 = tpu.memref_slice %arg19[%dma_wait3A_414, %dma_wait3A_415] : memref<128x64xf32, #tpu.memory_space<vmem>> -> memref<16x64xf32, #tpu.memory_space<vmem>>
          tpu.wait_dma2 semaphore(%run_scoped3A_392 : memref<!tpu.dma_semaphore, #tpu.memory_space<semaphore_mem>>) src(%dma_wait3A_416 : memref<16x64xf32, #tpu.memory_space<vmem>>) dst(%dma_wait3A_413 : memref<16x64xf32, #tpu.memory_space<hbm>>)
          tpu.yield
        }) : () -> ()
      } else {
      }
      %dma_wait3A_366 = arith.constant 0 : i32
      %dma_wait3A_367 = tpu.memref_slice %arg8[%add3A_304, %dma_wait3A_366] : memref<10000x64xf32, #tpu.memory_space<hbm>> -> memref<128x64xf32, #tpu.memory_space<hbm>>
      %dma_wait3A_368 = arith.constant 0 : i32
      %dma_wait3A_369 = tpu.memref_slice %arg8[%add3A_304, %dma_wait3A_368] : memref<10000x64xf32, #tpu.memory_space<hbm>> -> memref<128x64xf32, #tpu.memory_space<hbm>>
      tpu.wait_dma2 semaphore(%arg32 : memref<!tpu.dma_semaphore, #tpu.memory_space<semaphore_mem>>) src(%arg14 : memref<128x64xf32, #tpu.memory_space<vmem>>) dst(%dma_wait3A_369 : memref<128x64xf32, #tpu.memory_space<hbm>>)
      %dma_wait3A_370 = arith.constant 0 : i32
      %dma_wait3A_371 = tpu.memref_slice %arg8[%add3A_314, %dma_wait3A_370] : memref<10000x64xf32, #tpu.memory_space<hbm>> -> memref<128x64xf32, #tpu.memory_space<hbm>>
      %dma_wait3A_372 = arith.constant 0 : i32
      %dma_wait3A_373 = tpu.memref_slice %arg8[%add3A_314, %dma_wait3A_372] : memref<10000x64xf32, #tpu.memory_space<hbm>> -> memref<128x64xf32, #tpu.memory_space<hbm>>
      tpu.wait_dma2 semaphore(%arg33 : memref<!tpu.dma_semaphore, #tpu.memory_space<semaphore_mem>>) src(%arg15 : memref<128x64xf32, #tpu.memory_space<vmem>>) dst(%dma_wait3A_373 : memref<128x64xf32, #tpu.memory_space<hbm>>)
      %dma_wait3A_374 = arith.constant 0 : i32
      %dma_wait3A_375 = tpu.memref_slice %arg8[%add3A_324, %dma_wait3A_374] : memref<10000x64xf32, #tpu.memory_space<hbm>> -> memref<128x64xf32, #tpu.memory_space<hbm>>
      %dma_wait3A_376 = arith.constant 0 : i32
      %dma_wait3A_377 = tpu.memref_slice %arg8[%add3A_324, %dma_wait3A_376] : memref<10000x64xf32, #tpu.memory_space<hbm>> -> memref<128x64xf32, #tpu.memory_space<hbm>>
      tpu.wait_dma2 semaphore(%arg34 : memref<!tpu.dma_semaphore, #tpu.memory_space<semaphore_mem>>) src(%arg16 : memref<128x64xf32, #tpu.memory_space<vmem>>) dst(%dma_wait3A_377 : memref<128x64xf32, #tpu.memory_space<hbm>>)
      %dma_wait3A_378 = arith.constant 0 : i32
      %dma_wait3A_379 = tpu.memref_slice %arg8[%add3A_334, %dma_wait3A_378] : memref<10000x64xf32, #tpu.memory_space<hbm>> -> memref<128x64xf32, #tpu.memory_space<hbm>>
      %dma_wait3A_380 = arith.constant 0 : i32
      %dma_wait3A_381 = tpu.memref_slice %arg8[%add3A_334, %dma_wait3A_380] : memref<10000x64xf32, #tpu.memory_space<hbm>> -> memref<128x64xf32, #tpu.memory_space<hbm>>
      tpu.wait_dma2 semaphore(%arg35 : memref<!tpu.dma_semaphore, #tpu.memory_space<semaphore_mem>>) src(%arg17 : memref<128x64xf32, #tpu.memory_space<vmem>>) dst(%dma_wait3A_381 : memref<128x64xf32, #tpu.memory_space<hbm>>)
      %dma_wait3A_382 = arith.constant 0 : i32
      %dma_wait3A_383 = arith.constant 0 : i32
      %dma_wait3A_384 = tpu.memref_slice %arg18[%dma_wait3A_382, %dma_wait3A_383] : memref<128x64xf32, #tpu.memory_space<vmem>> -> memref<112x64xf32, #tpu.memory_space<vmem>>
      %dma_wait3A_385 = arith.constant 0 : i32
      %dma_wait3A_386 = tpu.memref_slice %arg8[%add3A_350, %dma_wait3A_385] : memref<10000x64xf32, #tpu.memory_space<hbm>> -> memref<112x64xf32, #tpu.memory_space<hbm>>
      %dma_wait3A_387 = arith.constant 0 : i32
      %dma_wait3A_388 = tpu.memref_slice %arg8[%add3A_350, %dma_wait3A_387] : memref<10000x64xf32, #tpu.memory_space<hbm>> -> memref<112x64xf32, #tpu.memory_space<hbm>>
      %dma_wait3A_389 = arith.constant 0 : i32
      %dma_wait3A_390 = arith.constant 0 : i32
      %dma_wait3A_391 = tpu.memref_slice %arg18[%dma_wait3A_389, %dma_wait3A_390] : memref<128x64xf32, #tpu.memory_space<vmem>> -> memref<112x64xf32, #tpu.memory_space<vmem>>
      tpu.wait_dma2 semaphore(%arg36 : memref<!tpu.dma_semaphore, #tpu.memory_space<semaphore_mem>>) src(%dma_wait3A_391 : memref<112x64xf32, #tpu.memory_space<vmem>>) dst(%dma_wait3A_388 : memref<112x64xf32, #tpu.memory_space<hbm>>)
    } else {
    }
    %eq3A_258 = arith.constant 1 : i32
    %eq3A_259 = arith.cmpi eq, %arg0, %eq3A_258 : i32
    %convert_element_type3A_260 = arith.extui %eq3A_259 : i1 to i32
    %cond3A_261 = arith.constant 0 : i32
    %cond3A_262 = arith.cmpi ne, %convert_element_type3A_260, %cond3A_261 : i32
    scf.if %cond3A_262 {
      %add3A_263 = arith.constant 0 : i32
      %add3A_264 = arith.addi %mul3A_2, %add3A_263 : i32
      %dma_start3A_265 = arith.constant 0 : i32
      %dma_start3A_266 = tpu.memref_slice %arg23[%add3A_264, %dma_start3A_265] : memref<10000x64xf32, #tpu.memory_space<vmem_shared>> -> memref<128x64xf32, #tpu.memory_space<vmem_shared>>
      %dma_start3A_267 = arith.constant 0 : i32
      %dma_start3A_268 = tpu.memref_slice %arg23[%add3A_264, %dma_start3A_267] : memref<10000x64xf32, #tpu.memory_space<vmem_shared>> -> memref<128x64xf32, #tpu.memory_space<vmem_shared>>
      tpu.enqueue_dma source(%dma_start3A_268 : memref<128x64xf32, #tpu.memory_space<vmem_shared>>) target(%arg14 : memref<128x64xf32, #tpu.memory_space<vmem>>) target_semaphore(%arg24 : memref<!tpu.dma_semaphore, #tpu.memory_space<semaphore_mem>>)
      %add3A_269 = arith.constant 128 : i32
      %add3A_270 = arith.addi %mul3A_2, %add3A_269 : i32
      %dma_start3A_271 = arith.constant 0 : i32
      %dma_start3A_272 = tpu.memref_slice %arg23[%add3A_270, %dma_start3A_271] : memref<10000x64xf32, #tpu.memory_space<vmem_shared>> -> memref<128x64xf32, #tpu.memory_space<vmem_shared>>
      %dma_start3A_273 = arith.constant 0 : i32
      %dma_start3A_274 = tpu.memref_slice %arg23[%add3A_270, %dma_start3A_273] : memref<10000x64xf32, #tpu.memory_space<vmem_shared>> -> memref<128x64xf32, #tpu.memory_space<vmem_shared>>
      tpu.enqueue_dma source(%dma_start3A_274 : memref<128x64xf32, #tpu.memory_space<vmem_shared>>) target(%arg15 : memref<128x64xf32, #tpu.memory_space<vmem>>) target_semaphore(%arg25 : memref<!tpu.dma_semaphore, #tpu.memory_space<semaphore_mem>>)
      %add3A_275 = arith.constant 256 : i32
      %add3A_276 = arith.addi %mul3A_2, %add3A_275 : i32
      %dma_start3A_277 = arith.constant 0 : i32
      %dma_start3A_278 = tpu.memref_slice %arg23[%add3A_276, %dma_start3A_277] : memref<10000x64xf32, #tpu.memory_space<vmem_shared>> -> memref<128x64xf32, #tpu.memory_space<vmem_shared>>
      %dma_start3A_279 = arith.constant 0 : i32
      %dma_start3A_280 = tpu.memref_slice %arg23[%add3A_276, %dma_start3A_279] : memref<10000x64xf32, #tpu.memory_space<vmem_shared>> -> memref<128x64xf32, #tpu.memory_space<vmem_shared>>
      tpu.enqueue_dma source(%dma_start3A_280 : memref<128x64xf32, #tpu.memory_space<vmem_shared>>) target(%arg16 : memref<128x64xf32, #tpu.memory_space<vmem>>) target_semaphore(%arg26 : memref<!tpu.dma_semaphore, #tpu.memory_space<semaphore_mem>>)
      %add3A_281 = arith.constant 384 : i32
      %add3A_282 = arith.addi %mul3A_2, %add3A_281 : i32
      %dma_start3A_283 = arith.constant 0 : i32
      %dma_start3A_284 = tpu.memref_slice %arg23[%add3A_282, %dma_start3A_283] : memref<10000x64xf32, #tpu.memory_space<vmem_shared>> -> memref<128x64xf32, #tpu.memory_space<vmem_shared>>
      %dma_start3A_285 = arith.constant 0 : i32
      %dma_start3A_286 = tpu.memref_slice %arg23[%add3A_282, %dma_start3A_285] : memref<10000x64xf32, #tpu.memory_space<vmem_shared>> -> memref<128x64xf32, #tpu.memory_space<vmem_shared>>
      tpu.enqueue_dma source(%dma_start3A_286 : memref<128x64xf32, #tpu.memory_space<vmem_shared>>) target(%arg17 : memref<128x64xf32, #tpu.memory_space<vmem>>) target_semaphore(%arg27 : memref<!tpu.dma_semaphore, #tpu.memory_space<semaphore_mem>>)
      %add3A_287 = arith.constant 512 : i32
      %add3A_288 = arith.addi %mul3A_2, %add3A_287 : i32
      %dma_start3A_289 = arith.constant 0 : i32
      %dma_start3A_290 = arith.constant 0 : i32
      %dma_start3A_291 = tpu.memref_slice %arg18[%dma_start3A_289, %dma_start3A_290] : memref<128x64xf32, #tpu.memory_space<vmem>> -> memref<112x64xf32, #tpu.memory_space<vmem>>
      %dma_start3A_292 = arith.constant 0 : i32
      %dma_start3A_293 = tpu.memref_slice %arg23[%add3A_288, %dma_start3A_292] : memref<10000x64xf32, #tpu.memory_space<vmem_shared>> -> memref<112x64xf32, #tpu.memory_space<vmem_shared>>
      %dma_start3A_294 = arith.constant 0 : i32
      %dma_start3A_295 = arith.constant 0 : i32
      %dma_start3A_296 = tpu.memref_slice %arg18[%dma_start3A_294, %dma_start3A_295] : memref<128x64xf32, #tpu.memory_space<vmem>> -> memref<112x64xf32, #tpu.memory_space<vmem>>
      %dma_start3A_297 = arith.constant 0 : i32
      %dma_start3A_298 = tpu.memref_slice %arg23[%add3A_288, %dma_start3A_297] : memref<10000x64xf32, #tpu.memory_space<vmem_shared>> -> memref<112x64xf32, #tpu.memory_space<vmem_shared>>
      tpu.enqueue_dma source(%dma_start3A_298 : memref<112x64xf32, #tpu.memory_space<vmem_shared>>) target(%dma_start3A_296 : memref<112x64xf32, #tpu.memory_space<vmem>>) target_semaphore(%arg28 : memref<!tpu.dma_semaphore, #tpu.memory_space<semaphore_mem>>)
      %dma_wait3A_299 = arith.constant 0 : i32
      %dma_wait3A_300 = tpu.memref_slice %arg23[%add3A_264, %dma_wait3A_299] : memref<10000x64xf32, #tpu.memory_space<vmem_shared>> -> memref<128x64xf32, #tpu.memory_space<vmem_shared>>
      %dma_wait3A_301 = arith.constant 0 : i32
      %dma_wait3A_302 = tpu.memref_slice %arg23[%add3A_264, %dma_wait3A_301] : memref<10000x64xf32, #tpu.memory_space<vmem_shared>> -> memref<128x64xf32, #tpu.memory_space<vmem_shared>>
      tpu.wait_dma2 semaphore(%arg24 : memref<!tpu.dma_semaphore, #tpu.memory_space<semaphore_mem>>) src(%dma_wait3A_302 : memref<128x64xf32, #tpu.memory_space<vmem_shared>>) dst(%arg14 : memref<128x64xf32, #tpu.memory_space<vmem>>)
      %add3A_303 = arith.constant 0 : i32
      %add3A_304 = arith.addi %mul3A_2, %add3A_303 : i32
      %dma_start3A_305 = arith.constant 0 : i32
      %dma_start3A_306 = tpu.memref_slice %arg9[%add3A_304, %dma_start3A_305] : memref<10000x64xf32, #tpu.memory_space<hbm>> -> memref<128x64xf32, #tpu.memory_space<hbm>>
      %dma_start3A_307 = arith.constant 0 : i32
      %dma_start3A_308 = tpu.memref_slice %arg9[%add3A_304, %dma_start3A_307] : memref<10000x64xf32, #tpu.memory_space<hbm>> -> memref<128x64xf32, #tpu.memory_space<hbm>>
      tpu.enqueue_dma source(%arg14 : memref<128x64xf32, #tpu.memory_space<vmem>>) target(%dma_start3A_308 : memref<128x64xf32, #tpu.memory_space<hbm>>) target_semaphore(%arg32 : memref<!tpu.dma_semaphore, #tpu.memory_space<semaphore_mem>>)
      %dma_wait3A_309 = arith.constant 0 : i32
      %dma_wait3A_310 = tpu.memref_slice %arg23[%add3A_270, %dma_wait3A_309] : memref<10000x64xf32, #tpu.memory_space<vmem_shared>> -> memref<128x64xf32, #tpu.memory_space<vmem_shared>>
      %dma_wait3A_311 = arith.constant 0 : i32
      %dma_wait3A_312 = tpu.memref_slice %arg23[%add3A_270, %dma_wait3A_311] : memref<10000x64xf32, #tpu.memory_space<vmem_shared>> -> memref<128x64xf32, #tpu.memory_space<vmem_shared>>
      tpu.wait_dma2 semaphore(%arg25 : memref<!tpu.dma_semaphore, #tpu.memory_space<semaphore_mem>>) src(%dma_wait3A_312 : memref<128x64xf32, #tpu.memory_space<vmem_shared>>) dst(%arg15 : memref<128x64xf32, #tpu.memory_space<vmem>>)
      %add3A_313 = arith.constant 128 : i32
      %add3A_314 = arith.addi %mul3A_2, %add3A_313 : i32
      %dma_start3A_315 = arith.constant 0 : i32
      %dma_start3A_316 = tpu.memref_slice %arg9[%add3A_314, %dma_start3A_315] : memref<10000x64xf32, #tpu.memory_space<hbm>> -> memref<128x64xf32, #tpu.memory_space<hbm>>
      %dma_start3A_317 = arith.constant 0 : i32
      %dma_start3A_318 = tpu.memref_slice %arg9[%add3A_314, %dma_start3A_317] : memref<10000x64xf32, #tpu.memory_space<hbm>> -> memref<128x64xf32, #tpu.memory_space<hbm>>
      tpu.enqueue_dma source(%arg15 : memref<128x64xf32, #tpu.memory_space<vmem>>) target(%dma_start3A_318 : memref<128x64xf32, #tpu.memory_space<hbm>>) target_semaphore(%arg33 : memref<!tpu.dma_semaphore, #tpu.memory_space<semaphore_mem>>)
      %dma_wait3A_319 = arith.constant 0 : i32
      %dma_wait3A_320 = tpu.memref_slice %arg23[%add3A_276, %dma_wait3A_319] : memref<10000x64xf32, #tpu.memory_space<vmem_shared>> -> memref<128x64xf32, #tpu.memory_space<vmem_shared>>
      %dma_wait3A_321 = arith.constant 0 : i32
      %dma_wait3A_322 = tpu.memref_slice %arg23[%add3A_276, %dma_wait3A_321] : memref<10000x64xf32, #tpu.memory_space<vmem_shared>> -> memref<128x64xf32, #tpu.memory_space<vmem_shared>>
      tpu.wait_dma2 semaphore(%arg26 : memref<!tpu.dma_semaphore, #tpu.memory_space<semaphore_mem>>) src(%dma_wait3A_322 : memref<128x64xf32, #tpu.memory_space<vmem_shared>>) dst(%arg16 : memref<128x64xf32, #tpu.memory_space<vmem>>)
      %add3A_323 = arith.constant 256 : i32
      %add3A_324 = arith.addi %mul3A_2, %add3A_323 : i32
      %dma_start3A_325 = arith.constant 0 : i32
      %dma_start3A_326 = tpu.memref_slice %arg9[%add3A_324, %dma_start3A_325] : memref<10000x64xf32, #tpu.memory_space<hbm>> -> memref<128x64xf32, #tpu.memory_space<hbm>>
      %dma_start3A_327 = arith.constant 0 : i32
      %dma_start3A_328 = tpu.memref_slice %arg9[%add3A_324, %dma_start3A_327] : memref<10000x64xf32, #tpu.memory_space<hbm>> -> memref<128x64xf32, #tpu.memory_space<hbm>>
      tpu.enqueue_dma source(%arg16 : memref<128x64xf32, #tpu.memory_space<vmem>>) target(%dma_start3A_328 : memref<128x64xf32, #tpu.memory_space<hbm>>) target_semaphore(%arg34 : memref<!tpu.dma_semaphore, #tpu.memory_space<semaphore_mem>>)
      %dma_wait3A_329 = arith.constant 0 : i32
      %dma_wait3A_330 = tpu.memref_slice %arg23[%add3A_282, %dma_wait3A_329] : memref<10000x64xf32, #tpu.memory_space<vmem_shared>> -> memref<128x64xf32, #tpu.memory_space<vmem_shared>>
      %dma_wait3A_331 = arith.constant 0 : i32
      %dma_wait3A_332 = tpu.memref_slice %arg23[%add3A_282, %dma_wait3A_331] : memref<10000x64xf32, #tpu.memory_space<vmem_shared>> -> memref<128x64xf32, #tpu.memory_space<vmem_shared>>
      tpu.wait_dma2 semaphore(%arg27 : memref<!tpu.dma_semaphore, #tpu.memory_space<semaphore_mem>>) src(%dma_wait3A_332 : memref<128x64xf32, #tpu.memory_space<vmem_shared>>) dst(%arg17 : memref<128x64xf32, #tpu.memory_space<vmem>>)
      %add3A_333 = arith.constant 384 : i32
      %add3A_334 = arith.addi %mul3A_2, %add3A_333 : i32
      %dma_start3A_335 = arith.constant 0 : i32
      %dma_start3A_336 = tpu.memref_slice %arg9[%add3A_334, %dma_start3A_335] : memref<10000x64xf32, #tpu.memory_space<hbm>> -> memref<128x64xf32, #tpu.memory_space<hbm>>
      %dma_start3A_337 = arith.constant 0 : i32
      %dma_start3A_338 = tpu.memref_slice %arg9[%add3A_334, %dma_start3A_337] : memref<10000x64xf32, #tpu.memory_space<hbm>> -> memref<128x64xf32, #tpu.memory_space<hbm>>
      tpu.enqueue_dma source(%arg17 : memref<128x64xf32, #tpu.memory_space<vmem>>) target(%dma_start3A_338 : memref<128x64xf32, #tpu.memory_space<hbm>>) target_semaphore(%arg35 : memref<!tpu.dma_semaphore, #tpu.memory_space<semaphore_mem>>)
      %dma_wait3A_339 = arith.constant 0 : i32
      %dma_wait3A_340 = arith.constant 0 : i32
      %dma_wait3A_341 = tpu.memref_slice %arg18[%dma_wait3A_339, %dma_wait3A_340] : memref<128x64xf32, #tpu.memory_space<vmem>> -> memref<112x64xf32, #tpu.memory_space<vmem>>
      %dma_wait3A_342 = arith.constant 0 : i32
      %dma_wait3A_343 = tpu.memref_slice %arg23[%add3A_288, %dma_wait3A_342] : memref<10000x64xf32, #tpu.memory_space<vmem_shared>> -> memref<112x64xf32, #tpu.memory_space<vmem_shared>>
      %dma_wait3A_344 = arith.constant 0 : i32
      %dma_wait3A_345 = arith.constant 0 : i32
      %dma_wait3A_346 = tpu.memref_slice %arg18[%dma_wait3A_344, %dma_wait3A_345] : memref<128x64xf32, #tpu.memory_space<vmem>> -> memref<112x64xf32, #tpu.memory_space<vmem>>
      %dma_wait3A_347 = arith.constant 0 : i32
      %dma_wait3A_348 = tpu.memref_slice %arg23[%add3A_288, %dma_wait3A_347] : memref<10000x64xf32, #tpu.memory_space<vmem_shared>> -> memref<112x64xf32, #tpu.memory_space<vmem_shared>>
      tpu.wait_dma2 semaphore(%arg28 : memref<!tpu.dma_semaphore, #tpu.memory_space<semaphore_mem>>) src(%dma_wait3A_348 : memref<112x64xf32, #tpu.memory_space<vmem_shared>>) dst(%dma_wait3A_346 : memref<112x64xf32, #tpu.memory_space<vmem>>)
      %add3A_349 = arith.constant 512 : i32
      %add3A_350 = arith.addi %mul3A_2, %add3A_349 : i32
      %dma_start3A_351 = arith.constant 0 : i32
      %dma_start3A_352 = arith.constant 0 : i32
      %dma_start3A_353 = tpu.memref_slice %arg18[%dma_start3A_351, %dma_start3A_352] : memref<128x64xf32, #tpu.memory_space<vmem>> -> memref<112x64xf32, #tpu.memory_space<vmem>>
      %dma_start3A_354 = arith.constant 0 : i32
      %dma_start3A_355 = tpu.memref_slice %arg9[%add3A_350, %dma_start3A_354] : memref<10000x64xf32, #tpu.memory_space<hbm>> -> memref<112x64xf32, #tpu.memory_space<hbm>>
      %dma_start3A_356 = arith.constant 0 : i32
      %dma_start3A_357 = tpu.memref_slice %arg9[%add3A_350, %dma_start3A_356] : memref<10000x64xf32, #tpu.memory_space<hbm>> -> memref<112x64xf32, #tpu.memory_space<hbm>>
      %dma_start3A_358 = arith.constant 0 : i32
      %dma_start3A_359 = arith.constant 0 : i32
      %dma_start3A_360 = tpu.memref_slice %arg18[%dma_start3A_358, %dma_start3A_359] : memref<128x64xf32, #tpu.memory_space<vmem>> -> memref<112x64xf32, #tpu.memory_space<vmem>>
      tpu.enqueue_dma source(%dma_start3A_360 : memref<112x64xf32, #tpu.memory_space<vmem>>) target(%dma_start3A_357 : memref<112x64xf32, #tpu.memory_space<hbm>>) target_semaphore(%arg36 : memref<!tpu.dma_semaphore, #tpu.memory_space<semaphore_mem>>)
      %eq3A_361 = arith.constant 15 : i32
      %eq3A_362 = arith.cmpi eq, %arg1, %eq3A_361 : i32
      %convert_element_type3A_363 = arith.extui %eq3A_362 : i1 to i32
      %cond3A_364 = arith.constant 0 : i32
      %cond3A_365 = arith.cmpi ne, %convert_element_type3A_363, %cond3A_364 : i32
      scf.if %cond3A_365 {
        "tpu.region"() ({
          %run_scoped3A_392 = tpu.sem_alloc : memref<!tpu.dma_semaphore, #tpu.memory_space<semaphore_mem>>
          %dma_start3A_393 = arith.constant 0 : i32
          %dma_start3A_394 = arith.constant 0 : i32
          %dma_start3A_395 = tpu.memref_slice %arg19[%dma_start3A_393, %dma_start3A_394] : memref<128x64xf32, #tpu.memory_space<vmem>> -> memref<16x64xf32, #tpu.memory_space<vmem>>
          %dma_start3A_396 = arith.constant 9984 : i32
          %dma_start3A_397 = arith.constant 0 : i32
          %dma_start3A_398 = tpu.memref_slice %arg23[%dma_start3A_396, %dma_start3A_397] : memref<10000x64xf32, #tpu.memory_space<vmem_shared>> -> memref<16x64xf32, #tpu.memory_space<vmem_shared>>
          %dma_start3A_399 = arith.constant 0 : i32
          %dma_start3A_400 = arith.constant 0 : i32
          %dma_start3A_401 = tpu.memref_slice %arg19[%dma_start3A_399, %dma_start3A_400] : memref<128x64xf32, #tpu.memory_space<vmem>> -> memref<16x64xf32, #tpu.memory_space<vmem>>
          %dma_start3A_402 = arith.constant 9984 : i32
          %dma_start3A_403 = arith.constant 0 : i32
          %dma_start3A_404 = tpu.memref_slice %arg23[%dma_start3A_402, %dma_start3A_403] : memref<10000x64xf32, #tpu.memory_space<vmem_shared>> -> memref<16x64xf32, #tpu.memory_space<vmem_shared>>
          tpu.enqueue_dma source(%dma_start3A_404 : memref<16x64xf32, #tpu.memory_space<vmem_shared>>) target(%dma_start3A_401 : memref<16x64xf32, #tpu.memory_space<vmem>>) target_semaphore(%run_scoped3A_392 : memref<!tpu.dma_semaphore, #tpu.memory_space<semaphore_mem>>)
          %dma_wait3A_405 = arith.constant 0 : i32
          %dma_wait3A_406 = arith.constant 0 : i32
          %dma_wait3A_407 = tpu.memref_slice %arg19[%dma_wait3A_405, %dma_wait3A_406] : memref<128x64xf32, #tpu.memory_space<vmem>> -> memref<16x64xf32, #tpu.memory_space<vmem>>
          %dma_wait3A_408 = arith.constant 9984 : i32
          %dma_wait3A_409 = arith.constant 0 : i32
          %dma_wait3A_410 = tpu.memref_slice %arg23[%dma_wait3A_408, %dma_wait3A_409] : memref<10000x64xf32, #tpu.memory_space<vmem_shared>> -> memref<16x64xf32, #tpu.memory_space<vmem_shared>>
          %dma_wait3A_411 = arith.constant 0 : i32
          %dma_wait3A_412 = arith.constant 0 : i32
          %dma_wait3A_413 = tpu.memref_slice %arg19[%dma_wait3A_411, %dma_wait3A_412] : memref<128x64xf32, #tpu.memory_space<vmem>> -> memref<16x64xf32, #tpu.memory_space<vmem>>
          %dma_wait3A_414 = arith.constant 9984 : i32
          %dma_wait3A_415 = arith.constant 0 : i32
          %dma_wait3A_416 = tpu.memref_slice %arg23[%dma_wait3A_414, %dma_wait3A_415] : memref<10000x64xf32, #tpu.memory_space<vmem_shared>> -> memref<16x64xf32, #tpu.memory_space<vmem_shared>>
          tpu.wait_dma2 semaphore(%run_scoped3A_392 : memref<!tpu.dma_semaphore, #tpu.memory_space<semaphore_mem>>) src(%dma_wait3A_416 : memref<16x64xf32, #tpu.memory_space<vmem_shared>>) dst(%dma_wait3A_413 : memref<16x64xf32, #tpu.memory_space<vmem>>)
          tpu.yield
        }) : () -> ()
        "tpu.region"() ({
          %run_scoped3A_392 = tpu.sem_alloc : memref<!tpu.dma_semaphore, #tpu.memory_space<semaphore_mem>>
          %dma_start3A_393 = arith.constant 0 : i32
          %dma_start3A_394 = arith.constant 0 : i32
          %dma_start3A_395 = tpu.memref_slice %arg19[%dma_start3A_393, %dma_start3A_394] : memref<128x64xf32, #tpu.memory_space<vmem>> -> memref<16x64xf32, #tpu.memory_space<vmem>>
          %dma_start3A_396 = arith.constant 9984 : i32
          %dma_start3A_397 = arith.constant 0 : i32
          %dma_start3A_398 = tpu.memref_slice %arg9[%dma_start3A_396, %dma_start3A_397] : memref<10000x64xf32, #tpu.memory_space<hbm>> -> memref<16x64xf32, #tpu.memory_space<hbm>>
          %dma_start3A_399 = arith.constant 9984 : i32
          %dma_start3A_400 = arith.constant 0 : i32
          %dma_start3A_401 = tpu.memref_slice %arg9[%dma_start3A_399, %dma_start3A_400] : memref<10000x64xf32, #tpu.memory_space<hbm>> -> memref<16x64xf32, #tpu.memory_space<hbm>>
          %dma_start3A_402 = arith.constant 0 : i32
          %dma_start3A_403 = arith.constant 0 : i32
          %dma_start3A_404 = tpu.memref_slice %arg19[%dma_start3A_402, %dma_start3A_403] : memref<128x64xf32, #tpu.memory_space<vmem>> -> memref<16x64xf32, #tpu.memory_space<vmem>>
          tpu.enqueue_dma source(%dma_start3A_404 : memref<16x64xf32, #tpu.memory_space<vmem>>) target(%dma_start3A_401 : memref<16x64xf32, #tpu.memory_space<hbm>>) target_semaphore(%run_scoped3A_392 : memref<!tpu.dma_semaphore, #tpu.memory_space<semaphore_mem>>)
          %dma_wait3A_405 = arith.constant 0 : i32
          %dma_wait3A_406 = arith.constant 0 : i32
          %dma_wait3A_407 = tpu.memref_slice %arg19[%dma_wait3A_405, %dma_wait3A_406] : memref<128x64xf32, #tpu.memory_space<vmem>> -> memref<16x64xf32, #tpu.memory_space<vmem>>
          %dma_wait3A_408 = arith.constant 9984 : i32
          %dma_wait3A_409 = arith.constant 0 : i32
          %dma_wait3A_410 = tpu.memref_slice %arg9[%dma_wait3A_408, %dma_wait3A_409] : memref<10000x64xf32, #tpu.memory_space<hbm>> -> memref<16x64xf32, #tpu.memory_space<hbm>>
          %dma_wait3A_411 = arith.constant 9984 : i32
          %dma_wait3A_412 = arith.constant 0 : i32
          %dma_wait3A_413 = tpu.memref_slice %arg9[%dma_wait3A_411, %dma_wait3A_412] : memref<10000x64xf32, #tpu.memory_space<hbm>> -> memref<16x64xf32, #tpu.memory_space<hbm>>
          %dma_wait3A_414 = arith.constant 0 : i32
          %dma_wait3A_415 = arith.constant 0 : i32
          %dma_wait3A_416 = tpu.memref_slice %arg19[%dma_wait3A_414, %dma_wait3A_415] : memref<128x64xf32, #tpu.memory_space<vmem>> -> memref<16x64xf32, #tpu.memory_space<vmem>>
          tpu.wait_dma2 semaphore(%run_scoped3A_392 : memref<!tpu.dma_semaphore, #tpu.memory_space<semaphore_mem>>) src(%dma_wait3A_416 : memref<16x64xf32, #tpu.memory_space<vmem>>) dst(%dma_wait3A_413 : memref<16x64xf32, #tpu.memory_space<hbm>>)
          tpu.yield
        }) : () -> ()
      } else {
      }
      %dma_wait3A_366 = arith.constant 0 : i32
      %dma_wait3A_367 = tpu.memref_slice %arg9[%add3A_304, %dma_wait3A_366] : memref<10000x64xf32, #tpu.memory_space<hbm>> -> memref<128x64xf32, #tpu.memory_space<hbm>>
      %dma_wait3A_368 = arith.constant 0 : i32
      %dma_wait3A_369 = tpu.memref_slice %arg9[%add3A_304, %dma_wait3A_368] : memref<10000x64xf32, #tpu.memory_space<hbm>> -> memref<128x64xf32, #tpu.memory_space<hbm>>
      tpu.wait_dma2 semaphore(%arg32 : memref<!tpu.dma_semaphore, #tpu.memory_space<semaphore_mem>>) src(%arg14 : memref<128x64xf32, #tpu.memory_space<vmem>>) dst(%dma_wait3A_369 : memref<128x64xf32, #tpu.memory_space<hbm>>)
      %dma_wait3A_370 = arith.constant 0 : i32
      %dma_wait3A_371 = tpu.memref_slice %arg9[%add3A_314, %dma_wait3A_370] : memref<10000x64xf32, #tpu.memory_space<hbm>> -> memref<128x64xf32, #tpu.memory_space<hbm>>
      %dma_wait3A_372 = arith.constant 0 : i32
      %dma_wait3A_373 = tpu.memref_slice %arg9[%add3A_314, %dma_wait3A_372] : memref<10000x64xf32, #tpu.memory_space<hbm>> -> memref<128x64xf32, #tpu.memory_space<hbm>>
      tpu.wait_dma2 semaphore(%arg33 : memref<!tpu.dma_semaphore, #tpu.memory_space<semaphore_mem>>) src(%arg15 : memref<128x64xf32, #tpu.memory_space<vmem>>) dst(%dma_wait3A_373 : memref<128x64xf32, #tpu.memory_space<hbm>>)
      %dma_wait3A_374 = arith.constant 0 : i32
      %dma_wait3A_375 = tpu.memref_slice %arg9[%add3A_324, %dma_wait3A_374] : memref<10000x64xf32, #tpu.memory_space<hbm>> -> memref<128x64xf32, #tpu.memory_space<hbm>>
      %dma_wait3A_376 = arith.constant 0 : i32
      %dma_wait3A_377 = tpu.memref_slice %arg9[%add3A_324, %dma_wait3A_376] : memref<10000x64xf32, #tpu.memory_space<hbm>> -> memref<128x64xf32, #tpu.memory_space<hbm>>
      tpu.wait_dma2 semaphore(%arg34 : memref<!tpu.dma_semaphore, #tpu.memory_space<semaphore_mem>>) src(%arg16 : memref<128x64xf32, #tpu.memory_space<vmem>>) dst(%dma_wait3A_377 : memref<128x64xf32, #tpu.memory_space<hbm>>)
      %dma_wait3A_378 = arith.constant 0 : i32
      %dma_wait3A_379 = tpu.memref_slice %arg9[%add3A_334, %dma_wait3A_378] : memref<10000x64xf32, #tpu.memory_space<hbm>> -> memref<128x64xf32, #tpu.memory_space<hbm>>
      %dma_wait3A_380 = arith.constant 0 : i32
      %dma_wait3A_381 = tpu.memref_slice %arg9[%add3A_334, %dma_wait3A_380] : memref<10000x64xf32, #tpu.memory_space<hbm>> -> memref<128x64xf32, #tpu.memory_space<hbm>>
      tpu.wait_dma2 semaphore(%arg35 : memref<!tpu.dma_semaphore, #tpu.memory_space<semaphore_mem>>) src(%arg17 : memref<128x64xf32, #tpu.memory_space<vmem>>) dst(%dma_wait3A_381 : memref<128x64xf32, #tpu.memory_space<hbm>>)
      %dma_wait3A_382 = arith.constant 0 : i32
      %dma_wait3A_383 = arith.constant 0 : i32
      %dma_wait3A_384 = tpu.memref_slice %arg18[%dma_wait3A_382, %dma_wait3A_383] : memref<128x64xf32, #tpu.memory_space<vmem>> -> memref<112x64xf32, #tpu.memory_space<vmem>>
      %dma_wait3A_385 = arith.constant 0 : i32
      %dma_wait3A_386 = tpu.memref_slice %arg9[%add3A_350, %dma_wait3A_385] : memref<10000x64xf32, #tpu.memory_space<hbm>> -> memref<112x64xf32, #tpu.memory_space<hbm>>
      %dma_wait3A_387 = arith.constant 0 : i32
      %dma_wait3A_388 = tpu.memref_slice %arg9[%add3A_350, %dma_wait3A_387] : memref<10000x64xf32, #tpu.memory_space<hbm>> -> memref<112x64xf32, #tpu.memory_space<hbm>>
      %dma_wait3A_389 = arith.constant 0 : i32
      %dma_wait3A_390 = arith.constant 0 : i32
      %dma_wait3A_391 = tpu.memref_slice %arg18[%dma_wait3A_389, %dma_wait3A_390] : memref<128x64xf32, #tpu.memory_space<vmem>> -> memref<112x64xf32, #tpu.memory_space<vmem>>
      tpu.wait_dma2 semaphore(%arg36 : memref<!tpu.dma_semaphore, #tpu.memory_space<semaphore_mem>>) src(%dma_wait3A_391 : memref<112x64xf32, #tpu.memory_space<vmem>>) dst(%dma_wait3A_388 : memref<112x64xf32, #tpu.memory_space<hbm>>)
    } else {
    }
    return
  }
}

module attributes {stable_mosaic.version = 14 : i64} {
  func.func @_k1_body(%arg0: i32, %arg1: memref<1000x128xf32, #tpu.memory_space<vmem>>, %arg2: memref<128x64xf32, #tpu.memory_space<vmem>>, %arg3: memref<1000x1xf32, #tpu.memory_space<vmem>>, %arg4: memref<1000x1xf32, #tpu.memory_space<vmem>>, %arg5: memref<1000x64xf32, #tpu.memory_space<vmem>>) attributes {dimension_semantics = [#tpu.dimension_semantics<arbitrary>], iteration_bounds = array<i64: 10>, scalar_prefetch = 0 : i64, scratch_operands = 0 : i64, tpu.core_type = #tpu.core_type<tc>, window_params = [{transform_indices = @transform_0, window_bounds = array<i64: 1000, 128>}, {pipeline_mode = #tpu.pipeline_mode<synchronous>, transform_indices = @transform_1, window_bounds = array<i64: 128, 64>}, {transform_indices = @transform_2, window_bounds = array<i64: 1000, 1>}, {transform_indices = @transform_3, window_bounds = array<i64: 1000, 1>}, {transform_indices = @transform_4, window_bounds = array<i64: 1000, 64>}]} {
    %get3A = arith.constant 0 : index
    %get3A_0 = arith.constant 0 : index
    %get3A_1 = vector.load %arg3[%get3A, %get3A_0] : memref<1000x1xf32, #tpu.memory_space<vmem>>, vector<1000x1xf32>
    %get3A_2 = arith.constant 0 : index
    %get3A_3 = arith.constant 0 : index
    %get3A_4 = vector.load %arg4[%get3A_2, %get3A_3] : memref<1000x1xf32, #tpu.memory_space<vmem>>, vector<1000x1xf32>
    %add3A = arith.addf %get3A_1, %get3A_4 : vector<1000x1xf32>
    %add3A_5 = arith.constant 1.000000e+00 : f32
    %add3A_6 = vector.broadcast %add3A_5 : f32 to vector<1000x1xf32>
    %add3A_7 = arith.addf %add3A, %add3A_6 : vector<1000x1xf32>
    %rsqrt3A = math.rsqrt %add3A_7 : vector<1000x1xf32>
    %get3A_8 = arith.constant 0 : index
    %get3A_9 = arith.constant 0 : index
    %get3A_10 = vector.load %arg1[%get3A_8, %get3A_9] : memref<1000x128xf32, #tpu.memory_space<vmem>>, vector<1000x128xf32>
    %get3A_11 = arith.constant 0 : index
    %get3A_12 = arith.constant 0 : index
    %get3A_13 = vector.load %arg2[%get3A_11, %get3A_12] : memref<128x64xf32, #tpu.memory_space<vmem>>, vector<128x64xf32>
    %dot_general3A = arith.constant dense<0.000000e+00> : vector<1000x64xf32>
    %dot_general3A_14 = tpu.matmul %get3A_10, %get3A_13, %dot_general3A {dimension_numbers = #tpu.dot_dimension_numbers<[1], [0], [0], [1], [0, 0, 1, 1], [], []>, transpose_lhs_hint = false} : vector<1000x128xf32>, vector<128x64xf32>, vector<1000x64xf32> -> vector<1000x64xf32>
    %mul3A = vector.broadcast %rsqrt3A : vector<1000x1xf32> to vector<1000x64xf32>
    %mul3A_15 = arith.mulf %mul3A, %dot_general3A_14 : vector<1000x64xf32>
    %swap3A = arith.constant 0 : index
    %swap3A_16 = arith.constant 0 : index
    %swap3A_17 = vector.load %arg5[%swap3A, %swap3A_16] : memref<1000x64xf32, #tpu.memory_space<vmem>>, vector<1000x64xf32>
    tpu.vector_store %arg5[%swap3A, %swap3A_16], %mul3A_15 {strides = array<i32>} : memref<1000x64xf32, #tpu.memory_space<vmem>>, vector<1000x64xf32>,
    return
  }
  func.func @transform_0(%arg0: i32) -> (i32, i32) {
    %c0_i32 = arith.constant 0 : i32
    %c0_i32_0 = arith.constant 0 : i32
    return %arg0, %c0_i32 : i32, i32
  }
  func.func @transform_1(%arg0: i32) -> (i32, i32) {
    %c0_i32 = arith.constant 0 : i32
    %c0_i32_0 = arith.constant 0 : i32
    %c0_i32_1 = arith.constant 0 : i32
    return %c0_i32, %c0_i32_0 : i32, i32
  }
  func.func @transform_2(%arg0: i32) -> (i32, i32) {
    %c0_i32 = arith.constant 0 : i32
    %c0_i32_0 = arith.constant 0 : i32
    return %arg0, %c0_i32 : i32, i32
  }
  func.func @transform_3(%arg0: i32) -> (i32, i32) {
    %c0_i32 = arith.constant 0 : i32
    %c0_i32_0 = arith.constant 0 : i32
    return %arg0, %c0_i32 : i32, i32
  }
  func.func @transform_4(%arg0: i32) -> (i32, i32) {
    %c0_i32 = arith.constant 0 : i32
    %c0_i32_0 = arith.constant 0 : i32
    return %arg0, %c0_i32 : i32, i32
  }
}

module attributes {stable_mosaic.version = 14 : i64} {
  func.func @_k2_body(%arg0: i32, %arg1: memref<1000x64xf32, #tpu.memory_space<vmem>>, %arg2: memref<1000x64xf32, #tpu.memory_space<vmem>>, %arg3: memref<1000x64xf32, #tpu.memory_space<vmem>>, %arg4: memref<1000x1xf32, #tpu.memory_space<vmem>>, %arg5: memref<1000x1xf32, #tpu.memory_space<vmem>>, %arg6: memref<1x64xf32, #tpu.memory_space<vmem>>, %arg7: memref<64x64xf32, #tpu.memory_space<vmem>>, %arg8: memref<1x1000x1xi32, #tpu.memory_space<vmem>>, %arg9: memref<1000x64xf32, #tpu.memory_space<vmem>>, %arg10: memref<3x64x64xf32, #tpu.memory_space<vmem>>) attributes {dimension_semantics = [#tpu.dimension_semantics<arbitrary>], iteration_bounds = array<i64: 10>, scalar_prefetch = 0 : i64, scratch_operands = 0 : i64, tpu.core_type = #tpu.core_type<tc>, window_params = [{transform_indices = @transform_0, window_bounds = array<i64: 1000, 64>}, {transform_indices = @transform_1, window_bounds = array<i64: 1000, 64>}, {transform_indices = @transform_2, window_bounds = array<i64: 1000, 64>}, {transform_indices = @transform_3, window_bounds = array<i64: 1000, 1>}, {transform_indices = @transform_4, window_bounds = array<i64: 1000, 1>}, {pipeline_mode = #tpu.pipeline_mode<synchronous>, transform_indices = @transform_5, window_bounds = array<i64: 1, 64>}, {pipeline_mode = #tpu.pipeline_mode<synchronous>, transform_indices = @transform_6, window_bounds = array<i64: 64, 64>}, {transform_indices = @transform_7, window_bounds = array<i64: 1, 1000, 1>}, {transform_indices = @transform_8, window_bounds = array<i64: 1000, 64>}, {pipeline_mode = #tpu.pipeline_mode<synchronous>, transform_indices = @transform_9, window_bounds = array<i64: 3, 64, 64>}]} {
    %get3A = arith.constant 0 : index
    %get3A_0 = arith.constant 0 : index
    %get3A_1 = vector.load %arg4[%get3A, %get3A_0] : memref<1000x1xf32, #tpu.memory_space<vmem>>, vector<1000x1xf32>
    %get3A_2 = arith.constant 0 : index
    %get3A_3 = arith.constant 0 : index
    %get3A_4 = vector.load %arg5[%get3A_2, %get3A_3] : memref<1000x1xf32, #tpu.memory_space<vmem>>, vector<1000x1xf32>
    %add3A = arith.addf %get3A_1, %get3A_4 : vector<1000x1xf32>
    %add3A_5 = arith.constant 1.000000e+00 : f32
    %add3A_6 = vector.broadcast %add3A_5 : f32 to vector<1000x1xf32>
    %add3A_7 = arith.addf %add3A, %add3A_6 : vector<1000x1xf32>
    %rsqrt3A = math.rsqrt %add3A_7 : vector<1000x1xf32>
    %get3A_8 = arith.constant 0 : index
    %get3A_9 = arith.constant 0 : index
    %get3A_10 = vector.load %arg1[%get3A_8, %get3A_9] : memref<1000x64xf32, #tpu.memory_space<vmem>>, vector<1000x64xf32>
    %get3A_11 = arith.constant 0 : index
    %get3A_12 = arith.constant 0 : index
    %get3A_13 = vector.load %arg2[%get3A_11, %get3A_12] : memref<1000x64xf32, #tpu.memory_space<vmem>>, vector<1000x64xf32>
    %add3A_14 = arith.addf %get3A_10, %get3A_13 : vector<1000x64xf32>
    %get3A_15 = arith.constant 0 : index
    %get3A_16 = arith.constant 0 : index
    %get3A_17 = vector.load %arg3[%get3A_15, %get3A_16] : memref<1000x64xf32, #tpu.memory_space<vmem>>, vector<1000x64xf32>
    %add3A_18 = arith.addf %add3A_14, %get3A_17 : vector<1000x64xf32>
    %mul3A = vector.broadcast %rsqrt3A : vector<1000x1xf32> to vector<1000x64xf32>
    %mul3A_19 = arith.mulf %mul3A, %add3A_18 : vector<1000x64xf32>
    %get3A_20 = arith.constant 0 : index
    %get3A_21 = arith.constant 0 : index
    %get3A_22 = vector.load %arg6[%get3A_20, %get3A_21] : memref<1x64xf32, #tpu.memory_space<vmem>>, vector<1x64xf32>
    %add3A_23 = vector.broadcast %get3A_22 : vector<1x64xf32> to vector<1000x64xf32>
    %add3A_24 = arith.addf %mul3A_19, %add3A_23 : vector<1000x64xf32>
    %max3A = arith.constant 0.000000e+00 : f32
    %max3A_25 = vector.broadcast %max3A : f32 to vector<1000x64xf32>
    %max3A_26 = arith.maximumf %add3A_24, %max3A_25 : vector<1000x64xf32>
    %get3A_27 = arith.constant 0 : index
    %get3A_28 = arith.constant 0 : index
    %get3A_29 = vector.load %arg7[%get3A_27, %get3A_28] : memref<64x64xf32, #tpu.memory_space<vmem>>, vector<64x64xf32>
    %dot_general3A = arith.constant dense<0.000000e+00> : vector<1000x64xf32>
    %dot_general3A_30 = tpu.matmul %max3A_26, %get3A_29, %dot_general3A {dimension_numbers = #tpu.dot_dimension_numbers<[1], [0], [0], [1], [0, 0, 1, 1], [], []>, transpose_lhs_hint = false} : vector<1000x64xf32>, vector<64x64xf32>, vector<1000x64xf32> -> vector<1000x64xf32>
    %mul3A_31 = vector.broadcast %rsqrt3A : vector<1000x1xf32> to vector<1000x64xf32>
    %mul3A_32 = arith.mulf %mul3A_31, %dot_general3A_30 : vector<1000x64xf32>
    %swap3A = arith.constant 0 : index
    %swap3A_33 = arith.constant 0 : index
    %swap3A_34 = vector.load %arg9[%swap3A, %swap3A_33] : memref<1000x64xf32, #tpu.memory_space<vmem>>, vector<1000x64xf32>
    tpu.vector_store %arg9[%swap3A, %swap3A_33], %mul3A_32 {strides = array<i32>} : memref<1000x64xf32, #tpu.memory_space<vmem>>, vector<1000x64xf32>,
    %eq3A = arith.constant 0 : i32
    %eq3A_35 = arith.cmpi eq, %arg0, %eq3A : i32
    %convert_element_type3A = arith.extui %eq3A_35 : i1 to i32
    %cond3A = arith.constant 0 : i32
    %cond3A_36 = arith.cmpi ne, %convert_element_type3A, %cond3A : i32
    scf.if %cond3A_36 {
      %broadcast_in_dim3A = arith.constant 0.000000e+00 : f32
      %broadcast_in_dim3A_62 = vector.broadcast %broadcast_in_dim3A : f32 to vector<3x64x64xf32>
      %swap3A_63 = arith.constant 0 : index
      %swap3A_64 = arith.constant 0 : index
      %swap3A_65 = arith.constant 0 : index
      %swap3A_66 = vector.load %arg10[%swap3A_63, %swap3A_64, %swap3A_65] : memref<3x64x64xf32, #tpu.memory_space<vmem>>, vector<3x64x64xf32>
      tpu.vector_store %arg10[%swap3A_63, %swap3A_64, %swap3A_65], %broadcast_in_dim3A_62 {strides = array<i32>} : memref<3x64x64xf32, #tpu.memory_space<vmem>>, vector<3x64x64xf32>,
    } else {
    }
    %get3A_37 = arith.constant 0 : index
    %get3A_38 = arith.constant 0 : index
    %get3A_39 = arith.constant 0 : index
    %get3A_40 = vector.load %arg8[%get3A_37, %get3A_38, %get3A_39] : memref<1x1000x1xi32, #tpu.memory_space<vmem>>, vector<1x1000x1xi32>
    %get3A_41 = vector.shape_cast %get3A_40 : vector<1x1000x1xi32> to vector<1000x1xi32>
    %get3A_42 = arith.constant 0 : index
    %get3A_43 = arith.constant 0 : index
    %get3A_44 = arith.constant 0 : index
    %get3A_45 = vector.load %arg8[%get3A_42, %get3A_43, %get3A_44] : memref<1x1000x1xi32, #tpu.memory_space<vmem>>, vector<1x1x1xi32>
    %get3A_46 = vector.extract %get3A_45[0, 0, 0] : i32 from vector<1x1x1xi32>
    %get3A_47 = arith.constant 0 : index
    %get3A_48 = arith.constant 999 : index
    %get3A_49 = arith.constant 0 : index
    %get3A_50 = vector.load %arg8[%get3A_47, %get3A_48, %get3A_49] : memref<1x1000x1xi32, #tpu.memory_space<vmem>>, vector<1x1x1xi32>
    %get3A_51 = vector.extract %get3A_50[0, 0, 0] : i32 from vector<1x1x1xi32>
    %add3A_52 = arith.constant 1 : i32
    %add3A_53 = arith.addi %get3A_51, %add3A_52 : i32
    %while3A = arith.constant 0 : i32
    %while3A_54 = arith.subi %add3A_53, %get3A_46 : i32
    %while3A_55 = arith.addi %get3A_46, %while3A_54 : i32
    %while3A_56 = arith.constant 1 : i32
    %while3A_57 = arith.divsi %while3A_54, %while3A_56 : i32
    %while3A_58 = arith.muli %while3A_57, %while3A_56 : i32
    %while3A_59 = arith.addi %get3A_46, %while3A_58 : i32
    %while3A_60 = arith.constant 1 : i32
    scf.for %while3A_62 = %get3A_46 to %while3A_59 step %while3A_60  : i32 {
      %eq3A_63 = vector.broadcast %while3A_62 : i32 to vector<1000x1xi32>
      %eq3A_64 = arith.cmpi eq, %get3A_41, %eq3A_63 : vector<1000x1xi32>
      %jit3A = arith.constant 0.000000e+00 : f32
      %broadcast_in_dim3A = vector.shape_cast %eq3A_64 : vector<1000x1xi1> to vector<1000x1xi1>
      %broadcast_in_dim3A_65 = vector.broadcast %broadcast_in_dim3A : vector<1000x1xi1> to vector<1000x64xi1>
      %broadcast_in_dim3A_66 = vector.broadcast %jit3A : f32 to vector<1000x64xf32>
      %select_n3A = arith.select %broadcast_in_dim3A_65, %max3A_26, %broadcast_in_dim3A_66 : vector<1000x64xi1>, vector<1000x64xf32>
      %get3A_67 = arith.constant 0 : index
      %get3A_68 = arith.index_cast %while3A_62 : i32 to index
      %get3A_69 = arith.constant 0 : index
      %get3A_70 = vector.load %arg10[%get3A_67, %get3A_68, %get3A_69] : memref<3x64x64xf32, #tpu.memory_space<vmem>>, vector<1x1x64xf32>
      %get3A_71 = vector.shape_cast %get3A_70 : vector<1x1x64xf32> to vector<1x64xf32>
      %reduce_sum3A = arith.constant dense<0.000000e+00> : vector<64xf32>
      %reduce_sum3A_72 = vector.multi_reduction <add>, %select_n3A, %reduce_sum3A [0] : vector<1000x64xf32> to vector<64xf32>
      %broadcast_in_dim3A_73 = vector.shape_cast %reduce_sum3A_72 : vector<64xf32> to vector<1x64xf32>
      %add3A_74 = arith.addf %get3A_71, %broadcast_in_dim3A_73 : vector<1x64xf32>
      %swap3A_75 = arith.constant 0 : index
      %swap3A_76 = arith.index_cast %while3A_62 : i32 to index
      %swap3A_77 = arith.constant 0 : index
      %swap3A_78 = vector.load %arg10[%swap3A_75, %swap3A_76, %swap3A_77] : memref<3x64x64xf32, #tpu.memory_space<vmem>>, vector<1x1x64xf32>
      %swap3A_79 = vector.shape_cast %swap3A_78 : vector<1x1x64xf32> to vector<1x64xf32>
      %swap3A_80 = vector.shape_cast %add3A_74 : vector<1x64xf32> to vector<1x1x64xf32>
      tpu.vector_store %arg10[%swap3A_75, %swap3A_76, %swap3A_77], %swap3A_80 {strides = array<i32>} : memref<3x64x64xf32, #tpu.memory_space<vmem>>, vector<1x1x64xf32>,
      %get3A_81 = arith.constant 1 : index
      %get3A_82 = arith.index_cast %while3A_62 : i32 to index
      %get3A_83 = arith.constant 0 : index
      %get3A_84 = vector.load %arg10[%get3A_81, %get3A_82, %get3A_83] : memref<3x64x64xf32, #tpu.memory_space<vmem>>, vector<1x1x64xf32>
      %get3A_85 = vector.shape_cast %get3A_84 : vector<1x1x64xf32> to vector<1x64xf32>
      %reduce_max3A = arith.constant dense<0xFF800000> : vector<64xf32>
      %reduce_max3A_86 = vector.multi_reduction <maximumf>, %select_n3A, %reduce_max3A [0] : vector<1000x64xf32> to vector<64xf32>
      %broadcast_in_dim3A_87 = vector.shape_cast %reduce_max3A_86 : vector<64xf32> to vector<1x64xf32>
      %max3A_88 = arith.maximumf %get3A_85, %broadcast_in_dim3A_87 : vector<1x64xf32>
      %swap3A_89 = arith.constant 1 : index
      %swap3A_90 = arith.index_cast %while3A_62 : i32 to index
      %swap3A_91 = arith.constant 0 : index
      %swap3A_92 = vector.load %arg10[%swap3A_89, %swap3A_90, %swap3A_91] : memref<3x64x64xf32, #tpu.memory_space<vmem>>, vector<1x1x64xf32>
      %swap3A_93 = vector.shape_cast %swap3A_92 : vector<1x1x64xf32> to vector<1x64xf32>
      %swap3A_94 = vector.shape_cast %max3A_88 : vector<1x64xf32> to vector<1x1x64xf32>
      tpu.vector_store %arg10[%swap3A_89, %swap3A_90, %swap3A_91], %swap3A_94 {strides = array<i32>} : memref<3x64x64xf32, #tpu.memory_space<vmem>>, vector<1x1x64xf32>,
      %get3A_95 = arith.constant 2 : index
      %get3A_96 = arith.index_cast %while3A_62 : i32 to index
      %get3A_97 = arith.constant 0 : index
      %get3A_98 = vector.load %arg10[%get3A_95, %get3A_96, %get3A_97] : memref<3x64x64xf32, #tpu.memory_space<vmem>>, vector<1x1x64xf32>
      %get3A_99 = vector.shape_cast %get3A_98 : vector<1x1x64xf32> to vector<1x64xf32>
      %convert_element_type3A_100 = arith.extui %eq3A_64 : vector<1000x1xi1> to vector<1000x1xi32>
      %convert_element_type3A_101 = arith.sitofp %convert_element_type3A_100 : vector<1000x1xi32> to vector<1000x1xf32>
      %reduce_sum3A_102 = vector.shape_cast %convert_element_type3A_101 : vector<1000x1xf32> to vector<1x1000x1xf32>
      %reduce_sum3A_103 = arith.constant dense<0.000000e+00> : vector<1xf32>
      %reduce_sum3A_104 = vector.multi_reduction <add>, %reduce_sum3A_102, %reduce_sum3A_103 [1, 2] : vector<1x1000x1xf32> to vector<1xf32>
      %reduce_sum3A_105 = vector.shape_cast %reduce_sum3A_104 : vector<1xf32> to vector<1x1x1xf32>
      %reduce_sum3A_106 = vector.extract %reduce_sum3A_105[0, 0, 0] : f32 from vector<1x1x1xf32>
      %add3A_107 = vector.broadcast %reduce_sum3A_106 : f32 to vector<1x64xf32>
      %add3A_108 = arith.addf %get3A_99, %add3A_107 : vector<1x64xf32>
      %swap3A_109 = arith.constant 2 : index
      %swap3A_110 = arith.index_cast %while3A_62 : i32 to index
      %swap3A_111 = arith.constant 0 : index
      %swap3A_112 = vector.load %arg10[%swap3A_109, %swap3A_110, %swap3A_111] : memref<3x64x64xf32, #tpu.memory_space<vmem>>, vector<1x1x64xf32>
      %swap3A_113 = vector.shape_cast %swap3A_112 : vector<1x1x64xf32> to vector<1x64xf32>
      %swap3A_114 = vector.shape_cast %add3A_108 : vector<1x64xf32> to vector<1x1x64xf32>
      tpu.vector_store %arg10[%swap3A_109, %swap3A_110, %swap3A_111], %swap3A_114 {strides = array<i32>} : memref<3x64x64xf32, #tpu.memory_space<vmem>>, vector<1x1x64xf32>,
    }
    %while3A_61 = arith.constant 1 : i32
    scf.for %while3A_62 = %while3A_59 to %while3A_55 step %while3A_61  : i32 {
      %eq3A_63 = vector.broadcast %while3A_62 : i32 to vector<1000x1xi32>
      %eq3A_64 = arith.cmpi eq, %get3A_41, %eq3A_63 : vector<1000x1xi32>
      %jit3A = arith.constant 0.000000e+00 : f32
      %broadcast_in_dim3A = vector.shape_cast %eq3A_64 : vector<1000x1xi1> to vector<1000x1xi1>
      %broadcast_in_dim3A_65 = vector.broadcast %broadcast_in_dim3A : vector<1000x1xi1> to vector<1000x64xi1>
      %broadcast_in_dim3A_66 = vector.broadcast %jit3A : f32 to vector<1000x64xf32>
      %select_n3A = arith.select %broadcast_in_dim3A_65, %max3A_26, %broadcast_in_dim3A_66 : vector<1000x64xi1>, vector<1000x64xf32>
      %get3A_67 = arith.constant 0 : index
      %get3A_68 = arith.index_cast %while3A_62 : i32 to index
      %get3A_69 = arith.constant 0 : index
      %get3A_70 = vector.load %arg10[%get3A_67, %get3A_68, %get3A_69] : memref<3x64x64xf32, #tpu.memory_space<vmem>>, vector<1x1x64xf32>
      %get3A_71 = vector.shape_cast %get3A_70 : vector<1x1x64xf32> to vector<1x64xf32>
      %reduce_sum3A = arith.constant dense<0.000000e+00> : vector<64xf32>
      %reduce_sum3A_72 = vector.multi_reduction <add>, %select_n3A, %reduce_sum3A [0] : vector<1000x64xf32> to vector<64xf32>
      %broadcast_in_dim3A_73 = vector.shape_cast %reduce_sum3A_72 : vector<64xf32> to vector<1x64xf32>
      %add3A_74 = arith.addf %get3A_71, %broadcast_in_dim3A_73 : vector<1x64xf32>
      %swap3A_75 = arith.constant 0 : index
      %swap3A_76 = arith.index_cast %while3A_62 : i32 to index
      %swap3A_77 = arith.constant 0 : index
      %swap3A_78 = vector.load %arg10[%swap3A_75, %swap3A_76, %swap3A_77] : memref<3x64x64xf32, #tpu.memory_space<vmem>>, vector<1x1x64xf32>
      %swap3A_79 = vector.shape_cast %swap3A_78 : vector<1x1x64xf32> to vector<1x64xf32>
      %swap3A_80 = vector.shape_cast %add3A_74 : vector<1x64xf32> to vector<1x1x64xf32>
      tpu.vector_store %arg10[%swap3A_75, %swap3A_76, %swap3A_77], %swap3A_80 {strides = array<i32>} : memref<3x64x64xf32, #tpu.memory_space<vmem>>, vector<1x1x64xf32>,
      %get3A_81 = arith.constant 1 : index
      %get3A_82 = arith.index_cast %while3A_62 : i32 to index
      %get3A_83 = arith.constant 0 : index
      %get3A_84 = vector.load %arg10[%get3A_81, %get3A_82, %get3A_83] : memref<3x64x64xf32, #tpu.memory_space<vmem>>, vector<1x1x64xf32>
      %get3A_85 = vector.shape_cast %get3A_84 : vector<1x1x64xf32> to vector<1x64xf32>
      %reduce_max3A = arith.constant dense<0xFF800000> : vector<64xf32>
      %reduce_max3A_86 = vector.multi_reduction <maximumf>, %select_n3A, %reduce_max3A [0] : vector<1000x64xf32> to vector<64xf32>
      %broadcast_in_dim3A_87 = vector.shape_cast %reduce_max3A_86 : vector<64xf32> to vector<1x64xf32>
      %max3A_88 = arith.maximumf %get3A_85, %broadcast_in_dim3A_87 : vector<1x64xf32>
      %swap3A_89 = arith.constant 1 : index
      %swap3A_90 = arith.index_cast %while3A_62 : i32 to index
      %swap3A_91 = arith.constant 0 : index
      %swap3A_92 = vector.load %arg10[%swap3A_89, %swap3A_90, %swap3A_91] : memref<3x64x64xf32, #tpu.memory_space<vmem>>, vector<1x1x64xf32>
      %swap3A_93 = vector.shape_cast %swap3A_92 : vector<1x1x64xf32> to vector<1x64xf32>
      %swap3A_94 = vector.shape_cast %max3A_88 : vector<1x64xf32> to vector<1x1x64xf32>
      tpu.vector_store %arg10[%swap3A_89, %swap3A_90, %swap3A_91], %swap3A_94 {strides = array<i32>} : memref<3x64x64xf32, #tpu.memory_space<vmem>>, vector<1x1x64xf32>,
      %get3A_95 = arith.constant 2 : index
      %get3A_96 = arith.index_cast %while3A_62 : i32 to index
      %get3A_97 = arith.constant 0 : index
      %get3A_98 = vector.load %arg10[%get3A_95, %get3A_96, %get3A_97] : memref<3x64x64xf32, #tpu.memory_space<vmem>>, vector<1x1x64xf32>
      %get3A_99 = vector.shape_cast %get3A_98 : vector<1x1x64xf32> to vector<1x64xf32>
      %convert_element_type3A_100 = arith.extui %eq3A_64 : vector<1000x1xi1> to vector<1000x1xi32>
      %convert_element_type3A_101 = arith.sitofp %convert_element_type3A_100 : vector<1000x1xi32> to vector<1000x1xf32>
      %reduce_sum3A_102 = vector.shape_cast %convert_element_type3A_101 : vector<1000x1xf32> to vector<1x1000x1xf32>
      %reduce_sum3A_103 = arith.constant dense<0.000000e+00> : vector<1xf32>
      %reduce_sum3A_104 = vector.multi_reduction <add>, %reduce_sum3A_102, %reduce_sum3A_103 [1, 2] : vector<1x1000x1xf32> to vector<1xf32>
      %reduce_sum3A_105 = vector.shape_cast %reduce_sum3A_104 : vector<1xf32> to vector<1x1x1xf32>
      %reduce_sum3A_106 = vector.extract %reduce_sum3A_105[0, 0, 0] : f32 from vector<1x1x1xf32>
      %add3A_107 = vector.broadcast %reduce_sum3A_106 : f32 to vector<1x64xf32>
      %add3A_108 = arith.addf %get3A_99, %add3A_107 : vector<1x64xf32>
      %swap3A_109 = arith.constant 2 : index
      %swap3A_110 = arith.index_cast %while3A_62 : i32 to index
      %swap3A_111 = arith.constant 0 : index
      %swap3A_112 = vector.load %arg10[%swap3A_109, %swap3A_110, %swap3A_111] : memref<3x64x64xf32, #tpu.memory_space<vmem>>, vector<1x1x64xf32>
      %swap3A_113 = vector.shape_cast %swap3A_112 : vector<1x1x64xf32> to vector<1x64xf32>
      %swap3A_114 = vector.shape_cast %add3A_108 : vector<1x64xf32> to vector<1x1x64xf32>
      tpu.vector_store %arg10[%swap3A_109, %swap3A_110, %swap3A_111], %swap3A_114 {strides = array<i32>} : memref<3x64x64xf32, #tpu.memory_space<vmem>>, vector<1x1x64xf32>,
    }
    return
  }
  func.func @transform_0(%arg0: i32) -> (i32, i32) {
    %c0_i32 = arith.constant 0 : i32
    %c0_i32_0 = arith.constant 0 : i32
    return %arg0, %c0_i32 : i32, i32
  }
  func.func @transform_1(%arg0: i32) -> (i32, i32) {
    %c0_i32 = arith.constant 0 : i32
    %c0_i32_0 = arith.constant 0 : i32
    return %arg0, %c0_i32 : i32, i32
  }
  func.func @transform_2(%arg0: i32) -> (i32, i32) {
    %c0_i32 = arith.constant 0 : i32
    %c0_i32_0 = arith.constant 0 : i32
    return %arg0, %c0_i32 : i32, i32
  }
  func.func @transform_3(%arg0: i32) -> (i32, i32) {
    %c0_i32 = arith.constant 0 : i32
    %c0_i32_0 = arith.constant 0 : i32
    return %arg0, %c0_i32 : i32, i32
  }
  func.func @transform_4(%arg0: i32) -> (i32, i32) {
    %c0_i32 = arith.constant 0 : i32
    %c0_i32_0 = arith.constant 0 : i32
    return %arg0, %c0_i32 : i32, i32
  }
  func.func @transform_5(%arg0: i32) -> (i32, i32) {
    %c0_i32 = arith.constant 0 : i32
    %c0_i32_0 = arith.constant 0 : i32
    %c0_i32_1 = arith.constant 0 : i32
    return %c0_i32, %c0_i32_0 : i32, i32
  }
  func.func @transform_6(%arg0: i32) -> (i32, i32) {
    %c0_i32 = arith.constant 0 : i32
    %c0_i32_0 = arith.constant 0 : i32
    %c0_i32_1 = arith.constant 0 : i32
    return %c0_i32, %c0_i32_0 : i32, i32
  }
  func.func @transform_7(%arg0: i32) -> (i32, i32, i32) {
    %c0_i32 = arith.constant 0 : i32
    %c0_i32_0 = arith.constant 0 : i32
    %c0_i32_1 = arith.constant 0 : i32
    return %arg0, %c0_i32, %c0_i32_0 : i32, i32, i32
  }
  func.func @transform_8(%arg0: i32) -> (i32, i32) {
    %c0_i32 = arith.constant 0 : i32
    %c0_i32_0 = arith.constant 0 : i32
    return %arg0, %c0_i32 : i32, i32
  }
  func.func @transform_9(%arg0: i32) -> (i32, i32, i32) {
    %c0_i32 = arith.constant 0 : i32
    %c0_i32_0 = arith.constant 0 : i32
    %c0_i32_1 = arith.constant 0 : i32
    %c0_i32_2 = arith.constant 0 : i32
    return %c0_i32, %c0_i32_0, %c0_i32_1 : i32, i32, i32
  }
}

module attributes {stable_mosaic.version = 14 : i64} {
  func.func @_k3_body(%arg0: i32, %arg1: memref<1000x64xf32, #tpu.memory_space<vmem>>, %arg2: memref<1000x64xf32, #tpu.memory_space<vmem>>, %arg3: memref<1000x64xf32, #tpu.memory_space<vmem>>, %arg4: memref<1000x1xf32, #tpu.memory_space<vmem>>, %arg5: memref<1000x1xf32, #tpu.memory_space<vmem>>, %arg6: memref<1x64xf32, #tpu.memory_space<vmem>>, %arg7: memref<1x1000x1xi32, #tpu.memory_space<vmem>>, %arg8: memref<3x64x64xf32, #tpu.memory_space<vmem>>, %arg9: memref<384x384xf32, #tpu.memory_space<vmem>>, %arg10: memref<1x384xf32, #tpu.memory_space<vmem>>, %arg11: memref<384x1xf32, #tpu.memory_space<vmem>>, %arg12: memref<1x1xf32, #tpu.memory_space<vmem>>, %arg13: memref<64x1xf32, #tpu.memory_space<vmem>>, %arg14: memref<64x1xf32, #tpu.memory_space<vmem>>, %arg15: memref<3x64x64xf32, #tpu.memory_space<vmem>>) attributes {dimension_semantics = [#tpu.dimension_semantics<arbitrary>], iteration_bounds = array<i64: 10>, scalar_prefetch = 0 : i64, scratch_operands = 1 : i64, tpu.core_type = #tpu.core_type<tc>, window_params = [{transform_indices = @transform_0, window_bounds = array<i64: 1000, 64>}, {transform_indices = @transform_1, window_bounds = array<i64: 1000, 64>}, {transform_indices = @transform_2, window_bounds = array<i64: 1000, 64>}, {transform_indices = @transform_3, window_bounds = array<i64: 1000, 1>}, {transform_indices = @transform_4, window_bounds = array<i64: 1000, 1>}, {pipeline_mode = #tpu.pipeline_mode<synchronous>, transform_indices = @transform_5, window_bounds = array<i64: 1, 64>}, {transform_indices = @transform_6, window_bounds = array<i64: 1, 1000, 1>}, {pipeline_mode = #tpu.pipeline_mode<synchronous>, transform_indices = @transform_7, window_bounds = array<i64: 3, 64, 64>}, {pipeline_mode = #tpu.pipeline_mode<synchronous>, transform_indices = @transform_8, window_bounds = array<i64: 384, 384>}, {pipeline_mode = #tpu.pipeline_mode<synchronous>, transform_indices = @transform_9, window_bounds = array<i64: 1, 384>}, {pipeline_mode = #tpu.pipeline_mode<synchronous>, transform_indices = @transform_10, window_bounds = array<i64: 384, 1>}, {pipeline_mode = #tpu.pipeline_mode<synchronous>, transform_indices = @transform_11, window_bounds = array<i64: 1, 1>}, {pipeline_mode = #tpu.pipeline_mode<synchronous>, transform_indices = @transform_12, window_bounds = array<i64: 64, 1>}, {pipeline_mode = #tpu.pipeline_mode<synchronous>, transform_indices = @transform_13, window_bounds = array<i64: 64, 1>}]} {
    %get3A = arith.constant 0 : index
    %get3A_0 = arith.constant 0 : index
    %get3A_1 = vector.load %arg4[%get3A, %get3A_0] : memref<1000x1xf32, #tpu.memory_space<vmem>>, vector<1000x1xf32>
    %get3A_2 = arith.constant 0 : index
    %get3A_3 = arith.constant 0 : index
    %get3A_4 = vector.load %arg5[%get3A_2, %get3A_3] : memref<1000x1xf32, #tpu.memory_space<vmem>>, vector<1000x1xf32>
    %add3A = arith.addf %get3A_1, %get3A_4 : vector<1000x1xf32>
    %add3A_5 = arith.constant 1.000000e+00 : f32
    %add3A_6 = vector.broadcast %add3A_5 : f32 to vector<1000x1xf32>
    %add3A_7 = arith.addf %add3A, %add3A_6 : vector<1000x1xf32>
    %rsqrt3A = math.rsqrt %add3A_7 : vector<1000x1xf32>
    %get3A_8 = arith.constant 0 : index
    %get3A_9 = arith.constant 0 : index
    %get3A_10 = vector.load %arg1[%get3A_8, %get3A_9] : memref<1000x64xf32, #tpu.memory_space<vmem>>, vector<1000x64xf32>
    %get3A_11 = arith.constant 0 : index
    %get3A_12 = arith.constant 0 : index
    %get3A_13 = vector.load %arg2[%get3A_11, %get3A_12] : memref<1000x64xf32, #tpu.memory_space<vmem>>, vector<1000x64xf32>
    %add3A_14 = arith.addf %get3A_10, %get3A_13 : vector<1000x64xf32>
    %get3A_15 = arith.constant 0 : index
    %get3A_16 = arith.constant 0 : index
    %get3A_17 = vector.load %arg3[%get3A_15, %get3A_16] : memref<1000x64xf32, #tpu.memory_space<vmem>>, vector<1000x64xf32>
    %add3A_18 = arith.addf %add3A_14, %get3A_17 : vector<1000x64xf32>
    %mul3A = vector.broadcast %rsqrt3A : vector<1000x1xf32> to vector<1000x64xf32>
    %mul3A_19 = arith.mulf %mul3A, %add3A_18 : vector<1000x64xf32>
    %get3A_20 = arith.constant 0 : index
    %get3A_21 = arith.constant 0 : index
    %get3A_22 = vector.load %arg6[%get3A_20, %get3A_21] : memref<1x64xf32, #tpu.memory_space<vmem>>, vector<1x64xf32>
    %add3A_23 = vector.broadcast %get3A_22 : vector<1x64xf32> to vector<1000x64xf32>
    %add3A_24 = arith.addf %mul3A_19, %add3A_23 : vector<1000x64xf32>
    %max3A = arith.constant 0.000000e+00 : f32
    %max3A_25 = vector.broadcast %max3A : f32 to vector<1000x64xf32>
    %max3A_26 = arith.maximumf %add3A_24, %max3A_25 : vector<1000x64xf32>
    %eq3A = arith.constant 0 : i32
    %eq3A_27 = arith.cmpi eq, %arg0, %eq3A : i32
    %convert_element_type3A = arith.extui %eq3A_27 : i1 to i32
    %cond3A = arith.constant 0 : i32
    %cond3A_28 = arith.cmpi ne, %convert_element_type3A, %cond3A : i32
    scf.if %cond3A_28 {
      %broadcast_in_dim3A = arith.constant 0.000000e+00 : f32
      %broadcast_in_dim3A_59 = vector.broadcast %broadcast_in_dim3A : f32 to vector<3x64x64xf32>
      %swap3A = arith.constant 0 : index
      %swap3A_60 = arith.constant 0 : index
      %swap3A_61 = arith.constant 0 : index
      %swap3A_62 = vector.load %arg15[%swap3A, %swap3A_60, %swap3A_61] : memref<3x64x64xf32, #tpu.memory_space<vmem>>, vector<3x64x64xf32>
      tpu.vector_store %arg15[%swap3A, %swap3A_60, %swap3A_61], %broadcast_in_dim3A_59 {strides = array<i32>} : memref<3x64x64xf32, #tpu.memory_space<vmem>>, vector<3x64x64xf32>,
    } else {
    }
    %get3A_29 = arith.constant 0 : index
    %get3A_30 = arith.constant 0 : index
    %get3A_31 = arith.constant 0 : index
    %get3A_32 = vector.load %arg7[%get3A_29, %get3A_30, %get3A_31] : memref<1x1000x1xi32, #tpu.memory_space<vmem>>, vector<1x1000x1xi32>
    %get3A_33 = vector.shape_cast %get3A_32 : vector<1x1000x1xi32> to vector<1000x1xi32>
    %get3A_34 = arith.constant 0 : index
    %get3A_35 = arith.constant 0 : index
    %get3A_36 = arith.constant 0 : index
    %get3A_37 = vector.load %arg7[%get3A_34, %get3A_35, %get3A_36] : memref<1x1000x1xi32, #tpu.memory_space<vmem>>, vector<1x1x1xi32>
    %get3A_38 = vector.extract %get3A_37[0, 0, 0] : i32 from vector<1x1x1xi32>
    %get3A_39 = arith.constant 0 : index
    %get3A_40 = arith.constant 999 : index
    %get3A_41 = arith.constant 0 : index
    %get3A_42 = vector.load %arg7[%get3A_39, %get3A_40, %get3A_41] : memref<1x1000x1xi32, #tpu.memory_space<vmem>>, vector<1x1x1xi32>
    %get3A_43 = vector.extract %get3A_42[0, 0, 0] : i32 from vector<1x1x1xi32>
    %add3A_44 = arith.constant 1 : i32
    %add3A_45 = arith.addi %get3A_43, %add3A_44 : i32
    %while3A = arith.constant 0 : i32
    %while3A_46 = arith.subi %add3A_45, %get3A_38 : i32
    %while3A_47 = arith.addi %get3A_38, %while3A_46 : i32
    %while3A_48 = arith.constant 1 : i32
    %while3A_49 = arith.divsi %while3A_46, %while3A_48 : i32
    %while3A_50 = arith.muli %while3A_49, %while3A_48 : i32
    %while3A_51 = arith.addi %get3A_38, %while3A_50 : i32
    %while3A_52 = arith.constant 1 : i32
    scf.for %while3A_59 = %get3A_38 to %while3A_51 step %while3A_52  : i32 {
      %eq3A_60 = vector.broadcast %while3A_59 : i32 to vector<1000x1xi32>
      %eq3A_61 = arith.cmpi eq, %get3A_33, %eq3A_60 : vector<1000x1xi32>
      %jit3A = arith.constant 0.000000e+00 : f32
      %broadcast_in_dim3A = vector.shape_cast %eq3A_61 : vector<1000x1xi1> to vector<1000x1xi1>
      %broadcast_in_dim3A_62 = vector.broadcast %broadcast_in_dim3A : vector<1000x1xi1> to vector<1000x64xi1>
      %broadcast_in_dim3A_63 = vector.broadcast %jit3A : f32 to vector<1000x64xf32>
      %select_n3A = arith.select %broadcast_in_dim3A_62, %max3A_26, %broadcast_in_dim3A_63 : vector<1000x64xi1>, vector<1000x64xf32>
      %get3A_64 = arith.constant 0 : index
      %get3A_65 = arith.index_cast %while3A_59 : i32 to index
      %get3A_66 = arith.constant 0 : index
      %get3A_67 = vector.load %arg15[%get3A_64, %get3A_65, %get3A_66] : memref<3x64x64xf32, #tpu.memory_space<vmem>>, vector<1x1x64xf32>
      %get3A_68 = vector.shape_cast %get3A_67 : vector<1x1x64xf32> to vector<1x64xf32>
      %reduce_sum3A = arith.constant dense<0.000000e+00> : vector<64xf32>
      %reduce_sum3A_69 = vector.multi_reduction <add>, %select_n3A, %reduce_sum3A [0] : vector<1000x64xf32> to vector<64xf32>
      %broadcast_in_dim3A_70 = vector.shape_cast %reduce_sum3A_69 : vector<64xf32> to vector<1x64xf32>
      %add3A_71 = arith.addf %get3A_68, %broadcast_in_dim3A_70 : vector<1x64xf32>
      %swap3A = arith.constant 0 : index
      %swap3A_72 = arith.index_cast %while3A_59 : i32 to index
      %swap3A_73 = arith.constant 0 : index
      %swap3A_74 = vector.load %arg15[%swap3A, %swap3A_72, %swap3A_73] : memref<3x64x64xf32, #tpu.memory_space<vmem>>, vector<1x1x64xf32>
      %swap3A_75 = vector.shape_cast %swap3A_74 : vector<1x1x64xf32> to vector<1x64xf32>
      %swap3A_76 = vector.shape_cast %add3A_71 : vector<1x64xf32> to vector<1x1x64xf32>
      tpu.vector_store %arg15[%swap3A, %swap3A_72, %swap3A_73], %swap3A_76 {strides = array<i32>} : memref<3x64x64xf32, #tpu.memory_space<vmem>>, vector<1x1x64xf32>,
      %get3A_77 = arith.constant 1 : index
      %get3A_78 = arith.index_cast %while3A_59 : i32 to index
      %get3A_79 = arith.constant 0 : index
      %get3A_80 = vector.load %arg15[%get3A_77, %get3A_78, %get3A_79] : memref<3x64x64xf32, #tpu.memory_space<vmem>>, vector<1x1x64xf32>
      %get3A_81 = vector.shape_cast %get3A_80 : vector<1x1x64xf32> to vector<1x64xf32>
      %reduce_max3A = arith.constant dense<0xFF800000> : vector<64xf32>
      %reduce_max3A_82 = vector.multi_reduction <maximumf>, %select_n3A, %reduce_max3A [0] : vector<1000x64xf32> to vector<64xf32>
      %broadcast_in_dim3A_83 = vector.shape_cast %reduce_max3A_82 : vector<64xf32> to vector<1x64xf32>
      %max3A_84 = arith.maximumf %get3A_81, %broadcast_in_dim3A_83 : vector<1x64xf32>
      %swap3A_85 = arith.constant 1 : index
      %swap3A_86 = arith.index_cast %while3A_59 : i32 to index
      %swap3A_87 = arith.constant 0 : index
      %swap3A_88 = vector.load %arg15[%swap3A_85, %swap3A_86, %swap3A_87] : memref<3x64x64xf32, #tpu.memory_space<vmem>>, vector<1x1x64xf32>
      %swap3A_89 = vector.shape_cast %swap3A_88 : vector<1x1x64xf32> to vector<1x64xf32>
      %swap3A_90 = vector.shape_cast %max3A_84 : vector<1x64xf32> to vector<1x1x64xf32>
      tpu.vector_store %arg15[%swap3A_85, %swap3A_86, %swap3A_87], %swap3A_90 {strides = array<i32>} : memref<3x64x64xf32, #tpu.memory_space<vmem>>, vector<1x1x64xf32>,
      %get3A_91 = arith.constant 2 : index
      %get3A_92 = arith.index_cast %while3A_59 : i32 to index
      %get3A_93 = arith.constant 0 : index
      %get3A_94 = vector.load %arg15[%get3A_91, %get3A_92, %get3A_93] : memref<3x64x64xf32, #tpu.memory_space<vmem>>, vector<1x1x64xf32>
      %get3A_95 = vector.shape_cast %get3A_94 : vector<1x1x64xf32> to vector<1x64xf32>
      %convert_element_type3A_96 = arith.extui %eq3A_61 : vector<1000x1xi1> to vector<1000x1xi32>
      %convert_element_type3A_97 = arith.sitofp %convert_element_type3A_96 : vector<1000x1xi32> to vector<1000x1xf32>
      %reduce_sum3A_98 = vector.shape_cast %convert_element_type3A_97 : vector<1000x1xf32> to vector<1x1000x1xf32>
      %reduce_sum3A_99 = arith.constant dense<0.000000e+00> : vector<1xf32>
      %reduce_sum3A_100 = vector.multi_reduction <add>, %reduce_sum3A_98, %reduce_sum3A_99 [1, 2] : vector<1x1000x1xf32> to vector<1xf32>
      %reduce_sum3A_101 = vector.shape_cast %reduce_sum3A_100 : vector<1xf32> to vector<1x1x1xf32>
      %reduce_sum3A_102 = vector.extract %reduce_sum3A_101[0, 0, 0] : f32 from vector<1x1x1xf32>
      %add3A_103 = vector.broadcast %reduce_sum3A_102 : f32 to vector<1x64xf32>
      %add3A_104 = arith.addf %get3A_95, %add3A_103 : vector<1x64xf32>
      %swap3A_105 = arith.constant 2 : index
      %swap3A_106 = arith.index_cast %while3A_59 : i32 to index
      %swap3A_107 = arith.constant 0 : index
      %swap3A_108 = vector.load %arg15[%swap3A_105, %swap3A_106, %swap3A_107] : memref<3x64x64xf32, #tpu.memory_space<vmem>>, vector<1x1x64xf32>
      %swap3A_109 = vector.shape_cast %swap3A_108 : vector<1x1x64xf32> to vector<1x64xf32>
      %swap3A_110 = vector.shape_cast %add3A_104 : vector<1x64xf32> to vector<1x1x64xf32>
      tpu.vector_store %arg15[%swap3A_105, %swap3A_106, %swap3A_107], %swap3A_110 {strides = array<i32>} : memref<3x64x64xf32, #tpu.memory_space<vmem>>, vector<1x1x64xf32>,
    }
    %while3A_53 = arith.constant 1 : i32
    scf.for %while3A_59 = %while3A_51 to %while3A_47 step %while3A_53  : i32 {
      %eq3A_60 = vector.broadcast %while3A_59 : i32 to vector<1000x1xi32>
      %eq3A_61 = arith.cmpi eq, %get3A_33, %eq3A_60 : vector<1000x1xi32>
      %jit3A = arith.constant 0.000000e+00 : f32
      %broadcast_in_dim3A = vector.shape_cast %eq3A_61 : vector<1000x1xi1> to vector<1000x1xi1>
      %broadcast_in_dim3A_62 = vector.broadcast %broadcast_in_dim3A : vector<1000x1xi1> to vector<1000x64xi1>
      %broadcast_in_dim3A_63 = vector.broadcast %jit3A : f32 to vector<1000x64xf32>
      %select_n3A = arith.select %broadcast_in_dim3A_62, %max3A_26, %broadcast_in_dim3A_63 : vector<1000x64xi1>, vector<1000x64xf32>
      %get3A_64 = arith.constant 0 : index
      %get3A_65 = arith.index_cast %while3A_59 : i32 to index
      %get3A_66 = arith.constant 0 : index
      %get3A_67 = vector.load %arg15[%get3A_64, %get3A_65, %get3A_66] : memref<3x64x64xf32, #tpu.memory_space<vmem>>, vector<1x1x64xf32>
      %get3A_68 = vector.shape_cast %get3A_67 : vector<1x1x64xf32> to vector<1x64xf32>
      %reduce_sum3A = arith.constant dense<0.000000e+00> : vector<64xf32>
      %reduce_sum3A_69 = vector.multi_reduction <add>, %select_n3A, %reduce_sum3A [0] : vector<1000x64xf32> to vector<64xf32>
      %broadcast_in_dim3A_70 = vector.shape_cast %reduce_sum3A_69 : vector<64xf32> to vector<1x64xf32>
      %add3A_71 = arith.addf %get3A_68, %broadcast_in_dim3A_70 : vector<1x64xf32>
      %swap3A = arith.constant 0 : index
      %swap3A_72 = arith.index_cast %while3A_59 : i32 to index
      %swap3A_73 = arith.constant 0 : index
      %swap3A_74 = vector.load %arg15[%swap3A, %swap3A_72, %swap3A_73] : memref<3x64x64xf32, #tpu.memory_space<vmem>>, vector<1x1x64xf32>
      %swap3A_75 = vector.shape_cast %swap3A_74 : vector<1x1x64xf32> to vector<1x64xf32>
      %swap3A_76 = vector.shape_cast %add3A_71 : vector<1x64xf32> to vector<1x1x64xf32>
      tpu.vector_store %arg15[%swap3A, %swap3A_72, %swap3A_73], %swap3A_76 {strides = array<i32>} : memref<3x64x64xf32, #tpu.memory_space<vmem>>, vector<1x1x64xf32>,
      %get3A_77 = arith.constant 1 : index
      %get3A_78 = arith.index_cast %while3A_59 : i32 to index
      %get3A_79 = arith.constant 0 : index
      %get3A_80 = vector.load %arg15[%get3A_77, %get3A_78, %get3A_79] : memref<3x64x64xf32, #tpu.memory_space<vmem>>, vector<1x1x64xf32>
      %get3A_81 = vector.shape_cast %get3A_80 : vector<1x1x64xf32> to vector<1x64xf32>
      %reduce_max3A = arith.constant dense<0xFF800000> : vector<64xf32>
      %reduce_max3A_82 = vector.multi_reduction <maximumf>, %select_n3A, %reduce_max3A [0] : vector<1000x64xf32> to vector<64xf32>
      %broadcast_in_dim3A_83 = vector.shape_cast %reduce_max3A_82 : vector<64xf32> to vector<1x64xf32>
      %max3A_84 = arith.maximumf %get3A_81, %broadcast_in_dim3A_83 : vector<1x64xf32>
      %swap3A_85 = arith.constant 1 : index
      %swap3A_86 = arith.index_cast %while3A_59 : i32 to index
      %swap3A_87 = arith.constant 0 : index
      %swap3A_88 = vector.load %arg15[%swap3A_85, %swap3A_86, %swap3A_87] : memref<3x64x64xf32, #tpu.memory_space<vmem>>, vector<1x1x64xf32>
      %swap3A_89 = vector.shape_cast %swap3A_88 : vector<1x1x64xf32> to vector<1x64xf32>
      %swap3A_90 = vector.shape_cast %max3A_84 : vector<1x64xf32> to vector<1x1x64xf32>
      tpu.vector_store %arg15[%swap3A_85, %swap3A_86, %swap3A_87], %swap3A_90 {strides = array<i32>} : memref<3x64x64xf32, #tpu.memory_space<vmem>>, vector<1x1x64xf32>,
      %get3A_91 = arith.constant 2 : index
      %get3A_92 = arith.index_cast %while3A_59 : i32 to index
      %get3A_93 = arith.constant 0 : index
      %get3A_94 = vector.load %arg15[%get3A_91, %get3A_92, %get3A_93] : memref<3x64x64xf32, #tpu.memory_space<vmem>>, vector<1x1x64xf32>
      %get3A_95 = vector.shape_cast %get3A_94 : vector<1x1x64xf32> to vector<1x64xf32>
      %convert_element_type3A_96 = arith.extui %eq3A_61 : vector<1000x1xi1> to vector<1000x1xi32>
      %convert_element_type3A_97 = arith.sitofp %convert_element_type3A_96 : vector<1000x1xi32> to vector<1000x1xf32>
      %reduce_sum3A_98 = vector.shape_cast %convert_element_type3A_97 : vector<1000x1xf32> to vector<1x1000x1xf32>
      %reduce_sum3A_99 = arith.constant dense<0.000000e+00> : vector<1xf32>
      %reduce_sum3A_100 = vector.multi_reduction <add>, %reduce_sum3A_98, %reduce_sum3A_99 [1, 2] : vector<1x1000x1xf32> to vector<1xf32>
      %reduce_sum3A_101 = vector.shape_cast %reduce_sum3A_100 : vector<1xf32> to vector<1x1x1xf32>
      %reduce_sum3A_102 = vector.extract %reduce_sum3A_101[0, 0, 0] : f32 from vector<1x1x1xf32>
      %add3A_103 = vector.broadcast %reduce_sum3A_102 : f32 to vector<1x64xf32>
      %add3A_104 = arith.addf %get3A_95, %add3A_103 : vector<1x64xf32>
      %swap3A_105 = arith.constant 2 : index
      %swap3A_106 = arith.index_cast %while3A_59 : i32 to index
      %swap3A_107 = arith.constant 0 : index
      %swap3A_108 = vector.load %arg15[%swap3A_105, %swap3A_106, %swap3A_107] : memref<3x64x64xf32, #tpu.memory_space<vmem>>, vector<1x1x64xf32>
      %swap3A_109 = vector.shape_cast %swap3A_108 : vector<1x1x64xf32> to vector<1x64xf32>
      %swap3A_110 = vector.shape_cast %add3A_104 : vector<1x64xf32> to vector<1x1x64xf32>
      tpu.vector_store %arg15[%swap3A_105, %swap3A_106, %swap3A_107], %swap3A_110 {strides = array<i32>} : memref<3x64x64xf32, #tpu.memory_space<vmem>>, vector<1x1x64xf32>,
    }
    %eq3A_54 = arith.constant 9 : i32
    %eq3A_55 = arith.cmpi eq, %arg0, %eq3A_54 : i32
    %convert_element_type3A_56 = arith.extui %eq3A_55 : i1 to i32
    %cond3A_57 = arith.constant 0 : i32
    %cond3A_58 = arith.cmpi ne, %convert_element_type3A_56, %cond3A_57 : i32
    scf.if %cond3A_58 {
      %get3A_59 = arith.constant 0 : index
      %get3A_60 = arith.constant 0 : index
      %get3A_61 = arith.constant 0 : index
      %get3A_62 = vector.load %arg8[%get3A_59, %get3A_60, %get3A_61] : memref<3x64x64xf32, #tpu.memory_space<vmem>>, vector<1x64x64xf32>
      %get3A_63 = vector.shape_cast %get3A_62 : vector<1x64x64xf32> to vector<64x64xf32>
      %get3A_64 = arith.constant 1 : index
      %get3A_65 = arith.constant 0 : index
      %get3A_66 = arith.constant 0 : index
      %get3A_67 = vector.load %arg8[%get3A_64, %get3A_65, %get3A_66] : memref<3x64x64xf32, #tpu.memory_space<vmem>>, vector<1x64x64xf32>
      %get3A_68 = vector.shape_cast %get3A_67 : vector<1x64x64xf32> to vector<64x64xf32>
      %get3A_69 = arith.constant 2 : index
      %get3A_70 = arith.constant 0 : index
      %get3A_71 = arith.constant 0 : index
      %get3A_72 = vector.load %arg8[%get3A_69, %get3A_70, %get3A_71] : memref<3x64x64xf32, #tpu.memory_space<vmem>>, vector<1x64x64xf32>
      %get3A_73 = vector.shape_cast %get3A_72 : vector<1x64x64xf32> to vector<64x64xf32>
      %get3A_74 = arith.constant 0 : index
      %get3A_75 = arith.constant 0 : index
      %get3A_76 = arith.constant 0 : index
      %get3A_77 = vector.load %arg15[%get3A_74, %get3A_75, %get3A_76] : memref<3x64x64xf32, #tpu.memory_space<vmem>>, vector<1x64x64xf32>
      %get3A_78 = vector.shape_cast %get3A_77 : vector<1x64x64xf32> to vector<64x64xf32>
      %get3A_79 = arith.constant 1 : index
      %get3A_80 = arith.constant 0 : index
      %get3A_81 = arith.constant 0 : index
      %get3A_82 = vector.load %arg15[%get3A_79, %get3A_80, %get3A_81] : memref<3x64x64xf32, #tpu.memory_space<vmem>>, vector<1x64x64xf32>
      %get3A_83 = vector.shape_cast %get3A_82 : vector<1x64x64xf32> to vector<64x64xf32>
      %get3A_84 = arith.constant 2 : index
      %get3A_85 = arith.constant 0 : index
      %get3A_86 = arith.constant 0 : index
      %get3A_87 = vector.load %arg15[%get3A_84, %get3A_85, %get3A_86] : memref<3x64x64xf32, #tpu.memory_space<vmem>>, vector<1x64x64xf32>
      %get3A_88 = vector.shape_cast %get3A_87 : vector<1x64x64xf32> to vector<64x64xf32>
      %max3A_89 = arith.constant 1.000000e+00 : f32
      %max3A_90 = vector.broadcast %max3A_89 : f32 to vector<64x64xf32>
      %max3A_91 = arith.maximumf %get3A_73, %max3A_90 : vector<64x64xf32>
      %div3A = arith.divf %get3A_63, %max3A_91 : vector<64x64xf32>
      %max3A_92 = arith.constant 1.000000e+00 : f32
      %max3A_93 = vector.broadcast %max3A_92 : f32 to vector<64x64xf32>
      %max3A_94 = arith.maximumf %get3A_88, %max3A_93 : vector<64x64xf32>
      %div3A_95 = arith.divf %get3A_78, %max3A_94 : vector<64x64xf32>
      %concatenate3A = tpu.concatenate %get3A_63, %get3A_68, %div3A, %get3A_78, %get3A_83, %div3A_95 in 1 : vector<64x64xf32>, vector<64x64xf32>, vector<64x64xf32>, vector<64x64xf32>, vector<64x64xf32>, vector<64x64xf32> -> vector<64x384xf32>
      %get3A_96 = arith.constant 0 : index
      %get3A_97 = arith.constant 0 : index
      %get3A_98 = vector.load %arg9[%get3A_96, %get3A_97] : memref<384x384xf32, #tpu.memory_space<vmem>>, vector<384x384xf32>
      %dot_general3A = arith.constant dense<0.000000e+00> : vector<64x384xf32>
      %dot_general3A_99 = tpu.matmul %concatenate3A, %get3A_98, %dot_general3A {dimension_numbers = #tpu.dot_dimension_numbers<[1], [0], [0], [1], [0, 0, 1, 1], [], []>, transpose_lhs_hint = false} : vector<64x384xf32>, vector<384x384xf32>, vector<64x384xf32> -> vector<64x384xf32>
      %get3A_100 = arith.constant 0 : index
      %get3A_101 = arith.constant 0 : index
      %get3A_102 = vector.load %arg10[%get3A_100, %get3A_101] : memref<1x384xf32, #tpu.memory_space<vmem>>, vector<1x384xf32>
      %add3A_103 = vector.broadcast %get3A_102 : vector<1x384xf32> to vector<64x384xf32>
      %add3A_104 = arith.addf %dot_general3A_99, %add3A_103 : vector<64x384xf32>
      %max3A_105 = arith.constant 0.000000e+00 : f32
      %max3A_106 = vector.broadcast %max3A_105 : f32 to vector<64x384xf32>
      %max3A_107 = arith.maximumf %add3A_104, %max3A_106 : vector<64x384xf32>
      %get3A_108 = arith.constant 0 : index
      %get3A_109 = arith.constant 0 : index
      %get3A_110 = vector.load %arg11[%get3A_108, %get3A_109] : memref<384x1xf32, #tpu.memory_space<vmem>>, vector<384x1xf32>
      %dot_general3A_111 = arith.constant dense<0.000000e+00> : vector<64x1xf32>
      %dot_general3A_112 = tpu.matmul %max3A_107, %get3A_110, %dot_general3A_111 {dimension_numbers = #tpu.dot_dimension_numbers<[1], [0], [0], [1], [0, 0, 1, 1], [], []>, transpose_lhs_hint = false} : vector<64x384xf32>, vector<384x1xf32>, vector<64x1xf32> -> vector<64x1xf32>
      %get3A_113 = arith.constant 0 : index
      %get3A_114 = arith.constant 0 : index
      %get3A_115 = vector.load %arg12[%get3A_113, %get3A_114] : memref<1x1xf32, #tpu.memory_space<vmem>>, vector<1x1xf32>
      %add3A_116 = vector.broadcast %get3A_115 : vector<1x1xf32> to vector<64x1xf32>
      %add3A_117 = arith.addf %dot_general3A_112, %add3A_116 : vector<64x1xf32>
      %swap3A = arith.constant 0 : index
      %swap3A_118 = arith.constant 0 : index
      %swap3A_119 = vector.load %arg14[%swap3A, %swap3A_118] : memref<64x1xf32, #tpu.memory_space<vmem>>, vector<64x1xf32>
      tpu.vector_store %arg14[%swap3A, %swap3A_118], %add3A_117 {strides = array<i32>} : memref<64x1xf32, #tpu.memory_space<vmem>>, vector<64x1xf32>,
      %neg3A = arith.constant 0.000000e+00 : f32
      %neg3A_120 = vector.broadcast %neg3A : f32 to vector<64x1xf32>
      %neg3A_121 = arith.subf %neg3A_120, %add3A_117 : vector<64x1xf32>
      %exp3A = math.exp %neg3A_121 : vector<64x1xf32>
      %add3A_122 = arith.constant 1.000000e+00 : f32
      %add3A_123 = vector.broadcast %add3A_122 : f32 to vector<64x1xf32>
      %add3A_124 = arith.addf %add3A_123, %exp3A : vector<64x1xf32>
      %div3A_125 = arith.constant 1.000000e+00 : f32
      %div3A_126 = vector.broadcast %div3A_125 : f32 to vector<64x1xf32>
      %div3A_127 = arith.divf %div3A_126, %add3A_124 : vector<64x1xf32>
      %swap3A_128 = arith.constant 0 : index
      %swap3A_129 = arith.constant 0 : index
      %swap3A_130 = vector.load %arg13[%swap3A_128, %swap3A_129] : memref<64x1xf32, #tpu.memory_space<vmem>>, vector<64x1xf32>
      tpu.vector_store %arg13[%swap3A_128, %swap3A_129], %div3A_127 {strides = array<i32>} : memref<64x1xf32, #tpu.memory_space<vmem>>, vector<64x1xf32>,
    } else {
    }
    return
  }
  func.func @transform_0(%arg0: i32) -> (i32, i32) {
    %c0_i32 = arith.constant 0 : i32
    %c0_i32_0 = arith.constant 0 : i32
    return %arg0, %c0_i32 : i32, i32
  }
  func.func @transform_1(%arg0: i32) -> (i32, i32) {
    %c0_i32 = arith.constant 0 : i32
    %c0_i32_0 = arith.constant 0 : i32
    return %arg0, %c0_i32 : i32, i32
  }
  func.func @transform_2(%arg0: i32) -> (i32, i32) {
    %c0_i32 = arith.constant 0 : i32
    %c0_i32_0 = arith.constant 0 : i32
    return %arg0, %c0_i32 : i32, i32
  }
  func.func @transform_3(%arg0: i32) -> (i32, i32) {
    %c0_i32 = arith.constant 0 : i32
    %c0_i32_0 = arith.constant 0 : i32
    return %arg0, %c0_i32 : i32, i32
  }
  func.func @transform_4(%arg0: i32) -> (i32, i32) {
    %c0_i32 = arith.constant 0 : i32
    %c0_i32_0 = arith.constant 0 : i32
    return %arg0, %c0_i32 : i32, i32
  }
  func.func @transform_5(%arg0: i32) -> (i32, i32) {
    %c0_i32 = arith.constant 0 : i32
    %c0_i32_0 = arith.constant 0 : i32
    %c0_i32_1 = arith.constant 0 : i32
    return %c0_i32, %c0_i32_0 : i32, i32
  }
  func.func @transform_6(%arg0: i32) -> (i32, i32, i32) {
    %c0_i32 = arith.constant 0 : i32
    %c0_i32_0 = arith.constant 0 : i32
    %c0_i32_1 = arith.constant 0 : i32
    return %arg0, %c0_i32, %c0_i32_0 : i32, i32, i32
  }
  func.func @transform_7(%arg0: i32) -> (i32, i32, i32) {
    %c0_i32 = arith.constant 0 : i32
    %c0_i32_0 = arith.constant 0 : i32
    %c0_i32_1 = arith.constant 0 : i32
    %c0_i32_2 = arith.constant 0 : i32
    return %c0_i32, %c0_i32_0, %c0_i32_1 : i32, i32, i32
  }
  func.func @transform_8(%arg0: i32) -> (i32, i32) {
    %c0_i32 = arith.constant 0 : i32
    %c0_i32_0 = arith.constant 0 : i32
    %c0_i32_1 = arith.constant 0 : i32
    return %c0_i32, %c0_i32_0 : i32, i32
  }
  func.func @transform_9(%arg0: i32) -> (i32, i32) {
    %c0_i32 = arith.constant 0 : i32
    %c0_i32_0 = arith.constant 0 : i32
    %c0_i32_1 = arith.constant 0 : i32
    return %c0_i32, %c0_i32_0 : i32, i32
  }
  func.func @transform_10(%arg0: i32) -> (i32, i32) {
    %c0_i32 = arith.constant 0 : i32
    %c0_i32_0 = arith.constant 0 : i32
    %c0_i32_1 = arith.constant 0 : i32
    return %c0_i32, %c0_i32_0 : i32, i32
  }
  func.func @transform_11(%arg0: i32) -> (i32, i32) {
    %c0_i32 = arith.constant 0 : i32
    %c0_i32_0 = arith.constant 0 : i32
    %c0_i32_1 = arith.constant 0 : i32
    return %c0_i32, %c0_i32_0 : i32, i32
  }
  func.func @transform_12(%arg0: i32) -> (i32, i32) {
    %c0_i32 = arith.constant 0 : i32
    %c0_i32_0 = arith.constant 0 : i32
    %c0_i32_1 = arith.constant 0 : i32
    return %c0_i32, %c0_i32_0 : i32, i32
  }
  func.func @transform_13(%arg0: i32) -> (i32, i32) {
    %c0_i32 = arith.constant 0 : i32
    %c0_i32_0 = arith.constant 0 : i32
    %c0_i32_1 = arith.constant 0 : i32
    return %c0_i32, %c0_i32_0 : i32, i32
  }
}

</mosaic_0001>

<sc_bundles>
// kernel: kernel.11.cloned.1.call-start
scs
__scs_entry_jumppad:
0x0: {  	(pc) =	sbr.rel $0x88, $3  }
0x1: {  	(tag) =	ssettag $0x0;
	lr =	simm.s32 $0x1  }
0x2: {  	[smem:$0x3F96] =	sst lr;
	_ =	strace $0xD0000000  }
0x3: {  	_ = 	snop  }
0x4: {  	_ = 	snop  }
0x5: {  	_ = 	snop  }
0x6: {  	_ = 	snop  }
0x7: {  	_ = 	snop  }
__scs_overlays_trampoline_lowered:
0x8: {  	[smem:$0x3FA5] =	sst s0  }
0x9: {  	[smem:$0x3FA6] =	sst s1  }
0xa: {  	[smem:$0x3FA7] =	sst s2  }
0xb: {  	[smem:$0x3FA8] =	sst s3  }
0xc: {  	[smem:$0x3FA9] =	sst s4  }
0xd: {  	[smem:$0x3FAA] =	sst s5  }
0xe: {  	[smem:$0x3FAB] =	sst s6  }
0xf: {  	[smem:$0x3FAC] =	sst s7  }
0x10: {  	[smem:$0x3FAD] =	sst s8  }
0x11: {  	[smem:$0x3FAE] =	sst s9;
	s0 =	simm.s32 @!p0 $0x0  }
0x12: {  	s1 =	sld [smem:$0x3F94];
	s0 =	simm.s32 @p0 $0x1  }
0x13: {  	[smem:$0x3FAF] =	sst s0;
	s0 =	simm.s32 @!p1 $0x0  }
0x14: {  	s2 =	sld [smem:$0x3F93];
	s0 =	simm.s32 @p1 $0x1  }
0x15: {  	[smem:$0x3FB0] =	sst s0;
	s0 =	simm.s32 @!p2 $0x0  }
0x16: {  	s3 =	sld [smem:$0x3FDB];
	s0 =	simm.s32 @p2 $0x1  }
0x17: {  	s4 =	simm.s32 $0x1BF5;
	[smem:$0x3FB2] =	sst s0  }
0x18: {  	s0 =	sld [smem:$0x3F95];
	_ =	swait.ge [sflag:s4], $0x0  }
0x19: {  	s7 =	sld [smem:$0x3F96]  }
0x1a: {  	s8 =	sadd.s32 $0xFFFFE003, lr  }
0x1b: {  	s9 =	sadd.s32 $0xFFFFFEF7, lr;
	s5 =	simm.s32 $0xFFFFFFFF;
	p2 =	slt.u32 s8, $0xFFFFF086  }
0x1c: {  	p1 =	slt.u32 s9, $0xF7A;
	s5 =	simm.s32 @!p2 $0x0  }
0x1d: {  	s5 =	simm.s32 @p1 $0x1;
	p0 =	seq.s32 s7, s2  }
0x1e: {  	s7 =	smul.u32 @!p0 $0xF7A, s2;
	p2 =	seq.s32 @!p0 s5, $0x0  }
0x1f: {  	s9 =	smul.u32 $0xF7A, s1;
	s8 =	simm.s32 @!p0 $0x1BF5;
	p2 =	por !p2, p0  }
0x20: {  	[sflag:s8] =	ssyncset.s32 @!p0 $0xFFFFF086;
	s6 =	sadd.s32 @!p0 s3, s7;
	s7 =	simm.s32 @!p0 $0x108  }
0x21: {  	s3 =	sadd.s32 s3, s9;
	s6 =	sadd.s32 @!p0 $0x88, s6;
	s7 =	simm.s32 @p2 $0x1082  }
0x22: {  	[simem:s7], [sflag:s8] =	dma.local @!p0 [hbm:s6], $0xF7A  }
0x23: {  	s9 =	sor.u32 $0xD0000000, s2;
	s6 =	simm.s32 $0x108;
	_ =	swait.ge @!p0 [sflag:s8], $0x0  }
0x24: {  	s3 =	sadd.s32 $0x88, s3;
	s6 =	simm.s32 @!p1 $0x1082;
	[sflag:s4] =	ssyncset.s32 $0xFFFFF086  }
0x25: {  	[simem:s6], [sflag:s4] =	dma.local [hbm:s3], $0xF7A  }
0x26: {  	[smem:$0x3F96] =	sst s1;
	(tag) =	ssettag s2;
	_ =	strace s9  }
0x27: {  	s1 =	sld [smem:$0x3FA6]  }
0x28: {  	s2 =	sld [smem:$0x3FA7]  }
0x29: {  	s4 =	sld [smem:$0x3FA9]  }
0x2a: {  	p0 =	seq.s32 s5, $0x0;
	s5 =	sld [smem:$0x3FAA]  }
0x2b: {  	s6 =	sld [smem:$0x3FAB]  }
0x2c: {  	s7 =	sld [smem:$0x3FAC]  }
0x2d: {  	s3 =	simm.s32 $0x108;
	s8 =	sld [smem:$0x3FAD]  }
0x2e: {  	s3 =	simm.s32 @!p0 $0x1082;
	s9 =	sld [smem:$0x3FAE]  }
0x2f: {  	lr =	sadd.s32 s0, s3;
	s0 =	sld [smem:$0x3FA5]  }
0x30: {  	s3 =	sld [smem:$0x3FA8]  }
0x31: {  	[smem:$0x3FB1] =	sst s10  }
0x32: {  	s10 =	sld [smem:$0x3FAF];
	_ =	sdelay $0x3  }
0x33: {  	p0 =	seq.s32 s10, $0x1;
	s10 =	sld [smem:$0x3FB1];
	_ =	sdelay $0x3  }
0x34: {  	[smem:$0x3FB1] =	sst s10  }
0x35: {  	s10 =	sld [smem:$0x3FB0];
	_ =	sdelay $0x3  }
0x36: {  	p1 =	seq.s32 s10, $0x1;
	s10 =	sld [smem:$0x3FB1];
	_ =	sdelay $0x3  }
0x37: {  	[smem:$0x3FB1] =	sst s10  }
0x38: {  	s10 =	sld [smem:$0x3FB2]  }
0x39: {  	_ = 	snop;
	(pc) =	sbr.ind lr, $3  }
0x3a: {  	_ = 	snop  }
0x3b: {  	_ = 	snop  }
0x3c: {  	p2 =	seq.s32 s10, $0x1;
	s10 =	sld [smem:$0x3FB1]  }
0x3d: {  	_ =	shalt  }
0x3e: {  	_ =	shalt  }
0x3f: {  	_ =	shalt  }
0x40: {  	_ =	shalt  }
0x41: {  	_ =	shalt  }
0x42: {  	_ =	shalt  }
0x43: {  	_ =	shalt  }
0x44: {  	_ =	shalt  }
0x45: {  	_ =	shalt  }
0x46: {  	_ =	shalt  }
0x47: {  	_ =	shalt  }
0x48: {  	_ =	shalt  }
0x49: {  	_ =	shalt  }
0x4a: {  	_ =	shalt  }
0x4b: {  	_ =	shalt  }
0x4c: {  	_ =	shalt  }
0x4d: {  	_ =	shalt  }
0x4e: {  	_ =	shalt  }
0x4f: {  	_ =	shalt  }
0x50: {  	_ =	shalt  }
0x51: {  	_ =	shalt  }
0x52: {  	_ =	shalt  }
0x53: {  	_ =	shalt  }
0x54: {  	_ =	shalt  }
0x55: {  	_ =	shalt  }
0x56: {  	_ =	shalt  }
0x57: {  	_ =	shalt  }
0x58: {  	_ =	shalt  }
0x59: {  	_ =	shalt  }
0x5a: {  	_ =	shalt  }
0x5b: {  	_ =	shalt  }
0x5c: {  	_ =	shalt  }
0x5d: {  	_ =	shalt  }
0x5e: {  	_ =	shalt  }
0x5f: {  	_ =	shalt  }
0x60: {  	_ =	shalt  }
0x61: {  	_ =	shalt  }
0x62: {  	_ =	shalt  }
0x63: {  	_ =	shalt  }
0x64: {  	_ =	shalt  }
0x65: {  	_ =	shalt  }
0x66: {  	_ =	shalt  }
0x67: {  	_ =	shalt  }
0x68: {  	_ =	shalt  }
0x69: {  	_ =	shalt  }
0x6a: {  	_ =	shalt  }
0x6b: {  	_ =	shalt  }
0x6c: {  	_ =	shalt  }
0x6d: {  	_ =	shalt  }
0x6e: {  	_ =	shalt  }
0x6f: {  	_ =	shalt  }
0x70: {  	_ =	shalt  }
0x71: {  	_ =	shalt  }
0x72: {  	_ =	shalt  }
0x73: {  	_ =	shalt  }
0x74: {  	_ =	shalt  }
0x75: {  	_ =	shalt  }
0x76: {  	_ =	shalt  }
0x77: {  	_ =	shalt  }
0x78: {  	_ =	shalt  }
0x79: {  	_ =	shalt  }
0x7a: {  	_ =	shalt  }
0x7b: {  	_ =	shalt  }
0x7c: {  	_ =	shalt  }
0x7d: {  	_ =	shalt  }
0x7e: {  	_ =	shalt  }
0x7f: {  	_ =	shalt  }
0x80: {  	_ =	shalt  }
0x81: {  	_ =	shalt  }
0x82: {  	_ =	shalt  }
0x83: {  	_ =	shalt  }
0x84: {  	_ =	shalt  }
0x85: {  	_ =	shalt  }
0x86: {  	_ =	shalt  }
0x87: {  	_ =	shalt  }
.Lfunc_end0:
.L_simem_size_0:
called_computation.1_lowered:
.L_overlay_start_0:
0x88: {  	s2 =	sld [smem:$0x3FD9]  }
0x89: {  	s3 =	sld [smem:$0x3FFE];
	_ =	sdelay $0x1  }
0x8a: {  	s1 =	srdreg.scid  }
0x8b: {  	s0 =	sand.u32 $0x1, s1  }
0x8c: {  	s16 =	sshll.u32 s0, $0xA;
	s2 =	sadd.s32 s3, s2  }
0x8d: {  	s2 =	sadd.s32 s2, s16  }
0x8e: {  	[smem:$0x3FBD] =	sst s2  }
0x8f: {  	_ = 	snop  }
0x90: {  	(tm) =	ssettm $0x1  }
0x91: {  	s17 =	sld [smem:$0x3FFB];
	_ =	sdelay $0x3  }
0x92: {  	_ =	strace s17  }
0x93: {  	s2 =	sld [smem:$0x3FFC];
	_ =	sdelay $0x3  }
0x94: {  	_ =	strace s2  }
0x95: {  	s2 =	sld [smem:$0x3FFD];
	_ =	sdelay $0x3  }
0x96: {  	_ =	strace s2  }
0x97: {  	_ =	strace $0x8FFFFFFF  }
0x98: {  	s18 =	sld [smem:$0x3FDB];
	_ =	sdelay $0x1  }
0x99: {  	s19 =	simm.s32 $_scs_section_size  }
0x9a: {  	s4 =	simm.s32 $_size__tile_overlayer_lowered;
	s5 =	simm.s32 $_tile_overlayer_lowered  }
0x9b: {  	s22 =	simm.s32 $0x1BFF;
	s21 =	sshll.u32 s5, $0x1;
	s2 =	sadd.s32 s19, s18  }
0x9c: {  	s6 =	simm.s32 $0x0;
	s20 =	sshll.u32 s4, $0x1;
	s4 =	sadd.s32 s21, s2  }
0x9d: {  	[timem:s6], [sflag:s22] =	dma.local [hbm:s4], s20  }
0x9e: {  	_ =	swait.ge [sflag:s22], s20  }
0x9f: {  	s3 =	ssub.s32 $0x0, s20;
	[sflag:s22] =	ssyncset.done $0x0  }
0xa0: {  	[sflag:s22] =	ssyncadd.s32 s3;
	_ =	sdelay $0x1  }
0xa1: {  	s23 =	simm.s32 $0x1B8B  }
0xa2: {  	_ =	swait.ge [sflag:s23], $0x1  }
0xa3: {  	[sflag:s23] =	ssyncset.done $0x0  }
0xa4: {  	s25 =	simm.s32 $0x1B8E;
	s24 =	sld [smem:$0x3FFE];
	[sflag:s23] =	ssyncadd.s32 $0xFFFFFFFF  }
0xa5: {  	s26 =	simm.s32 $execute0_lowered;
	[smem:$0x3FD2] =	sst s25  }
0xa6: {  	s4 =	sshll.u32 s26, $0x1;
	_ =	strace $0x80000049;
	[dreg:$0x1] =	wrdreg $0xFFFFFFFF  }
0xa7: {  	s28 =	simm.s32 $_size_execute0_lowered;
	s2 =	sadd.s32 s2, s4;
	[dreg:$0x0] =	wrdreg $0x0  }
0xa8: {  	s4 =	sshll.u32 s28, $0x1;
	[dreg:$0x2] =	wrdreg s2  }
0xa9: {  	[dreg:$0x3] =	wrdreg s4  }
0xaa: {  	[dreg:$0x4] =	wrdreg $0xC0  }
0xab: {  	_ =	task [dreg:s6], $0x5FFFF  }
0xac: {  	[dreg:$0x1] =	wrdreg $0xFFFFFFFF  }
0xad: {  	[dreg:$0x0] =	wrdreg $0x60  }
0xae: {  	[dreg:$0x2] =	wrdreg s24  }
0xaf: {  	[dreg:$0x3] =	wrdreg $0x152200  }
0xb0: {  	[dreg:$0x4] =	wrdreg $0x9  }
0xb1: {  	_ =	task.clear_ibuf [dreg:s6], $0x5FFFF;
	_ =	strace $0x90000049  }
0xb2: {  	s29 =	simm.s32 $0x9;
	_ =	strace $0x8000004B  }
0xb3: {  	_ =	swait.ge [sflag:s29], $0x1  }
0xb4: {  	[sflag:s29] =	ssyncadd.s32 $0xFFFFFFFF  }
0xb5: {  	_ =	strace $0x9000004B  }
0xb6: {  	_ =	sfence  }
0xb7: {  	s30 =	sld [smem:$0x0];
	_ =	sdelay $0x2  }
0xb8: {  	s31 =	sshll.u32 s1, $0xD;
	s1 =	sshrl.u32 s1, $0x2  }
0xb9: {  	s3 =	sand.u32 $0x4000, s31;
	s1 =	sadd.s32 s1, s30  }
0xba: {  	s0 =	sor.u32 s3, s0;
	s1 =	sshll.u32 s1, $0x11  }
0xbb: {  	s0 =	sor.u32 s1, s0  }
0xbc: {  	s0 =	sadd.s32 $0x8F2B, s0  }
0xbd: {  	[sflag:s0] =	ssyncadd.remote.s32 $0x1  }
0xbe: {  	_ =	sfence.sel $0xFFFF  }
0xbf: {  	[dreg:$0x0] =	wrdreg $0xFFFFFFFF;
	(pc) =	sbr.abs _section_cstart, $3  }
0xc0: {  	[dreg:$0x1] =	wrdreg $0xFFFFFFFF  }
0xc1: {  	_ =	task.clear_ibuf [dreg:s6], $0x2FFFF;
	_ =	strace $0x9FFFFFFF  }
0xc2: {  	(tm) =	ssettm $0x7FFFFFFF  }
0xc3: {  	_ =	shalt  }
tec
execute0_lowered:
.L_overlay_start_1:
0x0: {  	(tag) =	ssettag $0x1  }
0x1: {  	s0 =	srdreg.scid;
	s1 =	rddreg [dreg:$0x0]  }
0x2: {  	s2 =	rddreg [dreg:$0x1];
	s9 =	stileid.u32  }
0x3: {  	s15 =	simm.s32 $0x0;
	s31 =	simm.s32 $0x1;
	s28 =	simm.s32 $0xC  }
0x4: {  	s29 =	simm.s32 $0xD;
	s30 =	simm.s32 $0x0;
	s0 =	sand.u32 $0x1, s0  }
0x5: {  	[smem:$0x7FF] =	sst s15;
	s4 =	sadd.s32 $0x98000, s1;
	s7 =	sadd.s32 $0x3E00, s1  }
0x6: {  	s10 =	sadd.s32 $0xBF400, s1;
	s11 =	sadd.s32 $0xABA00, s1;
	s17 =	smul.u32 $0x9C00, s9  }
0x7: {  	p1 =	sne.s32 s9, $0xF;
	_ =	strace $0x8000004A;
	[dreg:$0x3] =	wrdreg s7  }
0x8: {  	p2 =	seq.s32 s9, $0xF;
	s3 =	sshll.u32 s0, $0x4;
	[dreg:$0x4] =	wrdreg s10  }
0x9: {  	s6 =	ssub.s32 $0x2, s0;
	p0 =	seq.s32 s0, $0x1;
	[dreg:$0x5] =	wrdreg s11  }
0xa: {  	s7 =	simm.s32 $0x10E20;
	s3 =	sor.u32 s9, s3;
	s16 =	sshrl.u32 s6, $0x1  }
0xb: {  	s20 =	sadd.s32 s17, s2;
	s21 =	sadd.s32 $0x2000, s17;
	s23 =	sadd.s32 $0x4000, s17  }
0xc: {  	s24 =	sadd.s32 $0x6000, s17;
	s26 =	sadd.s32 $0x8000, s17;
	s13 =	sshrl.u32 s17, $0x3  }
0xd: {  	s9 =	simm.s32 $0x7;
	[dreg:$0xa] =	wrdreg s20;
	s22 =	sadd.s32 s21, s2  }
0xe: {  	s5 =	smul.u32 $0x4E0, s3;
	s8 =	sadd.s32 s23, s2;
	[dreg:$0xb] =	wrdreg s22  }
0xf: {  	s3 =	sshll.u32 s3, $0x1;
	s25 =	sadd.s32 s24, s2;
	[dreg:$0xc] =	wrdreg s8  }
0x10: {  	s12 =	sadd.s32 s26, s2;
	s17 =	sshrl.u32 s24, $0x3;
	[dreg:$0xd] =	wrdreg s25  }
0x11: {  	s0 =	sadd.s32 s11, s13;
	s3 =	sadd.s32 s3, s1;
	[dreg:$0xe] =	wrdreg s12  }
0x12: {  	[dreg:$0x12] =	wrdreg s0;
	s22 =	sadd.s32 s11, s17;
	s8 =	simm.s32 $0x6  }
0x13: {  	s0 =	simm.s32 $0xA;
	s12 =	simm.s32 $0xE;
	s5 =	sadd.s32 s5, s1  }
0x14: {  	s1 =	ssub.s32 s6, s16;
	s19 =	sadd.s32 $0x18C00, s3;
	[dreg:$0x16] =	wrdreg s22  }
0x15: {  	s3 =	sadd.s32 $0x18A00, s3;
	s6 =	sadd.s32 s10, s13;
	[dreg:$0x8] =	wrdreg s19  }
0x16: {  	s22 =	simm.s32 $0x80;
	s13 =	simm.s32 $0xF;
	[dreg:$0x9] =	wrdreg s3  }
0x17: {  	s18 =	sadd.s32 $0x18E00, s5;
	s5 =	sadd.s32 $0xEE00, s5;
	[dreg:$0xf] =	wrdreg s6  }
0x18: {  	s3 =	sshrl.u32 s21, $0x3;
	s21 =	sadd.s32 s10, s17;
	s25 =	smax.u32 s1, $0x1  }
0x19: {  	s17 =	simm.s32 $0x4E20;
	s6 =	simm.s32 $0xEE20;
	[dreg:$0x6] =	wrdreg s18  }
0x1a: {  	s1 =	simm.s32 $0xB;
	[dreg:$0x7] =	wrdreg s5;
	s5 =	sshrl.u32 s23, $0x3  }
0x1b: {  	s14 =	sadd.s32 s10, s3;
	s18 =	sshrl.u32 s26, $0x3;
	[dreg:$0x15] =	wrdreg s21  }
0x1c: {  	s19 =	sadd.s32 s11, s3;
	[dreg:$0x19] =	wrdreg s25;
	s26 =	sadd.s32 $0x9C000, s2  }
0x1d: {  	s21 =	simm.s32 $0x5;
	s25 =	simm.s32 $0x8E20;
	[dreg:$0x10] =	wrdreg s14  }
0x1e: {  	s16 =	sadd.s32 s10, s5;
	[dreg:$0x13] =	wrdreg s19;
	s20 =	sadd.s32 s11, s5  }
0x1f: {  	s23 =	sadd.s32 s10, s18;
	s24 =	sadd.s32 s11, s18;
	[dreg:$0x1a] =	wrdreg s26  }
.Ltmp0:
0x20: {  	s18 =	simm.s32 $0x2;
	[dreg:$0x11] =	wrdreg s16;
	(pc) =	sbr.rel .LBB2_1-.Ltmp0, $4  }
0x21: {  	s19 =	simm.s32 $0x3;
	s26 =	simm.s32 $0xCE20;
	[dreg:$0x14] =	wrdreg s20  }
0x22: {  	s5 =	simm.s32 $0x12E20;
	s10 =	simm.s32 $0x8;
	[dreg:$0x17] =	wrdreg s23  }
0x23: {  	s11 =	simm.s32 $0x9;
	s14 =	simm.s32 $0x10;
	[dreg:$0x18] =	wrdreg s24  }
0x24: {  	s20 =	simm.s32 $0x4;
	s23 =	simm.s32 $0x6E20;
	s24 =	simm.s32 $0xAE20  }
.LBB2_6:
0x25: {  	s16 =	rddreg [dreg:$0x1a]  }
0x26: {  	[tilespmem:s6], [sflag:$0x11] =	stream.linear.gather [spmem:s16], $0x400, $0x38;
	[tilespmem:$0x1EE60] =	vst v63  }
0x27: {  	s16 =	simm.s32 $0x11  }
0x28: {  	_ =	swait.ge [sflag:s16], $0x400  }
0x29: {  	[sflag:s16] =	ssyncset.done $0x0  }
0x2a: {  	s3 =	sadd.s32 $0x13800, s3;
	[sflag:s16] =	ssyncadd.s32 $0xFFFFFC00  }
0x2b: {  	[hbm4b:s3+s15] =	stream.linear.scatter [tilespmem:s6], [sflag:$0x11], $0x400, $0x38;
	[tilespmem:$0x1EE60] =	vst v63  }
0x2c: {  	_ =	swait.ge [sflag:s16], $0x400  }
0x2d: {  	[sflag:s16] =	ssyncset.done $0x0  }
0x2e: {  	[sflag:s16] =	ssyncadd.s32 $0xFFFFFC00  }
.LBB2_7:
0x2f: {  	_ =	swait.ge [sflag:s11], $0x2000  }
0x30: {  	[sflag:s11] =	ssyncset.done $0x0  }
0x31: {  	[sflag:s11] =	ssyncadd.s32 $0xFFFFE000  }
0x32: {  	_ =	swait.ge [sflag:s0], $0x2000  }
0x33: {  	[sflag:s0] =	ssyncset.done $0x0  }
0x34: {  	[sflag:s0] =	ssyncadd.s32 $0xFFFFE000  }
0x35: {  	_ =	swait.ge [sflag:s1], $0x2000  }
0x36: {  	[sflag:s1] =	ssyncset.done $0x0  }
0x37: {  	[sflag:s1] =	ssyncadd.s32 $0xFFFFE000  }
0x38: {  	_ =	swait.ge [sflag:s28], $0x2000  }
0x39: {  	[sflag:s28] =	ssyncset.done $0x0  }
0x3a: {  	[sflag:s28] =	ssyncadd.s32 $0xFFFFE000  }
0x3b: {  	_ =	swait.ge [sflag:s29], $0x1C00  }
0x3c: {  	s30 =	sadd.s32 $0x1, s30;
	s3 =	rddreg [dreg:$0x19]  }
0x3d: {  	p3 =	sne.s32 s30, s3  }
.Ltmp1:
0x3e: {  	_ = 	snop;
	(pc) =	sbr.rel @!p3 .LBB2_8-.Ltmp1, $3  }
0x3f: {  	_ =	sdelay $0x1  }
0x40: {  	[sflag:s29] =	ssyncset.done $0x0  }
0x41: {  	[sflag:s29] =	ssyncadd.s32 $0xFFFFE400  }
.LBB2_1:
0x42: {  	[dreg:$0x1b] =	wrdreg s30  }
0x43: {  	s3 =	rddreg [dreg:$0x6];
	s30 =	simm.s32 $0x11  }
0x44: {  	[tilespmem:s15], [sflag:$0x11] =	stream.linear.gather [hbm4b:s3+s15], $0x2700, $0x38;
	[tilespmem:$0x1EE60] =	vst v63  }
0x45: {  	_ =	swait.ge [sflag:s30], $0x2700  }
0x46: {  	[sflag:s30] =	ssyncset.done $0x0  }
0x47: {  	s16 =	simm.s32 $0x2700;
	s3 =	rddreg [dreg:$0x7];
	[sflag:s30] =	ssyncadd.s32 $0xFFFFD900  }
0x48: {  	[tilespmem:s16], [sflag:$0x11] =	stream.linear.gather [hbm4b:s3+s15], $0x2700, $0x38;
	[tilespmem:$0x1EE60] =	vst v63  }
0x49: {  	_ =	swait.ge [sflag:s30], $0x2700  }
0x4a: {  	[sflag:s30] =	ssyncset.done $0x0  }
0x4b: {  	s16 =	simm.s32 $0x4E00;
	s3 =	rddreg [dreg:$0x8];
	[sflag:s30] =	ssyncadd.s32 $0xFFFFD900  }
0x4c: {  	[tilespmem:s16], [sflag:$0x11] =	stream.linear.gather [hbm4b:s3+s15], $0x10, $0x38;
	[tilespmem:$0x1EE60] =	vst v63  }
0x4d: {  	_ =	swait.ge [sflag:s30], $0x10  }
0x4e: {  	[sflag:s30] =	ssyncset.done $0x0  }
0x4f: {  	s16 =	simm.s32 $0x4E10;
	s3 =	rddreg [dreg:$0x9];
	[sflag:s30] =	ssyncadd.s32 $0xFFFFFFF0  }
0x50: {  	[tilespmem:s16], [sflag:$0x11] =	stream.linear.gather [hbm4b:s3+s15], $0x10, $0x38;
	[tilespmem:$0x1EE60] =	vst v63  }
0x51: {  	_ =	swait.ge [sflag:s30], $0x10  }
0x52: {  	[sflag:s30] =	ssyncset.done $0x0  }
0x53: {  	s16 =	rddreg [dreg:$0x3];
	[sflag:s30] =	ssyncadd.s32 $0xFFFFFFF0  }
0x54: {  	[tilespmem:s17], [sflag:$0x11] =	stream.linear.gather [hbm4b:s16+s15], $0x2000, $0x38;
	[tilespmem:$0x1EE60] =	vst v63  }
0x55: {  	_ =	swait.ge [sflag:s30], $0x2000  }
0x56: {  	[sflag:s30] =	ssyncset.done $0x0  }
0x57: {  	[sflag:s30] =	ssyncadd.s32 $0xFFFFE000;
	s30 =	rddreg [dreg:$0xa]  }
0x58: {  	[spmem:s30] =	stream.linear.scatter [tilespmem:s17], [sflag:$0x1], $0x2000, $0x38;
	[tilespmem:$0x1EE60] =	vst v63  }
0x59: {  	s16 =	rddreg [dreg:$0xb]  }
0x5a: {  	[spmem:s16] =	stream.linear.scatter [tilespmem:s17], [sflag:$0x2], $0x2000, $0x38;
	[tilespmem:$0x1EE60] =	vst v63  }
0x5b: {  	s30 =	rddreg [dreg:$0xc]  }
0x5c: {  	[spmem:s30] =	stream.linear.scatter [tilespmem:s17], [sflag:$0x3], $0x2000, $0x38;
	[tilespmem:$0x1EE60] =	vst v63  }
0x5d: {  	s16 =	rddreg [dreg:$0xd]  }
0x5e: {  	[spmem:s16] =	stream.linear.scatter [tilespmem:s17], [sflag:$0x4], $0x2000, $0x38;
	[tilespmem:$0x1EE60] =	vst v63  }
0x5f: {  	s30 =	rddreg [dreg:$0xe]  }
0x60: {  	[spmem:s30] =	stream.linear.scatter [tilespmem:s17], [sflag:$0x5], $0x1C00, $0x38;
	[tilespmem:$0x1EE60] =	vst v63  }
0x61: {  	_ =	swait.ge [sflag:s31], $0x2000  }
0x62: {  	[sflag:s31] =	ssyncset.done $0x0  }
0x63: {  	[sflag:s31] =	ssyncadd.s32 $0xFFFFE000  }
0x64: {  	_ =	swait.ge [sflag:s18], $0x2000  }
0x65: {  	[sflag:s18] =	ssyncset.done $0x0  }
0x66: {  	[sflag:s18] =	ssyncadd.s32 $0xFFFFE000  }
0x67: {  	_ =	swait.ge [sflag:s19], $0x2000  }
0x68: {  	[sflag:s19] =	ssyncset.done $0x0  }
0x69: {  	[sflag:s19] =	ssyncadd.s32 $0xFFFFE000  }
0x6a: {  	_ =	swait.ge [sflag:s20], $0x2000  }
0x6b: {  	[sflag:s20] =	ssyncset.done $0x0  }
0x6c: {  	[sflag:s20] =	ssyncadd.s32 $0xFFFFE000  }
0x6d: {  	_ =	swait.ge [sflag:s21], $0x1C00  }
0x6e: {  	[sflag:s21] =	ssyncset.done $0x0  }
0x6f: {  	s3 =	simm.s32 @!p1 $0x4E20;
	s16 =	rddreg [dreg:$0x1a];
	[sflag:s21] =	ssyncadd.s32 $0xFFFFE400  }
0x70: {  	[spmem:s16] =	stream.linear.scatter @!p1 [tilespmem:s3], [sflag:$0x11], $0x400, $0x38;
	[tilespmem:$0x1EE60] =	vst v63  }
0x71: {  	s3 =	simm.s32 @!p1 $0x11  }
0x72: {  	_ =	swait.ge @!p1 [sflag:s3], $0x400  }
0x73: {  	[sflag:s3] =	ssyncset.done @!p1 $0x0  }
0x74: {  	[sflag:s3] =	ssyncadd.s32 @!p1 $0xFFFFFC00  }
0x75: {  	[bflag:$0x0] =	sbarrier.arrive $0xFFFF  }
0x76: {  	[tilespmem:s17], [sflag:$0x1] =	stream.indirect.gather [hbm4b:s4+s22], $0x40, s15, s22, $0xb8;
	[tilespmem:$0x1EE60] =	vst v63  }
0x77: {  	_ = 	snop  }
0x78: {  	[tilespmem:s23], [sflag:$0x2] =	stream.indirect.gather [hbm4b:s4+s22], $0x40, s22, s22, $0xb8;
	[tilespmem:$0x1EE60] =	vst v63  }
0x79: {  	s15 =	simm.s32 $0x100  }
0x7a: {  	[tilespmem:s25], [sflag:$0x3] =	stream.indirect.gather [hbm4b:s4+s22], $0x40, s15, s22, $0xb8;
	[tilespmem:$0x1EE60] =	vst v63  }
0x7b: {  	s16 =	simm.s32 $0x180  }
0x7c: {  	[tilespmem:s24], [sflag:$0x4] =	stream.indirect.gather [hbm4b:s4+s22], $0x40, s16, s22, $0xb8;
	[tilespmem:$0x1EE60] =	vst v63  }
0x7d: {  	s30 =	simm.s32 $0x200  }
0x7e: {  	[tilespmem:s26], [sflag:$0x5] =	stream.indirect.gather [hbm4b:s4+s22], $0x40, s30, s22, $0xb8;
	[tilespmem:$0x1EE60] =	vst v63  }
0x7f: {  	s15 =	simm.s32 $0x280  }
0x80: {  	[tilespmem:s6], [sflag:$0x6] =	stream.indirect.gather [hbm4b:s4+s22], $0x40, s15, s22, $0xb8;
	[tilespmem:$0x1EE60] =	vst v63  }
0x81: {  	s16 =	simm.s32 $0x300  }
0x82: {  	[tilespmem:s7], [sflag:$0x7] =	stream.indirect.gather [hbm4b:s4+s22], $0x40, s16, s22, $0xb8;
	[tilespmem:$0x1EE60] =	vst v63  }
0x83: {  	s30 =	simm.s32 $0x380  }
0x84: {  	[tilespmem:s5], [sflag:$0x8] =	stream.indirect.gather [hbm4b:s4+s22], $0x40, s30, s22, $0xb8;
	[tilespmem:$0x1EE60] =	vst v63  }
0x85: {  	_ =	swait.ge [sflag:s31], $0x2000  }
0x86: {  	[sflag:s31] =	ssyncset.done $0x0  }
0x87: {  	s15 =	simm.s32 $0x2700;
	[sflag:s31] =	ssyncadd.s32 $0xFFFFE000  }
0x88: {  	[spmem:s2] =	stream.indirect.scatter.add.f32 [tilespmem:s17], [sflag:$0x9], $0x40, s15, s22, $0xb8;
	[tilespmem:$0x1EE60] =	vst v63  }
0x89: {  	_ =	swait.ge [sflag:s18], $0x2000  }
0x8a: {  	[sflag:s18] =	ssyncset.done $0x0  }
0x8b: {  	s16 =	simm.s32 $0x2780;
	[sflag:s18] =	ssyncadd.s32 $0xFFFFE000  }
0x8c: {  	[spmem:s2] =	stream.indirect.scatter.add.f32 [tilespmem:s23], [sflag:$0xA], $0x40, s16, s22, $0xb8;
	[tilespmem:$0x1EE60] =	vst v63  }
0x8d: {  	_ =	swait.ge [sflag:s19], $0x2000  }
0x8e: {  	[sflag:s19] =	ssyncset.done $0x0  }
0x8f: {  	s30 =	simm.s32 $0x2800;
	[sflag:s19] =	ssyncadd.s32 $0xFFFFE000  }
0x90: {  	[spmem:s2] =	stream.indirect.scatter.add.f32 [tilespmem:s25], [sflag:$0xB], $0x40, s30, s22, $0xb8;
	[tilespmem:$0x1EE60] =	vst v63  }
0x91: {  	_ =	swait.ge [sflag:s20], $0x2000  }
0x92: {  	[sflag:s20] =	ssyncset.done $0x0  }
0x93: {  	s15 =	simm.s32 $0x2880;
	[sflag:s20] =	ssyncadd.s32 $0xFFFFE000  }
0x94: {  	[spmem:s2] =	stream.indirect.scatter.add.f32 [tilespmem:s24], [sflag:$0xC], $0x40, s15, s22, $0xb8;
	[tilespmem:$0x1EE60] =	vst v63  }
0x95: {  	_ =	swait.ge [sflag:s21], $0x2000  }
0x96: {  	[sflag:s21] =	ssyncset.done $0x0  }
0x97: {  	s16 =	simm.s32 $0x2900;
	[sflag:s21] =	ssyncadd.s32 $0xFFFFE000  }
0x98: {  	[spmem:s2] =	stream.indirect.scatter.add.f32 [tilespmem:s26], [sflag:$0xD], $0x40, s16, s22, $0xb8;
	[tilespmem:$0x1EE60] =	vst v63  }
0x99: {  	_ =	swait.ge [sflag:s8], $0x2000  }
0x9a: {  	[sflag:s8] =	ssyncset.done $0x0  }
0x9b: {  	s30 =	simm.s32 $0x2980;
	[sflag:s8] =	ssyncadd.s32 $0xFFFFE000  }
0x9c: {  	[spmem:s2] =	stream.indirect.scatter.add.f32 [tilespmem:s6], [sflag:$0xE], $0x40, s30, s22, $0xb8;
	[tilespmem:$0x1EE60] =	vst v63  }
0x9d: {  	_ =	swait.ge [sflag:s9], $0x2000  }
0x9e: {  	[sflag:s9] =	ssyncset.done $0x0  }
0x9f: {  	s15 =	simm.s32 $0x2A00;
	[sflag:s9] =	ssyncadd.s32 $0xFFFFE000  }
0xa0: {  	[spmem:s2] =	stream.indirect.scatter.add.f32 [tilespmem:s7], [sflag:$0xF], $0x40, s15, s22, $0xb8;
	[tilespmem:$0x1EE60] =	vst v63  }
0xa1: {  	_ =	swait.ge [sflag:s10], $0x2000  }
0xa2: {  	[sflag:s10] =	ssyncset.done $0x0  }
0xa3: {  	s16 =	simm.s32 $0x2A80;
	[sflag:s10] =	ssyncadd.s32 $0xFFFFE000  }
0xa4: {  	[spmem:s2] =	stream.indirect.scatter.add.f32 [tilespmem:s5], [sflag:$0x10], $0x40, s16, s22, $0xb8;
	[tilespmem:$0x1EE60] =	vst v63  }
0xa5: {  	_ =	swait.ge [sflag:s11], $0x2000  }
0xa6: {  	[sflag:s11] =	ssyncset.done $0x0  }
0xa7: {  	s30 =	simm.s32 $0x400;
	[sflag:s11] =	ssyncadd.s32 $0xFFFFE000  }
0xa8: {  	[tilespmem:s17], [sflag:$0x1] =	stream.indirect.gather [hbm4b:s4+s22], $0x40, s30, s22, $0xb8;
	[tilespmem:$0x1EE60] =	vst v63  }
0xa9: {  	_ =	swait.ge [sflag:s0], $0x2000  }
0xaa: {  	[sflag:s0] =	ssyncset.done $0x0  }
0xab: {  	s15 =	simm.s32 $0x480;
	[sflag:s0] =	ssyncadd.s32 $0xFFFFE000  }
0xac: {  	[tilespmem:s23], [sflag:$0x2] =	stream.indirect.gather [hbm4b:s4+s22], $0x40, s15, s22, $0xb8;
	[tilespmem:$0x1EE60] =	vst v63  }
0xad: {  	_ =	swait.ge [sflag:s1], $0x2000  }
0xae: {  	[sflag:s1] =	ssyncset.done $0x0  }
0xaf: {  	s16 =	simm.s32 $0x500;
	[sflag:s1] =	ssyncadd.s32 $0xFFFFE000  }
0xb0: {  	[tilespmem:s25], [sflag:$0x3] =	stream.indirect.gather [hbm4b:s4+s22], $0x40, s16, s22, $0xb8;
	[tilespmem:$0x1EE60] =	vst v63  }
0xb1: {  	_ =	swait.ge [sflag:s28], $0x2000  }
0xb2: {  	[sflag:s28] =	ssyncset.done $0x0  }
0xb3: {  	s30 =	simm.s32 $0x580;
	[sflag:s28] =	ssyncadd.s32 $0xFFFFE000  }
0xb4: {  	[tilespmem:s24], [sflag:$0x4] =	stream.indirect.gather [hbm4b:s4+s22], $0x40, s30, s22, $0xb8;
	[tilespmem:$0x1EE60] =	vst v63  }
0xb5: {  	_ =	swait.ge [sflag:s29], $0x2000  }
0xb6: {  	[sflag:s29] =	ssyncset.done $0x0  }
0xb7: {  	s15 =	simm.s32 $0x600;
	[sflag:s29] =	ssyncadd.s32 $0xFFFFE000  }
0xb8: {  	[tilespmem:s26], [sflag:$0x5] =	stream.indirect.gather [hbm4b:s4+s22], $0x40, s15, s22, $0xb8;
	[tilespmem:$0x1EE60] =	vst v63  }
0xb9: {  	_ =	swait.ge [sflag:s12], $0x2000  }
0xba: {  	[sflag:s12] =	ssyncset.done $0x0  }
0xbb: {  	s16 =	simm.s32 $0x680;
	[sflag:s12] =	ssyncadd.s32 $0xFFFFE000  }
0xbc: {  	[tilespmem:s6], [sflag:$0x6] =	stream.indirect.gather [hbm4b:s4+s22], $0x40, s16, s22, $0xb8;
	[tilespmem:$0x1EE60] =	vst v63  }
0xbd: {  	_ =	swait.ge [sflag:s13], $0x2000  }
0xbe: {  	[sflag:s13] =	ssyncset.done $0x0  }
0xbf: {  	s30 =	simm.s32 $0x700;
	[sflag:s13] =	ssyncadd.s32 $0xFFFFE000  }
0xc0: {  	[tilespmem:s7], [sflag:$0x7] =	stream.indirect.gather [hbm4b:s4+s22], $0x40, s30, s22, $0xb8;
	[tilespmem:$0x1EE60] =	vst v63  }
0xc1: {  	_ =	swait.ge [sflag:s14], $0x2000  }
0xc2: {  	[sflag:s14] =	ssyncset.done $0x0  }
0xc3: {  	s3 =	simm.s32 $0x780;
	s16 =	simm.s32 $0x1000;
	[sflag:s14] =	ssyncadd.s32 $0xFFFFE000  }
.LBB2_2:
0xc4: {  	[tilespmem:s5], [sflag:$0x8] =	stream.indirect.gather [hbm4b:s4+s22], $0x40, s3, s22, $0xb8;
	[tilespmem:$0x1EE60] =	vst v63  }
0xc5: {  	s3 =	smov.u32 s16  }
0xc6: {  	p3 =	sne.s32 s16, $0x7000;
	s16 =	sadd.s32 $0x1000, s16;
	_ =	swait.ge [sflag:s31], $0x2000  }
0xc7: {  	s3 =	sshra.s32 s3, $0x2;
	[sflag:s31] =	ssyncset.done $0x0  }
0xc8: {  	s15 =	sadd.s32 $0x2700, s3;
	[sflag:s31] =	ssyncadd.s32 $0xFFFFE000  }
0xc9: {  	[spmem:s2] =	stream.indirect.scatter.add.f32 [tilespmem:s17], [sflag:$0x9], $0x40, s15, s22, $0xb8;
	[tilespmem:$0x1EE60] =	vst v63  }
0xca: {  	_ =	swait.ge [sflag:s18], $0x2000  }
0xcb: {  	[sflag:s18] =	ssyncset.done $0x0  }
0xcc: {  	s15 =	sadd.s32 $0x2780, s3;
	[sflag:s18] =	ssyncadd.s32 $0xFFFFE000  }
0xcd: {  	[spmem:s2] =	stream.indirect.scatter.add.f32 [tilespmem:s23], [sflag:$0xA], $0x40, s15, s22, $0xb8;
	[tilespmem:$0x1EE60] =	vst v63  }
0xce: {  	_ =	swait.ge [sflag:s19], $0x2000  }
0xcf: {  	[sflag:s19] =	ssyncset.done $0x0  }
0xd0: {  	s15 =	sadd.s32 $0x2800, s3;
	[sflag:s19] =	ssyncadd.s32 $0xFFFFE000  }
0xd1: {  	[spmem:s2] =	stream.indirect.scatter.add.f32 [tilespmem:s25], [sflag:$0xB], $0x40, s15, s22, $0xb8;
	[tilespmem:$0x1EE60] =	vst v63  }
0xd2: {  	_ =	swait.ge [sflag:s20], $0x2000  }
0xd3: {  	[sflag:s20] =	ssyncset.done $0x0  }
0xd4: {  	s15 =	sadd.s32 $0x2880, s3;
	[sflag:s20] =	ssyncadd.s32 $0xFFFFE000  }
0xd5: {  	[spmem:s2] =	stream.indirect.scatter.add.f32 [tilespmem:s24], [sflag:$0xC], $0x40, s15, s22, $0xb8;
	[tilespmem:$0x1EE60] =	vst v63  }
0xd6: {  	_ =	swait.ge [sflag:s21], $0x2000  }
0xd7: {  	[sflag:s21] =	ssyncset.done $0x0  }
0xd8: {  	s15 =	sadd.s32 $0x2900, s3;
	[sflag:s21] =	ssyncadd.s32 $0xFFFFE000  }
0xd9: {  	[spmem:s2] =	stream.indirect.scatter.add.f32 [tilespmem:s26], [sflag:$0xD], $0x40, s15, s22, $0xb8;
	[tilespmem:$0x1EE60] =	vst v63  }
0xda: {  	_ =	swait.ge [sflag:s8], $0x2000  }
0xdb: {  	[sflag:s8] =	ssyncset.done $0x0  }
0xdc: {  	s15 =	sadd.s32 $0x2980, s3;
	[sflag:s8] =	ssyncadd.s32 $0xFFFFE000  }
0xdd: {  	[spmem:s2] =	stream.indirect.scatter.add.f32 [tilespmem:s6], [sflag:$0xE], $0x40, s15, s22, $0xb8;
	[tilespmem:$0x1EE60] =	vst v63  }
0xde: {  	_ =	swait.ge [sflag:s9], $0x2000  }
0xdf: {  	[sflag:s9] =	ssyncset.done $0x0  }
0xe0: {  	s15 =	sadd.s32 $0x2A00, s3;
	[sflag:s9] =	ssyncadd.s32 $0xFFFFE000  }
0xe1: {  	[spmem:s2] =	stream.indirect.scatter.add.f32 [tilespmem:s7], [sflag:$0xF], $0x40, s15, s22, $0xb8;
	[tilespmem:$0x1EE60] =	vst v63  }
0xe2: {  	_ =	swait.ge [sflag:s10], $0x2000  }
0xe3: {  	[sflag:s10] =	ssyncset.done $0x0  }
0xe4: {  	s15 =	sadd.s32 $0x2A80, s3;
	[sflag:s10] =	ssyncadd.s32 $0xFFFFE000  }
0xe5: {  	[spmem:s2] =	stream.indirect.scatter.add.f32 [tilespmem:s5], [sflag:$0x10], $0x40, s15, s22, $0xb8;
	[tilespmem:$0x1EE60] =	vst v63  }
0xe6: {  	_ =	swait.ge [sflag:s11], $0x2000  }
0xe7: {  	[sflag:s11] =	ssyncset.done $0x0  }
0xe8: {  	s15 =	sadd.s32 $0x400, s3;
	[sflag:s11] =	ssyncadd.s32 $0xFFFFE000  }
0xe9: {  	[tilespmem:s17], [sflag:$0x1] =	stream.indirect.gather [hbm4b:s4+s22], $0x40, s15, s22, $0xb8;
	[tilespmem:$0x1EE60] =	vst v63  }
0xea: {  	_ =	swait.ge [sflag:s0], $0x2000  }
0xeb: {  	[sflag:s0] =	ssyncset.done $0x0  }
0xec: {  	s15 =	sadd.s32 $0x480, s3;
	[sflag:s0] =	ssyncadd.s32 $0xFFFFE000  }
0xed: {  	[tilespmem:s23], [sflag:$0x2] =	stream.indirect.gather [hbm4b:s4+s22], $0x40, s15, s22, $0xb8;
	[tilespmem:$0x1EE60] =	vst v63  }
0xee: {  	_ =	swait.ge [sflag:s1], $0x2000  }
0xef: {  	[sflag:s1] =	ssyncset.done $0x0  }
0xf0: {  	s15 =	sadd.s32 $0x500, s3;
	[sflag:s1] =	ssyncadd.s32 $0xFFFFE000  }
0xf1: {  	[tilespmem:s25], [sflag:$0x3] =	stream.indirect.gather [hbm4b:s4+s22], $0x40, s15, s22, $0xb8;
	[tilespmem:$0x1EE60] =	vst v63  }
0xf2: {  	_ =	swait.ge [sflag:s28], $0x2000  }
0xf3: {  	[sflag:s28] =	ssyncset.done $0x0  }
0xf4: {  	s15 =	sadd.s32 $0x580, s3;
	[sflag:s28] =	ssyncadd.s32 $0xFFFFE000  }
0xf5: {  	[tilespmem:s24], [sflag:$0x4] =	stream.indirect.gather [hbm4b:s4+s22], $0x40, s15, s22, $0xb8;
	[tilespmem:$0x1EE60] =	vst v63  }
0xf6: {  	_ =	swait.ge [sflag:s29], $0x2000  }
0xf7: {  	[sflag:s29] =	ssyncset.done $0x0  }
0xf8: {  	s15 =	sadd.s32 $0x600, s3;
	[sflag:s29] =	ssyncadd.s32 $0xFFFFE000  }
0xf9: {  	[tilespmem:s26], [sflag:$0x5] =	stream.indirect.gather [hbm4b:s4+s22], $0x40, s15, s22, $0xb8;
	[tilespmem:$0x1EE60] =	vst v63  }
0xfa: {  	_ =	swait.ge [sflag:s12], $0x2000  }
0xfb: {  	[sflag:s12] =	ssyncset.done $0x0  }
0xfc: {  	s15 =	sadd.s32 $0x680, s3;
	[sflag:s12] =	ssyncadd.s32 $0xFFFFE000  }
0xfd: {  	[tilespmem:s6], [sflag:$0x6] =	stream.indirect.gather [hbm4b:s4+s22], $0x40, s15, s22, $0xb8;
	[tilespmem:$0x1EE60] =	vst v63  }
0xfe: {  	_ =	swait.ge [sflag:s13], $0x2000  }
0xff: {  	[sflag:s13] =	ssyncset.done $0x0  }
.Ltmp2:
0x100: {  	s15 =	sadd.s32 $0x700, s3;
	[sflag:s13] =	ssyncadd.s32 $0xFFFFE000;
	(pc) =	sbr.rel @p3 .LBB2_2-.Ltmp2, $4  }
0x101: {  	[tilespmem:s7], [sflag:$0x7] =	stream.indirect.gather [hbm4b:s4+s22], $0x40, s15, s22, $0xb8;
	[tilespmem:$0x1EE60] =	vst v63  }
0x102: {  	_ =	swait.ge [sflag:s14], $0x2000  }
0x103: {  	[sflag:s14] =	ssyncset.done $0x0  }
0x104: {  	s3 =	sadd.s32 $0x780, s3;
	[sflag:s14] =	ssyncadd.s32 $0xFFFFE000  }
0x105: {  	[tilespmem:s5], [sflag:$0x8] =	stream.indirect.gather [hbm4b:s4+s22], $0x40, s3, s22, $0xb8;
	[tilespmem:$0x1EE60] =	vst v63  }
0x106: {  	_ =	swait.ge [sflag:s31], $0x2000  }
0x107: {  	[sflag:s31] =	ssyncset.done $0x0  }
0x108: {  	s30 =	simm.s32 $0x4700;
	[sflag:s31] =	ssyncadd.s32 $0xFFFFE000  }
0x109: {  	[spmem:s2] =	stream.indirect.scatter.add.f32 [tilespmem:s17], [sflag:$0x9], $0x40, s30, s22, $0xb8;
	[tilespmem:$0x1EE60] =	vst v63  }
0x10a: {  	_ =	swait.ge [sflag:s18], $0x2000  }
0x10b: {  	[sflag:s18] =	ssyncset.done $0x0  }
0x10c: {  	s15 =	simm.s32 $0x4780;
	[sflag:s18] =	ssyncadd.s32 $0xFFFFE000  }
0x10d: {  	[spmem:s2] =	stream.indirect.scatter.add.f32 [tilespmem:s23], [sflag:$0xA], $0x40, s15, s22, $0xb8;
	[tilespmem:$0x1EE60] =	vst v63  }
0x10e: {  	_ =	swait.ge [sflag:s19], $0x2000  }
0x10f: {  	[sflag:s19] =	ssyncset.done $0x0  }
0x110: {  	s16 =	simm.s32 $0x4800;
	[sflag:s19] =	ssyncadd.s32 $0xFFFFE000  }
0x111: {  	[spmem:s2] =	stream.indirect.scatter.add.f32 [tilespmem:s25], [sflag:$0xB], $0x40, s16, s22, $0xb8;
	[tilespmem:$0x1EE60] =	vst v63  }
0x112: {  	_ =	swait.ge [sflag:s20], $0x2000  }
0x113: {  	[sflag:s20] =	ssyncset.done $0x0  }
0x114: {  	s30 =	simm.s32 $0x4880;
	[sflag:s20] =	ssyncadd.s32 $0xFFFFE000  }
0x115: {  	[spmem:s2] =	stream.indirect.scatter.add.f32 [tilespmem:s24], [sflag:$0xC], $0x40, s30, s22, $0xb8;
	[tilespmem:$0x1EE60] =	vst v63  }
0x116: {  	_ =	swait.ge [sflag:s21], $0x2000  }
0x117: {  	[sflag:s21] =	ssyncset.done $0x0  }
0x118: {  	s15 =	simm.s32 $0x4900;
	[sflag:s21] =	ssyncadd.s32 $0xFFFFE000  }
0x119: {  	[spmem:s2] =	stream.indirect.scatter.add.f32 [tilespmem:s26], [sflag:$0xD], $0x40, s15, s22, $0xb8;
	[tilespmem:$0x1EE60] =	vst v63  }
0x11a: {  	_ =	swait.ge [sflag:s8], $0x2000  }
0x11b: {  	[sflag:s8] =	ssyncset.done $0x0  }
0x11c: {  	s16 =	simm.s32 $0x4980;
	[sflag:s8] =	ssyncadd.s32 $0xFFFFE000  }
0x11d: {  	[spmem:s2] =	stream.indirect.scatter.add.f32 [tilespmem:s6], [sflag:$0xE], $0x40, s16, s22, $0xb8;
	[tilespmem:$0x1EE60] =	vst v63  }
0x11e: {  	_ =	swait.ge [sflag:s9], $0x2000  }
0x11f: {  	[sflag:s9] =	ssyncset.done $0x0  }
0x120: {  	s30 =	simm.s32 $0x4A00;
	[sflag:s9] =	ssyncadd.s32 $0xFFFFE000  }
0x121: {  	[spmem:s2] =	stream.indirect.scatter.add.f32 [tilespmem:s7], [sflag:$0xF], $0x40, s30, s22, $0xb8;
	[tilespmem:$0x1EE60] =	vst v63  }
0x122: {  	_ =	swait.ge [sflag:s10], $0x2000  }
0x123: {  	[sflag:s10] =	ssyncset.done $0x0  }
0x124: {  	s15 =	simm.s32 $0x4A80;
	[sflag:s10] =	ssyncadd.s32 $0xFFFFE000  }
0x125: {  	[spmem:s2] =	stream.indirect.scatter.add.f32 [tilespmem:s5], [sflag:$0x10], $0x40, s15, s22, $0xb8;
	[tilespmem:$0x1EE60] =	vst v63  }
0x126: {  	_ =	swait.ge [sflag:s11], $0x2000  }
0x127: {  	[sflag:s11] =	ssyncset.done $0x0  }
0x128: {  	s16 =	simm.s32 $0x2400;
	[sflag:s11] =	ssyncadd.s32 $0xFFFFE000  }
0x129: {  	[tilespmem:s17], [sflag:$0x1] =	stream.indirect.gather [hbm4b:s4+s22], $0x40, s16, s22, $0xb8;
	[tilespmem:$0x1EE60] =	vst v63  }
0x12a: {  	_ =	swait.ge [sflag:s0], $0x2000  }
0x12b: {  	[sflag:s0] =	ssyncset.done $0x0  }
0x12c: {  	s30 =	simm.s32 $0x2480;
	[sflag:s0] =	ssyncadd.s32 $0xFFFFE000  }
0x12d: {  	[tilespmem:s23], [sflag:$0x2] =	stream.indirect.gather [hbm4b:s4+s22], $0x40, s30, s22, $0xb8;
	[tilespmem:$0x1EE60] =	vst v63  }
0x12e: {  	_ =	swait.ge [sflag:s1], $0x2000  }
0x12f: {  	[sflag:s1] =	ssyncset.done $0x0  }
0x130: {  	s15 =	simm.s32 $0x2500;
	[sflag:s1] =	ssyncadd.s32 $0xFFFFE000  }
0x131: {  	[tilespmem:s25], [sflag:$0x3] =	stream.indirect.gather [hbm4b:s4+s22], $0x40, s15, s22, $0xb8;
	[tilespmem:$0x1EE60] =	vst v63  }
0x132: {  	_ =	swait.ge [sflag:s28], $0x2000  }
0x133: {  	[sflag:s28] =	ssyncset.done $0x0  }
0x134: {  	s16 =	simm.s32 $0x2580;
	[sflag:s28] =	ssyncadd.s32 $0xFFFFE000  }
0x135: {  	[tilespmem:s24], [sflag:$0x4] =	stream.indirect.gather [hbm4b:s4+s22], $0x40, s16, s22, $0xb8;
	[tilespmem:$0x1EE60] =	vst v63  }
0x136: {  	_ =	swait.ge [sflag:s29], $0x2000  }
0x137: {  	[sflag:s29] =	ssyncset.done $0x0  }
0x138: {  	s30 =	simm.s32 $0x2600;
	[sflag:s29] =	ssyncadd.s32 $0xFFFFE000  }
0x139: {  	[tilespmem:s26], [sflag:$0x5] =	stream.indirect.gather [hbm4b:s4+s22], $0x40, s30, s22, $0xb8;
	[tilespmem:$0x1EE60] =	vst v63  }
0x13a: {  	_ =	swait.ge [sflag:s12], $0x2000  }
0x13b: {  	[sflag:s12] =	ssyncset.done $0x0  }
0x13c: {  	s15 =	simm.s32 $0x2680;
	[sflag:s12] =	ssyncadd.s32 $0xFFFFE000  }
0x13d: {  	[tilespmem:s6], [sflag:$0x6] =	stream.indirect.gather [hbm4b:s4+s22], $0x40, s15, s22, $0xb8;
	[tilespmem:$0x1EE60] =	vst v63  }
0x13e: {  	_ =	swait.ge [sflag:s13], $0x2000  }
0x13f: {  	[sflag:s13] =	ssyncset.done $0x0  }
0x140: {  	[sflag:s13] =	ssyncadd.s32 $0xFFFFE000  }
0x141: {  	_ =	swait.ge [sflag:s14], $0x2000  }
0x142: {  	[sflag:s14] =	ssyncset.done $0x0  }
0x143: {  	[sflag:s14] =	ssyncadd.s32 $0xFFFFE000  }
0x144: {  	_ =	swait.ge [sflag:s31], $0x2000  }
0x145: {  	[sflag:s31] =	ssyncset.done $0x0  }
0x146: {  	s16 =	simm.s32 $0x4B00;
	[sflag:s31] =	ssyncadd.s32 $0xFFFFE000  }
0x147: {  	[spmem:s2] =	stream.indirect.scatter.add.f32 [tilespmem:s17], [sflag:$0x9], $0x40, s16, s22, $0xb8;
	[tilespmem:$0x1EE60] =	vst v63  }
0x148: {  	_ =	swait.ge [sflag:s18], $0x2000  }
0x149: {  	[sflag:s18] =	ssyncset.done $0x0  }
0x14a: {  	s30 =	simm.s32 $0x4B80;
	[sflag:s18] =	ssyncadd.s32 $0xFFFFE000  }
0x14b: {  	[spmem:s2] =	stream.indirect.scatter.add.f32 [tilespmem:s23], [sflag:$0xA], $0x40, s30, s22, $0xb8;
	[tilespmem:$0x1EE60] =	vst v63  }
0x14c: {  	_ =	swait.ge [sflag:s19], $0x2000  }
0x14d: {  	[sflag:s19] =	ssyncset.done $0x0  }
0x14e: {  	s15 =	simm.s32 $0x4C00;
	[sflag:s19] =	ssyncadd.s32 $0xFFFFE000  }
0x14f: {  	[spmem:s2] =	stream.indirect.scatter.add.f32 [tilespmem:s25], [sflag:$0xB], $0x40, s15, s22, $0xb8;
	[tilespmem:$0x1EE60] =	vst v63  }
0x150: {  	_ =	swait.ge [sflag:s20], $0x2000  }
0x151: {  	[sflag:s20] =	ssyncset.done $0x0  }
0x152: {  	s16 =	simm.s32 $0x4C80;
	[sflag:s20] =	ssyncadd.s32 $0xFFFFE000  }
0x153: {  	[spmem:s2] =	stream.indirect.scatter.add.f32 [tilespmem:s24], [sflag:$0xC], $0x40, s16, s22, $0xb8;
	[tilespmem:$0x1EE60] =	vst v63  }
0x154: {  	_ =	swait.ge [sflag:s21], $0x2000  }
0x155: {  	[sflag:s21] =	ssyncset.done $0x0  }
0x156: {  	s30 =	simm.s32 $0x4D00;
	[sflag:s21] =	ssyncadd.s32 $0xFFFFE000  }
0x157: {  	[spmem:s2] =	stream.indirect.scatter.add.f32 [tilespmem:s26], [sflag:$0xD], $0x40, s30, s22, $0xb8;
	[tilespmem:$0x1EE60] =	vst v63  }
0x158: {  	_ =	swait.ge [sflag:s8], $0x2000  }
0x159: {  	[sflag:s8] =	ssyncset.done $0x0  }
0x15a: {  	s15 =	simm.s32 $0x4D80;
	[sflag:s8] =	ssyncadd.s32 $0xFFFFE000  }
0x15b: {  	[spmem:s2] =	stream.indirect.scatter.add.f32 [tilespmem:s6], [sflag:$0xE], $0x40, s15, s22, $0xb8;
	[tilespmem:$0x1EE60] =	vst v63  }
0x15c: {  	s16 =	simm.s32 $0x4E00;
	s15 =	simm.s32 $0x14E20  }
0x15d: {  	[tilespmem:s15], [sflag:$0x11] =	stream.indirect.gather [hbm4b:s4+s14], $0x40, s16, s14, $0xb8;
	[tilespmem:$0x1EE60] =	vst v63  }
0x15e: {  	s16 =	simm.s32 $0x11  }
0x15f: {  	_ =	swait.ge [sflag:s16], $0x400  }
0x160: {  	[sflag:s16] =	ssyncset.done $0x0  }
0x161: {  	s30 =	simm.s32 $0x4E10;
	[sflag:s16] =	ssyncadd.s32 $0xFFFFFC00  }
0x162: {  	[spmem:s2] =	stream.indirect.scatter.add.f32 [tilespmem:s15], [sflag:$0x11], $0x40, s30, s14, $0xb8;
	[tilespmem:$0x1EE60] =	vst v63  }
0x163: {  	_ =	swait.ge [sflag:s16], $0x400  }
0x164: {  	[sflag:s16] =	ssyncset.done $0x0  }
0x165: {  	[sflag:s16] =	ssyncadd.s32 $0xFFFFFC00  }
0x166: {  	_ =	swait.ge [sflag:s11], $0x2000  }
0x167: {  	[sflag:s11] =	ssyncset.done $0x0  }
0x168: {  	[sflag:s11] =	ssyncadd.s32 $0xFFFFE000  }
0x169: {  	_ =	swait.ge [sflag:s0], $0x2000  }
0x16a: {  	[sflag:s0] =	ssyncset.done $0x0  }
0x16b: {  	[sflag:s0] =	ssyncadd.s32 $0xFFFFE000  }
0x16c: {  	_ =	swait.ge [sflag:s1], $0x2000  }
0x16d: {  	[sflag:s1] =	ssyncset.done $0x0  }
0x16e: {  	[sflag:s1] =	ssyncadd.s32 $0xFFFFE000  }
0x16f: {  	_ =	swait.ge [sflag:s28], $0x2000  }
0x170: {  	[sflag:s28] =	ssyncset.done $0x0  }
0x171: {  	[sflag:s28] =	ssyncadd.s32 $0xFFFFE000  }
0x172: {  	_ =	swait.ge [sflag:s29], $0x2000  }
0x173: {  	[sflag:s29] =	ssyncset.done $0x0  }
0x174: {  	[sflag:s29] =	ssyncadd.s32 $0xFFFFE000  }
0x175: {  	_ =	swait.ge [sflag:s12], $0x2000  }
0x176: {  	[sflag:s12] =	ssyncset.done $0x0  }
0x177: {  	[sflag:s12] =	ssyncadd.s32 $0xFFFFE000  }
0x178: {  	[bflag:$0x0] =	sbarrier.arrive $0xFFFF  }
0x179: {  	s16 =	rddreg [dreg:$0xa]  }
0x17a: {  	[tilespmem:s17], [sflag:$0x1] =	stream.linear.gather [spmem:s16], $0x2000, $0x38;
	[tilespmem:$0x1EE60] =	vst v63  }
0x17b: {  	s30 =	rddreg [dreg:$0xb]  }
0x17c: {  	[tilespmem:s23], [sflag:$0x2] =	stream.linear.gather [spmem:s30], $0x2000, $0x38;
	[tilespmem:$0x1EE60] =	vst v63  }
0x17d: {  	s15 =	rddreg [dreg:$0xc]  }
0x17e: {  	[tilespmem:s25], [sflag:$0x3] =	stream.linear.gather [spmem:s15], $0x2000, $0x38;
	[tilespmem:$0x1EE60] =	vst v63  }
0x17f: {  	s16 =	rddreg [dreg:$0xd]  }
0x180: {  	[tilespmem:s24], [sflag:$0x4] =	stream.linear.gather [spmem:s16], $0x2000, $0x38;
	[tilespmem:$0x1EE60] =	vst v63  }
.Ltmp3:
0x181: {  	s30 =	rddreg [dreg:$0xe];
	(pc) =	sbr.rel @!p0 .LBB2_4-.Ltmp3, $4  }
0x182: {  	[tilespmem:s26], [sflag:$0x5] =	stream.linear.gather [spmem:s30], $0x1C00, $0x38;
	[tilespmem:$0x1EE60] =	vst v63  }
0x183: {  	_ =	swait.ge [sflag:s31], $0x2000  }
0x184: {  	[sflag:s31] =	ssyncset.done $0x0  }
0x185: {  	s15 =	simm.s32 $0x0;
	[sflag:s31] =	ssyncadd.s32 $0xFFFFE000  }
0x186: {  	s3 =	rddreg [dreg:$0x12]  }
0x187: {  	[hbm4b:s3+s15] =	stream.linear.scatter [tilespmem:s17], [sflag:$0x9], $0x2000, $0x38;
	[tilespmem:$0x1EE60] =	vst v63  }
0x188: {  	_ =	swait.ge [sflag:s18], $0x2000  }
0x189: {  	[sflag:s18] =	ssyncset.done $0x0  }
0x18a: {  	s16 =	rddreg [dreg:$0x13];
	[sflag:s18] =	ssyncadd.s32 $0xFFFFE000  }
0x18b: {  	[hbm4b:s16+s15] =	stream.linear.scatter [tilespmem:s23], [sflag:$0xA], $0x2000, $0x38;
	[tilespmem:$0x1EE60] =	vst v63  }
0x18c: {  	_ =	swait.ge [sflag:s19], $0x2000  }
0x18d: {  	[sflag:s19] =	ssyncset.done $0x0  }
0x18e: {  	s16 =	rddreg [dreg:$0x14];
	[sflag:s19] =	ssyncadd.s32 $0xFFFFE000  }
0x18f: {  	[hbm4b:s16+s15] =	stream.linear.scatter [tilespmem:s25], [sflag:$0xB], $0x2000, $0x38;
	[tilespmem:$0x1EE60] =	vst v63  }
0x190: {  	_ =	swait.ge [sflag:s20], $0x2000  }
0x191: {  	[sflag:s20] =	ssyncset.done $0x0  }
0x192: {  	s16 =	rddreg [dreg:$0x16];
	[sflag:s20] =	ssyncadd.s32 $0xFFFFE000  }
0x193: {  	[hbm4b:s16+s15] =	stream.linear.scatter [tilespmem:s24], [sflag:$0xC], $0x2000, $0x38;
	[tilespmem:$0x1EE60] =	vst v63  }
.Ltmp4:
0x194: {  	_ =	swait.ge [sflag:s21], $0x1C00;
	(pc) =	sbr.rel @p1 .LBB2_7-.Ltmp4, $4  }
.Ltmp5:
0x195: {  	s16 =	rddreg [dreg:$0x18];
	(pc) =	sbr.rel @!p1 .LBB2_6-.Ltmp5, $4  }
0x196: {  	[sflag:s21] =	ssyncset.done $0x0;
	s3 =	rddreg [dreg:$0x5]  }
0x197: {  	s30 =	rddreg [dreg:$0x1b];
	[sflag:s21] =	ssyncadd.s32 $0xFFFFE400  }
0x198: {  	[hbm4b:s16+s15] =	stream.linear.scatter [tilespmem:s26], [sflag:$0xD], $0x1C00, $0x38;
	[tilespmem:$0x1EE60] =	vst v63  }
0x199: {  	_ = 	snop  }
.LBB2_4:
0x19a: {  	s3 =	rddreg [dreg:$0xf]  }
0x19b: {  	[hbm4b:s3+s15] =	stream.linear.scatter [tilespmem:s17], [sflag:$0x9], $0x2000, $0x38;
	[tilespmem:$0x1EE60] =	vst v63  }
0x19c: {  	_ =	swait.ge [sflag:s18], $0x2000  }
0x19d: {  	[sflag:s18] =	ssyncset.done $0x0  }
0x19e: {  	s16 =	rddreg [dreg:$0x10];
	[sflag:s18] =	ssyncadd.s32 $0xFFFFE000  }
0x19f: {  	[hbm4b:s16+s15] =	stream.linear.scatter [tilespmem:s23], [sflag:$0xA], $0x2000, $0x38;
	[tilespmem:$0x1EE60] =	vst v63  }
0x1a0: {  	_ =	swait.ge [sflag:s19], $0x2000  }
0x1a1: {  	[sflag:s19] =	ssyncset.done $0x0  }
0x1a2: {  	s16 =	rddreg [dreg:$0x11];
	[sflag:s19] =	ssyncadd.s32 $0xFFFFE000  }
0x1a3: {  	[hbm4b:s16+s15] =	stream.linear.scatter [tilespmem:s25], [sflag:$0xB], $0x2000, $0x38;
	[tilespmem:$0x1EE60] =	vst v63  }
0x1a4: {  	_ =	swait.ge [sflag:s20], $0x2000  }
0x1a5: {  	[sflag:s20] =	ssyncset.done $0x0  }
0x1a6: {  	s16 =	rddreg [dreg:$0x15];
	[sflag:s20] =	ssyncadd.s32 $0xFFFFE000  }
0x1a7: {  	[hbm4b:s16+s15] =	stream.linear.scatter [tilespmem:s24], [sflag:$0xC], $0x2000, $0x38;
	[tilespmem:$0x1EE60] =	vst v63  }
.Ltmp6:
0x1a8: {  	_ =	swait.ge [sflag:s21], $0x1C00;
	(pc) =	sbr.rel @p2 .LBB2_6-.Ltmp6, $4  }
.Ltmp7:
0x1a9: {  	s16 =	rddreg [dreg:$0x17];
	(pc) =	sbr.rel @!p2 .LBB2_7-.Ltmp7, $4  }
0x1aa: {  	[sflag:s21] =	ssyncset.done $0x0;
	s3 =	rddreg [dreg:$0x4]  }
0x1ab: {  	s30 =	rddreg [dreg:$0x1b];
	[sflag:s21] =	ssyncadd.s32 $0xFFFFE400  }
0x1ac: {  	[hbm4b:s16+s15] =	stream.linear.scatter [tilespmem:s26], [sflag:$0xD], $0x1C00, $0x38;
	[tilespmem:$0x1EE60] =	vst v63  }
0x1ad: {  	_ = 	snop  }
.LBB2_8:
0x1ae: {  	_ =	sfence.sel $0x180000  }
0x1af: {  	[bflag:$0x0] =	sbarrier.arrive $0xFFFF  }
0x1b0: {  	_ =	strace $0x9000004A  }
0x1b1: {  	s0 =	stileid.u32;
	[bflag:$0x2] =	sbarrier.arrive $0xFFFF  }
0x1b2: {  	p0 =	sne.s32 s0, $0x0;
	s0 =	rddreg [dreg:$0x2]  }
0x1b3: {  	s0 =	sadd.s32 @!p0 $0x100000, s0  }
0x1b4: {  	[sflag:s0] =	ssyncadd.tile.s32 @!p0 $0x1;
	_ =	shalt  }
.Lfunc_end2:
_tile_overlayer_lowered:
.L_overlay_start_2:
0x1b5: {  	(tag) =	ssettag $0x2  }
0x1b6: {  	s0 =	rddreg [dreg:$0x0];
	s2 =	stileid.u32  }
0x1b7: {  	s1 =	rddreg [dreg:$0x1];
	p0 =	sne.s32 s2, $0x0  }
0x1b8: {  	s3 =	rddreg [dreg:$0x2];
	[bflag:$0x3] =	sbarrier.arrive $0xFFFF;
	s2 =	simm.s32 @!p0 $0x1C11  }
0x1b9: {  	[timem:s3], [sflag:s2] =	dma.local @!p0 [hbm:s0], s1  }
0x1ba: {  	s0 =	simm.s32 @!p0 $0x11  }
0x1bb: {  	_ =	swait.ge @!p0 [sflag:s0], s1  }
0x1bc: {  	s1 =	ssub.s32 @!p0 $0x0, s1;
	[sflag:s0] =	ssyncset.done @!p0 $0x0  }
0x1bd: {  	[sflag:s0] =	ssyncadd.s32 @!p0 s1  }
0x1be: {  	[bflag:$0x3] =	sbarrier.arrive $0xFFFF  }
0x1bf: {  	_ =	shalt  }

// kernel: kernel.14.cloned.1.call-start
scs
__scs_entry_jumppad:
0x0: {  	(pc) =	sbr.rel $0x88, $3  }
0x1: {  	(tag) =	ssettag $0x0;
	lr =	simm.s32 $0x1  }
0x2: {  	[smem:$0x3F96] =	sst lr;
	_ =	strace $0xD0000000  }
0x3: {  	_ = 	snop  }
0x4: {  	_ = 	snop  }
0x5: {  	_ = 	snop  }
0x6: {  	_ = 	snop  }
0x7: {  	_ = 	snop  }
__scs_overlays_trampoline_lowered:
0x8: {  	[smem:$0x3FA5] =	sst s0  }
0x9: {  	[smem:$0x3FA6] =	sst s1  }
0xa: {  	[smem:$0x3FA7] =	sst s2  }
0xb: {  	[smem:$0x3FA8] =	sst s3  }
0xc: {  	[smem:$0x3FA9] =	sst s4  }
0xd: {  	[smem:$0x3FAA] =	sst s5  }
0xe: {  	[smem:$0x3FAB] =	sst s6  }
0xf: {  	[smem:$0x3FAC] =	sst s7  }
0x10: {  	[smem:$0x3FAD] =	sst s8  }
0x11: {  	[smem:$0x3FAE] =	sst s9;
	s0 =	simm.s32 @!p0 $0x0  }
0x12: {  	s1 =	sld [smem:$0x3F94];
	s0 =	simm.s32 @p0 $0x1  }
0x13: {  	[smem:$0x3FAF] =	sst s0;
	s0 =	simm.s32 @!p1 $0x0  }
0x14: {  	s2 =	sld [smem:$0x3F93];
	s0 =	simm.s32 @p1 $0x1  }
0x15: {  	[smem:$0x3FB0] =	sst s0;
	s0 =	simm.s32 @!p2 $0x0  }
0x16: {  	s3 =	sld [smem:$0x3FDB];
	s0 =	simm.s32 @p2 $0x1  }
0x17: {  	s4 =	simm.s32 $0x1BF5;
	[smem:$0x3FB2] =	sst s0  }
0x18: {  	s0 =	sld [smem:$0x3F95];
	_ =	swait.ge [sflag:s4], $0x0  }
0x19: {  	s7 =	sld [smem:$0x3F96]  }
0x1a: {  	s8 =	sadd.s32 $0xFFFFE003, lr  }
0x1b: {  	s9 =	sadd.s32 $0xFFFFFEF7, lr;
	s5 =	simm.s32 $0xFFFFFFFF;
	p2 =	slt.u32 s8, $0xFFFFF086  }
0x1c: {  	p1 =	slt.u32 s9, $0xF7A;
	s5 =	simm.s32 @!p2 $0x0  }
0x1d: {  	s5 =	simm.s32 @p1 $0x1;
	p0 =	seq.s32 s7, s2  }
0x1e: {  	s7 =	smul.u32 @!p0 $0xF7A, s2;
	p2 =	seq.s32 @!p0 s5, $0x0  }
0x1f: {  	s9 =	smul.u32 $0xF7A, s1;
	s8 =	simm.s32 @!p0 $0x1BF5;
	p2 =	por !p2, p0  }
0x20: {  	[sflag:s8] =	ssyncset.s32 @!p0 $0xFFFFF086;
	s6 =	sadd.s32 @!p0 s3, s7;
	s7 =	simm.s32 @!p0 $0x108  }
0x21: {  	s3 =	sadd.s32 s3, s9;
	s6 =	sadd.s32 @!p0 $0x88, s6;
	s7 =	simm.s32 @p2 $0x1082  }
0x22: {  	[simem:s7], [sflag:s8] =	dma.local @!p0 [hbm:s6], $0xF7A  }
0x23: {  	s9 =	sor.u32 $0xD0000000, s2;
	s6 =	simm.s32 $0x108;
	_ =	swait.ge @!p0 [sflag:s8], $0x0  }
0x24: {  	s3 =	sadd.s32 $0x88, s3;
	s6 =	simm.s32 @!p1 $0x1082;
	[sflag:s4] =	ssyncset.s32 $0xFFFFF086  }
0x25: {  	[simem:s6], [sflag:s4] =	dma.local [hbm:s3], $0xF7A  }
0x26: {  	[smem:$0x3F96] =	sst s1;
	(tag) =	ssettag s2;
	_ =	strace s9  }
0x27: {  	s1 =	sld [smem:$0x3FA6]  }
0x28: {  	s2 =	sld [smem:$0x3FA7]  }
0x29: {  	s4 =	sld [smem:$0x3FA9]  }
0x2a: {  	p0 =	seq.s32 s5, $0x0;
	s5 =	sld [smem:$0x3FAA]  }
0x2b: {  	s6 =	sld [smem:$0x3FAB]  }
0x2c: {  	s7 =	sld [smem:$0x3FAC]  }
0x2d: {  	s3 =	simm.s32 $0x108;
	s8 =	sld [smem:$0x3FAD]  }
0x2e: {  	s3 =	simm.s32 @!p0 $0x1082;
	s9 =	sld [smem:$0x3FAE]  }
0x2f: {  	lr =	sadd.s32 s0, s3;
	s0 =	sld [smem:$0x3FA5]  }
0x30: {  	s3 =	sld [smem:$0x3FA8]  }
0x31: {  	[smem:$0x3FB1] =	sst s10  }
0x32: {  	s10 =	sld [smem:$0x3FAF];
	_ =	sdelay $0x3  }
0x33: {  	p0 =	seq.s32 s10, $0x1;
	s10 =	sld [smem:$0x3FB1];
	_ =	sdelay $0x3  }
0x34: {  	[smem:$0x3FB1] =	sst s10  }
0x35: {  	s10 =	sld [smem:$0x3FB0];
	_ =	sdelay $0x3  }
0x36: {  	p1 =	seq.s32 s10, $0x1;
	s10 =	sld [smem:$0x3FB1];
	_ =	sdelay $0x3  }
0x37: {  	[smem:$0x3FB1] =	sst s10  }
0x38: {  	s10 =	sld [smem:$0x3FB2]  }
0x39: {  	_ = 	snop;
	(pc) =	sbr.ind lr, $3  }
0x3a: {  	_ = 	snop  }
0x3b: {  	_ = 	snop  }
0x3c: {  	p2 =	seq.s32 s10, $0x1;
	s10 =	sld [smem:$0x3FB1]  }
0x3d: {  	_ =	shalt  }
0x3e: {  	_ =	shalt  }
0x3f: {  	_ =	shalt  }
0x40: {  	_ =	shalt  }
0x41: {  	_ =	shalt  }
0x42: {  	_ =	shalt  }
0x43: {  	_ =	shalt  }
0x44: {  	_ =	shalt  }
0x45: {  	_ =	shalt  }
0x46: {  	_ =	shalt  }
0x47: {  	_ =	shalt  }
0x48: {  	_ =	shalt  }
0x49: {  	_ =	shalt  }
0x4a: {  	_ =	shalt  }
0x4b: {  	_ =	shalt  }
0x4c: {  	_ =	shalt  }
0x4d: {  	_ =	shalt  }
0x4e: {  	_ =	shalt  }
0x4f: {  	_ =	shalt  }
0x50: {  	_ =	shalt  }
0x51: {  	_ =	shalt  }
0x52: {  	_ =	shalt  }
0x53: {  	_ =	shalt  }
0x54: {  	_ =	shalt  }
0x55: {  	_ =	shalt  }
0x56: {  	_ =	shalt  }
0x57: {  	_ =	shalt  }
0x58: {  	_ =	shalt  }
0x59: {  	_ =	shalt  }
0x5a: {  	_ =	shalt  }
0x5b: {  	_ =	shalt  }
0x5c: {  	_ =	shalt  }
0x5d: {  	_ =	shalt  }
0x5e: {  	_ =	shalt  }
0x5f: {  	_ =	shalt  }
0x60: {  	_ =	shalt  }
0x61: {  	_ =	shalt  }
0x62: {  	_ =	shalt  }
0x63: {  	_ =	shalt  }
0x64: {  	_ =	shalt  }
0x65: {  	_ =	shalt  }
0x66: {  	_ =	shalt  }
0x67: {  	_ =	shalt  }
0x68: {  	_ =	shalt  }
0x69: {  	_ =	shalt  }
0x6a: {  	_ =	shalt  }
0x6b: {  	_ =	shalt  }
0x6c: {  	_ =	shalt  }
0x6d: {  	_ =	shalt  }
0x6e: {  	_ =	shalt  }
0x6f: {  	_ =	shalt  }
0x70: {  	_ =	shalt  }
0x71: {  	_ =	shalt  }
0x72: {  	_ =	shalt  }
0x73: {  	_ =	shalt  }
0x74: {  	_ =	shalt  }
0x75: {  	_ =	shalt  }
0x76: {  	_ =	shalt  }
0x77: {  	_ =	shalt  }
0x78: {  	_ =	shalt  }
0x79: {  	_ =	shalt  }
0x7a: {  	_ =	shalt  }
0x7b: {  	_ =	shalt  }
0x7c: {  	_ =	shalt  }
0x7d: {  	_ =	shalt  }
0x7e: {  	_ =	shalt  }
0x7f: {  	_ =	shalt  }
0x80: {  	_ =	shalt  }
0x81: {  	_ =	shalt  }
0x82: {  	_ =	shalt  }
0x83: {  	_ =	shalt  }
0x84: {  	_ =	shalt  }
0x85: {  	_ =	shalt  }
0x86: {  	_ =	shalt  }
0x87: {  	_ =	shalt  }
.Lfunc_end0:
.L_simem_size_0:
called_computation.2_lowered:
.L_overlay_start_0:
0x88: {  	s2 =	sld [smem:$0x3FD9]  }
0x89: {  	s3 =	sld [smem:$0x3FFE];
	_ =	sdelay $0x1  }
0x8a: {  	s1 =	srdreg.scid  }
0x8b: {  	s0 =	sand.u32 $0x1, s1  }
0x8c: {  	s16 =	sshll.u32 s0, $0xA;
	s2 =	sadd.s32 s3, s2  }
0x8d: {  	s2 =	sadd.s32 s2, s16  }
0x8e: {  	[smem:$0x3FBD] =	sst s2  }
0x8f: {  	_ = 	snop  }
0x90: {  	(tm) =	ssettm $0x1  }
0x91: {  	s17 =	sld [smem:$0x3FFB];
	_ =	sdelay $0x3  }
0x92: {  	_ =	strace s17  }
0x93: {  	s2 =	sld [smem:$0x3FFC];
	_ =	sdelay $0x3  }
0x94: {  	_ =	strace s2  }
0x95: {  	s2 =	sld [smem:$0x3FFD];
	_ =	sdelay $0x3  }
0x96: {  	_ =	strace s2  }
0x97: {  	_ =	strace $0x8FFFFFFF  }
0x98: {  	s18 =	sld [smem:$0x3FDB];
	_ =	sdelay $0x1  }
0x99: {  	s19 =	simm.s32 $_scs_section_size  }
0x9a: {  	s4 =	simm.s32 $_size__tile_overlayer_lowered;
	s5 =	simm.s32 $_tile_overlayer_lowered  }
0x9b: {  	s22 =	simm.s32 $0x1BFF;
	s21 =	sshll.u32 s5, $0x1;
	s2 =	sadd.s32 s19, s18  }
0x9c: {  	s6 =	simm.s32 $0x0;
	s20 =	sshll.u32 s4, $0x1;
	s4 =	sadd.s32 s21, s2  }
0x9d: {  	[timem:s6], [sflag:s22] =	dma.local [hbm:s4], s20  }
0x9e: {  	_ =	swait.ge [sflag:s22], s20  }
0x9f: {  	s3 =	ssub.s32 $0x0, s20;
	[sflag:s22] =	ssyncset.done $0x0  }
0xa0: {  	[sflag:s22] =	ssyncadd.s32 s3;
	_ =	sdelay $0x1  }
0xa1: {  	s23 =	simm.s32 $0x1B8B  }
0xa2: {  	_ =	swait.ge [sflag:s23], $0x1  }
0xa3: {  	[sflag:s23] =	ssyncset.done $0x0  }
0xa4: {  	s25 =	simm.s32 $0x1B8E;
	s24 =	sld [smem:$0x3FFE];
	[sflag:s23] =	ssyncadd.s32 $0xFFFFFFFF  }
0xa5: {  	s26 =	simm.s32 $execute0_lowered;
	[smem:$0x3FD2] =	sst s25  }
0xa6: {  	s4 =	sshll.u32 s26, $0x1;
	_ =	strace $0x8000004C;
	[dreg:$0x1] =	wrdreg $0xFFFFFFFF  }
0xa7: {  	s28 =	simm.s32 $_size_execute0_lowered;
	s2 =	sadd.s32 s2, s4;
	[dreg:$0x0] =	wrdreg $0x0  }
0xa8: {  	s4 =	sshll.u32 s28, $0x1;
	[dreg:$0x2] =	wrdreg s2  }
0xa9: {  	[dreg:$0x3] =	wrdreg s4  }
0xaa: {  	[dreg:$0x4] =	wrdreg $0xC0  }
0xab: {  	_ =	task [dreg:s6], $0x5FFFF  }
0xac: {  	[dreg:$0x1] =	wrdreg $0xFFFFFFFF  }
0xad: {  	[dreg:$0x0] =	wrdreg $0x60  }
0xae: {  	[dreg:$0x2] =	wrdreg s24  }
0xaf: {  	[dreg:$0x3] =	wrdreg $0x152200  }
0xb0: {  	[dreg:$0x4] =	wrdreg $0x9  }
0xb1: {  	_ =	task.clear_ibuf [dreg:s6], $0x5FFFF;
	_ =	strace $0x9000004C  }
0xb2: {  	s29 =	simm.s32 $0x9;
	_ =	strace $0x8000004E  }
0xb3: {  	_ =	swait.ge [sflag:s29], $0x1  }
0xb4: {  	[sflag:s29] =	ssyncadd.s32 $0xFFFFFFFF  }
0xb5: {  	_ =	strace $0x9000004E  }
0xb6: {  	_ =	sfence  }
0xb7: {  	s30 =	sld [smem:$0x0];
	_ =	sdelay $0x2  }
0xb8: {  	s31 =	sshll.u32 s1, $0xD;
	s1 =	sshrl.u32 s1, $0x2  }
0xb9: {  	s3 =	sand.u32 $0x4000, s31;
	s1 =	sadd.s32 s1, s30  }
0xba: {  	s0 =	sor.u32 s3, s0;
	s1 =	sshll.u32 s1, $0x11  }
0xbb: {  	s0 =	sor.u32 s1, s0  }
0xbc: {  	s0 =	sadd.s32 $0x8F2B, s0  }
0xbd: {  	[sflag:s0] =	ssyncadd.remote.s32 $0x1  }
0xbe: {  	_ =	sfence.sel $0xFFFF  }
0xbf: {  	[dreg:$0x0] =	wrdreg $0xFFFFFFFF;
	(pc) =	sbr.abs _section_cstart, $3  }
0xc0: {  	[dreg:$0x1] =	wrdreg $0xFFFFFFFF  }
0xc1: {  	_ =	task.clear_ibuf [dreg:s6], $0x2FFFF;
	_ =	strace $0x9FFFFFFF  }
0xc2: {  	(tm) =	ssettm $0x7FFFFFFF  }
0xc3: {  	_ =	shalt  }
tec
execute0_lowered:
.L_overlay_start_1:
0x0: {  	(tag) =	ssettag $0x1  }
0x1: {  	s0 =	srdreg.scid;
	s1 =	rddreg [dreg:$0x0]  }
0x2: {  	s2 =	rddreg [dreg:$0x1];
	s9 =	stileid.u32  }
0x3: {  	s15 =	simm.s32 $0x0;
	s31 =	simm.s32 $0x1;
	s28 =	simm.s32 $0xC  }
0x4: {  	s29 =	simm.s32 $0xD;
	s30 =	simm.s32 $0x0;
	s0 =	sand.u32 $0x1, s0  }
0x5: {  	[smem:$0x7FF] =	sst s15;
	s4 =	sadd.s32 $0x70E00, s1;
	s7 =	sadd.s32 $0x3E00, s1  }
0x6: {  	s10 =	sadd.s32 $0x98200, s1;
	s11 =	sadd.s32 $0x84800, s1;
	s17 =	smul.u32 $0x9C00, s9  }
0x7: {  	p1 =	sne.s32 s9, $0xF;
	_ =	strace $0x8000004D;
	[dreg:$0x3] =	wrdreg s7  }
0x8: {  	p2 =	seq.s32 s9, $0xF;
	s3 =	sshll.u32 s0, $0x4;
	[dreg:$0x4] =	wrdreg s10  }
0x9: {  	s6 =	ssub.s32 $0x2, s0;
	p0 =	seq.s32 s0, $0x1;
	[dreg:$0x5] =	wrdreg s11  }
0xa: {  	s7 =	simm.s32 $0x10E20;
	s3 =	sor.u32 s9, s3;
	s16 =	sshrl.u32 s6, $0x1  }
0xb: {  	s20 =	sadd.s32 s17, s2;
	s21 =	sadd.s32 $0x2000, s17;
	s23 =	sadd.s32 $0x4000, s17  }
0xc: {  	s24 =	sadd.s32 $0x6000, s17;
	s26 =	sadd.s32 $0x8000, s17;
	s13 =	sshrl.u32 s17, $0x3  }
0xd: {  	s9 =	simm.s32 $0x7;
	[dreg:$0xa] =	wrdreg s20;
	s22 =	sadd.s32 s21, s2  }
0xe: {  	s5 =	smul.u32 $0x4E0, s3;
	s8 =	sadd.s32 s23, s2;
	[dreg:$0xb] =	wrdreg s22  }
0xf: {  	s3 =	sshll.u32 s3, $0x1;
	s25 =	sadd.s32 s24, s2;
	[dreg:$0xc] =	wrdreg s8  }
0x10: {  	s12 =	sadd.s32 s26, s2;
	s17 =	sshrl.u32 s24, $0x3;
	[dreg:$0xd] =	wrdreg s25  }
0x11: {  	s0 =	sadd.s32 s11, s13;
	s3 =	sadd.s32 s3, s1;
	[dreg:$0xe] =	wrdreg s12  }
0x12: {  	[dreg:$0x12] =	wrdreg s0;
	s22 =	sadd.s32 s11, s17;
	s8 =	simm.s32 $0x6  }
0x13: {  	s0 =	simm.s32 $0xA;
	s12 =	simm.s32 $0xE;
	s5 =	sadd.s32 s5, s1  }
0x14: {  	s1 =	ssub.s32 s6, s16;
	s19 =	sadd.s32 $0x18C00, s3;
	[dreg:$0x16] =	wrdreg s22  }
0x15: {  	s3 =	sadd.s32 $0x18A00, s3;
	s6 =	sadd.s32 s10, s13;
	[dreg:$0x8] =	wrdreg s19  }
0x16: {  	s22 =	simm.s32 $0x80;
	s13 =	simm.s32 $0xF;
	[dreg:$0x9] =	wrdreg s3  }
0x17: {  	s18 =	sadd.s32 $0x18E00, s5;
	s5 =	sadd.s32 $0xEE00, s5;
	[dreg:$0xf] =	wrdreg s6  }
0x18: {  	s3 =	sshrl.u32 s21, $0x3;
	s21 =	sadd.s32 s10, s17;
	s25 =	smax.u32 s1, $0x1  }
0x19: {  	s17 =	simm.s32 $0x4E20;
	s6 =	simm.s32 $0xEE20;
	[dreg:$0x6] =	wrdreg s18  }
0x1a: {  	s1 =	simm.s32 $0xB;
	[dreg:$0x7] =	wrdreg s5;
	s5 =	sshrl.u32 s23, $0x3  }
0x1b: {  	s14 =	sadd.s32 s10, s3;
	s18 =	sshrl.u32 s26, $0x3;
	[dreg:$0x15] =	wrdreg s21  }
0x1c: {  	s19 =	sadd.s32 s11, s3;
	[dreg:$0x19] =	wrdreg s25;
	s26 =	sadd.s32 $0x9C000, s2  }
0x1d: {  	s21 =	simm.s32 $0x5;
	s25 =	simm.s32 $0x8E20;
	[dreg:$0x10] =	wrdreg s14  }
0x1e: {  	s16 =	sadd.s32 s10, s5;
	[dreg:$0x13] =	wrdreg s19;
	s20 =	sadd.s32 s11, s5  }
0x1f: {  	s23 =	sadd.s32 s10, s18;
	s24 =	sadd.s32 s11, s18;
	[dreg:$0x1a] =	wrdreg s26  }
.Ltmp0:
0x20: {  	s18 =	simm.s32 $0x2;
	[dreg:$0x11] =	wrdreg s16;
	(pc) =	sbr.rel .LBB2_1-.Ltmp0, $4  }
0x21: {  	s19 =	simm.s32 $0x3;
	s26 =	simm.s32 $0xCE20;
	[dreg:$0x14] =	wrdreg s20  }
0x22: {  	s5 =	simm.s32 $0x12E20;
	s10 =	simm.s32 $0x8;
	[dreg:$0x17] =	wrdreg s23  }
0x23: {  	s11 =	simm.s32 $0x9;
	s14 =	simm.s32 $0x10;
	[dreg:$0x18] =	wrdreg s24  }
0x24: {  	s20 =	simm.s32 $0x4;
	s23 =	simm.s32 $0x6E20;
	s24 =	simm.s32 $0xAE20  }
.LBB2_6:
0x25: {  	s16 =	rddreg [dreg:$0x1a]  }
0x26: {  	[tilespmem:s6], [sflag:$0x11] =	stream.linear.gather [spmem:s16], $0x400, $0x38;
	[tilespmem:$0x1EE60] =	vst v63  }
0x27: {  	s16 =	simm.s32 $0x11  }
0x28: {  	_ =	swait.ge [sflag:s16], $0x400  }
0x29: {  	[sflag:s16] =	ssyncset.done $0x0  }
0x2a: {  	s3 =	sadd.s32 $0x13800, s3;
	[sflag:s16] =	ssyncadd.s32 $0xFFFFFC00  }
0x2b: {  	[hbm4b:s3+s15] =	stream.linear.scatter [tilespmem:s6], [sflag:$0x11], $0x400, $0x38;
	[tilespmem:$0x1EE60] =	vst v63  }
0x2c: {  	_ =	swait.ge [sflag:s16], $0x400  }
0x2d: {  	[sflag:s16] =	ssyncset.done $0x0  }
0x2e: {  	[sflag:s16] =	ssyncadd.s32 $0xFFFFFC00  }
.LBB2_7:
0x2f: {  	_ =	swait.ge [sflag:s11], $0x2000  }
0x30: {  	[sflag:s11] =	ssyncset.done $0x0  }
0x31: {  	[sflag:s11] =	ssyncadd.s32 $0xFFFFE000  }
0x32: {  	_ =	swait.ge [sflag:s0], $0x2000  }
0x33: {  	[sflag:s0] =	ssyncset.done $0x0  }
0x34: {  	[sflag:s0] =	ssyncadd.s32 $0xFFFFE000  }
0x35: {  	_ =	swait.ge [sflag:s1], $0x2000  }
0x36: {  	[sflag:s1] =	ssyncset.done $0x0  }
0x37: {  	[sflag:s1] =	ssyncadd.s32 $0xFFFFE000  }
0x38: {  	_ =	swait.ge [sflag:s28], $0x2000  }
0x39: {  	[sflag:s28] =	ssyncset.done $0x0  }
0x3a: {  	[sflag:s28] =	ssyncadd.s32 $0xFFFFE000  }
0x3b: {  	_ =	swait.ge [sflag:s29], $0x1C00  }
0x3c: {  	s30 =	sadd.s32 $0x1, s30;
	s3 =	rddreg [dreg:$0x19]  }
0x3d: {  	p3 =	sne.s32 s30, s3  }
.Ltmp1:
0x3e: {  	_ = 	snop;
	(pc) =	sbr.rel @!p3 .LBB2_8-.Ltmp1, $3  }
0x3f: {  	_ =	sdelay $0x1  }
0x40: {  	[sflag:s29] =	ssyncset.done $0x0  }
0x41: {  	[sflag:s29] =	ssyncadd.s32 $0xFFFFE400  }
.LBB2_1:
0x42: {  	[dreg:$0x1b] =	wrdreg s30  }
0x43: {  	s3 =	rddreg [dreg:$0x6];
	s30 =	simm.s32 $0x11  }
0x44: {  	[tilespmem:s15], [sflag:$0x11] =	stream.linear.gather [hbm4b:s3+s15], $0x2700, $0x38;
	[tilespmem:$0x1EE60] =	vst v63  }
0x45: {  	_ =	swait.ge [sflag:s30], $0x2700  }
0x46: {  	[sflag:s30] =	ssyncset.done $0x0  }
0x47: {  	s16 =	simm.s32 $0x2700;
	s3 =	rddreg [dreg:$0x7];
	[sflag:s30] =	ssyncadd.s32 $0xFFFFD900  }
0x48: {  	[tilespmem:s16], [sflag:$0x11] =	stream.linear.gather [hbm4b:s3+s15], $0x2700, $0x38;
	[tilespmem:$0x1EE60] =	vst v63  }
0x49: {  	_ =	swait.ge [sflag:s30], $0x2700  }
0x4a: {  	[sflag:s30] =	ssyncset.done $0x0  }
0x4b: {  	s16 =	simm.s32 $0x4E00;
	s3 =	rddreg [dreg:$0x8];
	[sflag:s30] =	ssyncadd.s32 $0xFFFFD900  }
0x4c: {  	[tilespmem:s16], [sflag:$0x11] =	stream.linear.gather [hbm4b:s3+s15], $0x10, $0x38;
	[tilespmem:$0x1EE60] =	vst v63  }
0x4d: {  	_ =	swait.ge [sflag:s30], $0x10  }
0x4e: {  	[sflag:s30] =	ssyncset.done $0x0  }
0x4f: {  	s16 =	simm.s32 $0x4E10;
	s3 =	rddreg [dreg:$0x9];
	[sflag:s30] =	ssyncadd.s32 $0xFFFFFFF0  }
0x50: {  	[tilespmem:s16], [sflag:$0x11] =	stream.linear.gather [hbm4b:s3+s15], $0x10, $0x38;
	[tilespmem:$0x1EE60] =	vst v63  }
0x51: {  	_ =	swait.ge [sflag:s30], $0x10  }
0x52: {  	[sflag:s30] =	ssyncset.done $0x0  }
0x53: {  	s16 =	rddreg [dreg:$0x3];
	[sflag:s30] =	ssyncadd.s32 $0xFFFFFFF0  }
0x54: {  	[tilespmem:s17], [sflag:$0x11] =	stream.linear.gather [hbm4b:s16+s15], $0x2000, $0x38;
	[tilespmem:$0x1EE60] =	vst v63  }
0x55: {  	_ =	swait.ge [sflag:s30], $0x2000  }
0x56: {  	[sflag:s30] =	ssyncset.done $0x0  }
0x57: {  	[sflag:s30] =	ssyncadd.s32 $0xFFFFE000;
	s30 =	rddreg [dreg:$0xa]  }
0x58: {  	[spmem:s30] =	stream.linear.scatter [tilespmem:s17], [sflag:$0x1], $0x2000, $0x38;
	[tilespmem:$0x1EE60] =	vst v63  }
0x59: {  	s16 =	rddreg [dreg:$0xb]  }
0x5a: {  	[spmem:s16] =	stream.linear.scatter [tilespmem:s17], [sflag:$0x2], $0x2000, $0x38;
	[tilespmem:$0x1EE60] =	vst v63  }
0x5b: {  	s30 =	rddreg [dreg:$0xc]  }
0x5c: {  	[spmem:s30] =	stream.linear.scatter [tilespmem:s17], [sflag:$0x3], $0x2000, $0x38;
	[tilespmem:$0x1EE60] =	vst v63  }
0x5d: {  	s16 =	rddreg [dreg:$0xd]  }
0x5e: {  	[spmem:s16] =	stream.linear.scatter [tilespmem:s17], [sflag:$0x4], $0x2000, $0x38;
	[tilespmem:$0x1EE60] =	vst v63  }
0x5f: {  	s30 =	rddreg [dreg:$0xe]  }
0x60: {  	[spmem:s30] =	stream.linear.scatter [tilespmem:s17], [sflag:$0x5], $0x1C00, $0x38;
	[tilespmem:$0x1EE60] =	vst v63  }
0x61: {  	_ =	swait.ge [sflag:s31], $0x2000  }
0x62: {  	[sflag:s31] =	ssyncset.done $0x0  }
0x63: {  	[sflag:s31] =	ssyncadd.s32 $0xFFFFE000  }
0x64: {  	_ =	swait.ge [sflag:s18], $0x2000  }
0x65: {  	[sflag:s18] =	ssyncset.done $0x0  }
0x66: {  	[sflag:s18] =	ssyncadd.s32 $0xFFFFE000  }
0x67: {  	_ =	swait.ge [sflag:s19], $0x2000  }
0x68: {  	[sflag:s19] =	ssyncset.done $0x0  }
0x69: {  	[sflag:s19] =	ssyncadd.s32 $0xFFFFE000  }
0x6a: {  	_ =	swait.ge [sflag:s20], $0x2000  }
0x6b: {  	[sflag:s20] =	ssyncset.done $0x0  }
0x6c: {  	[sflag:s20] =	ssyncadd.s32 $0xFFFFE000  }
0x6d: {  	_ =	swait.ge [sflag:s21], $0x1C00  }
0x6e: {  	[sflag:s21] =	ssyncset.done $0x0  }
0x6f: {  	s3 =	simm.s32 @!p1 $0x4E20;
	s16 =	rddreg [dreg:$0x1a];
	[sflag:s21] =	ssyncadd.s32 $0xFFFFE400  }
0x70: {  	[spmem:s16] =	stream.linear.scatter @!p1 [tilespmem:s3], [sflag:$0x11], $0x400, $0x38;
	[tilespmem:$0x1EE60] =	vst v63  }
0x71: {  	s3 =	simm.s32 @!p1 $0x11  }
0x72: {  	_ =	swait.ge @!p1 [sflag:s3], $0x400  }
0x73: {  	[sflag:s3] =	ssyncset.done @!p1 $0x0  }
0x74: {  	[sflag:s3] =	ssyncadd.s32 @!p1 $0xFFFFFC00  }
0x75: {  	[bflag:$0x0] =	sbarrier.arrive $0xFFFF  }
0x76: {  	[tilespmem:s17], [sflag:$0x1] =	stream.indirect.gather [hbm4b:s4+s22], $0x40, s15, s22, $0xb8;
	[tilespmem:$0x1EE60] =	vst v63  }
0x77: {  	_ = 	snop  }
0x78: {  	[tilespmem:s23], [sflag:$0x2] =	stream.indirect.gather [hbm4b:s4+s22], $0x40, s22, s22, $0xb8;
	[tilespmem:$0x1EE60] =	vst v63  }
0x79: {  	s15 =	simm.s32 $0x100  }
0x7a: {  	[tilespmem:s25], [sflag:$0x3] =	stream.indirect.gather [hbm4b:s4+s22], $0x40, s15, s22, $0xb8;
	[tilespmem:$0x1EE60] =	vst v63  }
0x7b: {  	s16 =	simm.s32 $0x180  }
0x7c: {  	[tilespmem:s24], [sflag:$0x4] =	stream.indirect.gather [hbm4b:s4+s22], $0x40, s16, s22, $0xb8;
	[tilespmem:$0x1EE60] =	vst v63  }
0x7d: {  	s30 =	simm.s32 $0x200  }
0x7e: {  	[tilespmem:s26], [sflag:$0x5] =	stream.indirect.gather [hbm4b:s4+s22], $0x40, s30, s22, $0xb8;
	[tilespmem:$0x1EE60] =	vst v63  }
0x7f: {  	s15 =	simm.s32 $0x280  }
0x80: {  	[tilespmem:s6], [sflag:$0x6] =	stream.indirect.gather [hbm4b:s4+s22], $0x40, s15, s22, $0xb8;
	[tilespmem:$0x1EE60] =	vst v63  }
0x81: {  	s16 =	simm.s32 $0x300  }
0x82: {  	[tilespmem:s7], [sflag:$0x7] =	stream.indirect.gather [hbm4b:s4+s22], $0x40, s16, s22, $0xb8;
	[tilespmem:$0x1EE60] =	vst v63  }
0x83: {  	s30 =	simm.s32 $0x380  }
0x84: {  	[tilespmem:s5], [sflag:$0x8] =	stream.indirect.gather [hbm4b:s4+s22], $0x40, s30, s22, $0xb8;
	[tilespmem:$0x1EE60] =	vst v63  }
0x85: {  	_ =	swait.ge [sflag:s31], $0x2000  }
0x86: {  	[sflag:s31] =	ssyncset.done $0x0  }
0x87: {  	s15 =	simm.s32 $0x2700;
	[sflag:s31] =	ssyncadd.s32 $0xFFFFE000  }
0x88: {  	[spmem:s2] =	stream.indirect.scatter.add.f32 [tilespmem:s17], [sflag:$0x9], $0x40, s15, s22, $0xb8;
	[tilespmem:$0x1EE60] =	vst v63  }
0x89: {  	_ =	swait.ge [sflag:s18], $0x2000  }
0x8a: {  	[sflag:s18] =	ssyncset.done $0x0  }
0x8b: {  	s16 =	simm.s32 $0x2780;
	[sflag:s18] =	ssyncadd.s32 $0xFFFFE000  }
0x8c: {  	[spmem:s2] =	stream.indirect.scatter.add.f32 [tilespmem:s23], [sflag:$0xA], $0x40, s16, s22, $0xb8;
	[tilespmem:$0x1EE60] =	vst v63  }
0x8d: {  	_ =	swait.ge [sflag:s19], $0x2000  }
0x8e: {  	[sflag:s19] =	ssyncset.done $0x0  }
0x8f: {  	s30 =	simm.s32 $0x2800;
	[sflag:s19] =	ssyncadd.s32 $0xFFFFE000  }
0x90: {  	[spmem:s2] =	stream.indirect.scatter.add.f32 [tilespmem:s25], [sflag:$0xB], $0x40, s30, s22, $0xb8;
	[tilespmem:$0x1EE60] =	vst v63  }
0x91: {  	_ =	swait.ge [sflag:s20], $0x2000  }
0x92: {  	[sflag:s20] =	ssyncset.done $0x0  }
0x93: {  	s15 =	simm.s32 $0x2880;
	[sflag:s20] =	ssyncadd.s32 $0xFFFFE000  }
0x94: {  	[spmem:s2] =	stream.indirect.scatter.add.f32 [tilespmem:s24], [sflag:$0xC], $0x40, s15, s22, $0xb8;
	[tilespmem:$0x1EE60] =	vst v63  }
0x95: {  	_ =	swait.ge [sflag:s21], $0x2000  }
0x96: {  	[sflag:s21] =	ssyncset.done $0x0  }
0x97: {  	s16 =	simm.s32 $0x2900;
	[sflag:s21] =	ssyncadd.s32 $0xFFFFE000  }
0x98: {  	[spmem:s2] =	stream.indirect.scatter.add.f32 [tilespmem:s26], [sflag:$0xD], $0x40, s16, s22, $0xb8;
	[tilespmem:$0x1EE60] =	vst v63  }
0x99: {  	_ =	swait.ge [sflag:s8], $0x2000  }
0x9a: {  	[sflag:s8] =	ssyncset.done $0x0  }
0x9b: {  	s30 =	simm.s32 $0x2980;
	[sflag:s8] =	ssyncadd.s32 $0xFFFFE000  }
0x9c: {  	[spmem:s2] =	stream.indirect.scatter.add.f32 [tilespmem:s6], [sflag:$0xE], $0x40, s30, s22, $0xb8;
	[tilespmem:$0x1EE60] =	vst v63  }
0x9d: {  	_ =	swait.ge [sflag:s9], $0x2000  }
0x9e: {  	[sflag:s9] =	ssyncset.done $0x0  }
0x9f: {  	s15 =	simm.s32 $0x2A00;
	[sflag:s9] =	ssyncadd.s32 $0xFFFFE000  }
0xa0: {  	[spmem:s2] =	stream.indirect.scatter.add.f32 [tilespmem:s7], [sflag:$0xF], $0x40, s15, s22, $0xb8;
	[tilespmem:$0x1EE60] =	vst v63  }
0xa1: {  	_ =	swait.ge [sflag:s10], $0x2000  }
0xa2: {  	[sflag:s10] =	ssyncset.done $0x0  }
0xa3: {  	s16 =	simm.s32 $0x2A80;
	[sflag:s10] =	ssyncadd.s32 $0xFFFFE000  }
0xa4: {  	[spmem:s2] =	stream.indirect.scatter.add.f32 [tilespmem:s5], [sflag:$0x10], $0x40, s16, s22, $0xb8;
	[tilespmem:$0x1EE60] =	vst v63  }
0xa5: {  	_ =	swait.ge [sflag:s11], $0x2000  }
0xa6: {  	[sflag:s11] =	ssyncset.done $0x0  }
0xa7: {  	s30 =	simm.s32 $0x400;
	[sflag:s11] =	ssyncadd.s32 $0xFFFFE000  }
0xa8: {  	[tilespmem:s17], [sflag:$0x1] =	stream.indirect.gather [hbm4b:s4+s22], $0x40, s30, s22, $0xb8;
	[tilespmem:$0x1EE60] =	vst v63  }
0xa9: {  	_ =	swait.ge [sflag:s0], $0x2000  }
0xaa: {  	[sflag:s0] =	ssyncset.done $0x0  }
0xab: {  	s15 =	simm.s32 $0x480;
	[sflag:s0] =	ssyncadd.s32 $0xFFFFE000  }
0xac: {  	[tilespmem:s23], [sflag:$0x2] =	stream.indirect.gather [hbm4b:s4+s22], $0x40, s15, s22, $0xb8;
	[tilespmem:$0x1EE60] =	vst v63  }
0xad: {  	_ =	swait.ge [sflag:s1], $0x2000  }
0xae: {  	[sflag:s1] =	ssyncset.done $0x0  }
0xaf: {  	s16 =	simm.s32 $0x500;
	[sflag:s1] =	ssyncadd.s32 $0xFFFFE000  }
0xb0: {  	[tilespmem:s25], [sflag:$0x3] =	stream.indirect.gather [hbm4b:s4+s22], $0x40, s16, s22, $0xb8;
	[tilespmem:$0x1EE60] =	vst v63  }
0xb1: {  	_ =	swait.ge [sflag:s28], $0x2000  }
0xb2: {  	[sflag:s28] =	ssyncset.done $0x0  }
0xb3: {  	s30 =	simm.s32 $0x580;
	[sflag:s28] =	ssyncadd.s32 $0xFFFFE000  }
0xb4: {  	[tilespmem:s24], [sflag:$0x4] =	stream.indirect.gather [hbm4b:s4+s22], $0x40, s30, s22, $0xb8;
	[tilespmem:$0x1EE60] =	vst v63  }
0xb5: {  	_ =	swait.ge [sflag:s29], $0x2000  }
0xb6: {  	[sflag:s29] =	ssyncset.done $0x0  }
0xb7: {  	s15 =	simm.s32 $0x600;
	[sflag:s29] =	ssyncadd.s32 $0xFFFFE000  }
0xb8: {  	[tilespmem:s26], [sflag:$0x5] =	stream.indirect.gather [hbm4b:s4+s22], $0x40, s15, s22, $0xb8;
	[tilespmem:$0x1EE60] =	vst v63  }
0xb9: {  	_ =	swait.ge [sflag:s12], $0x2000  }
0xba: {  	[sflag:s12] =	ssyncset.done $0x0  }
0xbb: {  	s16 =	simm.s32 $0x680;
	[sflag:s12] =	ssyncadd.s32 $0xFFFFE000  }
0xbc: {  	[tilespmem:s6], [sflag:$0x6] =	stream.indirect.gather [hbm4b:s4+s22], $0x40, s16, s22, $0xb8;
	[tilespmem:$0x1EE60] =	vst v63  }
0xbd: {  	_ =	swait.ge [sflag:s13], $0x2000  }
0xbe: {  	[sflag:s13] =	ssyncset.done $0x0  }
0xbf: {  	s30 =	simm.s32 $0x700;
	[sflag:s13] =	ssyncadd.s32 $0xFFFFE000  }
0xc0: {  	[tilespmem:s7], [sflag:$0x7] =	stream.indirect.gather [hbm4b:s4+s22], $0x40, s30, s22, $0xb8;
	[tilespmem:$0x1EE60] =	vst v63  }
0xc1: {  	_ =	swait.ge [sflag:s14], $0x2000  }
0xc2: {  	[sflag:s14] =	ssyncset.done $0x0  }
0xc3: {  	s3 =	simm.s32 $0x780;
	s16 =	simm.s32 $0x1000;
	[sflag:s14] =	ssyncadd.s32 $0xFFFFE000  }
.LBB2_2:
0xc4: {  	[tilespmem:s5], [sflag:$0x8] =	stream.indirect.gather [hbm4b:s4+s22], $0x40, s3, s22, $0xb8;
	[tilespmem:$0x1EE60] =	vst v63  }
0xc5: {  	s3 =	smov.u32 s16  }
0xc6: {  	p3 =	sne.s32 s16, $0x7000;
	s16 =	sadd.s32 $0x1000, s16;
	_ =	swait.ge [sflag:s31], $0x2000  }
0xc7: {  	s3 =	sshra.s32 s3, $0x2;
	[sflag:s31] =	ssyncset.done $0x0  }
0xc8: {  	s15 =	sadd.s32 $0x2700, s3;
	[sflag:s31] =	ssyncadd.s32 $0xFFFFE000  }
0xc9: {  	[spmem:s2] =	stream.indirect.scatter.add.f32 [tilespmem:s17], [sflag:$0x9], $0x40, s15, s22, $0xb8;
	[tilespmem:$0x1EE60] =	vst v63  }
0xca: {  	_ =	swait.ge [sflag:s18], $0x2000  }
0xcb: {  	[sflag:s18] =	ssyncset.done $0x0  }
0xcc: {  	s15 =	sadd.s32 $0x2780, s3;
	[sflag:s18] =	ssyncadd.s32 $0xFFFFE000  }
0xcd: {  	[spmem:s2] =	stream.indirect.scatter.add.f32 [tilespmem:s23], [sflag:$0xA], $0x40, s15, s22, $0xb8;
	[tilespmem:$0x1EE60] =	vst v63  }
0xce: {  	_ =	swait.ge [sflag:s19], $0x2000  }
0xcf: {  	[sflag:s19] =	ssyncset.done $0x0  }
0xd0: {  	s15 =	sadd.s32 $0x2800, s3;
	[sflag:s19] =	ssyncadd.s32 $0xFFFFE000  }
0xd1: {  	[spmem:s2] =	stream.indirect.scatter.add.f32 [tilespmem:s25], [sflag:$0xB], $0x40, s15, s22, $0xb8;
	[tilespmem:$0x1EE60] =	vst v63  }
0xd2: {  	_ =	swait.ge [sflag:s20], $0x2000  }
0xd3: {  	[sflag:s20] =	ssyncset.done $0x0  }
0xd4: {  	s15 =	sadd.s32 $0x2880, s3;
	[sflag:s20] =	ssyncadd.s32 $0xFFFFE000  }
0xd5: {  	[spmem:s2] =	stream.indirect.scatter.add.f32 [tilespmem:s24], [sflag:$0xC], $0x40, s15, s22, $0xb8;
	[tilespmem:$0x1EE60] =	vst v63  }
0xd6: {  	_ =	swait.ge [sflag:s21], $0x2000  }
0xd7: {  	[sflag:s21] =	ssyncset.done $0x0  }
0xd8: {  	s15 =	sadd.s32 $0x2900, s3;
	[sflag:s21] =	ssyncadd.s32 $0xFFFFE000  }
0xd9: {  	[spmem:s2] =	stream.indirect.scatter.add.f32 [tilespmem:s26], [sflag:$0xD], $0x40, s15, s22, $0xb8;
	[tilespmem:$0x1EE60] =	vst v63  }
0xda: {  	_ =	swait.ge [sflag:s8], $0x2000  }
0xdb: {  	[sflag:s8] =	ssyncset.done $0x0  }
0xdc: {  	s15 =	sadd.s32 $0x2980, s3;
	[sflag:s8] =	ssyncadd.s32 $0xFFFFE000  }
0xdd: {  	[spmem:s2] =	stream.indirect.scatter.add.f32 [tilespmem:s6], [sflag:$0xE], $0x40, s15, s22, $0xb8;
	[tilespmem:$0x1EE60] =	vst v63  }
0xde: {  	_ =	swait.ge [sflag:s9], $0x2000  }
0xdf: {  	[sflag:s9] =	ssyncset.done $0x0  }
0xe0: {  	s15 =	sadd.s32 $0x2A00, s3;
	[sflag:s9] =	ssyncadd.s32 $0xFFFFE000  }
0xe1: {  	[spmem:s2] =	stream.indirect.scatter.add.f32 [tilespmem:s7], [sflag:$0xF], $0x40, s15, s22, $0xb8;
	[tilespmem:$0x1EE60] =	vst v63  }
0xe2: {  	_ =	swait.ge [sflag:s10], $0x2000  }
0xe3: {  	[sflag:s10] =	ssyncset.done $0x0  }
0xe4: {  	s15 =	sadd.s32 $0x2A80, s3;
	[sflag:s10] =	ssyncadd.s32 $0xFFFFE000  }
0xe5: {  	[spmem:s2] =	stream.indirect.scatter.add.f32 [tilespmem:s5], [sflag:$0x10], $0x40, s15, s22, $0xb8;
	[tilespmem:$0x1EE60] =	vst v63  }
0xe6: {  	_ =	swait.ge [sflag:s11], $0x2000  }
0xe7: {  	[sflag:s11] =	ssyncset.done $0x0  }
0xe8: {  	s15 =	sadd.s32 $0x400, s3;
	[sflag:s11] =	ssyncadd.s32 $0xFFFFE000  }
0xe9: {  	[tilespmem:s17], [sflag:$0x1] =	stream.indirect.gather [hbm4b:s4+s22], $0x40, s15, s22, $0xb8;
	[tilespmem:$0x1EE60] =	vst v63  }
0xea: {  	_ =	swait.ge [sflag:s0], $0x2000  }
0xeb: {  	[sflag:s0] =	ssyncset.done $0x0  }
0xec: {  	s15 =	sadd.s32 $0x480, s3;
	[sflag:s0] =	ssyncadd.s32 $0xFFFFE000  }
0xed: {  	[tilespmem:s23], [sflag:$0x2] =	stream.indirect.gather [hbm4b:s4+s22], $0x40, s15, s22, $0xb8;
	[tilespmem:$0x1EE60] =	vst v63  }
0xee: {  	_ =	swait.ge [sflag:s1], $0x2000  }
0xef: {  	[sflag:s1] =	ssyncset.done $0x0  }
0xf0: {  	s15 =	sadd.s32 $0x500, s3;
	[sflag:s1] =	ssyncadd.s32 $0xFFFFE000  }
0xf1: {  	[tilespmem:s25], [sflag:$0x3] =	stream.indirect.gather [hbm4b:s4+s22], $0x40, s15, s22, $0xb8;
	[tilespmem:$0x1EE60] =	vst v63  }
0xf2: {  	_ =	swait.ge [sflag:s28], $0x2000  }
0xf3: {  	[sflag:s28] =	ssyncset.done $0x0  }
0xf4: {  	s15 =	sadd.s32 $0x580, s3;
	[sflag:s28] =	ssyncadd.s32 $0xFFFFE000  }
0xf5: {  	[tilespmem:s24], [sflag:$0x4] =	stream.indirect.gather [hbm4b:s4+s22], $0x40, s15, s22, $0xb8;
	[tilespmem:$0x1EE60] =	vst v63  }
0xf6: {  	_ =	swait.ge [sflag:s29], $0x2000  }
0xf7: {  	[sflag:s29] =	ssyncset.done $0x0  }
0xf8: {  	s15 =	sadd.s32 $0x600, s3;
	[sflag:s29] =	ssyncadd.s32 $0xFFFFE000  }
0xf9: {  	[tilespmem:s26], [sflag:$0x5] =	stream.indirect.gather [hbm4b:s4+s22], $0x40, s15, s22, $0xb8;
	[tilespmem:$0x1EE60] =	vst v63  }
0xfa: {  	_ =	swait.ge [sflag:s12], $0x2000  }
0xfb: {  	[sflag:s12] =	ssyncset.done $0x0  }
0xfc: {  	s15 =	sadd.s32 $0x680, s3;
	[sflag:s12] =	ssyncadd.s32 $0xFFFFE000  }
0xfd: {  	[tilespmem:s6], [sflag:$0x6] =	stream.indirect.gather [hbm4b:s4+s22], $0x40, s15, s22, $0xb8;
	[tilespmem:$0x1EE60] =	vst v63  }
0xfe: {  	_ =	swait.ge [sflag:s13], $0x2000  }
0xff: {  	[sflag:s13] =	ssyncset.done $0x0  }
.Ltmp2:
0x100: {  	s15 =	sadd.s32 $0x700, s3;
	[sflag:s13] =	ssyncadd.s32 $0xFFFFE000;
	(pc) =	sbr.rel @p3 .LBB2_2-.Ltmp2, $4  }
0x101: {  	[tilespmem:s7], [sflag:$0x7] =	stream.indirect.gather [hbm4b:s4+s22], $0x40, s15, s22, $0xb8;
	[tilespmem:$0x1EE60] =	vst v63  }
0x102: {  	_ =	swait.ge [sflag:s14], $0x2000  }
0x103: {  	[sflag:s14] =	ssyncset.done $0x0  }
0x104: {  	s3 =	sadd.s32 $0x780, s3;
	[sflag:s14] =	ssyncadd.s32 $0xFFFFE000  }
0x105: {  	[tilespmem:s5], [sflag:$0x8] =	stream.indirect.gather [hbm4b:s4+s22], $0x40, s3, s22, $0xb8;
	[tilespmem:$0x1EE60] =	vst v63  }
0x106: {  	_ =	swait.ge [sflag:s31], $0x2000  }
0x107: {  	[sflag:s31] =	ssyncset.done $0x0  }
0x108: {  	s30 =	simm.s32 $0x4700;
	[sflag:s31] =	ssyncadd.s32 $0xFFFFE000  }
0x109: {  	[spmem:s2] =	stream.indirect.scatter.add.f32 [tilespmem:s17], [sflag:$0x9], $0x40, s30, s22, $0xb8;
	[tilespmem:$0x1EE60] =	vst v63  }
0x10a: {  	_ =	swait.ge [sflag:s18], $0x2000  }
0x10b: {  	[sflag:s18] =	ssyncset.done $0x0  }
0x10c: {  	s15 =	simm.s32 $0x4780;
	[sflag:s18] =	ssyncadd.s32 $0xFFFFE000  }
0x10d: {  	[spmem:s2] =	stream.indirect.scatter.add.f32 [tilespmem:s23], [sflag:$0xA], $0x40, s15, s22, $0xb8;
	[tilespmem:$0x1EE60] =	vst v63  }
0x10e: {  	_ =	swait.ge [sflag:s19], $0x2000  }
0x10f: {  	[sflag:s19] =	ssyncset.done $0x0  }
0x110: {  	s16 =	simm.s32 $0x4800;
	[sflag:s19] =	ssyncadd.s32 $0xFFFFE000  }
0x111: {  	[spmem:s2] =	stream.indirect.scatter.add.f32 [tilespmem:s25], [sflag:$0xB], $0x40, s16, s22, $0xb8;
	[tilespmem:$0x1EE60] =	vst v63  }
0x112: {  	_ =	swait.ge [sflag:s20], $0x2000  }
0x113: {  	[sflag:s20] =	ssyncset.done $0x0  }
0x114: {  	s30 =	simm.s32 $0x4880;
	[sflag:s20] =	ssyncadd.s32 $0xFFFFE000  }
0x115: {  	[spmem:s2] =	stream.indirect.scatter.add.f32 [tilespmem:s24], [sflag:$0xC], $0x40, s30, s22, $0xb8;
	[tilespmem:$0x1EE60] =	vst v63  }
0x116: {  	_ =	swait.ge [sflag:s21], $0x2000  }
0x117: {  	[sflag:s21] =	ssyncset.done $0x0  }
0x118: {  	s15 =	simm.s32 $0x4900;
	[sflag:s21] =	ssyncadd.s32 $0xFFFFE000  }
0x119: {  	[spmem:s2] =	stream.indirect.scatter.add.f32 [tilespmem:s26], [sflag:$0xD], $0x40, s15, s22, $0xb8;
	[tilespmem:$0x1EE60] =	vst v63  }
0x11a: {  	_ =	swait.ge [sflag:s8], $0x2000  }
0x11b: {  	[sflag:s8] =	ssyncset.done $0x0  }
0x11c: {  	s16 =	simm.s32 $0x4980;
	[sflag:s8] =	ssyncadd.s32 $0xFFFFE000  }
0x11d: {  	[spmem:s2] =	stream.indirect.scatter.add.f32 [tilespmem:s6], [sflag:$0xE], $0x40, s16, s22, $0xb8;
	[tilespmem:$0x1EE60] =	vst v63  }
0x11e: {  	_ =	swait.ge [sflag:s9], $0x2000  }
0x11f: {  	[sflag:s9] =	ssyncset.done $0x0  }
0x120: {  	s30 =	simm.s32 $0x4A00;
	[sflag:s9] =	ssyncadd.s32 $0xFFFFE000  }
0x121: {  	[spmem:s2] =	stream.indirect.scatter.add.f32 [tilespmem:s7], [sflag:$0xF], $0x40, s30, s22, $0xb8;
	[tilespmem:$0x1EE60] =	vst v63  }
0x122: {  	_ =	swait.ge [sflag:s10], $0x2000  }
0x123: {  	[sflag:s10] =	ssyncset.done $0x0  }
0x124: {  	s15 =	simm.s32 $0x4A80;
	[sflag:s10] =	ssyncadd.s32 $0xFFFFE000  }
0x125: {  	[spmem:s2] =	stream.indirect.scatter.add.f32 [tilespmem:s5], [sflag:$0x10], $0x40, s15, s22, $0xb8;
	[tilespmem:$0x1EE60] =	vst v63  }
0x126: {  	_ =	swait.ge [sflag:s11], $0x2000  }
0x127: {  	[sflag:s11] =	ssyncset.done $0x0  }
0x128: {  	s16 =	simm.s32 $0x2400;
	[sflag:s11] =	ssyncadd.s32 $0xFFFFE000  }
0x129: {  	[tilespmem:s17], [sflag:$0x1] =	stream.indirect.gather [hbm4b:s4+s22], $0x40, s16, s22, $0xb8;
	[tilespmem:$0x1EE60] =	vst v63  }
0x12a: {  	_ =	swait.ge [sflag:s0], $0x2000  }
0x12b: {  	[sflag:s0] =	ssyncset.done $0x0  }
0x12c: {  	s30 =	simm.s32 $0x2480;
	[sflag:s0] =	ssyncadd.s32 $0xFFFFE000  }
0x12d: {  	[tilespmem:s23], [sflag:$0x2] =	stream.indirect.gather [hbm4b:s4+s22], $0x40, s30, s22, $0xb8;
	[tilespmem:$0x1EE60] =	vst v63  }
0x12e: {  	_ =	swait.ge [sflag:s1], $0x2000  }
0x12f: {  	[sflag:s1] =	ssyncset.done $0x0  }
0x130: {  	s15 =	simm.s32 $0x2500;
	[sflag:s1] =	ssyncadd.s32 $0xFFFFE000  }
0x131: {  	[tilespmem:s25], [sflag:$0x3] =	stream.indirect.gather [hbm4b:s4+s22], $0x40, s15, s22, $0xb8;
	[tilespmem:$0x1EE60] =	vst v63  }
0x132: {  	_ =	swait.ge [sflag:s28], $0x2000  }
0x133: {  	[sflag:s28] =	ssyncset.done $0x0  }
0x134: {  	s16 =	simm.s32 $0x2580;
	[sflag:s28] =	ssyncadd.s32 $0xFFFFE000  }
0x135: {  	[tilespmem:s24], [sflag:$0x4] =	stream.indirect.gather [hbm4b:s4+s22], $0x40, s16, s22, $0xb8;
	[tilespmem:$0x1EE60] =	vst v63  }
0x136: {  	_ =	swait.ge [sflag:s29], $0x2000  }
0x137: {  	[sflag:s29] =	ssyncset.done $0x0  }
0x138: {  	s30 =	simm.s32 $0x2600;
	[sflag:s29] =	ssyncadd.s32 $0xFFFFE000  }
0x139: {  	[tilespmem:s26], [sflag:$0x5] =	stream.indirect.gather [hbm4b:s4+s22], $0x40, s30, s22, $0xb8;
	[tilespmem:$0x1EE60] =	vst v63  }
0x13a: {  	_ =	swait.ge [sflag:s12], $0x2000  }
0x13b: {  	[sflag:s12] =	ssyncset.done $0x0  }
0x13c: {  	s15 =	simm.s32 $0x2680;
	[sflag:s12] =	ssyncadd.s32 $0xFFFFE000  }
0x13d: {  	[tilespmem:s6], [sflag:$0x6] =	stream.indirect.gather [hbm4b:s4+s22], $0x40, s15, s22, $0xb8;
	[tilespmem:$0x1EE60] =	vst v63  }
0x13e: {  	_ =	swait.ge [sflag:s13], $0x2000  }
0x13f: {  	[sflag:s13] =	ssyncset.done $0x0  }
0x140: {  	[sflag:s13] =	ssyncadd.s32 $0xFFFFE000  }
0x141: {  	_ =	swait.ge [sflag:s14], $0x2000  }
0x142: {  	[sflag:s14] =	ssyncset.done $0x0  }
0x143: {  	[sflag:s14] =	ssyncadd.s32 $0xFFFFE000  }
0x144: {  	_ =	swait.ge [sflag:s31], $0x2000  }
0x145: {  	[sflag:s31] =	ssyncset.done $0x0  }
0x146: {  	s16 =	simm.s32 $0x4B00;
	[sflag:s31] =	ssyncadd.s32 $0xFFFFE000  }
0x147: {  	[spmem:s2] =	stream.indirect.scatter.add.f32 [tilespmem:s17], [sflag:$0x9], $0x40, s16, s22, $0xb8;
	[tilespmem:$0x1EE60] =	vst v63  }
0x148: {  	_ =	swait.ge [sflag:s18], $0x2000  }
0x149: {  	[sflag:s18] =	ssyncset.done $0x0  }
0x14a: {  	s30 =	simm.s32 $0x4B80;
	[sflag:s18] =	ssyncadd.s32 $0xFFFFE000  }
0x14b: {  	[spmem:s2] =	stream.indirect.scatter.add.f32 [tilespmem:s23], [sflag:$0xA], $0x40, s30, s22, $0xb8;
	[tilespmem:$0x1EE60] =	vst v63  }
0x14c: {  	_ =	swait.ge [sflag:s19], $0x2000  }
0x14d: {  	[sflag:s19] =	ssyncset.done $0x0  }
0x14e: {  	s15 =	simm.s32 $0x4C00;
	[sflag:s19] =	ssyncadd.s32 $0xFFFFE000  }
0x14f: {  	[spmem:s2] =	stream.indirect.scatter.add.f32 [tilespmem:s25], [sflag:$0xB], $0x40, s15, s22, $0xb8;
	[tilespmem:$0x1EE60] =	vst v63  }
0x150: {  	_ =	swait.ge [sflag:s20], $0x2000  }
0x151: {  	[sflag:s20] =	ssyncset.done $0x0  }
0x152: {  	s16 =	simm.s32 $0x4C80;
	[sflag:s20] =	ssyncadd.s32 $0xFFFFE000  }
0x153: {  	[spmem:s2] =	stream.indirect.scatter.add.f32 [tilespmem:s24], [sflag:$0xC], $0x40, s16, s22, $0xb8;
	[tilespmem:$0x1EE60] =	vst v63  }
0x154: {  	_ =	swait.ge [sflag:s21], $0x2000  }
0x155: {  	[sflag:s21] =	ssyncset.done $0x0  }
0x156: {  	s30 =	simm.s32 $0x4D00;
	[sflag:s21] =	ssyncadd.s32 $0xFFFFE000  }
0x157: {  	[spmem:s2] =	stream.indirect.scatter.add.f32 [tilespmem:s26], [sflag:$0xD], $0x40, s30, s22, $0xb8;
	[tilespmem:$0x1EE60] =	vst v63  }
0x158: {  	_ =	swait.ge [sflag:s8], $0x2000  }
0x159: {  	[sflag:s8] =	ssyncset.done $0x0  }
0x15a: {  	s15 =	simm.s32 $0x4D80;
	[sflag:s8] =	ssyncadd.s32 $0xFFFFE000  }
0x15b: {  	[spmem:s2] =	stream.indirect.scatter.add.f32 [tilespmem:s6], [sflag:$0xE], $0x40, s15, s22, $0xb8;
	[tilespmem:$0x1EE60] =	vst v63  }
0x15c: {  	s16 =	simm.s32 $0x4E00;
	s15 =	simm.s32 $0x14E20  }
0x15d: {  	[tilespmem:s15], [sflag:$0x11] =	stream.indirect.gather [hbm4b:s4+s14], $0x40, s16, s14, $0xb8;
	[tilespmem:$0x1EE60] =	vst v63  }
0x15e: {  	s16 =	simm.s32 $0x11  }
0x15f: {  	_ =	swait.ge [sflag:s16], $0x400  }
0x160: {  	[sflag:s16] =	ssyncset.done $0x0  }
0x161: {  	s30 =	simm.s32 $0x4E10;
	[sflag:s16] =	ssyncadd.s32 $0xFFFFFC00  }
0x162: {  	[spmem:s2] =	stream.indirect.scatter.add.f32 [tilespmem:s15], [sflag:$0x11], $0x40, s30, s14, $0xb8;
	[tilespmem:$0x1EE60] =	vst v63  }
0x163: {  	_ =	swait.ge [sflag:s16], $0x400  }
0x164: {  	[sflag:s16] =	ssyncset.done $0x0  }
0x165: {  	[sflag:s16] =	ssyncadd.s32 $0xFFFFFC00  }
0x166: {  	_ =	swait.ge [sflag:s11], $0x2000  }
0x167: {  	[sflag:s11] =	ssyncset.done $0x0  }
0x168: {  	[sflag:s11] =	ssyncadd.s32 $0xFFFFE000  }
0x169: {  	_ =	swait.ge [sflag:s0], $0x2000  }
0x16a: {  	[sflag:s0] =	ssyncset.done $0x0  }
0x16b: {  	[sflag:s0] =	ssyncadd.s32 $0xFFFFE000  }
0x16c: {  	_ =	swait.ge [sflag:s1], $0x2000  }
0x16d: {  	[sflag:s1] =	ssyncset.done $0x0  }
0x16e: {  	[sflag:s1] =	ssyncadd.s32 $0xFFFFE000  }
0x16f: {  	_ =	swait.ge [sflag:s28], $0x2000  }
0x170: {  	[sflag:s28] =	ssyncset.done $0x0  }
0x171: {  	[sflag:s28] =	ssyncadd.s32 $0xFFFFE000  }
0x172: {  	_ =	swait.ge [sflag:s29], $0x2000  }
0x173: {  	[sflag:s29] =	ssyncset.done $0x0  }
0x174: {  	[sflag:s29] =	ssyncadd.s32 $0xFFFFE000  }
0x175: {  	_ =	swait.ge [sflag:s12], $0x2000  }
0x176: {  	[sflag:s12] =	ssyncset.done $0x0  }
0x177: {  	[sflag:s12] =	ssyncadd.s32 $0xFFFFE000  }
0x178: {  	[bflag:$0x0] =	sbarrier.arrive $0xFFFF  }
0x179: {  	s16 =	rddreg [dreg:$0xa]  }
0x17a: {  	[tilespmem:s17], [sflag:$0x1] =	stream.linear.gather [spmem:s16], $0x2000, $0x38;
	[tilespmem:$0x1EE60] =	vst v63  }
0x17b: {  	s30 =	rddreg [dreg:$0xb]  }
0x17c: {  	[tilespmem:s23], [sflag:$0x2] =	stream.linear.gather [spmem:s30], $0x2000, $0x38;
	[tilespmem:$0x1EE60] =	vst v63  }
0x17d: {  	s15 =	rddreg [dreg:$0xc]  }
0x17e: {  	[tilespmem:s25], [sflag:$0x3] =	stream.linear.gather [spmem:s15], $0x2000, $0x38;
	[tilespmem:$0x1EE60] =	vst v63  }
0x17f: {  	s16 =	rddreg [dreg:$0xd]  }
0x180: {  	[tilespmem:s24], [sflag:$0x4] =	stream.linear.gather [spmem:s16], $0x2000, $0x38;
	[tilespmem:$0x1EE60] =	vst v63  }
.Ltmp3:
0x181: {  	s30 =	rddreg [dreg:$0xe];
	(pc) =	sbr.rel @!p0 .LBB2_4-.Ltmp3, $4  }
0x182: {  	[tilespmem:s26], [sflag:$0x5] =	stream.linear.gather [spmem:s30], $0x1C00, $0x38;
	[tilespmem:$0x1EE60] =	vst v63  }
0x183: {  	_ =	swait.ge [sflag:s31], $0x2000  }
0x184: {  	[sflag:s31] =	ssyncset.done $0x0  }
0x185: {  	s15 =	simm.s32 $0x0;
	[sflag:s31] =	ssyncadd.s32 $0xFFFFE000  }
0x186: {  	s3 =	rddreg [dreg:$0x12]  }
0x187: {  	[hbm4b:s3+s15] =	stream.linear.scatter [tilespmem:s17], [sflag:$0x9], $0x2000, $0x38;
	[tilespmem:$0x1EE60] =	vst v63  }
0x188: {  	_ =	swait.ge [sflag:s18], $0x2000  }
0x189: {  	[sflag:s18] =	ssyncset.done $0x0  }
0x18a: {  	s16 =	rddreg [dreg:$0x13];
	[sflag:s18] =	ssyncadd.s32 $0xFFFFE000  }
0x18b: {  	[hbm4b:s16+s15] =	stream.linear.scatter [tilespmem:s23], [sflag:$0xA], $0x2000, $0x38;
	[tilespmem:$0x1EE60] =	vst v63  }
0x18c: {  	_ =	swait.ge [sflag:s19], $0x2000  }
0x18d: {  	[sflag:s19] =	ssyncset.done $0x0  }
0x18e: {  	s16 =	rddreg [dreg:$0x14];
	[sflag:s19] =	ssyncadd.s32 $0xFFFFE000  }
0x18f: {  	[hbm4b:s16+s15] =	stream.linear.scatter [tilespmem:s25], [sflag:$0xB], $0x2000, $0x38;
	[tilespmem:$0x1EE60] =	vst v63  }
0x190: {  	_ =	swait.ge [sflag:s20], $0x2000  }
0x191: {  	[sflag:s20] =	ssyncset.done $0x0  }
0x192: {  	s16 =	rddreg [dreg:$0x16];
	[sflag:s20] =	ssyncadd.s32 $0xFFFFE000  }
0x193: {  	[hbm4b:s16+s15] =	stream.linear.scatter [tilespmem:s24], [sflag:$0xC], $0x2000, $0x38;
	[tilespmem:$0x1EE60] =	vst v63  }
.Ltmp4:
0x194: {  	_ =	swait.ge [sflag:s21], $0x1C00;
	(pc) =	sbr.rel @p1 .LBB2_7-.Ltmp4, $4  }
.Ltmp5:
0x195: {  	s16 =	rddreg [dreg:$0x18];
	(pc) =	sbr.rel @!p1 .LBB2_6-.Ltmp5, $4  }
0x196: {  	[sflag:s21] =	ssyncset.done $0x0;
	s3 =	rddreg [dreg:$0x5]  }
0x197: {  	s30 =	rddreg [dreg:$0x1b];
	[sflag:s21] =	ssyncadd.s32 $0xFFFFE400  }
0x198: {  	[hbm4b:s16+s15] =	stream.linear.scatter [tilespmem:s26], [sflag:$0xD], $0x1C00, $0x38;
	[tilespmem:$0x1EE60] =	vst v63  }
0x199: {  	_ = 	snop  }
.LBB2_4:
0x19a: {  	s3 =	rddreg [dreg:$0xf]  }
0x19b: {  	[hbm4b:s3+s15] =	stream.linear.scatter [tilespmem:s17], [sflag:$0x9], $0x2000, $0x38;
	[tilespmem:$0x1EE60] =	vst v63  }
0x19c: {  	_ =	swait.ge [sflag:s18], $0x2000  }
0x19d: {  	[sflag:s18] =	ssyncset.done $0x0  }
0x19e: {  	s16 =	rddreg [dreg:$0x10];
	[sflag:s18] =	ssyncadd.s32 $0xFFFFE000  }
0x19f: {  	[hbm4b:s16+s15] =	stream.linear.scatter [tilespmem:s23], [sflag:$0xA], $0x2000, $0x38;
	[tilespmem:$0x1EE60] =	vst v63  }
0x1a0: {  	_ =	swait.ge [sflag:s19], $0x2000  }
0x1a1: {  	[sflag:s19] =	ssyncset.done $0x0  }
0x1a2: {  	s16 =	rddreg [dreg:$0x11];
	[sflag:s19] =	ssyncadd.s32 $0xFFFFE000  }
0x1a3: {  	[hbm4b:s16+s15] =	stream.linear.scatter [tilespmem:s25], [sflag:$0xB], $0x2000, $0x38;
	[tilespmem:$0x1EE60] =	vst v63  }
0x1a4: {  	_ =	swait.ge [sflag:s20], $0x2000  }
0x1a5: {  	[sflag:s20] =	ssyncset.done $0x0  }
0x1a6: {  	s16 =	rddreg [dreg:$0x15];
	[sflag:s20] =	ssyncadd.s32 $0xFFFFE000  }
0x1a7: {  	[hbm4b:s16+s15] =	stream.linear.scatter [tilespmem:s24], [sflag:$0xC], $0x2000, $0x38;
	[tilespmem:$0x1EE60] =	vst v63  }
.Ltmp6:
0x1a8: {  	_ =	swait.ge [sflag:s21], $0x1C00;
	(pc) =	sbr.rel @p2 .LBB2_6-.Ltmp6, $4  }
.Ltmp7:
0x1a9: {  	s16 =	rddreg [dreg:$0x17];
	(pc) =	sbr.rel @!p2 .LBB2_7-.Ltmp7, $4  }
0x1aa: {  	[sflag:s21] =	ssyncset.done $0x0;
	s3 =	rddreg [dreg:$0x4]  }
0x1ab: {  	s30 =	rddreg [dreg:$0x1b];
	[sflag:s21] =	ssyncadd.s32 $0xFFFFE400  }
0x1ac: {  	[hbm4b:s16+s15] =	stream.linear.scatter [tilespmem:s26], [sflag:$0xD], $0x1C00, $0x38;
	[tilespmem:$0x1EE60] =	vst v63  }
0x1ad: {  	_ = 	snop  }
.LBB2_8:
0x1ae: {  	_ =	sfence.sel $0x180000  }
0x1af: {  	[bflag:$0x0] =	sbarrier.arrive $0xFFFF  }
0x1b0: {  	_ =	strace $0x9000004D  }
0x1b1: {  	s0 =	stileid.u32;
	[bflag:$0x2] =	sbarrier.arrive $0xFFFF  }
0x1b2: {  	p0 =	sne.s32 s0, $0x0;
	s0 =	rddreg [dreg:$0x2]  }
0x1b3: {  	s0 =	sadd.s32 @!p0 $0x100000, s0  }
0x1b4: {  	[sflag:s0] =	ssyncadd.tile.s32 @!p0 $0x1;
	_ =	shalt  }
.Lfunc_end2:
_tile_overlayer_lowered:
.L_overlay_start_2:
0x1b5: {  	(tag) =	ssettag $0x2  }
0x1b6: {  	s0 =	rddreg [dreg:$0x0];
	s2 =	stileid.u32  }
0x1b7: {  	s1 =	rddreg [dreg:$0x1];
	p0 =	sne.s32 s2, $0x0  }
0x1b8: {  	s3 =	rddreg [dreg:$0x2];
	[bflag:$0x3] =	sbarrier.arrive $0xFFFF;
	s2 =	simm.s32 @!p0 $0x1C11  }
0x1b9: {  	[timem:s3], [sflag:s2] =	dma.local @!p0 [hbm:s0], s1  }
0x1ba: {  	s0 =	simm.s32 @!p0 $0x11  }
0x1bb: {  	_ =	swait.ge @!p0 [sflag:s0], s1  }
0x1bc: {  	s1 =	ssub.s32 @!p0 $0x0, s1;
	[sflag:s0] =	ssyncset.done @!p0 $0x0  }
0x1bd: {  	[sflag:s0] =	ssyncadd.s32 @!p0 s1  }
0x1be: {  	[bflag:$0x3] =	sbarrier.arrive $0xFFFF  }
0x1bf: {  	_ =	shalt  }

// kernel: kernel.8.cloned.1.call-start
scs
__scs_entry_jumppad:
0x0: {  	(pc) =	sbr.rel $0x88, $3  }
0x1: {  	(tag) =	ssettag $0x0;
	lr =	simm.s32 $0x1  }
0x2: {  	[smem:$0x3F96] =	sst lr;
	_ =	strace $0xD0000000  }
0x3: {  	_ = 	snop  }
0x4: {  	_ = 	snop  }
0x5: {  	_ = 	snop  }
0x6: {  	_ = 	snop  }
0x7: {  	_ = 	snop  }
__scs_overlays_trampoline_lowered:
0x8: {  	[smem:$0x3FA5] =	sst s0  }
0x9: {  	[smem:$0x3FA6] =	sst s1  }
0xa: {  	[smem:$0x3FA7] =	sst s2  }
0xb: {  	[smem:$0x3FA8] =	sst s3  }
0xc: {  	[smem:$0x3FA9] =	sst s4  }
0xd: {  	[smem:$0x3FAA] =	sst s5  }
0xe: {  	[smem:$0x3FAB] =	sst s6  }
0xf: {  	[smem:$0x3FAC] =	sst s7  }
0x10: {  	[smem:$0x3FAD] =	sst s8  }
0x11: {  	[smem:$0x3FAE] =	sst s9;
	s0 =	simm.s32 @!p0 $0x0  }
0x12: {  	s1 =	sld [smem:$0x3F94];
	s0 =	simm.s32 @p0 $0x1  }
0x13: {  	[smem:$0x3FAF] =	sst s0;
	s0 =	simm.s32 @!p1 $0x0  }
0x14: {  	s2 =	sld [smem:$0x3F93];
	s0 =	simm.s32 @p1 $0x1  }
0x15: {  	[smem:$0x3FB0] =	sst s0;
	s0 =	simm.s32 @!p2 $0x0  }
0x16: {  	s3 =	sld [smem:$0x3FDB];
	s0 =	simm.s32 @p2 $0x1  }
0x17: {  	s4 =	simm.s32 $0x1BF5;
	[smem:$0x3FB2] =	sst s0  }
0x18: {  	s0 =	sld [smem:$0x3F95];
	_ =	swait.ge [sflag:s4], $0x0  }
0x19: {  	s7 =	sld [smem:$0x3F96]  }
0x1a: {  	s8 =	sadd.s32 $0xFFFFE003, lr  }
0x1b: {  	s9 =	sadd.s32 $0xFFFFFEF7, lr;
	s5 =	simm.s32 $0xFFFFFFFF;
	p2 =	slt.u32 s8, $0xFFFFF086  }
0x1c: {  	p1 =	slt.u32 s9, $0xF7A;
	s5 =	simm.s32 @!p2 $0x0  }
0x1d: {  	s5 =	simm.s32 @p1 $0x1;
	p0 =	seq.s32 s7, s2  }
0x1e: {  	s7 =	smul.u32 @!p0 $0xF7A, s2;
	p2 =	seq.s32 @!p0 s5, $0x0  }
0x1f: {  	s9 =	smul.u32 $0xF7A, s1;
	s8 =	simm.s32 @!p0 $0x1BF5;
	p2 =	por !p2, p0  }
0x20: {  	[sflag:s8] =	ssyncset.s32 @!p0 $0xFFFFF086;
	s6 =	sadd.s32 @!p0 s3, s7;
	s7 =	simm.s32 @!p0 $0x108  }
0x21: {  	s3 =	sadd.s32 s3, s9;
	s6 =	sadd.s32 @!p0 $0x88, s6;
	s7 =	simm.s32 @p2 $0x1082  }
0x22: {  	[simem:s7], [sflag:s8] =	dma.local @!p0 [hbm:s6], $0xF7A  }
0x23: {  	s9 =	sor.u32 $0xD0000000, s2;
	s6 =	simm.s32 $0x108;
	_ =	swait.ge @!p0 [sflag:s8], $0x0  }
0x24: {  	s3 =	sadd.s32 $0x88, s3;
	s6 =	simm.s32 @!p1 $0x1082;
	[sflag:s4] =	ssyncset.s32 $0xFFFFF086  }
0x25: {  	[simem:s6], [sflag:s4] =	dma.local [hbm:s3], $0xF7A  }
0x26: {  	[smem:$0x3F96] =	sst s1;
	(tag) =	ssettag s2;
	_ =	strace s9  }
0x27: {  	s1 =	sld [smem:$0x3FA6]  }
0x28: {  	s2 =	sld [smem:$0x3FA7]  }
0x29: {  	s4 =	sld [smem:$0x3FA9]  }
0x2a: {  	p0 =	seq.s32 s5, $0x0;
	s5 =	sld [smem:$0x3FAA]  }
0x2b: {  	s6 =	sld [smem:$0x3FAB]  }
0x2c: {  	s7 =	sld [smem:$0x3FAC]  }
0x2d: {  	s3 =	simm.s32 $0x108;
	s8 =	sld [smem:$0x3FAD]  }
0x2e: {  	s3 =	simm.s32 @!p0 $0x1082;
	s9 =	sld [smem:$0x3FAE]  }
0x2f: {  	lr =	sadd.s32 s0, s3;
	s0 =	sld [smem:$0x3FA5]  }
0x30: {  	s3 =	sld [smem:$0x3FA8]  }
0x31: {  	[smem:$0x3FB1] =	sst s10  }
0x32: {  	s10 =	sld [smem:$0x3FAF];
	_ =	sdelay $0x3  }
0x33: {  	p0 =	seq.s32 s10, $0x1;
	s10 =	sld [smem:$0x3FB1];
	_ =	sdelay $0x3  }
0x34: {  	[smem:$0x3FB1] =	sst s10  }
0x35: {  	s10 =	sld [smem:$0x3FB0];
	_ =	sdelay $0x3  }
0x36: {  	p1 =	seq.s32 s10, $0x1;
	s10 =	sld [smem:$0x3FB1];
	_ =	sdelay $0x3  }
0x37: {  	[smem:$0x3FB1] =	sst s10  }
0x38: {  	s10 =	sld [smem:$0x3FB2]  }
0x39: {  	_ = 	snop;
	(pc) =	sbr.ind lr, $3  }
0x3a: {  	_ = 	snop  }
0x3b: {  	_ = 	snop  }
0x3c: {  	p2 =	seq.s32 s10, $0x1;
	s10 =	sld [smem:$0x3FB1]  }
0x3d: {  	_ =	shalt  }
0x3e: {  	_ =	shalt  }
0x3f: {  	_ =	shalt  }
0x40: {  	_ =	shalt  }
0x41: {  	_ =	shalt  }
0x42: {  	_ =	shalt  }
0x43: {  	_ =	shalt  }
0x44: {  	_ =	shalt  }
0x45: {  	_ =	shalt  }
0x46: {  	_ =	shalt  }
0x47: {  	_ =	shalt  }
0x48: {  	_ =	shalt  }
0x49: {  	_ =	shalt  }
0x4a: {  	_ =	shalt  }
0x4b: {  	_ =	shalt  }
0x4c: {  	_ =	shalt  }
0x4d: {  	_ =	shalt  }
0x4e: {  	_ =	shalt  }
0x4f: {  	_ =	shalt  }
0x50: {  	_ =	shalt  }
0x51: {  	_ =	shalt  }
0x52: {  	_ =	shalt  }
0x53: {  	_ =	shalt  }
0x54: {  	_ =	shalt  }
0x55: {  	_ =	shalt  }
0x56: {  	_ =	shalt  }
0x57: {  	_ =	shalt  }
0x58: {  	_ =	shalt  }
0x59: {  	_ =	shalt  }
0x5a: {  	_ =	shalt  }
0x5b: {  	_ =	shalt  }
0x5c: {  	_ =	shalt  }
0x5d: {  	_ =	shalt  }
0x5e: {  	_ =	shalt  }
0x5f: {  	_ =	shalt  }
0x60: {  	_ =	shalt  }
0x61: {  	_ =	shalt  }
0x62: {  	_ =	shalt  }
0x63: {  	_ =	shalt  }
0x64: {  	_ =	shalt  }
0x65: {  	_ =	shalt  }
0x66: {  	_ =	shalt  }
0x67: {  	_ =	shalt  }
0x68: {  	_ =	shalt  }
0x69: {  	_ =	shalt  }
0x6a: {  	_ =	shalt  }
0x6b: {  	_ =	shalt  }
0x6c: {  	_ =	shalt  }
0x6d: {  	_ =	shalt  }
0x6e: {  	_ =	shalt  }
0x6f: {  	_ =	shalt  }
0x70: {  	_ =	shalt  }
0x71: {  	_ =	shalt  }
0x72: {  	_ =	shalt  }
0x73: {  	_ =	shalt  }
0x74: {  	_ =	shalt  }
0x75: {  	_ =	shalt  }
0x76: {  	_ =	shalt  }
0x77: {  	_ =	shalt  }
0x78: {  	_ =	shalt  }
0x79: {  	_ =	shalt  }
0x7a: {  	_ =	shalt  }
0x7b: {  	_ =	shalt  }
0x7c: {  	_ =	shalt  }
0x7d: {  	_ =	shalt  }
0x7e: {  	_ =	shalt  }
0x7f: {  	_ =	shalt  }
0x80: {  	_ =	shalt  }
0x81: {  	_ =	shalt  }
0x82: {  	_ =	shalt  }
0x83: {  	_ =	shalt  }
0x84: {  	_ =	shalt  }
0x85: {  	_ =	shalt  }
0x86: {  	_ =	shalt  }
0x87: {  	_ =	shalt  }
.Lfunc_end0:
.L_simem_size_0:
called_computation_lowered:
.L_overlay_start_0:
0x88: {  	s2 =	sld [smem:$0x3FD9]  }
0x89: {  	s3 =	sld [smem:$0x3FFE];
	_ =	sdelay $0x1  }
0x8a: {  	s1 =	srdreg.scid  }
0x8b: {  	s0 =	sand.u32 $0x1, s1  }
0x8c: {  	s14 =	sshll.u32 s0, $0xA;
	s2 =	sadd.s32 s3, s2  }
0x8d: {  	s2 =	sadd.s32 s2, s14  }
0x8e: {  	[smem:$0x3FBD] =	sst s2  }
0x8f: {  	_ = 	snop  }
0x90: {  	s2 =	sld [smem:$0x3FD0];
	_ =	sdelay $0x2  }
0x91: {  	s15 =	simm.s32 $0xA;
	s4 =	simm.s32 $0x10  }
0x92: {  	[smem:s4], [sflag:s15] =	dma.local [hbm:s2], $0x1  }
0x93: {  	_ =	swait.eq [sflag:s15], $0x1  }
0x94: {  	[sflag:s15] =	ssyncset.done $0x0  }
0x95: {  	[sflag:s15] =	ssyncadd.s32 $0xFFFFFFFF  }
0x96: {  	s16 =	sld [smem:$0x11];
	(tm) =	ssettm $0x1  }
0x97: {  	s17 =	sld [smem:$0x3FFB];
	_ =	sdelay $0x3  }
0x98: {  	_ =	strace s17  }
0x99: {  	s3 =	sld [smem:$0x3FFC];
	_ =	sdelay $0x3  }
0x9a: {  	_ =	strace s3  }
0x9b: {  	s3 =	sld [smem:$0x3FFD];
	_ =	sdelay $0x3  }
0x9c: {  	_ =	strace s3  }
0x9d: {  	_ =	strace $0x8FFFFFFF  }
0x9e: {  	s18 =	sld [smem:$0x3FDB];
	_ =	sdelay $0x1  }
0x9f: {  	s19 =	simm.s32 $_scs_section_size  }
0xa0: {  	s5 =	simm.s32 $_size__tile_overlayer_lowered;
	s6 =	simm.s32 $_tile_overlayer_lowered  }
0xa1: {  	s22 =	simm.s32 $0x1BFF;
	s21 =	sshll.u32 s6, $0x1;
	s3 =	sadd.s32 s19, s18  }
0xa2: {  	s7 =	simm.s32 $0x0;
	s20 =	sshll.u32 s5, $0x1;
	s5 =	sadd.s32 s21, s3  }
0xa3: {  	[timem:s7], [sflag:s22] =	dma.local [hbm:s5], s20  }
0xa4: {  	_ =	swait.ge [sflag:s22], s20  }
0xa5: {  	s4 =	ssub.s32 $0x0, s20;
	[sflag:s22] =	ssyncset.done $0x0  }
0xa6: {  	[sflag:s22] =	ssyncadd.s32 s4;
	_ =	sdelay $0x1  }
0xa7: {  	s23 =	simm.s32 $0x1B8B  }
0xa8: {  	_ =	swait.ge [sflag:s23], $0x1  }
0xa9: {  	[sflag:s23] =	ssyncset.done $0x0  }
0xaa: {  	s25 =	simm.s32 $0x1B8E;
	s24 =	sld [smem:$0x3FFE];
	[sflag:s23] =	ssyncadd.s32 $0xFFFFFFFF  }
0xab: {  	s26 =	simm.s32 $execute0_lowered;
	[smem:$0x3FD2] =	sst s25  }
0xac: {  	s5 =	sshll.u32 s26, $0x1;
	_ =	strace $0x80000046;
	[dreg:$0x1] =	wrdreg $0xFFFFFFFF  }
0xad: {  	s28 =	simm.s32 $_size_execute0_lowered;
	s3 =	sadd.s32 s3, s5;
	[dreg:$0x0] =	wrdreg $0x0  }
0xae: {  	s5 =	sshll.u32 s28, $0x1;
	[dreg:$0x2] =	wrdreg s3  }
0xaf: {  	[dreg:$0x3] =	wrdreg s5  }
0xb0: {  	[dreg:$0x4] =	wrdreg $0xC0  }
0xb1: {  	_ =	task [dreg:s7], $0x5FFFF  }
0xb2: {  	[dreg:$0x1] =	wrdreg $0xFFFFFFFF  }
0xb3: {  	[dreg:$0x0] =	wrdreg $0x60  }
0xb4: {  	[dreg:$0x2] =	wrdreg s24  }
0xb5: {  	[dreg:$0x3] =	wrdreg s16  }
0xb6: {  	[dreg:$0x4] =	wrdreg $0x2B800  }
0xb7: {  	[dreg:$0x5] =	wrdreg $0x9  }
0xb8: {  	_ =	task.clear_ibuf [dreg:s7], $0x6FFFF;
	_ =	strace $0x90000046  }
0xb9: {  	s29 =	simm.s32 $0x9;
	_ =	strace $0x80000048  }
0xba: {  	_ =	swait.ge [sflag:s29], $0x1  }
0xbb: {  	[sflag:s29] =	ssyncadd.s32 $0xFFFFFFFF  }
0xbc: {  	_ =	strace $0x90000048  }
0xbd: {  	_ =	sfence  }
0xbe: {  	s30 =	sld [smem:$0x0];
	_ =	sdelay $0x2  }
0xbf: {  	s31 =	sshll.u32 s1, $0xD;
	s1 =	sshrl.u32 s1, $0x2  }
0xc0: {  	s3 =	sand.u32 $0x4000, s31;
	s1 =	sadd.s32 s1, s30  }
0xc1: {  	s0 =	sor.u32 s3, s0;
	s1 =	sshll.u32 s1, $0x11  }
0xc2: {  	s0 =	sor.u32 s1, s0  }
0xc3: {  	s0 =	sadd.s32 $0x8F2B, s0  }
0xc4: {  	[sflag:s0] =	ssyncadd.remote.s32 $0x1  }
0xc5: {  	_ =	sfence.sel $0xFFFF  }
0xc6: {  	[dreg:$0x0] =	wrdreg $0xFFFFFFFF;
	(pc) =	sbr.abs _section_cstart, $3  }
0xc7: {  	[dreg:$0x1] =	wrdreg $0xFFFFFFFF  }
0xc8: {  	_ =	task.clear_ibuf [dreg:s7], $0x2FFFF;
	_ =	strace $0x9FFFFFFF  }
0xc9: {  	(tm) =	ssettm $0x7FFFFFFF  }
tec
execute0_lowered:
.L_overlay_start_1:
0x0: {  	(tag) =	ssettag $0x1  }
0x1: {  	s9 =	rddreg [dreg:$0x0]  }
0x2: {  	s0 =	srdreg.scid;
	s2 =	rddreg [dreg:$0x1]  }
0x3: {  	s3 =	rddreg [dreg:$0x2];
	s1 =	stileid.u32  }
0x4: {  	s4 =	simm.s32 $0x0;
	s13 =	simm.s32 $0xE200;
	s14 =	simm.s32 $0x2800  }
0x5: {  	s15 =	simm.s32 $0x2880;
	s16 =	simm.s32 $0x2900;
	s17 =	simm.s32 $0x80  }
0x6: {  	s18 =	simm.s32 $0x10;
	s6 =	sand.u32 $0x1, s0;
	s0 =	rddreg [dreg:$0x3]  }
0x7: {  	s19 =	simm.s32 $0x0;
	[smem:$0x7FF] =	sst s4;
	s12 =	smul.u32 $0x270, s1  }
0x8: {  	s5 =	sshll.u32 s6, $0x4;
	_ =	strace $0x80000047;
	s8 =	ssub.s32 $0x2, s6  }
0x9: {  	p0 =	seq.s32 s6, $0x0;
	s5 =	sor.u32 s1, s5;
	s10 =	sshrl.u32 s8, $0x1  }
0xa: {  	s13 =	simm.s32 @!p0 $0xE800;
	s30 =	sshrl.u32 s12, $0x3;
	p0 =	sne.s32 s1, $0xF  }
0xb: {  	s7 =	smul.u32 $0x500, s5;
	s5 =	sshll.u32 s5, $0x4;
	s10 =	ssub.s32 s8, s10  }
0xc: {  	s8 =	sadd.s32 s12, s3;
	s31 =	sadd.s32 s13, s9;
	s13 =	simm.s32 $0x1  }
0xd: {  	s11 =	sadd.s32 s5, s9;
	s5 =	sadd.s32 $0xE000, s9;
	s10 =	smax.u32 s10, $0x1  }
0xe: {  	s12 =	sadd.s32 $0x4E0, s31;
	s7 =	sadd.s32 s7, s9;
	s9 =	sadd.s32 $0x2700, s3  }
0xf: {  	s6 =	sadd.s32 $0x4000, s7;
	s7 =	sadd.s32 $0x3E00, s11;
	s11 =	sadd.s32 s31, s30  }
.LBB2_1:
0x10: {  	[tilespmem:s4], [sflag:$0x1] =	stream.linear.gather [hbm4b:s6+s4], $0x2700, $0x38;
	[tilespmem:$0x2DF8] =	vst v63  }
0x11: {  	_ =	swait.ge [sflag:s13], $0x2700  }
0x12: {  	[sflag:s13] =	ssyncset.done $0x0  }
0x13: {  	[sflag:s13] =	ssyncadd.s32 $0xFFFFD900  }
0x14: {  	[tilespmem:s14], [sflag:$0x1] =	stream.linear.gather [hbm4b:s7+s4], $0x80, $0x38;
	[tilespmem:$0x2DF8] =	vst v63  }
0x15: {  	_ =	swait.ge [sflag:s13], $0x80  }
0x16: {  	[sflag:s13] =	ssyncset.done $0x0  }
0x17: {  	[sflag:s13] =	ssyncadd.s32 $0xFFFFFF80  }
0x18: {  	[tilespmem:s15], [sflag:$0x1] =	stream.linear.gather [hbm4b:s2+s4], $0x80, $0x38;
	[tilespmem:$0x2DF8] =	vst v63  }
0x19: {  	_ =	swait.ge [sflag:s13], $0x80  }
0x1a: {  	[sflag:s13] =	ssyncset.done $0x0  }
0x1b: {  	[sflag:s13] =	ssyncadd.s32 $0xFFFFFF80  }
0x1c: {  	[tilespmem:s16], [sflag:$0x1] =	stream.linear.gather [hbm4b:s5+s4], $0x280, $0x38;
	[tilespmem:$0x2DF8] =	vst v63  }
0x1d: {  	_ =	swait.ge [sflag:s13], $0x280  }
0x1e: {  	[sflag:s13] =	ssyncset.done $0x0  }
0x1f: {  	[sflag:s13] =	ssyncadd.s32 $0xFFFFFD80  }
0x20: {  	[spmem:s8] =	stream.linear.scatter [tilespmem:s16], [sflag:$0x1], $0x270, $0x38;
	[tilespmem:$0x2DF8] =	vst v63  }
0x21: {  	_ =	swait.ge [sflag:s13], $0x270  }
0x22: {  	[sflag:s13] =	ssyncset.done $0x0  }
0x23: {  	s20 =	simm.s32 @!p0 $0x2900;
	[sflag:s13] =	ssyncadd.s32 $0xFFFFFD90  }
0x24: {  	[spmem:s9] =	stream.linear.scatter @!p0 [tilespmem:s20], [sflag:$0x1], $0x10, $0x38;
	[tilespmem:$0x2DF8] =	vst v63  }
0x25: {  	s20 =	simm.s32 @!p0 $0x1  }
0x26: {  	_ =	swait.ge @!p0 [sflag:s20], $0x10  }
0x27: {  	[sflag:s20] =	ssyncset.done @!p0 $0x0  }
0x28: {  	[sflag:s20] =	ssyncadd.s32 @!p0 $0xFFFFFFF0  }
0x29: {  	s31 =	simm.s32 $0x0;
	[bflag:$0x0] =	sbarrier.arrive $0xFFFF  }
0x2a: {  	[spmem:s3] =	stream.indirect.scatter.add.f32 [tilespmem:s15], [sflag:$0x1], $0x1, s31, s17, $0xb8;
	[tilespmem:$0x2DF8] =	vst v63  }
0x2b: {  	_ =	swait.ge [sflag:s13], $0x80  }
0x2c: {  	s20 =	simm.s32 $0x200;
	[sflag:s13] =	ssyncset.done $0x0  }
.LBB2_2:
0x2d: {  	s21 =	sshra.s32 s20, $0x2;
	[sflag:s13] =	ssyncadd.s32 $0xFFFFFF80;
	p1 =	sne.s32 s20, $0x9A00  }
0x2e: {  	[spmem:s3] =	stream.indirect.scatter.add.f32 [tilespmem:s15], [sflag:$0x1], $0x1, s21, s17, $0xb8;
	[tilespmem:$0x2DF8] =	vst v63  }
.Ltmp0:
0x2f: {  	_ = 	snop;
	(pc) =	sbr.rel @p1 .LBB2_2-.Ltmp0, $4  }
0x30: {  	_ = 	snop  }
0x31: {  	s20 =	sadd.s32 $0x200, s20  }
0x32: {  	_ =	swait.ge [sflag:s13], $0x80  }
0x33: {  	[sflag:s13] =	ssyncset.done $0x0  }
0x34: {  	[sflag:s13] =	ssyncadd.s32 $0xFFFFFF80  }
0x35: {  	[spmem:s3] =	stream.indirect.scatter.add.f32 [tilespmem:s15], [sflag:$0x1], $0x1, s14, s18, $0xb8;
	[tilespmem:$0x2DF8] =	vst v63  }
0x36: {  	_ =	swait.ge [sflag:s13], $0x10  }
0x37: {  	[sflag:s13] =	ssyncset.done $0x0  }
0x38: {  	[sflag:s13] =	ssyncadd.s32 $0xFFFFFFF0  }
0x39: {  	[bflag:$0x0] =	sbarrier.arrive $0xFFFF  }
0x3a: {  	[tilespmem:s16], [sflag:$0x1] =	stream.linear.gather [spmem:s8], $0x270, $0x38;
	[tilespmem:$0x2DF8] =	vst v63  }
0x3b: {  	_ =	swait.ge [sflag:s13], $0x270  }
0x3c: {  	[sflag:s13] =	ssyncset.done $0x0  }
0x3d: {  	[sflag:s13] =	ssyncadd.s32 $0xFFFFFD90  }
0x3e: {  	[hbm4b:s11+s4] =	stream.linear.scatter [tilespmem:s16], [sflag:$0x1], $0x270, $0x38;
	[tilespmem:$0x2DF8] =	vst v63  }
0x3f: {  	_ =	swait.ge [sflag:s13], $0x270  }
0x40: {  	[sflag:s13] =	ssyncset.done $0x0  }
0x41: {  	s20 =	simm.s32 @!p0 $0x2900;
	s21 =	simm.s32 @!p0 $0x1;
	[sflag:s13] =	ssyncadd.s32 $0xFFFFFD90  }
0x42: {  	[tilespmem:s20], [sflag:$0x1] =	stream.linear.gather @!p0 [spmem:s9], $0x10, $0x38;
	[tilespmem:$0x2DF8] =	vst v63  }
0x43: {  	s19 =	sadd.s32 $0x1, s19;
	_ =	swait.ge @!p0 [sflag:s21], $0x10  }
0x44: {  	p1 =	sne.s32 s19, s10;
	[sflag:s21] =	ssyncset.done @!p0 $0x0  }
.Ltmp1:
0x45: {  	s22 =	simm.s32 @!p0 $0x0;
	[sflag:s21] =	ssyncadd.s32 @!p0 $0xFFFFFFF0;
	(pc) =	sbr.rel @p1 .LBB2_1-.Ltmp1, $4  }
0x46: {  	[hbm4b:s12+s22] =	stream.linear.scatter @!p0 [tilespmem:s20], [sflag:$0x1], $0x10, $0x38;
	[tilespmem:$0x2DF8] =	vst v63  }
0x47: {  	_ =	swait.ge @!p0 [sflag:s21], $0x10  }
0x48: {  	[sflag:s21] =	ssyncset.done @!p0 $0x0  }
0x49: {  	[sflag:s21] =	ssyncadd.s32 @!p0 $0xFFFFFFF0  }
0x4a: {  	_ =	sfence.sel $0x180000  }
0x4b: {  	[bflag:$0x0] =	sbarrier.arrive $0xFFFF  }
0x4c: {  	p0 =	sne.s32 s1, $0x0;
	_ =	strace $0x90000047  }
0x4d: {  	s0 =	sadd.s32 @!p0 $0x100000, s0;
	[bflag:$0x2] =	sbarrier.arrive $0xFFFF  }
0x4e: {  	[sflag:s0] =	ssyncadd.tile.s32 @!p0 $0x1;
	_ =	shalt  }
.Lfunc_end2:
_tile_overlayer_lowered:
.L_overlay_start_2:
0x4f: {  	(tag) =	ssettag $0x2  }
0x50: {  	s0 =	rddreg [dreg:$0x0];
	s2 =	stileid.u32  }
0x51: {  	s1 =	rddreg [dreg:$0x1];
	p0 =	sne.s32 s2, $0x0  }
0x52: {  	s3 =	rddreg [dreg:$0x2];
	[bflag:$0x3] =	sbarrier.arrive $0xFFFF;
	s2 =	simm.s32 @!p0 $0x1C01  }
0x53: {  	[timem:s3], [sflag:s2] =	dma.local @!p0 [hbm:s0], s1  }
0x54: {  	s0 =	simm.s32 @!p0 $0x1  }
0x55: {  	_ =	swait.ge @!p0 [sflag:s0], s1  }
0x56: {  	s1 =	ssub.s32 @!p0 $0x0, s1;
	[sflag:s0] =	ssyncset.done @!p0 $0x0  }
0x57: {  	[sflag:s0] =	ssyncadd.s32 @!p0 s1  }
0x58: {  	[bflag:$0x3] =	sbarrier.arrive $0xFFFF  }
0x59: {  	_ =	shalt  }

</sc_bundles>
